<compile_context>
chip_gen: v7x
topology: tpu7x:2x2x1
jax: 0.10.2.dev20260603
libtpu: 0.0.44.dev20260713+nightly
codegen_flags: <defaults>
</compile_context>

<pallas_src>
import functools

import jax
import jax.numpy as jnp
from jax import lax
from jax.experimental import pallas as pl
from jax.experimental.pallas import tpu as pltpu
from jax.experimental.pallas import tpu_sc as plsc

N = 10000
C = 128
E = 320000
K = 27

NC = 2
NS = 16
NW = NC * NS
EPW = E // NW
CHUNK = 40
NCHUNK = EPW // CHUNK
SCH = 25
NSUPER = NCHUNK // SCH
DEPTH = 4
N_PAD = 10240
ROWS_PER_TILE = N_PAD // NS
LANES = 16

BN = 2000



def _mm_body(x_ref, w_ref, o_ref):
    o_ref[0, 0] = jnp.dot(x_ref[...], w_ref[0],
                       preferred_element_type=jnp.float32)


def _mm(x, w):
    return pl.pallas_call(
        _mm_body,
        grid=(N // BN, K),
        in_specs=[
            pl.BlockSpec((BN, C), lambda n, k: (n, 0)),
            pl.BlockSpec((1, C, C), lambda n, k: (k, 0, 0)),
        ],
        out_specs=pl.BlockSpec((1, 1, BN, C), lambda n, k: (n, k, 0, 0)),
        out_shape=jax.ShapeDtypeStruct((N // BN, K, BN, C), jnp.float32),
    )(x, w)


def _bn_relu_body(p_ref, g_ref, b_ref, o_ref):
    x = p_ref[0] + p_ref[1]
    mu = jnp.mean(x, axis=0, keepdims=True)
    var = jnp.mean((x - mu) ** 2, axis=0, keepdims=True)
    xn = (x - mu) * lax.rsqrt(var + 1e-5) * g_ref[...] + b_ref[...]
    o_ref[...] = jnp.maximum(xn, 0.0).astype(jnp.bfloat16)


def _bn_relu(partials, gamma, beta):
    return pl.pallas_call(
        _bn_relu_body,
        out_shape=jax.ShapeDtypeStruct((N, C), jnp.bfloat16),
    )(partials, gamma.reshape(1, C), beta.reshape(1, C))


def _final_body(p_ref, id_ref, g_ref, b_ref, w1_ref, b1_ref, w2_ref, b2_ref,
                o_ref):
    x = p_ref[0] + p_ref[1]
    mu = jnp.mean(x, axis=0, keepdims=True)
    var = jnp.mean((x - mu) ** 2, axis=0, keepdims=True)
    xn = (x - mu) * lax.rsqrt(var + 1e-5) * g_ref[...] + b_ref[...]
    d = jnp.mean(xn, axis=0, keepdims=True)
    t = jnp.dot(d, w1_ref[...], preferred_element_type=jnp.float32)
    t = jnp.maximum(t + b1_ref[...], 0.0)
    u = jnp.dot(t, w2_ref[...], preferred_element_type=jnp.float32)
    s = 1.0 / (1.0 + jnp.exp(-(u + b2_ref[...])))
    o_ref[...] = jnp.maximum(xn * s + id_ref[...], 0.0)


def _final(partials, identity, gamma, beta, fc1_w, fc1_b, fc2_w, fc2_b):
    r = fc1_w.shape[1]
    return pl.pallas_call(
        _final_body,
        out_shape=jax.ShapeDtypeStruct((N, C), jnp.float32),
    )(partials, identity, gamma.reshape(1, C), beta.reshape(1, C),
      fc1_w, fc1_b.reshape(1, r), fc2_w, fc2_b.reshape(1, C))


def _gidx_body(e_ref, k_ref, o_ref):
    src = e_ref[0]
    o_ref[...] = ((src // BN) * (K * BN) + k_ref[...] * BN
                  + lax.rem(src, BN))


def _gidx(edge_index, kid):
    return pl.pallas_call(
        _gidx_body,
        grid=(1,),
        in_specs=[
            pl.BlockSpec((1, E // C, C), lambda i: (0, 0, 0)),
            pl.BlockSpec((E // C, C), lambda i: (0, 0)),
        ],
        out_specs=pl.BlockSpec((E // C, C), lambda i: (0, 0)),
        out_shape=jax.ShapeDtypeStruct((E // C, C), jnp.int32),
    )(edge_index.reshape(2, E // C, C), kid.reshape(E // C, C))



def _sc_conv_body(g_hbm, gidx_hbm, edge_hbm, out_hbm,
                  gidx0_v, dst0_v, gidx1_v, dst1_v,
                  rows0_v, rows1_v, rows2_v, rows3_v,
                  sem0, sem1, sem2, sem3, semi, acc):
    c = lax.axis_index("c")
    s = lax.axis_index("s")
    wid = s * NC + c
    slots = ((rows0_v, sem0), (rows1_v, sem1), (rows2_v, sem2),
             (rows3_v, sem3))
    ibufs = ((gidx0_v, dst0_v), (gidx1_v, dst1_v))

    def zero_body(i, carry):
        for j in range(C // LANES):
            rows0_v[i, pl.ds(j * LANES, LANES)] = jnp.zeros((LANES,),
                                                            jnp.float32)
        return carry

    lax.fori_loop(0, CHUNK, zero_body, 0)
    base = s * ROWS_PER_TILE
    nz = ROWS_PER_TILE // CHUNK
    for i in range(nz):
        pltpu.async_copy(rows0_v, acc.at[pl.ds(base + i * CHUNK, CHUNK)],
                         semi)
    for i in range(nz):
        pltpu.make_async_copy(rows0_v,
                              acc.at[pl.ds(base + i * CHUNK, CHUNK)],
                              semi).wait()
    plsc.subcore_barrier()

    pltpu.sync_copy(gidx_hbm.at[wid, 0], gidx0_v)
    pltpu.sync_copy(edge_hbm.at[1, wid, 0], dst0_v)

    def super_pair(up, carry):
        for h in range(2):
            gidx_v, dst_v = ibufs[h]
            ngidx_v, ndst_v = ibufs[1 - h]
            u = 2 * up + h

            @pl.when(u + 1 < NSUPER)
            def _():
                pltpu.async_copy(gidx_hbm.at[wid, u + 1], ngidx_v, semi)
                pltpu.async_copy(edge_hbm.at[1, wid, u + 1], ndst_v, semi)

            def start(i, q):
                pltpu.async_copy(g_hbm.at[gidx_v.at[i]], slots[q][0],
                                 slots[q][1])

            def finish(i, q):
                r, sm = slots[q]
                pltpu.make_async_copy(g_hbm.at[gidx_v.at[i]], r, sm).wait()
                pltpu.sync_copy(r, acc.at[dst_v.at[i]], add=True)

            for q in range(DEPTH):
                start(q, q)

            def pipe_body(t, carry2):
                for q in range(DEPTH):
                    i = DEPTH * t + q
                    finish(i, q)
                    start(i + DEPTH, q)
                return carry2

            nmain = (SCH - DEPTH - 1) // DEPTH
            lax.fori_loop(0, nmain, pipe_body, 0)
            for i in range(nmain * DEPTH, SCH):
                q = i % DEPTH
                finish(i, q)
                if i + DEPTH < SCH:
                    start(i + DEPTH, q)

            @pl.when(u + 1 < NSUPER)
            def _():
                pltpu.make_async_copy(gidx_hbm.at[wid, u + 1], ngidx_v,
                                      semi).wait()
                pltpu.make_async_copy(edge_hbm.at[1, wid, u + 1], ndst_v,
                                      semi).wait()
        return carry

    lax.fori_loop(0, NSUPER // 2, super_pair, 0)
    plsc.subcore_barrier()

    nout = jnp.minimum(ROWS_PER_TILE, N - base) // CHUNK

    def out_body(i, carry):
        off = base + 2 * i * CHUNK
        for h in range(2):
            r, sm = slots[h]
            pltpu.sync_copy(acc.at[pl.ds(off + h * CHUNK, CHUNK)], r)
            pltpu.async_copy(r, out_hbm.at[c, pl.ds(off + h * CHUNK,
                                                    CHUNK)], sm)
        for h in range(2):
            r, sm = slots[h]
            pltpu.make_async_copy(r, out_hbm.at[c, pl.ds(off + h * CHUNK,
                                                         CHUNK)], sm).wait()
        return carry

    lax.fori_loop(0, nout // 2, out_body, 0)


@functools.cache
def _make_sc_conv():
    return pl.kernel(
        _sc_conv_body,
        out_type=jax.ShapeDtypeStruct((NC, N, C), jnp.float32),
        mesh=plsc.VectorSubcoreMesh(core_axis_name="c", subcore_axis_name="s"),
        scratch_types=[
            pltpu.VMEM((SCH, CHUNK), jnp.int32),
            pltpu.VMEM((SCH, CHUNK), jnp.int32),
            pltpu.VMEM((SCH, CHUNK), jnp.int32),
            pltpu.VMEM((SCH, CHUNK), jnp.int32),
            pltpu.VMEM((CHUNK, C), jnp.float32),
            pltpu.VMEM((CHUNK, C), jnp.float32),
            pltpu.VMEM((CHUNK, C), jnp.float32),
            pltpu.VMEM((CHUNK, C), jnp.float32),
            pltpu.SemaphoreType.DMA,
            pltpu.SemaphoreType.DMA,
            pltpu.SemaphoreType.DMA,
            pltpu.SemaphoreType.DMA,
            pltpu.SemaphoreType.DMA,
            pltpu.VMEM_SHARED((N_PAD, C), jnp.float32),
        ],
    )


def _sc_conv(g_flat, gidx, edge_r):
    return _make_sc_conv()(g_flat, gidx, edge_r)



def kernel(features, edge_index, kernel_ids, W1, gamma1, beta1,
           W2, gamma2, beta2, fc1_w, fc1_b, fc2_w, fc2_b):
    gidx = _gidx(edge_index, kernel_ids).reshape(NW, NSUPER, SCH, CHUNK)
    edge_r = edge_index.reshape(2, NW, NSUPER, SCH, CHUNK)

    g1 = _mm(features.astype(jnp.bfloat16), W1.astype(jnp.bfloat16))
    p1 = _sc_conv(g1.reshape(K * N, C), gidx, edge_r)
    x1 = _bn_relu(p1, gamma1, beta1)

    g2 = _mm(x1, W2.astype(jnp.bfloat16))
    p2 = _sc_conv(g2.reshape(K * N, C), gidx, edge_r)
    return _final(p2, features, gamma2, beta2, fc1_w, fc1_b, fc2_w, fc2_b)

# --- scband reference (transcript-rebuilt; emitter-appended) ---
"""Pipeline reference for scband-residual-sub-mblock-60172491817014 (READ-ONLY COPY).

The authoritative reference and input builder live on the scoring server;
editing this copy changes nothing except your own understanding.
"""

import jax, jax.numpy as jnp
import numpy as np

N = 10000   # active voxels (sparse tensor rows)
C = 128     # channels
E = 320000  # rulebook pairs (in_idx, out_idx)
K = 27      # 3x3x3 kernel offsets
R = 16      # SE reduction


def setup_inputs(seed: int = 0) -> dict:
    key = jax.random.key(seed)
    ks = jax.random.split(key, 12)
    features = jax.random.normal(ks[0], (N, C), dtype=jnp.float32)
    edge_index = jax.random.randint(ks[1], (2, E), 0, N, dtype=jnp.int32)
    kernel_ids = jax.random.randint(ks[2], (E,), 0, K, dtype=jnp.int32)
    W1 = jax.random.normal(ks[3], (K, C, C), dtype=jnp.float32) * 0.05
    gamma1 = jnp.ones((C,), dtype=jnp.float32)
    beta1 = jnp.zeros((C,), dtype=jnp.float32)
    W2 = jax.random.normal(ks[4], (K, C, C), dtype=jnp.float32) * 0.05
    gamma2 = jnp.ones((C,), dtype=jnp.float32)
    beta2 = jnp.zeros((C,), dtype=jnp.float32)
    fc1_w = jax.random.normal(ks[5], (C, C // R), dtype=jnp.float32) * 0.1
    fc1_b = jnp.zeros((C // R,), dtype=jnp.float32)
    fc2_w = jax.random.normal(ks[6], (C // R, C), dtype=jnp.float32) * 0.1
    fc2_b = jnp.zeros((C,), dtype=jnp.float32)
    return {
        "features": features, "edge_index": edge_index, "kernel_ids": kernel_ids,
        "W1": W1, "gamma1": gamma1, "beta1": beta1,
        "W2": W2, "gamma2": gamma2, "beta2": beta2,
        "fc1_w": fc1_w, "fc1_b": fc1_b, "fc2_w": fc2_w, "fc2_b": fc2_b,
    }


def _subm_conv(feat, src, dst, kid, W):
    # Submanifold sparse conv via rulebook gather/scatter:
    # gather input features per pair, scatter-add into (out_voxel, kernel_offset)
    # buckets, then contract each bucket with its kernel-offset weight matrix.
    h = jnp.take(feat, src, axis=0)                      # [E, C] gather
    seg = jax.ops.segment_sum(h, dst * K + kid, num_segments=N * K)  # scatter-add
    seg = seg.reshape(N, K, C)
    return jnp.einsum('nkc,kcd->nd', seg, W)             # [N, C]


def _batchnorm(x, gamma, beta, eps=1e-5):
    mu = x.mean(axis=0)
    var = x.var(axis=0)
    return (x - mu) / jnp.sqrt(var + eps) * gamma + beta


def reference(features, edge_index, kernel_ids, W1, gamma1, beta1,
              W2, gamma2, beta2, fc1_w, fc1_b, fc2_w, fc2_b):
    src = edge_index[0]
    dst = edge_index[1]
    kid = kernel_ids
    identity = features
    out = _subm_conv(features, src, dst, kid, W1)
    out = jax.nn.relu(_batchnorm(out, gamma1, beta1))
    out = _subm_conv(out, src, dst, kid, W2)
    out = _batchnorm(out, gamma2, beta2)
    # SparseGDSCA: global-descriptor squeeze-excitation channel attention
    d = out.mean(axis=0)                                 # global descriptor [C]
    s = jax.nn.sigmoid(jnp.dot(jax.nn.relu(jnp.dot(d, fc1_w) + fc1_b), fc2_w) + fc2_b)
    out = out * s
    fused = jax.nn.relu(out + identity)
    return fused

if __name__ == "__main__":
    import jax
    _d = setup_inputs()
    print(jax.jit(kernel)(*tuple(_d.values())))

</pallas_src>

<mosaic_0001>
#map = affine_map<(d0, d1) -> (0, 0)>
#map1 = affine_map<(d0, d1) -> (0, 0, 0, 0)>
#map2 = affine_map<(d0, d1) -> (0, 0, 0, 0, 0)>
#map3 = affine_map<(d0, d1) -> (0, 0, 0)>
module attributes {stable_mosaic.version = 14 : i64} {
  func.func @_sc_conv_body(%arg0: i32, %arg1: i32, %arg2: memref<270000x128xf32, #tpu.memory_space<hbm>>, %arg3: memref<32x10x25x40xi32, #tpu.memory_space<hbm>>, %arg4: memref<2x32x10x25x40xi32, #tpu.memory_space<hbm>>, %arg5: memref<2x10000x128xf32, #tpu.memory_space<hbm>>, %arg6: memref<25x40xi32, #tpu.memory_space<vmem>>, %arg7: memref<25x40xi32, #tpu.memory_space<vmem>>, %arg8: memref<25x40xi32, #tpu.memory_space<vmem>>, %arg9: memref<25x40xi32, #tpu.memory_space<vmem>>, %arg10: memref<40x128xf32, #tpu.memory_space<vmem>>, %arg11: memref<40x128xf32, #tpu.memory_space<vmem>>, %arg12: memref<40x128xf32, #tpu.memory_space<vmem>>, %arg13: memref<40x128xf32, #tpu.memory_space<vmem>>, %arg14: memref<!tpu.dma_semaphore, #tpu.memory_space<semaphore_mem>>, %arg15: memref<!tpu.dma_semaphore, #tpu.memory_space<semaphore_mem>>, %arg16: memref<!tpu.dma_semaphore, #tpu.memory_space<semaphore_mem>>, %arg17: memref<!tpu.dma_semaphore, #tpu.memory_space<semaphore_mem>>, %arg18: memref<!tpu.dma_semaphore, #tpu.memory_space<semaphore_mem>>, %arg19: memref<10240x128xf32, #tpu.memory_space<vmem_shared>>) attributes {dimension_semantics = [#tpu.dimension_semantics<core_parallel>, #tpu.dimension_semantics<subcore_parallel>], iteration_bounds = array<i64: 2, 16>, scalar_prefetch = 0 : i64, scratch_operands = 14 : i64, tpu.core_type = #tpu.core_type<sc_vector_subcore>, window_params = [{transform_indices = #map}, {transform_indices = #map1}, {transform_indices = #map2}, {transform_indices = #map3}]} {
    %mul3A = arith.constant 2 : i32
    %mul3A_0 = arith.muli %arg1, %mul3A : i32
    %add3A = arith.addi %mul3A_0, %arg0 : i32
    %scan3A = arith.constant 0 : i32
    %scan3A_1 = arith.constant 0 : i32
    %scan3A_2 = arith.constant 40 : i32
    %scan3A_3 = arith.addi %scan3A_1, %scan3A_2 : i32
    %scan3A_4 = arith.constant 1 : i32
    scf.for %scan3A_259 = %scan3A_1 to %scan3A_3 step %scan3A_4  : i32 {
      %broadcast_in_dim3A = arith.constant 0.000000e+00 : f32
      %broadcast_in_dim3A_260 = vector.broadcast %broadcast_in_dim3A : f32 to vector<16xf32>
      %swap3A = arith.index_cast %scan3A_259 : i32 to index
      %swap3A_261 = arith.constant 0 : index
      %swap3A_262 = tpu.vector_load %arg10[%swap3A, %swap3A_261] {strides = array<i32>} : memref<40x128xf32, #tpu.memory_space<vmem>>, vector<1x16xf32>,
      %swap3A_263 = vector.shape_cast %swap3A_262 : vector<1x16xf32> to vector<16xf32>
      %swap3A_264 = vector.shape_cast %broadcast_in_dim3A_260 : vector<16xf32> to vector<1x16xf32>
      tpu.vector_store %arg10[%swap3A, %swap3A_261], %swap3A_264 {strides = array<i32>} : memref<40x128xf32, #tpu.memory_space<vmem>>, vector<1x16xf32>,
      %broadcast_in_dim3A_265 = arith.constant 0.000000e+00 : f32
      %broadcast_in_dim3A_266 = vector.broadcast %broadcast_in_dim3A_265 : f32 to vector<16xf32>
      %swap3A_267 = arith.index_cast %scan3A_259 : i32 to index
      %swap3A_268 = arith.constant 16 : index
      %swap3A_269 = tpu.vector_load %arg10[%swap3A_267, %swap3A_268] {strides = array<i32>} : memref<40x128xf32, #tpu.memory_space<vmem>>, vector<1x16xf32>,
      %swap3A_270 = vector.shape_cast %swap3A_269 : vector<1x16xf32> to vector<16xf32>
      %swap3A_271 = vector.shape_cast %broadcast_in_dim3A_266 : vector<16xf32> to vector<1x16xf32>
      tpu.vector_store %arg10[%swap3A_267, %swap3A_268], %swap3A_271 {strides = array<i32>} : memref<40x128xf32, #tpu.memory_space<vmem>>, vector<1x16xf32>,
      %broadcast_in_dim3A_272 = arith.constant 0.000000e+00 : f32
      %broadcast_in_dim3A_273 = vector.broadcast %broadcast_in_dim3A_272 : f32 to vector<16xf32>
      %swap3A_274 = arith.index_cast %scan3A_259 : i32 to index
      %swap3A_275 = arith.constant 32 : index
      %swap3A_276 = tpu.vector_load %arg10[%swap3A_274, %swap3A_275] {strides = array<i32>} : memref<40x128xf32, #tpu.memory_space<vmem>>, vector<1x16xf32>,
      %swap3A_277 = vector.shape_cast %swap3A_276 : vector<1x16xf32> to vector<16xf32>
      %swap3A_278 = vector.shape_cast %broadcast_in_dim3A_273 : vector<16xf32> to vector<1x16xf32>
      tpu.vector_store %arg10[%swap3A_274, %swap3A_275], %swap3A_278 {strides = array<i32>} : memref<40x128xf32, #tpu.memory_space<vmem>>, vector<1x16xf32>,
      %broadcast_in_dim3A_279 = arith.constant 0.000000e+00 : f32
      %broadcast_in_dim3A_280 = vector.broadcast %broadcast_in_dim3A_279 : f32 to vector<16xf32>
      %swap3A_281 = arith.index_cast %scan3A_259 : i32 to index
      %swap3A_282 = arith.constant 48 : index
      %swap3A_283 = tpu.vector_load %arg10[%swap3A_281, %swap3A_282] {strides = array<i32>} : memref<40x128xf32, #tpu.memory_space<vmem>>, vector<1x16xf32>,
      %swap3A_284 = vector.shape_cast %swap3A_283 : vector<1x16xf32> to vector<16xf32>
      %swap3A_285 = vector.shape_cast %broadcast_in_dim3A_280 : vector<16xf32> to vector<1x16xf32>
      tpu.vector_store %arg10[%swap3A_281, %swap3A_282], %swap3A_285 {strides = array<i32>} : memref<40x128xf32, #tpu.memory_space<vmem>>, vector<1x16xf32>,
      %broadcast_in_dim3A_286 = arith.constant 0.000000e+00 : f32
      %broadcast_in_dim3A_287 = vector.broadcast %broadcast_in_dim3A_286 : f32 to vector<16xf32>
      %swap3A_288 = arith.index_cast %scan3A_259 : i32 to index
      %swap3A_289 = arith.constant 64 : index
      %swap3A_290 = tpu.vector_load %arg10[%swap3A_288, %swap3A_289] {strides = array<i32>} : memref<40x128xf32, #tpu.memory_space<vmem>>, vector<1x16xf32>,
      %swap3A_291 = vector.shape_cast %swap3A_290 : vector<1x16xf32> to vector<16xf32>
      %swap3A_292 = vector.shape_cast %broadcast_in_dim3A_287 : vector<16xf32> to vector<1x16xf32>
      tpu.vector_store %arg10[%swap3A_288, %swap3A_289], %swap3A_292 {strides = array<i32>} : memref<40x128xf32, #tpu.memory_space<vmem>>, vector<1x16xf32>,
      %broadcast_in_dim3A_293 = arith.constant 0.000000e+00 : f32
      %broadcast_in_dim3A_294 = vector.broadcast %broadcast_in_dim3A_293 : f32 to vector<16xf32>
      %swap3A_295 = arith.index_cast %scan3A_259 : i32 to index
      %swap3A_296 = arith.constant 80 : index
      %swap3A_297 = tpu.vector_load %arg10[%swap3A_295, %swap3A_296] {strides = array<i32>} : memref<40x128xf32, #tpu.memory_space<vmem>>, vector<1x16xf32>,
      %swap3A_298 = vector.shape_cast %swap3A_297 : vector<1x16xf32> to vector<16xf32>
      %swap3A_299 = vector.shape_cast %broadcast_in_dim3A_294 : vector<16xf32> to vector<1x16xf32>
      tpu.vector_store %arg10[%swap3A_295, %swap3A_296], %swap3A_299 {strides = array<i32>} : memref<40x128xf32, #tpu.memory_space<vmem>>, vector<1x16xf32>,
      %broadcast_in_dim3A_300 = arith.constant 0.000000e+00 : f32
      %broadcast_in_dim3A_301 = vector.broadcast %broadcast_in_dim3A_300 : f32 to vector<16xf32>
      %swap3A_302 = arith.index_cast %scan3A_259 : i32 to index
      %swap3A_303 = arith.constant 96 : index
      %swap3A_304 = tpu.vector_load %arg10[%swap3A_302, %swap3A_303] {strides = array<i32>} : memref<40x128xf32, #tpu.memory_space<vmem>>, vector<1x16xf32>,
      %swap3A_305 = vector.shape_cast %swap3A_304 : vector<1x16xf32> to vector<16xf32>
      %swap3A_306 = vector.shape_cast %broadcast_in_dim3A_301 : vector<16xf32> to vector<1x16xf32>
      tpu.vector_store %arg10[%swap3A_302, %swap3A_303], %swap3A_306 {strides = array<i32>} : memref<40x128xf32, #tpu.memory_space<vmem>>, vector<1x16xf32>,
      %broadcast_in_dim3A_307 = arith.constant 0.000000e+00 : f32
      %broadcast_in_dim3A_308 = vector.broadcast %broadcast_in_dim3A_307 : f32 to vector<16xf32>
      %swap3A_309 = arith.index_cast %scan3A_259 : i32 to index
      %swap3A_310 = arith.constant 112 : index
      %swap3A_311 = tpu.vector_load %arg10[%swap3A_309, %swap3A_310] {strides = array<i32>} : memref<40x128xf32, #tpu.memory_space<vmem>>, vector<1x16xf32>,
      %swap3A_312 = vector.shape_cast %swap3A_311 : vector<1x16xf32> to vector<16xf32>
      %swap3A_313 = vector.shape_cast %broadcast_in_dim3A_308 : vector<16xf32> to vector<1x16xf32>
      tpu.vector_store %arg10[%swap3A_309, %swap3A_310], %swap3A_313 {strides = array<i32>} : memref<40x128xf32, #tpu.memory_space<vmem>>, vector<1x16xf32>,
    }
    %scan3A_5 = arith.constant 40 : i32
    %mul3A_6 = arith.constant 640 : i32
    %mul3A_7 = arith.muli %arg1, %mul3A_6 : i32
    %add3A_8 = arith.constant 0 : i32
    %add3A_9 = arith.addi %mul3A_7, %add3A_8 : i32
    %dma_start3A = arith.constant 0 : i32
    %dma_start3A_10 = tpu.memref_slice %arg19[%add3A_9, %dma_start3A] : memref<10240x128xf32, #tpu.memory_space<vmem_shared>> -> memref<40x128xf32, #tpu.memory_space<vmem_shared>>
    %dma_start3A_11 = arith.constant 0 : i32
    %dma_start3A_12 = tpu.memref_slice %arg19[%add3A_9, %dma_start3A_11] : memref<10240x128xf32, #tpu.memory_space<vmem_shared>> -> memref<40x128xf32, #tpu.memory_space<vmem_shared>>
    tpu.enqueue_dma source(%arg10 : memref<40x128xf32, #tpu.memory_space<vmem>>) target(%dma_start3A_12 : memref<40x128xf32, #tpu.memory_space<vmem_shared>>) target_semaphore(%arg18 : memref<!tpu.dma_semaphore, #tpu.memory_space<semaphore_mem>>)
    %add3A_13 = arith.constant 40 : i32
    %add3A_14 = arith.addi %mul3A_7, %add3A_13 : i32
    %dma_start3A_15 = arith.constant 0 : i32
    %dma_start3A_16 = tpu.memref_slice %arg19[%add3A_14, %dma_start3A_15] : memref<10240x128xf32, #tpu.memory_space<vmem_shared>> -> memref<40x128xf32, #tpu.memory_space<vmem_shared>>
    %dma_start3A_17 = arith.constant 0 : i32
    %dma_start3A_18 = tpu.memref_slice %arg19[%add3A_14, %dma_start3A_17] : memref<10240x128xf32, #tpu.memory_space<vmem_shared>> -> memref<40x128xf32, #tpu.memory_space<vmem_shared>>
    tpu.enqueue_dma source(%arg10 : memref<40x128xf32, #tpu.memory_space<vmem>>) target(%dma_start3A_18 : memref<40x128xf32, #tpu.memory_space<vmem_shared>>) target_semaphore(%arg18 : memref<!tpu.dma_semaphore, #tpu.memory_space<semaphore_mem>>)
    %add3A_19 = arith.constant 80 : i32
    %add3A_20 = arith.addi %mul3A_7, %add3A_19 : i32
    %dma_start3A_21 = arith.constant 0 : i32
    %dma_start3A_22 = tpu.memref_slice %arg19[%add3A_20, %dma_start3A_21] : memref<10240x128xf32, #tpu.memory_space<vmem_shared>> -> memref<40x128xf32, #tpu.memory_space<vmem_shared>>
    %dma_start3A_23 = arith.constant 0 : i32
    %dma_start3A_24 = tpu.memref_slice %arg19[%add3A_20, %dma_start3A_23] : memref<10240x128xf32, #tpu.memory_space<vmem_shared>> -> memref<40x128xf32, #tpu.memory_space<vmem_shared>>
    tpu.enqueue_dma source(%arg10 : memref<40x128xf32, #tpu.memory_space<vmem>>) target(%dma_start3A_24 : memref<40x128xf32, #tpu.memory_space<vmem_shared>>) target_semaphore(%arg18 : memref<!tpu.dma_semaphore, #tpu.memory_space<semaphore_mem>>)
    %add3A_25 = arith.constant 120 : i32
    %add3A_26 = arith.addi %mul3A_7, %add3A_25 : i32
    %dma_start3A_27 = arith.constant 0 : i32
    %dma_start3A_28 = tpu.memref_slice %arg19[%add3A_26, %dma_start3A_27] : memref<10240x128xf32, #tpu.memory_space<vmem_shared>> -> memref<40x128xf32, #tpu.memory_space<vmem_shared>>
    %dma_start3A_29 = arith.constant 0 : i32
    %dma_start3A_30 = tpu.memref_slice %arg19[%add3A_26, %dma_start3A_29] : memref<10240x128xf32, #tpu.memory_space<vmem_shared>> -> memref<40x128xf32, #tpu.memory_space<vmem_shared>>
    tpu.enqueue_dma source(%arg10 : memref<40x128xf32, #tpu.memory_space<vmem>>) target(%dma_start3A_30 : memref<40x128xf32, #tpu.memory_space<vmem_shared>>) target_semaphore(%arg18 : memref<!tpu.dma_semaphore, #tpu.memory_space<semaphore_mem>>)
    %add3A_31 = arith.constant 160 : i32
    %add3A_32 = arith.addi %mul3A_7, %add3A_31 : i32
    %dma_start3A_33 = arith.constant 0 : i32
    %dma_start3A_34 = tpu.memref_slice %arg19[%add3A_32, %dma_start3A_33] : memref<10240x128xf32, #tpu.memory_space<vmem_shared>> -> memref<40x128xf32, #tpu.memory_space<vmem_shared>>
    %dma_start3A_35 = arith.constant 0 : i32
    %dma_start3A_36 = tpu.memref_slice %arg19[%add3A_32, %dma_start3A_35] : memref<10240x128xf32, #tpu.memory_space<vmem_shared>> -> memref<40x128xf32, #tpu.memory_space<vmem_shared>>
    tpu.enqueue_dma source(%arg10 : memref<40x128xf32, #tpu.memory_space<vmem>>) target(%dma_start3A_36 : memref<40x128xf32, #tpu.memory_space<vmem_shared>>) target_semaphore(%arg18 : memref<!tpu.dma_semaphore, #tpu.memory_space<semaphore_mem>>)
    %add3A_37 = arith.constant 200 : i32
    %add3A_38 = arith.addi %mul3A_7, %add3A_37 : i32
    %dma_start3A_39 = arith.constant 0 : i32
    %dma_start3A_40 = tpu.memref_slice %arg19[%add3A_38, %dma_start3A_39] : memref<10240x128xf32, #tpu.memory_space<vmem_shared>> -> memref<40x128xf32, #tpu.memory_space<vmem_shared>>
    %dma_start3A_41 = arith.constant 0 : i32
    %dma_start3A_42 = tpu.memref_slice %arg19[%add3A_38, %dma_start3A_41] : memref<10240x128xf32, #tpu.memory_space<vmem_shared>> -> memref<40x128xf32, #tpu.memory_space<vmem_shared>>
    tpu.enqueue_dma source(%arg10 : memref<40x128xf32, #tpu.memory_space<vmem>>) target(%dma_start3A_42 : memref<40x128xf32, #tpu.memory_space<vmem_shared>>) target_semaphore(%arg18 : memref<!tpu.dma_semaphore, #tpu.memory_space<semaphore_mem>>)
    %add3A_43 = arith.constant 240 : i32
    %add3A_44 = arith.addi %mul3A_7, %add3A_43 : i32
    %dma_start3A_45 = arith.constant 0 : i32
    %dma_start3A_46 = tpu.memref_slice %arg19[%add3A_44, %dma_start3A_45] : memref<10240x128xf32, #tpu.memory_space<vmem_shared>> -> memref<40x128xf32, #tpu.memory_space<vmem_shared>>
    %dma_start3A_47 = arith.constant 0 : i32
    %dma_start3A_48 = tpu.memref_slice %arg19[%add3A_44, %dma_start3A_47] : memref<10240x128xf32, #tpu.memory_space<vmem_shared>> -> memref<40x128xf32, #tpu.memory_space<vmem_shared>>
    tpu.enqueue_dma source(%arg10 : memref<40x128xf32, #tpu.memory_space<vmem>>) target(%dma_start3A_48 : memref<40x128xf32, #tpu.memory_space<vmem_shared>>) target_semaphore(%arg18 : memref<!tpu.dma_semaphore, #tpu.memory_space<semaphore_mem>>)
    %add3A_49 = arith.constant 280 : i32
    %add3A_50 = arith.addi %mul3A_7, %add3A_49 : i32
    %dma_start3A_51 = arith.constant 0 : i32
    %dma_start3A_52 = tpu.memref_slice %arg19[%add3A_50, %dma_start3A_51] : memref<10240x128xf32, #tpu.memory_space<vmem_shared>> -> memref<40x128xf32, #tpu.memory_space<vmem_shared>>
    %dma_start3A_53 = arith.constant 0 : i32
    %dma_start3A_54 = tpu.memref_slice %arg19[%add3A_50, %dma_start3A_53] : memref<10240x128xf32, #tpu.memory_space<vmem_shared>> -> memref<40x128xf32, #tpu.memory_space<vmem_shared>>
    tpu.enqueue_dma source(%arg10 : memref<40x128xf32, #tpu.memory_space<vmem>>) target(%dma_start3A_54 : memref<40x128xf32, #tpu.memory_space<vmem_shared>>) target_semaphore(%arg18 : memref<!tpu.dma_semaphore, #tpu.memory_space<semaphore_mem>>)
    %add3A_55 = arith.constant 320 : i32
    %add3A_56 = arith.addi %mul3A_7, %add3A_55 : i32
    %dma_start3A_57 = arith.constant 0 : i32
    %dma_start3A_58 = tpu.memref_slice %arg19[%add3A_56, %dma_start3A_57] : memref<10240x128xf32, #tpu.memory_space<vmem_shared>> -> memref<40x128xf32, #tpu.memory_space<vmem_shared>>
    %dma_start3A_59 = arith.constant 0 : i32
    %dma_start3A_60 = tpu.memref_slice %arg19[%add3A_56, %dma_start3A_59] : memref<10240x128xf32, #tpu.memory_space<vmem_shared>> -> memref<40x128xf32, #tpu.memory_space<vmem_shared>>
    tpu.enqueue_dma source(%arg10 : memref<40x128xf32, #tpu.memory_space<vmem>>) target(%dma_start3A_60 : memref<40x128xf32, #tpu.memory_space<vmem_shared>>) target_semaphore(%arg18 : memref<!tpu.dma_semaphore, #tpu.memory_space<semaphore_mem>>)
    %add3A_61 = arith.constant 360 : i32
    %add3A_62 = arith.addi %mul3A_7, %add3A_61 : i32
    %dma_start3A_63 = arith.constant 0 : i32
    %dma_start3A_64 = tpu.memref_slice %arg19[%add3A_62, %dma_start3A_63] : memref<10240x128xf32, #tpu.memory_space<vmem_shared>> -> memref<40x128xf32, #tpu.memory_space<vmem_shared>>
    %dma_start3A_65 = arith.constant 0 : i32
    %dma_start3A_66 = tpu.memref_slice %arg19[%add3A_62, %dma_start3A_65] : memref<10240x128xf32, #tpu.memory_space<vmem_shared>> -> memref<40x128xf32, #tpu.memory_space<vmem_shared>>
    tpu.enqueue_dma source(%arg10 : memref<40x128xf32, #tpu.memory_space<vmem>>) target(%dma_start3A_66 : memref<40x128xf32, #tpu.memory_space<vmem_shared>>) target_semaphore(%arg18 : memref<!tpu.dma_semaphore, #tpu.memory_space<semaphore_mem>>)
    %add3A_67 = arith.constant 400 : i32
    %add3A_68 = arith.addi %mul3A_7, %add3A_67 : i32
    %dma_start3A_69 = arith.constant 0 : i32
    %dma_start3A_70 = tpu.memref_slice %arg19[%add3A_68, %dma_start3A_69] : memref<10240x128xf32, #tpu.memory_space<vmem_shared>> -> memref<40x128xf32, #tpu.memory_space<vmem_shared>>
    %dma_start3A_71 = arith.constant 0 : i32
    %dma_start3A_72 = tpu.memref_slice %arg19[%add3A_68, %dma_start3A_71] : memref<10240x128xf32, #tpu.memory_space<vmem_shared>> -> memref<40x128xf32, #tpu.memory_space<vmem_shared>>
    tpu.enqueue_dma source(%arg10 : memref<40x128xf32, #tpu.memory_space<vmem>>) target(%dma_start3A_72 : memref<40x128xf32, #tpu.memory_space<vmem_shared>>) target_semaphore(%arg18 : memref<!tpu.dma_semaphore, #tpu.memory_space<semaphore_mem>>)
    %add3A_73 = arith.constant 440 : i32
    %add3A_74 = arith.addi %mul3A_7, %add3A_73 : i32
    %dma_start3A_75 = arith.constant 0 : i32
    %dma_start3A_76 = tpu.memref_slice %arg19[%add3A_74, %dma_start3A_75] : memref<10240x128xf32, #tpu.memory_space<vmem_shared>> -> memref<40x128xf32, #tpu.memory_space<vmem_shared>>
    %dma_start3A_77 = arith.constant 0 : i32
    %dma_start3A_78 = tpu.memref_slice %arg19[%add3A_74, %dma_start3A_77] : memref<10240x128xf32, #tpu.memory_space<vmem_shared>> -> memref<40x128xf32, #tpu.memory_space<vmem_shared>>
    tpu.enqueue_dma source(%arg10 : memref<40x128xf32, #tpu.memory_space<vmem>>) target(%dma_start3A_78 : memref<40x128xf32, #tpu.memory_space<vmem_shared>>) target_semaphore(%arg18 : memref<!tpu.dma_semaphore, #tpu.memory_space<semaphore_mem>>)
    %add3A_79 = arith.constant 480 : i32
    %add3A_80 = arith.addi %mul3A_7, %add3A_79 : i32
    %dma_start3A_81 = arith.constant 0 : i32
    %dma_start3A_82 = tpu.memref_slice %arg19[%add3A_80, %dma_start3A_81] : memref<10240x128xf32, #tpu.memory_space<vmem_shared>> -> memref<40x128xf32, #tpu.memory_space<vmem_shared>>
    %dma_start3A_83 = arith.constant 0 : i32
    %dma_start3A_84 = tpu.memref_slice %arg19[%add3A_80, %dma_start3A_83] : memref<10240x128xf32, #tpu.memory_space<vmem_shared>> -> memref<40x128xf32, #tpu.memory_space<vmem_shared>>
    tpu.enqueue_dma source(%arg10 : memref<40x128xf32, #tpu.memory_space<vmem>>) target(%dma_start3A_84 : memref<40x128xf32, #tpu.memory_space<vmem_shared>>) target_semaphore(%arg18 : memref<!tpu.dma_semaphore, #tpu.memory_space<semaphore_mem>>)
    %add3A_85 = arith.constant 520 : i32
    %add3A_86 = arith.addi %mul3A_7, %add3A_85 : i32
    %dma_start3A_87 = arith.constant 0 : i32
    %dma_start3A_88 = tpu.memref_slice %arg19[%add3A_86, %dma_start3A_87] : memref<10240x128xf32, #tpu.memory_space<vmem_shared>> -> memref<40x128xf32, #tpu.memory_space<vmem_shared>>
    %dma_start3A_89 = arith.constant 0 : i32
    %dma_start3A_90 = tpu.memref_slice %arg19[%add3A_86, %dma_start3A_89] : memref<10240x128xf32, #tpu.memory_space<vmem_shared>> -> memref<40x128xf32, #tpu.memory_space<vmem_shared>>
    tpu.enqueue_dma source(%arg10 : memref<40x128xf32, #tpu.memory_space<vmem>>) target(%dma_start3A_90 : memref<40x128xf32, #tpu.memory_space<vmem_shared>>) target_semaphore(%arg18 : memref<!tpu.dma_semaphore, #tpu.memory_space<semaphore_mem>>)
    %add3A_91 = arith.constant 560 : i32
    %add3A_92 = arith.addi %mul3A_7, %add3A_91 : i32
    %dma_start3A_93 = arith.constant 0 : i32
    %dma_start3A_94 = tpu.memref_slice %arg19[%add3A_92, %dma_start3A_93] : memref<10240x128xf32, #tpu.memory_space<vmem_shared>> -> memref<40x128xf32, #tpu.memory_space<vmem_shared>>
    %dma_start3A_95 = arith.constant 0 : i32
    %dma_start3A_96 = tpu.memref_slice %arg19[%add3A_92, %dma_start3A_95] : memref<10240x128xf32, #tpu.memory_space<vmem_shared>> -> memref<40x128xf32, #tpu.memory_space<vmem_shared>>
    tpu.enqueue_dma source(%arg10 : memref<40x128xf32, #tpu.memory_space<vmem>>) target(%dma_start3A_96 : memref<40x128xf32, #tpu.memory_space<vmem_shared>>) target_semaphore(%arg18 : memref<!tpu.dma_semaphore, #tpu.memory_space<semaphore_mem>>)
    %add3A_97 = arith.constant 600 : i32
    %add3A_98 = arith.addi %mul3A_7, %add3A_97 : i32
    %dma_start3A_99 = arith.constant 0 : i32
    %dma_start3A_100 = tpu.memref_slice %arg19[%add3A_98, %dma_start3A_99] : memref<10240x128xf32, #tpu.memory_space<vmem_shared>> -> memref<40x128xf32, #tpu.memory_space<vmem_shared>>
    %dma_start3A_101 = arith.constant 0 : i32
    %dma_start3A_102 = tpu.memref_slice %arg19[%add3A_98, %dma_start3A_101] : memref<10240x128xf32, #tpu.memory_space<vmem_shared>> -> memref<40x128xf32, #tpu.memory_space<vmem_shared>>
    tpu.enqueue_dma source(%arg10 : memref<40x128xf32, #tpu.memory_space<vmem>>) target(%dma_start3A_102 : memref<40x128xf32, #tpu.memory_space<vmem_shared>>) target_semaphore(%arg18 : memref<!tpu.dma_semaphore, #tpu.memory_space<semaphore_mem>>)
    %add3A_103 = arith.constant 0 : i32
    %add3A_104 = arith.addi %mul3A_7, %add3A_103 : i32
    %dma_wait3A = arith.constant 0 : i32
    %dma_wait3A_105 = tpu.memref_slice %arg19[%add3A_104, %dma_wait3A] : memref<10240x128xf32, #tpu.memory_space<vmem_shared>> -> memref<40x128xf32, #tpu.memory_space<vmem_shared>>
    %dma_wait3A_106 = arith.constant 0 : i32
    %dma_wait3A_107 = tpu.memref_slice %arg19[%add3A_104, %dma_wait3A_106] : memref<10240x128xf32, #tpu.memory_space<vmem_shared>> -> memref<40x128xf32, #tpu.memory_space<vmem_shared>>
    tpu.wait_dma2 semaphore(%arg18 : memref<!tpu.dma_semaphore, #tpu.memory_space<semaphore_mem>>) src(%arg10 : memref<40x128xf32, #tpu.memory_space<vmem>>) dst(%dma_wait3A_107 : memref<40x128xf32, #tpu.memory_space<vmem_shared>>)
    %add3A_108 = arith.constant 40 : i32
    %add3A_109 = arith.addi %mul3A_7, %add3A_108 : i32
    %dma_wait3A_110 = arith.constant 0 : i32
    %dma_wait3A_111 = tpu.memref_slice %arg19[%add3A_109, %dma_wait3A_110] : memref<10240x128xf32, #tpu.memory_space<vmem_shared>> -> memref<40x128xf32, #tpu.memory_space<vmem_shared>>
    %dma_wait3A_112 = arith.constant 0 : i32
    %dma_wait3A_113 = tpu.memref_slice %arg19[%add3A_109, %dma_wait3A_112] : memref<10240x128xf32, #tpu.memory_space<vmem_shared>> -> memref<40x128xf32, #tpu.memory_space<vmem_shared>>
    tpu.wait_dma2 semaphore(%arg18 : memref<!tpu.dma_semaphore, #tpu.memory_space<semaphore_mem>>) src(%arg10 : memref<40x128xf32, #tpu.memory_space<vmem>>) dst(%dma_wait3A_113 : memref<40x128xf32, #tpu.memory_space<vmem_shared>>)
    %add3A_114 = arith.constant 80 : i32
    %add3A_115 = arith.addi %mul3A_7, %add3A_114 : i32
    %dma_wait3A_116 = arith.constant 0 : i32
    %dma_wait3A_117 = tpu.memref_slice %arg19[%add3A_115, %dma_wait3A_116] : memref<10240x128xf32, #tpu.memory_space<vmem_shared>> -> memref<40x128xf32, #tpu.memory_space<vmem_shared>>
    %dma_wait3A_118 = arith.constant 0 : i32
    %dma_wait3A_119 = tpu.memref_slice %arg19[%add3A_115, %dma_wait3A_118] : memref<10240x128xf32, #tpu.memory_space<vmem_shared>> -> memref<40x128xf32, #tpu.memory_space<vmem_shared>>
    tpu.wait_dma2 semaphore(%arg18 : memref<!tpu.dma_semaphore, #tpu.memory_space<semaphore_mem>>) src(%arg10 : memref<40x128xf32, #tpu.memory_space<vmem>>) dst(%dma_wait3A_119 : memref<40x128xf32, #tpu.memory_space<vmem_shared>>)
    %add3A_120 = arith.constant 120 : i32
    %add3A_121 = arith.addi %mul3A_7, %add3A_120 : i32
    %dma_wait3A_122 = arith.constant 0 : i32
    %dma_wait3A_123 = tpu.memref_slice %arg19[%add3A_121, %dma_wait3A_122] : memref<10240x128xf32, #tpu.memory_space<vmem_shared>> -> memref<40x128xf32, #tpu.memory_space<vmem_shared>>
    %dma_wait3A_124 = arith.constant 0 : i32
    %dma_wait3A_125 = tpu.memref_slice %arg19[%add3A_121, %dma_wait3A_124] : memref<10240x128xf32, #tpu.memory_space<vmem_shared>> -> memref<40x128xf32, #tpu.memory_space<vmem_shared>>
    tpu.wait_dma2 semaphore(%arg18 : memref<!tpu.dma_semaphore, #tpu.memory_space<semaphore_mem>>) src(%arg10 : memref<40x128xf32, #tpu.memory_space<vmem>>) dst(%dma_wait3A_125 : memref<40x128xf32, #tpu.memory_space<vmem_shared>>)
    %add3A_126 = arith.constant 160 : i32
    %add3A_127 = arith.addi %mul3A_7, %add3A_126 : i32
    %dma_wait3A_128 = arith.constant 0 : i32
    %dma_wait3A_129 = tpu.memref_slice %arg19[%add3A_127, %dma_wait3A_128] : memref<10240x128xf32, #tpu.memory_space<vmem_shared>> -> memref<40x128xf32, #tpu.memory_space<vmem_shared>>
    %dma_wait3A_130 = arith.constant 0 : i32
    %dma_wait3A_131 = tpu.memref_slice %arg19[%add3A_127, %dma_wait3A_130] : memref<10240x128xf32, #tpu.memory_space<vmem_shared>> -> memref<40x128xf32, #tpu.memory_space<vmem_shared>>
    tpu.wait_dma2 semaphore(%arg18 : memref<!tpu.dma_semaphore, #tpu.memory_space<semaphore_mem>>) src(%arg10 : memref<40x128xf32, #tpu.memory_space<vmem>>) dst(%dma_wait3A_131 : memref<40x128xf32, #tpu.memory_space<vmem_shared>>)
    %add3A_132 = arith.constant 200 : i32
    %add3A_133 = arith.addi %mul3A_7, %add3A_132 : i32
    %dma_wait3A_134 = arith.constant 0 : i32
    %dma_wait3A_135 = tpu.memref_slice %arg19[%add3A_133, %dma_wait3A_134] : memref<10240x128xf32, #tpu.memory_space<vmem_shared>> -> memref<40x128xf32, #tpu.memory_space<vmem_shared>>
    %dma_wait3A_136 = arith.constant 0 : i32
    %dma_wait3A_137 = tpu.memref_slice %arg19[%add3A_133, %dma_wait3A_136] : memref<10240x128xf32, #tpu.memory_space<vmem_shared>> -> memref<40x128xf32, #tpu.memory_space<vmem_shared>>
    tpu.wait_dma2 semaphore(%arg18 : memref<!tpu.dma_semaphore, #tpu.memory_space<semaphore_mem>>) src(%arg10 : memref<40x128xf32, #tpu.memory_space<vmem>>) dst(%dma_wait3A_137 : memref<40x128xf32, #tpu.memory_space<vmem_shared>>)
    %add3A_138 = arith.constant 240 : i32
    %add3A_139 = arith.addi %mul3A_7, %add3A_138 : i32
    %dma_wait3A_140 = arith.constant 0 : i32
    %dma_wait3A_141 = tpu.memref_slice %arg19[%add3A_139, %dma_wait3A_140] : memref<10240x128xf32, #tpu.memory_space<vmem_shared>> -> memref<40x128xf32, #tpu.memory_space<vmem_shared>>
    %dma_wait3A_142 = arith.constant 0 : i32
    %dma_wait3A_143 = tpu.memref_slice %arg19[%add3A_139, %dma_wait3A_142] : memref<10240x128xf32, #tpu.memory_space<vmem_shared>> -> memref<40x128xf32, #tpu.memory_space<vmem_shared>>
    tpu.wait_dma2 semaphore(%arg18 : memref<!tpu.dma_semaphore, #tpu.memory_space<semaphore_mem>>) src(%arg10 : memref<40x128xf32, #tpu.memory_space<vmem>>) dst(%dma_wait3A_143 : memref<40x128xf32, #tpu.memory_space<vmem_shared>>)
    %add3A_144 = arith.constant 280 : i32
    %add3A_145 = arith.addi %mul3A_7, %add3A_144 : i32
    %dma_wait3A_146 = arith.constant 0 : i32
    %dma_wait3A_147 = tpu.memref_slice %arg19[%add3A_145, %dma_wait3A_146] : memref<10240x128xf32, #tpu.memory_space<vmem_shared>> -> memref<40x128xf32, #tpu.memory_space<vmem_shared>>
    %dma_wait3A_148 = arith.constant 0 : i32
    %dma_wait3A_149 = tpu.memref_slice %arg19[%add3A_145, %dma_wait3A_148] : memref<10240x128xf32, #tpu.memory_space<vmem_shared>> -> memref<40x128xf32, #tpu.memory_space<vmem_shared>>
    tpu.wait_dma2 semaphore(%arg18 : memref<!tpu.dma_semaphore, #tpu.memory_space<semaphore_mem>>) src(%arg10 : memref<40x128xf32, #tpu.memory_space<vmem>>) dst(%dma_wait3A_149 : memref<40x128xf32, #tpu.memory_space<vmem_shared>>)
    %add3A_150 = arith.constant 320 : i32
    %add3A_151 = arith.addi %mul3A_7, %add3A_150 : i32
    %dma_wait3A_152 = arith.constant 0 : i32
    %dma_wait3A_153 = tpu.memref_slice %arg19[%add3A_151, %dma_wait3A_152] : memref<10240x128xf32, #tpu.memory_space<vmem_shared>> -> memref<40x128xf32, #tpu.memory_space<vmem_shared>>
    %dma_wait3A_154 = arith.constant 0 : i32
    %dma_wait3A_155 = tpu.memref_slice %arg19[%add3A_151, %dma_wait3A_154] : memref<10240x128xf32, #tpu.memory_space<vmem_shared>> -> memref<40x128xf32, #tpu.memory_space<vmem_shared>>
    tpu.wait_dma2 semaphore(%arg18 : memref<!tpu.dma_semaphore, #tpu.memory_space<semaphore_mem>>) src(%arg10 : memref<40x128xf32, #tpu.memory_space<vmem>>) dst(%dma_wait3A_155 : memref<40x128xf32, #tpu.memory_space<vmem_shared>>)
    %add3A_156 = arith.constant 360 : i32
    %add3A_157 = arith.addi %mul3A_7, %add3A_156 : i32
    %dma_wait3A_158 = arith.constant 0 : i32
    %dma_wait3A_159 = tpu.memref_slice %arg19[%add3A_157, %dma_wait3A_158] : memref<10240x128xf32, #tpu.memory_space<vmem_shared>> -> memref<40x128xf32, #tpu.memory_space<vmem_shared>>
    %dma_wait3A_160 = arith.constant 0 : i32
    %dma_wait3A_161 = tpu.memref_slice %arg19[%add3A_157, %dma_wait3A_160] : memref<10240x128xf32, #tpu.memory_space<vmem_shared>> -> memref<40x128xf32, #tpu.memory_space<vmem_shared>>
    tpu.wait_dma2 semaphore(%arg18 : memref<!tpu.dma_semaphore, #tpu.memory_space<semaphore_mem>>) src(%arg10 : memref<40x128xf32, #tpu.memory_space<vmem>>) dst(%dma_wait3A_161 : memref<40x128xf32, #tpu.memory_space<vmem_shared>>)
    %add3A_162 = arith.constant 400 : i32
    %add3A_163 = arith.addi %mul3A_7, %add3A_162 : i32
    %dma_wait3A_164 = arith.constant 0 : i32
    %dma_wait3A_165 = tpu.memref_slice %arg19[%add3A_163, %dma_wait3A_164] : memref<10240x128xf32, #tpu.memory_space<vmem_shared>> -> memref<40x128xf32, #tpu.memory_space<vmem_shared>>
    %dma_wait3A_166 = arith.constant 0 : i32
    %dma_wait3A_167 = tpu.memref_slice %arg19[%add3A_163, %dma_wait3A_166] : memref<10240x128xf32, #tpu.memory_space<vmem_shared>> -> memref<40x128xf32, #tpu.memory_space<vmem_shared>>
    tpu.wait_dma2 semaphore(%arg18 : memref<!tpu.dma_semaphore, #tpu.memory_space<semaphore_mem>>) src(%arg10 : memref<40x128xf32, #tpu.memory_space<vmem>>) dst(%dma_wait3A_167 : memref<40x128xf32, #tpu.memory_space<vmem_shared>>)
    %add3A_168 = arith.constant 440 : i32
    %add3A_169 = arith.addi %mul3A_7, %add3A_168 : i32
    %dma_wait3A_170 = arith.constant 0 : i32
    %dma_wait3A_171 = tpu.memref_slice %arg19[%add3A_169, %dma_wait3A_170] : memref<10240x128xf32, #tpu.memory_space<vmem_shared>> -> memref<40x128xf32, #tpu.memory_space<vmem_shared>>
    %dma_wait3A_172 = arith.constant 0 : i32
    %dma_wait3A_173 = tpu.memref_slice %arg19[%add3A_169, %dma_wait3A_172] : memref<10240x128xf32, #tpu.memory_space<vmem_shared>> -> memref<40x128xf32, #tpu.memory_space<vmem_shared>>
    tpu.wait_dma2 semaphore(%arg18 : memref<!tpu.dma_semaphore, #tpu.memory_space<semaphore_mem>>) src(%arg10 : memref<40x128xf32, #tpu.memory_space<vmem>>) dst(%dma_wait3A_173 : memref<40x128xf32, #tpu.memory_space<vmem_shared>>)
    %add3A_174 = arith.constant 480 : i32
    %add3A_175 = arith.addi %mul3A_7, %add3A_174 : i32
    %dma_wait3A_176 = arith.constant 0 : i32
    %dma_wait3A_177 = tpu.memref_slice %arg19[%add3A_175, %dma_wait3A_176] : memref<10240x128xf32, #tpu.memory_space<vmem_shared>> -> memref<40x128xf32, #tpu.memory_space<vmem_shared>>
    %dma_wait3A_178 = arith.constant 0 : i32
    %dma_wait3A_179 = tpu.memref_slice %arg19[%add3A_175, %dma_wait3A_178] : memref<10240x128xf32, #tpu.memory_space<vmem_shared>> -> memref<40x128xf32, #tpu.memory_space<vmem_shared>>
    tpu.wait_dma2 semaphore(%arg18 : memref<!tpu.dma_semaphore, #tpu.memory_space<semaphore_mem>>) src(%arg10 : memref<40x128xf32, #tpu.memory_space<vmem>>) dst(%dma_wait3A_179 : memref<40x128xf32, #tpu.memory_space<vmem_shared>>)
    %add3A_180 = arith.constant 520 : i32
    %add3A_181 = arith.addi %mul3A_7, %add3A_180 : i32
    %dma_wait3A_182 = arith.constant 0 : i32
    %dma_wait3A_183 = tpu.memref_slice %arg19[%add3A_181, %dma_wait3A_182] : memref<10240x128xf32, #tpu.memory_space<vmem_shared>> -> memref<40x128xf32, #tpu.memory_space<vmem_shared>>
    %dma_wait3A_184 = arith.constant 0 : i32
    %dma_wait3A_185 = tpu.memref_slice %arg19[%add3A_181, %dma_wait3A_184] : memref<10240x128xf32, #tpu.memory_space<vmem_shared>> -> memref<40x128xf32, #tpu.memory_space<vmem_shared>>
    tpu.wait_dma2 semaphore(%arg18 : memref<!tpu.dma_semaphore, #tpu.memory_space<semaphore_mem>>) src(%arg10 : memref<40x128xf32, #tpu.memory_space<vmem>>) dst(%dma_wait3A_185 : memref<40x128xf32, #tpu.memory_space<vmem_shared>>)
    %add3A_186 = arith.constant 560 : i32
    %add3A_187 = arith.addi %mul3A_7, %add3A_186 : i32
    %dma_wait3A_188 = arith.constant 0 : i32
    %dma_wait3A_189 = tpu.memref_slice %arg19[%add3A_187, %dma_wait3A_188] : memref<10240x128xf32, #tpu.memory_space<vmem_shared>> -> memref<40x128xf32, #tpu.memory_space<vmem_shared>>
    %dma_wait3A_190 = arith.constant 0 : i32
    %dma_wait3A_191 = tpu.memref_slice %arg19[%add3A_187, %dma_wait3A_190] : memref<10240x128xf32, #tpu.memory_space<vmem_shared>> -> memref<40x128xf32, #tpu.memory_space<vmem_shared>>
    tpu.wait_dma2 semaphore(%arg18 : memref<!tpu.dma_semaphore, #tpu.memory_space<semaphore_mem>>) src(%arg10 : memref<40x128xf32, #tpu.memory_space<vmem>>) dst(%dma_wait3A_191 : memref<40x128xf32, #tpu.memory_space<vmem_shared>>)
    %add3A_192 = arith.constant 600 : i32
    %add3A_193 = arith.addi %mul3A_7, %add3A_192 : i32
    %dma_wait3A_194 = arith.constant 0 : i32
    %dma_wait3A_195 = tpu.memref_slice %arg19[%add3A_193, %dma_wait3A_194] : memref<10240x128xf32, #tpu.memory_space<vmem_shared>> -> memref<40x128xf32, #tpu.memory_space<vmem_shared>>
    %dma_wait3A_196 = arith.constant 0 : i32
    %dma_wait3A_197 = tpu.memref_slice %arg19[%add3A_193, %dma_wait3A_196] : memref<10240x128xf32, #tpu.memory_space<vmem_shared>> -> memref<40x128xf32, #tpu.memory_space<vmem_shared>>
    tpu.wait_dma2 semaphore(%arg18 : memref<!tpu.dma_semaphore, #tpu.memory_space<semaphore_mem>>) src(%arg10 : memref<40x128xf32, #tpu.memory_space<vmem>>) dst(%dma_wait3A_197 : memref<40x128xf32, #tpu.memory_space<vmem_shared>>)
    %barrier3A = arith.constant 0 : index
    tpu.barrier barrier_id(%barrier3A)
    %run_scoped3A = arith.constant 0 : i32
    "tpu.region"() ({
      %run_scoped3A_259 = tpu.sem_alloc : memref<!tpu.dma_semaphore, #tpu.memory_space<semaphore_mem>>
      %dma_start3A_260 = arith.constant 0 : i32
      %dma_start3A_261 = arith.constant 0 : i32
      %dma_start3A_262 = tpu.memref_slice %arg3[%add3A, %run_scoped3A, %dma_start3A_260, %dma_start3A_261] : memref<32x10x25x40xi32, #tpu.memory_space<hbm>> -> memref<1x1x25x40xi32, #tpu.memory_space<hbm>>
      %dma_start3A_263 = tpu.memref_squeeze %dma_start3A_262 : memref<1x1x25x40xi32, #tpu.memory_space<hbm>> -> memref<25x40xi32, #tpu.memory_space<hbm>>
      %dma_start3A_264 = arith.constant 0 : i32
      %dma_start3A_265 = arith.constant 0 : i32
      %dma_start3A_266 = tpu.memref_slice %arg3[%add3A, %run_scoped3A, %dma_start3A_264, %dma_start3A_265] : memref<32x10x25x40xi32, #tpu.memory_space<hbm>> -> memref<1x1x25x40xi32, #tpu.memory_space<hbm>>
      %dma_start3A_267 = tpu.memref_squeeze %dma_start3A_266 : memref<1x1x25x40xi32, #tpu.memory_space<hbm>> -> memref<25x40xi32, #tpu.memory_space<hbm>>
      tpu.enqueue_dma source(%dma_start3A_267 : memref<25x40xi32, #tpu.memory_space<hbm>>) target(%arg6 : memref<25x40xi32, #tpu.memory_space<vmem>>) target_semaphore(%run_scoped3A_259 : memref<!tpu.dma_semaphore, #tpu.memory_space<semaphore_mem>>)
      %dma_wait3A_268 = arith.constant 0 : i32
      %dma_wait3A_269 = arith.constant 0 : i32
      %dma_wait3A_270 = tpu.memref_slice %arg3[%add3A, %run_scoped3A, %dma_wait3A_268, %dma_wait3A_269] : memref<32x10x25x40xi32, #tpu.memory_space<hbm>> -> memref<1x1x25x40xi32, #tpu.memory_space<hbm>>
      %dma_wait3A_271 = tpu.memref_squeeze %dma_wait3A_270 : memref<1x1x25x40xi32, #tpu.memory_space<hbm>> -> memref<25x40xi32, #tpu.memory_space<hbm>>
      %dma_wait3A_272 = arith.constant 0 : i32
      %dma_wait3A_273 = arith.constant 0 : i32
      %dma_wait3A_274 = tpu.memref_slice %arg3[%add3A, %run_scoped3A, %dma_wait3A_272, %dma_wait3A_273] : memref<32x10x25x40xi32, #tpu.memory_space<hbm>> -> memref<1x1x25x40xi32, #tpu.memory_space<hbm>>
      %dma_wait3A_275 = tpu.memref_squeeze %dma_wait3A_274 : memref<1x1x25x40xi32, #tpu.memory_space<hbm>> -> memref<25x40xi32, #tpu.memory_space<hbm>>
      tpu.wait_dma2 semaphore(%run_scoped3A_259 : memref<!tpu.dma_semaphore, #tpu.memory_space<semaphore_mem>>) src(%dma_wait3A_275 : memref<25x40xi32, #tpu.memory_space<hbm>>) dst(%arg6 : memref<25x40xi32, #tpu.memory_space<vmem>>)
      tpu.yield
    }) : () -> ()
    %run_scoped3A_198 = arith.constant 1 : i32
    %run_scoped3A_199 = arith.constant 0 : i32
    "tpu.region"() ({
      %run_scoped3A_259 = tpu.sem_alloc : memref<!tpu.dma_semaphore, #tpu.memory_space<semaphore_mem>>
      %dma_start3A_260 = arith.constant 0 : i32
      %dma_start3A_261 = arith.constant 0 : i32
      %dma_start3A_262 = tpu.memref_slice %arg4[%run_scoped3A_198, %add3A, %run_scoped3A_199, %dma_start3A_260, %dma_start3A_261] : memref<2x32x10x25x40xi32, #tpu.memory_space<hbm>> -> memref<1x1x1x25x40xi32, #tpu.memory_space<hbm>>
      %dma_start3A_263 = tpu.memref_squeeze %dma_start3A_262 : memref<1x1x1x25x40xi32, #tpu.memory_space<hbm>> -> memref<25x40xi32, #tpu.memory_space<hbm>>
      %dma_start3A_264 = arith.constant 0 : i32
      %dma_start3A_265 = arith.constant 0 : i32
      %dma_start3A_266 = tpu.memref_slice %arg4[%run_scoped3A_198, %add3A, %run_scoped3A_199, %dma_start3A_264, %dma_start3A_265] : memref<2x32x10x25x40xi32, #tpu.memory_space<hbm>> -> memref<1x1x1x25x40xi32, #tpu.memory_space<hbm>>
      %dma_start3A_267 = tpu.memref_squeeze %dma_start3A_266 : memref<1x1x1x25x40xi32, #tpu.memory_space<hbm>> -> memref<25x40xi32, #tpu.memory_space<hbm>>
      tpu.enqueue_dma source(%dma_start3A_267 : memref<25x40xi32, #tpu.memory_space<hbm>>) target(%arg7 : memref<25x40xi32, #tpu.memory_space<vmem>>) target_semaphore(%run_scoped3A_259 : memref<!tpu.dma_semaphore, #tpu.memory_space<semaphore_mem>>)
      %dma_wait3A_268 = arith.constant 0 : i32
      %dma_wait3A_269 = arith.constant 0 : i32
      %dma_wait3A_270 = tpu.memref_slice %arg4[%run_scoped3A_198, %add3A, %run_scoped3A_199, %dma_wait3A_268, %dma_wait3A_269] : memref<2x32x10x25x40xi32, #tpu.memory_space<hbm>> -> memref<1x1x1x25x40xi32, #tpu.memory_space<hbm>>
      %dma_wait3A_271 = tpu.memref_squeeze %dma_wait3A_270 : memref<1x1x1x25x40xi32, #tpu.memory_space<hbm>> -> memref<25x40xi32, #tpu.memory_space<hbm>>
      %dma_wait3A_272 = arith.constant 0 : i32
      %dma_wait3A_273 = arith.constant 0 : i32
      %dma_wait3A_274 = tpu.memref_slice %arg4[%run_scoped3A_198, %add3A, %run_scoped3A_199, %dma_wait3A_272, %dma_wait3A_273] : memref<2x32x10x25x40xi32, #tpu.memory_space<hbm>> -> memref<1x1x1x25x40xi32, #tpu.memory_space<hbm>>
      %dma_wait3A_275 = tpu.memref_squeeze %dma_wait3A_274 : memref<1x1x1x25x40xi32, #tpu.memory_space<hbm>> -> memref<25x40xi32, #tpu.memory_space<hbm>>
      tpu.wait_dma2 semaphore(%run_scoped3A_259 : memref<!tpu.dma_semaphore, #tpu.memory_space<semaphore_mem>>) src(%dma_wait3A_275 : memref<25x40xi32, #tpu.memory_space<hbm>>) dst(%arg7 : memref<25x40xi32, #tpu.memory_space<vmem>>)
      tpu.yield
    }) : () -> ()
    %scan3A_200 = arith.constant 0 : i32
    %scan3A_201 = arith.constant 0 : i32
    %scan3A_202 = arith.constant 5 : i32
    %scan3A_203 = arith.addi %scan3A_201, %scan3A_202 : i32
    %scan3A_204 = arith.constant 1 : i32
    scf.for %scan3A_259 = %scan3A_201 to %scan3A_203 step %scan3A_204  : i32 {
      %mul3A_260 = arith.constant 2 : i32
      %mul3A_261 = arith.muli %mul3A_260, %scan3A_259 : i32
      %add3A_262 = arith.constant 0 : i32
      %add3A_263 = arith.addi %mul3A_261, %add3A_262 : i32
      %add3A_264 = arith.constant 1 : i32
      %add3A_265 = arith.addi %add3A_263, %add3A_264 : i32
      %lt3A = arith.constant 10 : i32
      %lt3A_266 = arith.cmpi slt, %add3A_265, %lt3A : i32
      %convert_element_type3A = arith.extui %lt3A_266 : i1 to i32
      %cond3A = arith.constant 0 : i32
      %cond3A_267 = arith.cmpi ne, %convert_element_type3A, %cond3A : i32
      scf.if %cond3A_267 {
        %add3A_455 = arith.constant 1 : i32
        %add3A_456 = arith.addi %add3A_263, %add3A_455 : i32
        %dma_start3A_457 = arith.constant 0 : i32
        %dma_start3A_458 = arith.constant 0 : i32
        %dma_start3A_459 = tpu.memref_slice %arg3[%add3A, %add3A_456, %dma_start3A_457, %dma_start3A_458] : memref<32x10x25x40xi32, #tpu.memory_space<hbm>> -> memref<1x1x25x40xi32, #tpu.memory_space<hbm>>
        %dma_start3A_460 = tpu.memref_squeeze %dma_start3A_459 : memref<1x1x25x40xi32, #tpu.memory_space<hbm>> -> memref<25x40xi32, #tpu.memory_space<hbm>>
        %dma_start3A_461 = arith.constant 0 : i32
        %dma_start3A_462 = arith.constant 0 : i32
        %dma_start3A_463 = tpu.memref_slice %arg3[%add3A, %add3A_456, %dma_start3A_461, %dma_start3A_462] : memref<32x10x25x40xi32, #tpu.memory_space<hbm>> -> memref<1x1x25x40xi32, #tpu.memory_space<hbm>>
        %dma_start3A_464 = tpu.memref_squeeze %dma_start3A_463 : memref<1x1x25x40xi32, #tpu.memory_space<hbm>> -> memref<25x40xi32, #tpu.memory_space<hbm>>
        tpu.enqueue_dma source(%dma_start3A_464 : memref<25x40xi32, #tpu.memory_space<hbm>>) target(%arg8 : memref<25x40xi32, #tpu.memory_space<vmem>>) target_semaphore(%arg18 : memref<!tpu.dma_semaphore, #tpu.memory_space<semaphore_mem>>)
        %add3A_465 = arith.constant 1 : i32
        %add3A_466 = arith.addi %add3A_263, %add3A_465 : i32
        %dma_start3A_467 = arith.constant 1 : i32
        %dma_start3A_468 = arith.constant 0 : i32
        %dma_start3A_469 = arith.constant 0 : i32
        %dma_start3A_470 = tpu.memref_slice %arg4[%dma_start3A_467, %add3A, %add3A_466, %dma_start3A_468, %dma_start3A_469] : memref<2x32x10x25x40xi32, #tpu.memory_space<hbm>> -> memref<1x1x1x25x40xi32, #tpu.memory_space<hbm>>
        %dma_start3A_471 = tpu.memref_squeeze %dma_start3A_470 : memref<1x1x1x25x40xi32, #tpu.memory_space<hbm>> -> memref<25x40xi32, #tpu.memory_space<hbm>>
        %dma_start3A_472 = arith.constant 0 : i32
        %dma_start3A_473 = arith.constant 0 : i32
        %dma_start3A_474 = tpu.memref_slice %arg4[%dma_start3A_467, %add3A, %add3A_466, %dma_start3A_472, %dma_start3A_473] : memref<2x32x10x25x40xi32, #tpu.memory_space<hbm>> -> memref<1x1x1x25x40xi32, #tpu.memory_space<hbm>>
        %dma_start3A_475 = tpu.memref_squeeze %dma_start3A_474 : memref<1x1x1x25x40xi32, #tpu.memory_space<hbm>> -> memref<25x40xi32, #tpu.memory_space<hbm>>
        tpu.enqueue_dma source(%dma_start3A_475 : memref<25x40xi32, #tpu.memory_space<hbm>>) target(%arg9 : memref<25x40xi32, #tpu.memory_space<vmem>>) target_semaphore(%arg18 : memref<!tpu.dma_semaphore, #tpu.memory_space<semaphore_mem>>)
      } else {
      }
      %dma_start3A_268 = arith.constant 0 : i32
      %dma_start3A_269 = arith.constant 0 : i32
      %dma_start3A_270 = tpu.memref_slice %arg6[%dma_start3A_268, %dma_start3A_269] : memref<25x40xi32, #tpu.memory_space<vmem>> -> memref<1x40xi32, #tpu.memory_space<vmem>>
      %dma_start3A_271 = tpu.memref_squeeze %dma_start3A_270 : memref<1x40xi32, #tpu.memory_space<vmem>> -> memref<40xi32, #tpu.memory_space<vmem>>
      %dma_start3A_272 = arith.constant 0 : i32
      %dma_start3A_273 = arith.constant 0 : i32
      %dma_start3A_274 = tpu.memref_slice %arg2[%dma_start3A_272, %dma_start3A_273] : memref<270000x128xf32, #tpu.memory_space<hbm>> -> memref<270000x128xf32, #tpu.memory_space<hbm>>
      tpu.enqueue_indirect_dma source(%dma_start3A_274 : memref<270000x128xf32, #tpu.memory_space<hbm>>) target(%arg10 : memref<40x128xf32, #tpu.memory_space<vmem>>) offsets(%dma_start3A_271 : memref<40xi32, #tpu.memory_space<vmem>>) semaphore(%arg14 : memref<!tpu.dma_semaphore, #tpu.memory_space<semaphore_mem>>)
      %dma_start3A_275 = arith.constant 1 : i32
      %dma_start3A_276 = arith.constant 0 : i32
      %dma_start3A_277 = tpu.memref_slice %arg6[%dma_start3A_275, %dma_start3A_276] : memref<25x40xi32, #tpu.memory_space<vmem>> -> memref<1x40xi32, #tpu.memory_space<vmem>>
      %dma_start3A_278 = tpu.memref_squeeze %dma_start3A_277 : memref<1x40xi32, #tpu.memory_space<vmem>> -> memref<40xi32, #tpu.memory_space<vmem>>
      %dma_start3A_279 = arith.constant 0 : i32
      %dma_start3A_280 = arith.constant 0 : i32
      %dma_start3A_281 = tpu.memref_slice %arg2[%dma_start3A_279, %dma_start3A_280] : memref<270000x128xf32, #tpu.memory_space<hbm>> -> memref<270000x128xf32, #tpu.memory_space<hbm>>
      tpu.enqueue_indirect_dma source(%dma_start3A_281 : memref<270000x128xf32, #tpu.memory_space<hbm>>) target(%arg11 : memref<40x128xf32, #tpu.memory_space<vmem>>) offsets(%dma_start3A_278 : memref<40xi32, #tpu.memory_space<vmem>>) semaphore(%arg15 : memref<!tpu.dma_semaphore, #tpu.memory_space<semaphore_mem>>)
      %dma_start3A_282 = arith.constant 2 : i32
      %dma_start3A_283 = arith.constant 0 : i32
      %dma_start3A_284 = tpu.memref_slice %arg6[%dma_start3A_282, %dma_start3A_283] : memref<25x40xi32, #tpu.memory_space<vmem>> -> memref<1x40xi32, #tpu.memory_space<vmem>>
      %dma_start3A_285 = tpu.memref_squeeze %dma_start3A_284 : memref<1x40xi32, #tpu.memory_space<vmem>> -> memref<40xi32, #tpu.memory_space<vmem>>
      %dma_start3A_286 = arith.constant 0 : i32
      %dma_start3A_287 = arith.constant 0 : i32
      %dma_start3A_288 = tpu.memref_slice %arg2[%dma_start3A_286, %dma_start3A_287] : memref<270000x128xf32, #tpu.memory_space<hbm>> -> memref<270000x128xf32, #tpu.memory_space<hbm>>
      tpu.enqueue_indirect_dma source(%dma_start3A_288 : memref<270000x128xf32, #tpu.memory_space<hbm>>) target(%arg12 : memref<40x128xf32, #tpu.memory_space<vmem>>) offsets(%dma_start3A_285 : memref<40xi32, #tpu.memory_space<vmem>>) semaphore(%arg16 : memref<!tpu.dma_semaphore, #tpu.memory_space<semaphore_mem>>)
      %dma_start3A_289 = arith.constant 3 : i32
      %dma_start3A_290 = arith.constant 0 : i32
      %dma_start3A_291 = tpu.memref_slice %arg6[%dma_start3A_289, %dma_start3A_290] : memref<25x40xi32, #tpu.memory_space<vmem>> -> memref<1x40xi32, #tpu.memory_space<vmem>>
      %dma_start3A_292 = tpu.memref_squeeze %dma_start3A_291 : memref<1x40xi32, #tpu.memory_space<vmem>> -> memref<40xi32, #tpu.memory_space<vmem>>
      %dma_start3A_293 = arith.constant 0 : i32
      %dma_start3A_294 = arith.constant 0 : i32
      %dma_start3A_295 = tpu.memref_slice %arg2[%dma_start3A_293, %dma_start3A_294] : memref<270000x128xf32, #tpu.memory_space<hbm>> -> memref<270000x128xf32, #tpu.memory_space<hbm>>
      tpu.enqueue_indirect_dma source(%dma_start3A_295 : memref<270000x128xf32, #tpu.memory_space<hbm>>) target(%arg13 : memref<40x128xf32, #tpu.memory_space<vmem>>) offsets(%dma_start3A_292 : memref<40xi32, #tpu.memory_space<vmem>>) semaphore(%arg17 : memref<!tpu.dma_semaphore, #tpu.memory_space<semaphore_mem>>)
      %scan3A_296 = arith.constant 0 : i32
      %scan3A_297 = arith.constant 0 : i32
      %scan3A_298 = arith.constant 5 : i32
      %scan3A_299 = arith.addi %scan3A_297, %scan3A_298 : i32
      %scan3A_300 = arith.constant 1 : i32
      scf.for %scan3A_455 = %scan3A_297 to %scan3A_299 step %scan3A_300  : i32 {
        %mul3A_456 = arith.constant 4 : i32
        %mul3A_457 = arith.muli %mul3A_456, %scan3A_455 : i32
        %add3A_458 = arith.constant 0 : i32
        %add3A_459 = arith.addi %mul3A_457, %add3A_458 : i32
        %dma_wait3A_460 = arith.constant 0 : i32
        %dma_wait3A_461 = tpu.memref_slice %arg6[%add3A_459, %dma_wait3A_460] : memref<25x40xi32, #tpu.memory_space<vmem>> -> memref<1x40xi32, #tpu.memory_space<vmem>>
        %dma_wait3A_462 = tpu.memref_squeeze %dma_wait3A_461 : memref<1x40xi32, #tpu.memory_space<vmem>> -> memref<40xi32, #tpu.memory_space<vmem>>
        %dma_wait3A_463 = arith.constant 0 : i32
        %dma_wait3A_464 = arith.constant 0 : i32
        %dma_wait3A_465 = tpu.memref_slice %arg2[%dma_wait3A_463, %dma_wait3A_464] : memref<270000x128xf32, #tpu.memory_space<hbm>> -> memref<270000x128xf32, #tpu.memory_space<hbm>>
        tpu.wait_indirect_dma semaphore(%arg14 : memref<!tpu.dma_semaphore, #tpu.memory_space<semaphore_mem>>) src(%dma_wait3A_465 : memref<270000x128xf32, #tpu.memory_space<hbm>>) dst(%arg10 : memref<40x128xf32, #tpu.memory_space<vmem>>)
        "tpu.region"() ({
          %run_scoped3A_528 = tpu.sem_alloc : memref<!tpu.dma_semaphore, #tpu.memory_space<semaphore_mem>>
          %dma_start3A_529 = arith.constant 0 : i32
          %dma_start3A_530 = tpu.memref_slice %arg7[%add3A_459, %dma_start3A_529] : memref<25x40xi32, #tpu.memory_space<vmem>> -> memref<1x40xi32, #tpu.memory_space<vmem>>
          %dma_start3A_531 = tpu.memref_squeeze %dma_start3A_530 : memref<1x40xi32, #tpu.memory_space<vmem>> -> memref<40xi32, #tpu.memory_space<vmem>>
          %dma_start3A_532 = arith.constant 0 : i32
          %dma_start3A_533 = arith.constant 0 : i32
          %dma_start3A_534 = tpu.memref_slice %arg19[%dma_start3A_532, %dma_start3A_533] : memref<10240x128xf32, #tpu.memory_space<vmem_shared>> -> memref<10240x128xf32, #tpu.memory_space<vmem_shared>>
          tpu.enqueue_indirect_dma source(%arg10 : memref<40x128xf32, #tpu.memory_space<vmem>>) target(%dma_start3A_534 : memref<10240x128xf32, #tpu.memory_space<vmem_shared>>) offsets(%dma_start3A_531 : memref<40xi32, #tpu.memory_space<vmem>>) semaphore(%run_scoped3A_528 : memref<!tpu.dma_semaphore, #tpu.memory_space<semaphore_mem>>) {add = true}
          %dma_wait3A_535 = arith.constant 0 : i32
          %dma_wait3A_536 = tpu.memref_slice %arg7[%add3A_459, %dma_wait3A_535] : memref<25x40xi32, #tpu.memory_space<vmem>> -> memref<1x40xi32, #tpu.memory_space<vmem>>
          %dma_wait3A_537 = tpu.memref_squeeze %dma_wait3A_536 : memref<1x40xi32, #tpu.memory_space<vmem>> -> memref<40xi32, #tpu.memory_space<vmem>>
          %dma_wait3A_538 = arith.constant 0 : i32
          %dma_wait3A_539 = arith.constant 0 : i32
          %dma_wait3A_540 = tpu.memref_slice %arg19[%dma_wait3A_538, %dma_wait3A_539] : memref<10240x128xf32, #tpu.memory_space<vmem_shared>> -> memref<10240x128xf32, #tpu.memory_space<vmem_shared>>
          tpu.wait_indirect_dma semaphore(%run_scoped3A_528 : memref<!tpu.dma_semaphore, #tpu.memory_space<semaphore_mem>>) src(%arg10 : memref<40x128xf32, #tpu.memory_space<vmem>>) dst(%dma_wait3A_540 : memref<10240x128xf32, #tpu.memory_space<vmem_shared>>)
          tpu.yield
        }) : () -> ()
        %add3A_466 = arith.constant 4 : i32
        %add3A_467 = arith.addi %add3A_459, %add3A_466 : i32
        %dma_start3A_468 = arith.constant 0 : i32
        %dma_start3A_469 = tpu.memref_slice %arg6[%add3A_467, %dma_start3A_468] : memref<25x40xi32, #tpu.memory_space<vmem>> -> memref<1x40xi32, #tpu.memory_space<vmem>>
        %dma_start3A_470 = tpu.memref_squeeze %dma_start3A_469 : memref<1x40xi32, #tpu.memory_space<vmem>> -> memref<40xi32, #tpu.memory_space<vmem>>
        %dma_start3A_471 = arith.constant 0 : i32
        %dma_start3A_472 = arith.constant 0 : i32
        %dma_start3A_473 = tpu.memref_slice %arg2[%dma_start3A_471, %dma_start3A_472] : memref<270000x128xf32, #tpu.memory_space<hbm>> -> memref<270000x128xf32, #tpu.memory_space<hbm>>
        tpu.enqueue_indirect_dma source(%dma_start3A_473 : memref<270000x128xf32, #tpu.memory_space<hbm>>) target(%arg10 : memref<40x128xf32, #tpu.memory_space<vmem>>) offsets(%dma_start3A_470 : memref<40xi32, #tpu.memory_space<vmem>>) semaphore(%arg14 : memref<!tpu.dma_semaphore, #tpu.memory_space<semaphore_mem>>)
        %mul3A_474 = arith.constant 4 : i32
        %mul3A_475 = arith.muli %mul3A_474, %scan3A_455 : i32
        %add3A_476 = arith.constant 1 : i32
        %add3A_477 = arith.addi %mul3A_475, %add3A_476 : i32
        %dma_wait3A_478 = arith.constant 0 : i32
        %dma_wait3A_479 = tpu.memref_slice %arg6[%add3A_477, %dma_wait3A_478] : memref<25x40xi32, #tpu.memory_space<vmem>> -> memref<1x40xi32, #tpu.memory_space<vmem>>
        %dma_wait3A_480 = tpu.memref_squeeze %dma_wait3A_479 : memref<1x40xi32, #tpu.memory_space<vmem>> -> memref<40xi32, #tpu.memory_space<vmem>>
        %dma_wait3A_481 = arith.constant 0 : i32
        %dma_wait3A_482 = arith.constant 0 : i32
        %dma_wait3A_483 = tpu.memref_slice %arg2[%dma_wait3A_481, %dma_wait3A_482] : memref<270000x128xf32, #tpu.memory_space<hbm>> -> memref<270000x128xf32, #tpu.memory_space<hbm>>
        tpu.wait_indirect_dma semaphore(%arg15 : memref<!tpu.dma_semaphore, #tpu.memory_space<semaphore_mem>>) src(%dma_wait3A_483 : memref<270000x128xf32, #tpu.memory_space<hbm>>) dst(%arg11 : memref<40x128xf32, #tpu.memory_space<vmem>>)
        "tpu.region"() ({
          %run_scoped3A_528 = tpu.sem_alloc : memref<!tpu.dma_semaphore, #tpu.memory_space<semaphore_mem>>
          %dma_start3A_529 = arith.constant 0 : i32
          %dma_start3A_530 = tpu.memref_slice %arg7[%add3A_477, %dma_start3A_529] : memref<25x40xi32, #tpu.memory_space<vmem>> -> memref<1x40xi32, #tpu.memory_space<vmem>>
          %dma_start3A_531 = tpu.memref_squeeze %dma_start3A_530 : memref<1x40xi32, #tpu.memory_space<vmem>> -> memref<40xi32, #tpu.memory_space<vmem>>
          %dma_start3A_532 = arith.constant 0 : i32
          %dma_start3A_533 = arith.constant 0 : i32
          %dma_start3A_534 = tpu.memref_slice %arg19[%dma_start3A_532, %dma_start3A_533] : memref<10240x128xf32, #tpu.memory_space<vmem_shared>> -> memref<10240x128xf32, #tpu.memory_space<vmem_shared>>
          tpu.enqueue_indirect_dma source(%arg11 : memref<40x128xf32, #tpu.memory_space<vmem>>) target(%dma_start3A_534 : memref<10240x128xf32, #tpu.memory_space<vmem_shared>>) offsets(%dma_start3A_531 : memref<40xi32, #tpu.memory_space<vmem>>) semaphore(%run_scoped3A_528 : memref<!tpu.dma_semaphore, #tpu.memory_space<semaphore_mem>>) {add = true}
          %dma_wait3A_535 = arith.constant 0 : i32
          %dma_wait3A_536 = tpu.memref_slice %arg7[%add3A_477, %dma_wait3A_535] : memref<25x40xi32, #tpu.memory_space<vmem>> -> memref<1x40xi32, #tpu.memory_space<vmem>>
          %dma_wait3A_537 = tpu.memref_squeeze %dma_wait3A_536 : memref<1x40xi32, #tpu.memory_space<vmem>> -> memref<40xi32, #tpu.memory_space<vmem>>
          %dma_wait3A_538 = arith.constant 0 : i32
          %dma_wait3A_539 = arith.constant 0 : i32
          %dma_wait3A_540 = tpu.memref_slice %arg19[%dma_wait3A_538, %dma_wait3A_539] : memref<10240x128xf32, #tpu.memory_space<vmem_shared>> -> memref<10240x128xf32, #tpu.memory_space<vmem_shared>>
          tpu.wait_indirect_dma semaphore(%run_scoped3A_528 : memref<!tpu.dma_semaphore, #tpu.memory_space<semaphore_mem>>) src(%arg11 : memref<40x128xf32, #tpu.memory_space<vmem>>) dst(%dma_wait3A_540 : memref<10240x128xf32, #tpu.memory_space<vmem_shared>>)
          tpu.yield
        }) : () -> ()
        %add3A_484 = arith.constant 4 : i32
        %add3A_485 = arith.addi %add3A_477, %add3A_484 : i32
        %dma_start3A_486 = arith.constant 0 : i32
        %dma_start3A_487 = tpu.memref_slice %arg6[%add3A_485, %dma_start3A_486] : memref<25x40xi32, #tpu.memory_space<vmem>> -> memref<1x40xi32, #tpu.memory_space<vmem>>
        %dma_start3A_488 = tpu.memref_squeeze %dma_start3A_487 : memref<1x40xi32, #tpu.memory_space<vmem>> -> memref<40xi32, #tpu.memory_space<vmem>>
        %dma_start3A_489 = arith.constant 0 : i32
        %dma_start3A_490 = arith.constant 0 : i32
        %dma_start3A_491 = tpu.memref_slice %arg2[%dma_start3A_489, %dma_start3A_490] : memref<270000x128xf32, #tpu.memory_space<hbm>> -> memref<270000x128xf32, #tpu.memory_space<hbm>>
        tpu.enqueue_indirect_dma source(%dma_start3A_491 : memref<270000x128xf32, #tpu.memory_space<hbm>>) target(%arg11 : memref<40x128xf32, #tpu.memory_space<vmem>>) offsets(%dma_start3A_488 : memref<40xi32, #tpu.memory_space<vmem>>) semaphore(%arg15 : memref<!tpu.dma_semaphore, #tpu.memory_space<semaphore_mem>>)
        %mul3A_492 = arith.constant 4 : i32
        %mul3A_493 = arith.muli %mul3A_492, %scan3A_455 : i32
        %add3A_494 = arith.constant 2 : i32
        %add3A_495 = arith.addi %mul3A_493, %add3A_494 : i32
        %dma_wait3A_496 = arith.constant 0 : i32
        %dma_wait3A_497 = tpu.memref_slice %arg6[%add3A_495, %dma_wait3A_496] : memref<25x40xi32, #tpu.memory_space<vmem>> -> memref<1x40xi32, #tpu.memory_space<vmem>>
        %dma_wait3A_498 = tpu.memref_squeeze %dma_wait3A_497 : memref<1x40xi32, #tpu.memory_space<vmem>> -> memref<40xi32, #tpu.memory_space<vmem>>
        %dma_wait3A_499 = arith.constant 0 : i32
        %dma_wait3A_500 = arith.constant 0 : i32
        %dma_wait3A_501 = tpu.memref_slice %arg2[%dma_wait3A_499, %dma_wait3A_500] : memref<270000x128xf32, #tpu.memory_space<hbm>> -> memref<270000x128xf32, #tpu.memory_space<hbm>>
        tpu.wait_indirect_dma semaphore(%arg16 : memref<!tpu.dma_semaphore, #tpu.memory_space<semaphore_mem>>) src(%dma_wait3A_501 : memref<270000x128xf32, #tpu.memory_space<hbm>>) dst(%arg12 : memref<40x128xf32, #tpu.memory_space<vmem>>)
        "tpu.region"() ({
          %run_scoped3A_528 = tpu.sem_alloc : memref<!tpu.dma_semaphore, #tpu.memory_space<semaphore_mem>>
          %dma_start3A_529 = arith.constant 0 : i32
          %dma_start3A_530 = tpu.memref_slice %arg7[%add3A_495, %dma_start3A_529] : memref<25x40xi32, #tpu.memory_space<vmem>> -> memref<1x40xi32, #tpu.memory_space<vmem>>
          %dma_start3A_531 = tpu.memref_squeeze %dma_start3A_530 : memref<1x40xi32, #tpu.memory_space<vmem>> -> memref<40xi32, #tpu.memory_space<vmem>>
          %dma_start3A_532 = arith.constant 0 : i32
          %dma_start3A_533 = arith.constant 0 : i32
          %dma_start3A_534 = tpu.memref_slice %arg19[%dma_start3A_532, %dma_start3A_533] : memref<10240x128xf32, #tpu.memory_space<vmem_shared>> -> memref<10240x128xf32, #tpu.memory_space<vmem_shared>>
          tpu.enqueue_indirect_dma source(%arg12 : memref<40x128xf32, #tpu.memory_space<vmem>>) target(%dma_start3A_534 : memref<10240x128xf32, #tpu.memory_space<vmem_shared>>) offsets(%dma_start3A_531 : memref<40xi32, #tpu.memory_space<vmem>>) semaphore(%run_scoped3A_528 : memref<!tpu.dma_semaphore, #tpu.memory_space<semaphore_mem>>) {add = true}
          %dma_wait3A_535 = arith.constant 0 : i32
          %dma_wait3A_536 = tpu.memref_slice %arg7[%add3A_495, %dma_wait3A_535] : memref<25x40xi32, #tpu.memory_space<vmem>> -> memref<1x40xi32, #tpu.memory_space<vmem>>
          %dma_wait3A_537 = tpu.memref_squeeze %dma_wait3A_536 : memref<1x40xi32, #tpu.memory_space<vmem>> -> memref<40xi32, #tpu.memory_space<vmem>>
          %dma_wait3A_538 = arith.constant 0 : i32
          %dma_wait3A_539 = arith.constant 0 : i32
          %dma_wait3A_540 = tpu.memref_slice %arg19[%dma_wait3A_538, %dma_wait3A_539] : memref<10240x128xf32, #tpu.memory_space<vmem_shared>> -> memref<10240x128xf32, #tpu.memory_space<vmem_shared>>
          tpu.wait_indirect_dma semaphore(%run_scoped3A_528 : memref<!tpu.dma_semaphore, #tpu.memory_space<semaphore_mem>>) src(%arg12 : memref<40x128xf32, #tpu.memory_space<vmem>>) dst(%dma_wait3A_540 : memref<10240x128xf32, #tpu.memory_space<vmem_shared>>)
          tpu.yield
        }) : () -> ()
        %add3A_502 = arith.constant 4 : i32
        %add3A_503 = arith.addi %add3A_495, %add3A_502 : i32
        %dma_start3A_504 = arith.constant 0 : i32
        %dma_start3A_505 = tpu.memref_slice %arg6[%add3A_503, %dma_start3A_504] : memref<25x40xi32, #tpu.memory_space<vmem>> -> memref<1x40xi32, #tpu.memory_space<vmem>>
        %dma_start3A_506 = tpu.memref_squeeze %dma_start3A_505 : memref<1x40xi32, #tpu.memory_space<vmem>> -> memref<40xi32, #tpu.memory_space<vmem>>
        %dma_start3A_507 = arith.constant 0 : i32
        %dma_start3A_508 = arith.constant 0 : i32
        %dma_start3A_509 = tpu.memref_slice %arg2[%dma_start3A_507, %dma_start3A_508] : memref<270000x128xf32, #tpu.memory_space<hbm>> -> memref<270000x128xf32, #tpu.memory_space<hbm>>
        tpu.enqueue_indirect_dma source(%dma_start3A_509 : memref<270000x128xf32, #tpu.memory_space<hbm>>) target(%arg12 : memref<40x128xf32, #tpu.memory_space<vmem>>) offsets(%dma_start3A_506 : memref<40xi32, #tpu.memory_space<vmem>>) semaphore(%arg16 : memref<!tpu.dma_semaphore, #tpu.memory_space<semaphore_mem>>)
        %mul3A_510 = arith.constant 4 : i32
        %mul3A_511 = arith.muli %mul3A_510, %scan3A_455 : i32
        %add3A_512 = arith.constant 3 : i32
        %add3A_513 = arith.addi %mul3A_511, %add3A_512 : i32
        %dma_wait3A_514 = arith.constant 0 : i32
        %dma_wait3A_515 = tpu.memref_slice %arg6[%add3A_513, %dma_wait3A_514] : memref<25x40xi32, #tpu.memory_space<vmem>> -> memref<1x40xi32, #tpu.memory_space<vmem>>
        %dma_wait3A_516 = tpu.memref_squeeze %dma_wait3A_515 : memref<1x40xi32, #tpu.memory_space<vmem>> -> memref<40xi32, #tpu.memory_space<vmem>>
        %dma_wait3A_517 = arith.constant 0 : i32
        %dma_wait3A_518 = arith.constant 0 : i32
        %dma_wait3A_519 = tpu.memref_slice %arg2[%dma_wait3A_517, %dma_wait3A_518] : memref<270000x128xf32, #tpu.memory_space<hbm>> -> memref<270000x128xf32, #tpu.memory_space<hbm>>
        tpu.wait_indirect_dma semaphore(%arg17 : memref<!tpu.dma_semaphore, #tpu.memory_space<semaphore_mem>>) src(%dma_wait3A_519 : memref<270000x128xf32, #tpu.memory_space<hbm>>) dst(%arg13 : memref<40x128xf32, #tpu.memory_space<vmem>>)
        "tpu.region"() ({
          %run_scoped3A_528 = tpu.sem_alloc : memref<!tpu.dma_semaphore, #tpu.memory_space<semaphore_mem>>
          %dma_start3A_529 = arith.constant 0 : i32
          %dma_start3A_530 = tpu.memref_slice %arg7[%add3A_513, %dma_start3A_529] : memref<25x40xi32, #tpu.memory_space<vmem>> -> memref<1x40xi32, #tpu.memory_space<vmem>>
          %dma_start3A_531 = tpu.memref_squeeze %dma_start3A_530 : memref<1x40xi32, #tpu.memory_space<vmem>> -> memref<40xi32, #tpu.memory_space<vmem>>
          %dma_start3A_532 = arith.constant 0 : i32
          %dma_start3A_533 = arith.constant 0 : i32
          %dma_start3A_534 = tpu.memref_slice %arg19[%dma_start3A_532, %dma_start3A_533] : memref<10240x128xf32, #tpu.memory_space<vmem_shared>> -> memref<10240x128xf32, #tpu.memory_space<vmem_shared>>
          tpu.enqueue_indirect_dma source(%arg13 : memref<40x128xf32, #tpu.memory_space<vmem>>) target(%dma_start3A_534 : memref<10240x128xf32, #tpu.memory_space<vmem_shared>>) offsets(%dma_start3A_531 : memref<40xi32, #tpu.memory_space<vmem>>) semaphore(%run_scoped3A_528 : memref<!tpu.dma_semaphore, #tpu.memory_space<semaphore_mem>>) {add = true}
          %dma_wait3A_535 = arith.constant 0 : i32
          %dma_wait3A_536 = tpu.memref_slice %arg7[%add3A_513, %dma_wait3A_535] : memref<25x40xi32, #tpu.memory_space<vmem>> -> memref<1x40xi32, #tpu.memory_space<vmem>>
          %dma_wait3A_537 = tpu.memref_squeeze %dma_wait3A_536 : memref<1x40xi32, #tpu.memory_space<vmem>> -> memref<40xi32, #tpu.memory_space<vmem>>
          %dma_wait3A_538 = arith.constant 0 : i32
          %dma_wait3A_539 = arith.constant 0 : i32
          %dma_wait3A_540 = tpu.memref_slice %arg19[%dma_wait3A_538, %dma_wait3A_539] : memref<10240x128xf32, #tpu.memory_space<vmem_shared>> -> memref<10240x128xf32, #tpu.memory_space<vmem_shared>>
          tpu.wait_indirect_dma semaphore(%run_scoped3A_528 : memref<!tpu.dma_semaphore, #tpu.memory_space<semaphore_mem>>) src(%arg13 : memref<40x128xf32, #tpu.memory_space<vmem>>) dst(%dma_wait3A_540 : memref<10240x128xf32, #tpu.memory_space<vmem_shared>>)
          tpu.yield
        }) : () -> ()
        %add3A_520 = arith.constant 4 : i32
        %add3A_521 = arith.addi %add3A_513, %add3A_520 : i32
        %dma_start3A_522 = arith.constant 0 : i32
        %dma_start3A_523 = tpu.memref_slice %arg6[%add3A_521, %dma_start3A_522] : memref<25x40xi32, #tpu.memory_space<vmem>> -> memref<1x40xi32, #tpu.memory_space<vmem>>
        %dma_start3A_524 = tpu.memref_squeeze %dma_start3A_523 : memref<1x40xi32, #tpu.memory_space<vmem>> -> memref<40xi32, #tpu.memory_space<vmem>>
        %dma_start3A_525 = arith.constant 0 : i32
        %dma_start3A_526 = arith.constant 0 : i32
        %dma_start3A_527 = tpu.memref_slice %arg2[%dma_start3A_525, %dma_start3A_526] : memref<270000x128xf32, #tpu.memory_space<hbm>> -> memref<270000x128xf32, #tpu.memory_space<hbm>>
        tpu.enqueue_indirect_dma source(%dma_start3A_527 : memref<270000x128xf32, #tpu.memory_space<hbm>>) target(%arg13 : memref<40x128xf32, #tpu.memory_space<vmem>>) offsets(%dma_start3A_524 : memref<40xi32, #tpu.memory_space<vmem>>) semaphore(%arg17 : memref<!tpu.dma_semaphore, #tpu.memory_space<semaphore_mem>>)
      }
      %scan3A_301 = arith.constant 5 : i32
      %dma_wait3A_302 = arith.constant 20 : i32
      %dma_wait3A_303 = arith.constant 0 : i32
      %dma_wait3A_304 = tpu.memref_slice %arg6[%dma_wait3A_302, %dma_wait3A_303] : memref<25x40xi32, #tpu.memory_space<vmem>> -> memref<1x40xi32, #tpu.memory_space<vmem>>
      %dma_wait3A_305 = tpu.memref_squeeze %dma_wait3A_304 : memref<1x40xi32, #tpu.memory_space<vmem>> -> memref<40xi32, #tpu.memory_space<vmem>>
      %dma_wait3A_306 = arith.constant 0 : i32
      %dma_wait3A_307 = arith.constant 0 : i32
      %dma_wait3A_308 = tpu.memref_slice %arg2[%dma_wait3A_306, %dma_wait3A_307] : memref<270000x128xf32, #tpu.memory_space<hbm>> -> memref<270000x128xf32, #tpu.memory_space<hbm>>
      tpu.wait_indirect_dma semaphore(%arg14 : memref<!tpu.dma_semaphore, #tpu.memory_space<semaphore_mem>>) src(%dma_wait3A_308 : memref<270000x128xf32, #tpu.memory_space<hbm>>) dst(%arg10 : memref<40x128xf32, #tpu.memory_space<vmem>>)
      %run_scoped3A_309 = arith.constant 20 : i32
      "tpu.region"() ({
        %run_scoped3A_455 = tpu.sem_alloc : memref<!tpu.dma_semaphore, #tpu.memory_space<semaphore_mem>>
        %dma_start3A_456 = arith.constant 0 : i32
        %dma_start3A_457 = tpu.memref_slice %arg7[%run_scoped3A_309, %dma_start3A_456] : memref<25x40xi32, #tpu.memory_space<vmem>> -> memref<1x40xi32, #tpu.memory_space<vmem>>
        %dma_start3A_458 = tpu.memref_squeeze %dma_start3A_457 : memref<1x40xi32, #tpu.memory_space<vmem>> -> memref<40xi32, #tpu.memory_space<vmem>>
        %dma_start3A_459 = arith.constant 0 : i32
        %dma_start3A_460 = arith.constant 0 : i32
        %dma_start3A_461 = tpu.memref_slice %arg19[%dma_start3A_459, %dma_start3A_460] : memref<10240x128xf32, #tpu.memory_space<vmem_shared>> -> memref<10240x128xf32, #tpu.memory_space<vmem_shared>>
        tpu.enqueue_indirect_dma source(%arg10 : memref<40x128xf32, #tpu.memory_space<vmem>>) target(%dma_start3A_461 : memref<10240x128xf32, #tpu.memory_space<vmem_shared>>) offsets(%dma_start3A_458 : memref<40xi32, #tpu.memory_space<vmem>>) semaphore(%run_scoped3A_455 : memref<!tpu.dma_semaphore, #tpu.memory_space<semaphore_mem>>) {add = true}
        %dma_wait3A_462 = arith.constant 0 : i32
        %dma_wait3A_463 = tpu.memref_slice %arg7[%run_scoped3A_309, %dma_wait3A_462] : memref<25x40xi32, #tpu.memory_space<vmem>> -> memref<1x40xi32, #tpu.memory_space<vmem>>
        %dma_wait3A_464 = tpu.memref_squeeze %dma_wait3A_463 : memref<1x40xi32, #tpu.memory_space<vmem>> -> memref<40xi32, #tpu.memory_space<vmem>>
        %dma_wait3A_465 = arith.constant 0 : i32
        %dma_wait3A_466 = arith.constant 0 : i32
        %dma_wait3A_467 = tpu.memref_slice %arg19[%dma_wait3A_465, %dma_wait3A_466] : memref<10240x128xf32, #tpu.memory_space<vmem_shared>> -> memref<10240x128xf32, #tpu.memory_space<vmem_shared>>
        tpu.wait_indirect_dma semaphore(%run_scoped3A_455 : memref<!tpu.dma_semaphore, #tpu.memory_space<semaphore_mem>>) src(%arg10 : memref<40x128xf32, #tpu.memory_space<vmem>>) dst(%dma_wait3A_467 : memref<10240x128xf32, #tpu.memory_space<vmem_shared>>)
        tpu.yield
      }) : () -> ()
      %dma_start3A_310 = arith.constant 24 : i32
      %dma_start3A_311 = arith.constant 0 : i32
      %dma_start3A_312 = tpu.memref_slice %arg6[%dma_start3A_310, %dma_start3A_311] : memref<25x40xi32, #tpu.memory_space<vmem>> -> memref<1x40xi32, #tpu.memory_space<vmem>>
      %dma_start3A_313 = tpu.memref_squeeze %dma_start3A_312 : memref<1x40xi32, #tpu.memory_space<vmem>> -> memref<40xi32, #tpu.memory_space<vmem>>
      %dma_start3A_314 = arith.constant 0 : i32
      %dma_start3A_315 = arith.constant 0 : i32
      %dma_start3A_316 = tpu.memref_slice %arg2[%dma_start3A_314, %dma_start3A_315] : memref<270000x128xf32, #tpu.memory_space<hbm>> -> memref<270000x128xf32, #tpu.memory_space<hbm>>
      tpu.enqueue_indirect_dma source(%dma_start3A_316 : memref<270000x128xf32, #tpu.memory_space<hbm>>) target(%arg10 : memref<40x128xf32, #tpu.memory_space<vmem>>) offsets(%dma_start3A_313 : memref<40xi32, #tpu.memory_space<vmem>>) semaphore(%arg14 : memref<!tpu.dma_semaphore, #tpu.memory_space<semaphore_mem>>)
      %dma_wait3A_317 = arith.constant 21 : i32
      %dma_wait3A_318 = arith.constant 0 : i32
      %dma_wait3A_319 = tpu.memref_slice %arg6[%dma_wait3A_317, %dma_wait3A_318] : memref<25x40xi32, #tpu.memory_space<vmem>> -> memref<1x40xi32, #tpu.memory_space<vmem>>
      %dma_wait3A_320 = tpu.memref_squeeze %dma_wait3A_319 : memref<1x40xi32, #tpu.memory_space<vmem>> -> memref<40xi32, #tpu.memory_space<vmem>>
      %dma_wait3A_321 = arith.constant 0 : i32
      %dma_wait3A_322 = arith.constant 0 : i32
      %dma_wait3A_323 = tpu.memref_slice %arg2[%dma_wait3A_321, %dma_wait3A_322] : memref<270000x128xf32, #tpu.memory_space<hbm>> -> memref<270000x128xf32, #tpu.memory_space<hbm>>
      tpu.wait_indirect_dma semaphore(%arg15 : memref<!tpu.dma_semaphore, #tpu.memory_space<semaphore_mem>>) src(%dma_wait3A_323 : memref<270000x128xf32, #tpu.memory_space<hbm>>) dst(%arg11 : memref<40x128xf32, #tpu.memory_space<vmem>>)
      %run_scoped3A_324 = arith.constant 21 : i32
      "tpu.region"() ({
        %run_scoped3A_455 = tpu.sem_alloc : memref<!tpu.dma_semaphore, #tpu.memory_space<semaphore_mem>>
        %dma_start3A_456 = arith.constant 0 : i32
        %dma_start3A_457 = tpu.memref_slice %arg7[%run_scoped3A_324, %dma_start3A_456] : memref<25x40xi32, #tpu.memory_space<vmem>> -> memref<1x40xi32, #tpu.memory_space<vmem>>
        %dma_start3A_458 = tpu.memref_squeeze %dma_start3A_457 : memref<1x40xi32, #tpu.memory_space<vmem>> -> memref<40xi32, #tpu.memory_space<vmem>>
        %dma_start3A_459 = arith.constant 0 : i32
        %dma_start3A_460 = arith.constant 0 : i32
        %dma_start3A_461 = tpu.memref_slice %arg19[%dma_start3A_459, %dma_start3A_460] : memref<10240x128xf32, #tpu.memory_space<vmem_shared>> -> memref<10240x128xf32, #tpu.memory_space<vmem_shared>>
        tpu.enqueue_indirect_dma source(%arg11 : memref<40x128xf32, #tpu.memory_space<vmem>>) target(%dma_start3A_461 : memref<10240x128xf32, #tpu.memory_space<vmem_shared>>) offsets(%dma_start3A_458 : memref<40xi32, #tpu.memory_space<vmem>>) semaphore(%run_scoped3A_455 : memref<!tpu.dma_semaphore, #tpu.memory_space<semaphore_mem>>) {add = true}
        %dma_wait3A_462 = arith.constant 0 : i32
        %dma_wait3A_463 = tpu.memref_slice %arg7[%run_scoped3A_324, %dma_wait3A_462] : memref<25x40xi32, #tpu.memory_space<vmem>> -> memref<1x40xi32, #tpu.memory_space<vmem>>
        %dma_wait3A_464 = tpu.memref_squeeze %dma_wait3A_463 : memref<1x40xi32, #tpu.memory_space<vmem>> -> memref<40xi32, #tpu.memory_space<vmem>>
        %dma_wait3A_465 = arith.constant 0 : i32
        %dma_wait3A_466 = arith.constant 0 : i32
        %dma_wait3A_467 = tpu.memref_slice %arg19[%dma_wait3A_465, %dma_wait3A_466] : memref<10240x128xf32, #tpu.memory_space<vmem_shared>> -> memref<10240x128xf32, #tpu.memory_space<vmem_shared>>
        tpu.wait_indirect_dma semaphore(%run_scoped3A_455 : memref<!tpu.dma_semaphore, #tpu.memory_space<semaphore_mem>>) src(%arg11 : memref<40x128xf32, #tpu.memory_space<vmem>>) dst(%dma_wait3A_467 : memref<10240x128xf32, #tpu.memory_space<vmem_shared>>)
        tpu.yield
      }) : () -> ()
      %dma_wait3A_325 = arith.constant 22 : i32
      %dma_wait3A_326 = arith.constant 0 : i32
      %dma_wait3A_327 = tpu.memref_slice %arg6[%dma_wait3A_325, %dma_wait3A_326] : memref<25x40xi32, #tpu.memory_space<vmem>> -> memref<1x40xi32, #tpu.memory_space<vmem>>
      %dma_wait3A_328 = tpu.memref_squeeze %dma_wait3A_327 : memref<1x40xi32, #tpu.memory_space<vmem>> -> memref<40xi32, #tpu.memory_space<vmem>>
      %dma_wait3A_329 = arith.constant 0 : i32
      %dma_wait3A_330 = arith.constant 0 : i32
      %dma_wait3A_331 = tpu.memref_slice %arg2[%dma_wait3A_329, %dma_wait3A_330] : memref<270000x128xf32, #tpu.memory_space<hbm>> -> memref<270000x128xf32, #tpu.memory_space<hbm>>
      tpu.wait_indirect_dma semaphore(%arg16 : memref<!tpu.dma_semaphore, #tpu.memory_space<semaphore_mem>>) src(%dma_wait3A_331 : memref<270000x128xf32, #tpu.memory_space<hbm>>) dst(%arg12 : memref<40x128xf32, #tpu.memory_space<vmem>>)
      %run_scoped3A_332 = arith.constant 22 : i32
      "tpu.region"() ({
        %run_scoped3A_455 = tpu.sem_alloc : memref<!tpu.dma_semaphore, #tpu.memory_space<semaphore_mem>>
        %dma_start3A_456 = arith.constant 0 : i32
        %dma_start3A_457 = tpu.memref_slice %arg7[%run_scoped3A_332, %dma_start3A_456] : memref<25x40xi32, #tpu.memory_space<vmem>> -> memref<1x40xi32, #tpu.memory_space<vmem>>
        %dma_start3A_458 = tpu.memref_squeeze %dma_start3A_457 : memref<1x40xi32, #tpu.memory_space<vmem>> -> memref<40xi32, #tpu.memory_space<vmem>>
        %dma_start3A_459 = arith.constant 0 : i32
        %dma_start3A_460 = arith.constant 0 : i32
        %dma_start3A_461 = tpu.memref_slice %arg19[%dma_start3A_459, %dma_start3A_460] : memref<10240x128xf32, #tpu.memory_space<vmem_shared>> -> memref<10240x128xf32, #tpu.memory_space<vmem_shared>>
        tpu.enqueue_indirect_dma source(%arg12 : memref<40x128xf32, #tpu.memory_space<vmem>>) target(%dma_start3A_461 : memref<10240x128xf32, #tpu.memory_space<vmem_shared>>) offsets(%dma_start3A_458 : memref<40xi32, #tpu.memory_space<vmem>>) semaphore(%run_scoped3A_455 : memref<!tpu.dma_semaphore, #tpu.memory_space<semaphore_mem>>) {add = true}
        %dma_wait3A_462 = arith.constant 0 : i32
        %dma_wait3A_463 = tpu.memref_slice %arg7[%run_scoped3A_332, %dma_wait3A_462] : memref<25x40xi32, #tpu.memory_space<vmem>> -> memref<1x40xi32, #tpu.memory_space<vmem>>
        %dma_wait3A_464 = tpu.memref_squeeze %dma_wait3A_463 : memref<1x40xi32, #tpu.memory_space<vmem>> -> memref<40xi32, #tpu.memory_space<vmem>>
        %dma_wait3A_465 = arith.constant 0 : i32
        %dma_wait3A_466 = arith.constant 0 : i32
        %dma_wait3A_467 = tpu.memref_slice %arg19[%dma_wait3A_465, %dma_wait3A_466] : memref<10240x128xf32, #tpu.memory_space<vmem_shared>> -> memref<10240x128xf32, #tpu.memory_space<vmem_shared>>
        tpu.wait_indirect_dma semaphore(%run_scoped3A_455 : memref<!tpu.dma_semaphore, #tpu.memory_space<semaphore_mem>>) src(%arg12 : memref<40x128xf32, #tpu.memory_space<vmem>>) dst(%dma_wait3A_467 : memref<10240x128xf32, #tpu.memory_space<vmem_shared>>)
        tpu.yield
      }) : () -> ()
      %dma_wait3A_333 = arith.constant 23 : i32
      %dma_wait3A_334 = arith.constant 0 : i32
      %dma_wait3A_335 = tpu.memref_slice %arg6[%dma_wait3A_333, %dma_wait3A_334] : memref<25x40xi32, #tpu.memory_space<vmem>> -> memref<1x40xi32, #tpu.memory_space<vmem>>
      %dma_wait3A_336 = tpu.memref_squeeze %dma_wait3A_335 : memref<1x40xi32, #tpu.memory_space<vmem>> -> memref<40xi32, #tpu.memory_space<vmem>>
      %dma_wait3A_337 = arith.constant 0 : i32
      %dma_wait3A_338 = arith.constant 0 : i32
      %dma_wait3A_339 = tpu.memref_slice %arg2[%dma_wait3A_337, %dma_wait3A_338] : memref<270000x128xf32, #tpu.memory_space<hbm>> -> memref<270000x128xf32, #tpu.memory_space<hbm>>
      tpu.wait_indirect_dma semaphore(%arg17 : memref<!tpu.dma_semaphore, #tpu.memory_space<semaphore_mem>>) src(%dma_wait3A_339 : memref<270000x128xf32, #tpu.memory_space<hbm>>) dst(%arg13 : memref<40x128xf32, #tpu.memory_space<vmem>>)
      %run_scoped3A_340 = arith.constant 23 : i32
      "tpu.region"() ({
        %run_scoped3A_455 = tpu.sem_alloc : memref<!tpu.dma_semaphore, #tpu.memory_space<semaphore_mem>>
        %dma_start3A_456 = arith.constant 0 : i32
        %dma_start3A_457 = tpu.memref_slice %arg7[%run_scoped3A_340, %dma_start3A_456] : memref<25x40xi32, #tpu.memory_space<vmem>> -> memref<1x40xi32, #tpu.memory_space<vmem>>
        %dma_start3A_458 = tpu.memref_squeeze %dma_start3A_457 : memref<1x40xi32, #tpu.memory_space<vmem>> -> memref<40xi32, #tpu.memory_space<vmem>>
        %dma_start3A_459 = arith.constant 0 : i32
        %dma_start3A_460 = arith.constant 0 : i32
        %dma_start3A_461 = tpu.memref_slice %arg19[%dma_start3A_459, %dma_start3A_460] : memref<10240x128xf32, #tpu.memory_space<vmem_shared>> -> memref<10240x128xf32, #tpu.memory_space<vmem_shared>>
        tpu.enqueue_indirect_dma source(%arg13 : memref<40x128xf32, #tpu.memory_space<vmem>>) target(%dma_start3A_461 : memref<10240x128xf32, #tpu.memory_space<vmem_shared>>) offsets(%dma_start3A_458 : memref<40xi32, #tpu.memory_space<vmem>>) semaphore(%run_scoped3A_455 : memref<!tpu.dma_semaphore, #tpu.memory_space<semaphore_mem>>) {add = true}
        %dma_wait3A_462 = arith.constant 0 : i32
        %dma_wait3A_463 = tpu.memref_slice %arg7[%run_scoped3A_340, %dma_wait3A_462] : memref<25x40xi32, #tpu.memory_space<vmem>> -> memref<1x40xi32, #tpu.memory_space<vmem>>
        %dma_wait3A_464 = tpu.memref_squeeze %dma_wait3A_463 : memref<1x40xi32, #tpu.memory_space<vmem>> -> memref<40xi32, #tpu.memory_space<vmem>>
        %dma_wait3A_465 = arith.constant 0 : i32
        %dma_wait3A_466 = arith.constant 0 : i32
        %dma_wait3A_467 = tpu.memref_slice %arg19[%dma_wait3A_465, %dma_wait3A_466] : memref<10240x128xf32, #tpu.memory_space<vmem_shared>> -> memref<10240x128xf32, #tpu.memory_space<vmem_shared>>
        tpu.wait_indirect_dma semaphore(%run_scoped3A_455 : memref<!tpu.dma_semaphore, #tpu.memory_space<semaphore_mem>>) src(%arg13 : memref<40x128xf32, #tpu.memory_space<vmem>>) dst(%dma_wait3A_467 : memref<10240x128xf32, #tpu.memory_space<vmem_shared>>)
        tpu.yield
      }) : () -> ()
      %dma_wait3A_341 = arith.constant 24 : i32
      %dma_wait3A_342 = arith.constant 0 : i32
      %dma_wait3A_343 = tpu.memref_slice %arg6[%dma_wait3A_341, %dma_wait3A_342] : memref<25x40xi32, #tpu.memory_space<vmem>> -> memref<1x40xi32, #tpu.memory_space<vmem>>
      %dma_wait3A_344 = tpu.memref_squeeze %dma_wait3A_343 : memref<1x40xi32, #tpu.memory_space<vmem>> -> memref<40xi32, #tpu.memory_space<vmem>>
      %dma_wait3A_345 = arith.constant 0 : i32
      %dma_wait3A_346 = arith.constant 0 : i32
      %dma_wait3A_347 = tpu.memref_slice %arg2[%dma_wait3A_345, %dma_wait3A_346] : memref<270000x128xf32, #tpu.memory_space<hbm>> -> memref<270000x128xf32, #tpu.memory_space<hbm>>
      tpu.wait_indirect_dma semaphore(%arg14 : memref<!tpu.dma_semaphore, #tpu.memory_space<semaphore_mem>>) src(%dma_wait3A_347 : memref<270000x128xf32, #tpu.memory_space<hbm>>) dst(%arg10 : memref<40x128xf32, #tpu.memory_space<vmem>>)
      %run_scoped3A_348 = arith.constant 24 : i32
      "tpu.region"() ({
        %run_scoped3A_455 = tpu.sem_alloc : memref<!tpu.dma_semaphore, #tpu.memory_space<semaphore_mem>>
        %dma_start3A_456 = arith.constant 0 : i32
        %dma_start3A_457 = tpu.memref_slice %arg7[%run_scoped3A_348, %dma_start3A_456] : memref<25x40xi32, #tpu.memory_space<vmem>> -> memref<1x40xi32, #tpu.memory_space<vmem>>
        %dma_start3A_458 = tpu.memref_squeeze %dma_start3A_457 : memref<1x40xi32, #tpu.memory_space<vmem>> -> memref<40xi32, #tpu.memory_space<vmem>>
        %dma_start3A_459 = arith.constant 0 : i32
        %dma_start3A_460 = arith.constant 0 : i32
        %dma_start3A_461 = tpu.memref_slice %arg19[%dma_start3A_459, %dma_start3A_460] : memref<10240x128xf32, #tpu.memory_space<vmem_shared>> -> memref<10240x128xf32, #tpu.memory_space<vmem_shared>>
        tpu.enqueue_indirect_dma source(%arg10 : memref<40x128xf32, #tpu.memory_space<vmem>>) target(%dma_start3A_461 : memref<10240x128xf32, #tpu.memory_space<vmem_shared>>) offsets(%dma_start3A_458 : memref<40xi32, #tpu.memory_space<vmem>>) semaphore(%run_scoped3A_455 : memref<!tpu.dma_semaphore, #tpu.memory_space<semaphore_mem>>) {add = true}
        %dma_wait3A_462 = arith.constant 0 : i32
        %dma_wait3A_463 = tpu.memref_slice %arg7[%run_scoped3A_348, %dma_wait3A_462] : memref<25x40xi32, #tpu.memory_space<vmem>> -> memref<1x40xi32, #tpu.memory_space<vmem>>
        %dma_wait3A_464 = tpu.memref_squeeze %dma_wait3A_463 : memref<1x40xi32, #tpu.memory_space<vmem>> -> memref<40xi32, #tpu.memory_space<vmem>>
        %dma_wait3A_465 = arith.constant 0 : i32
        %dma_wait3A_466 = arith.constant 0 : i32
        %dma_wait3A_467 = tpu.memref_slice %arg19[%dma_wait3A_465, %dma_wait3A_466] : memref<10240x128xf32, #tpu.memory_space<vmem_shared>> -> memref<10240x128xf32, #tpu.memory_space<vmem_shared>>
        tpu.wait_indirect_dma semaphore(%run_scoped3A_455 : memref<!tpu.dma_semaphore, #tpu.memory_space<semaphore_mem>>) src(%arg10 : memref<40x128xf32, #tpu.memory_space<vmem>>) dst(%dma_wait3A_467 : memref<10240x128xf32, #tpu.memory_space<vmem_shared>>)
        tpu.yield
      }) : () -> ()
      %add3A_349 = arith.constant 1 : i32
      %add3A_350 = arith.addi %add3A_263, %add3A_349 : i32
      %lt3A_351 = arith.constant 10 : i32
      %lt3A_352 = arith.cmpi slt, %add3A_350, %lt3A_351 : i32
      %convert_element_type3A_353 = arith.extui %lt3A_352 : i1 to i32
      %cond3A_354 = arith.constant 0 : i32
      %cond3A_355 = arith.cmpi ne, %convert_element_type3A_353, %cond3A_354 : i32
      scf.if %cond3A_355 {
        %add3A_455 = arith.constant 1 : i32
        %add3A_456 = arith.addi %add3A_263, %add3A_455 : i32
        %dma_wait3A_457 = arith.constant 0 : i32
        %dma_wait3A_458 = arith.constant 0 : i32
        %dma_wait3A_459 = tpu.memref_slice %arg3[%add3A, %add3A_456, %dma_wait3A_457, %dma_wait3A_458] : memref<32x10x25x40xi32, #tpu.memory_space<hbm>> -> memref<1x1x25x40xi32, #tpu.memory_space<hbm>>
        %dma_wait3A_460 = tpu.memref_squeeze %dma_wait3A_459 : memref<1x1x25x40xi32, #tpu.memory_space<hbm>> -> memref<25x40xi32, #tpu.memory_space<hbm>>
        %dma_wait3A_461 = arith.constant 0 : i32
        %dma_wait3A_462 = arith.constant 0 : i32
        %dma_wait3A_463 = tpu.memref_slice %arg3[%add3A, %add3A_456, %dma_wait3A_461, %dma_wait3A_462] : memref<32x10x25x40xi32, #tpu.memory_space<hbm>> -> memref<1x1x25x40xi32, #tpu.memory_space<hbm>>
        %dma_wait3A_464 = tpu.memref_squeeze %dma_wait3A_463 : memref<1x1x25x40xi32, #tpu.memory_space<hbm>> -> memref<25x40xi32, #tpu.memory_space<hbm>>
        tpu.wait_dma2 semaphore(%arg18 : memref<!tpu.dma_semaphore, #tpu.memory_space<semaphore_mem>>) src(%dma_wait3A_464 : memref<25x40xi32, #tpu.memory_space<hbm>>) dst(%arg8 : memref<25x40xi32, #tpu.memory_space<vmem>>)
        %add3A_465 = arith.constant 1 : i32
        %add3A_466 = arith.addi %add3A_263, %add3A_465 : i32
        %dma_wait3A_467 = arith.constant 1 : i32
        %dma_wait3A_468 = arith.constant 0 : i32
        %dma_wait3A_469 = arith.constant 0 : i32
        %dma_wait3A_470 = tpu.memref_slice %arg4[%dma_wait3A_467, %add3A, %add3A_466, %dma_wait3A_468, %dma_wait3A_469] : memref<2x32x10x25x40xi32, #tpu.memory_space<hbm>> -> memref<1x1x1x25x40xi32, #tpu.memory_space<hbm>>
        %dma_wait3A_471 = tpu.memref_squeeze %dma_wait3A_470 : memref<1x1x1x25x40xi32, #tpu.memory_space<hbm>> -> memref<25x40xi32, #tpu.memory_space<hbm>>
        %dma_wait3A_472 = arith.constant 0 : i32
        %dma_wait3A_473 = arith.constant 0 : i32
        %dma_wait3A_474 = tpu.memref_slice %arg4[%dma_wait3A_467, %add3A, %add3A_466, %dma_wait3A_472, %dma_wait3A_473] : memref<2x32x10x25x40xi32, #tpu.memory_space<hbm>> -> memref<1x1x1x25x40xi32, #tpu.memory_space<hbm>>
        %dma_wait3A_475 = tpu.memref_squeeze %dma_wait3A_474 : memref<1x1x1x25x40xi32, #tpu.memory_space<hbm>> -> memref<25x40xi32, #tpu.memory_space<hbm>>
        tpu.wait_dma2 semaphore(%arg18 : memref<!tpu.dma_semaphore, #tpu.memory_space<semaphore_mem>>) src(%dma_wait3A_475 : memref<25x40xi32, #tpu.memory_space<hbm>>) dst(%arg9 : memref<25x40xi32, #tpu.memory_space<vmem>>)
      } else {
      }
      %mul3A_356 = arith.constant 2 : i32
      %mul3A_357 = arith.muli %mul3A_356, %scan3A_259 : i32
      %add3A_358 = arith.constant 1 : i32
      %add3A_359 = arith.addi %mul3A_357, %add3A_358 : i32
      %add3A_360 = arith.constant 1 : i32
      %add3A_361 = arith.addi %add3A_359, %add3A_360 : i32
      %lt3A_362 = arith.constant 10 : i32
      %lt3A_363 = arith.cmpi slt, %add3A_361, %lt3A_362 : i32
      %convert_element_type3A_364 = arith.extui %lt3A_363 : i1 to i32
      %cond3A_365 = arith.constant 0 : i32
      %cond3A_366 = arith.cmpi ne, %convert_element_type3A_364, %cond3A_365 : i32
      scf.if %cond3A_366 {
        %add3A_455 = arith.constant 1 : i32
        %add3A_456 = arith.addi %add3A_359, %add3A_455 : i32
        %dma_start3A_457 = arith.constant 0 : i32
        %dma_start3A_458 = arith.constant 0 : i32
        %dma_start3A_459 = tpu.memref_slice %arg3[%add3A, %add3A_456, %dma_start3A_457, %dma_start3A_458] : memref<32x10x25x40xi32, #tpu.memory_space<hbm>> -> memref<1x1x25x40xi32, #tpu.memory_space<hbm>>
        %dma_start3A_460 = tpu.memref_squeeze %dma_start3A_459 : memref<1x1x25x40xi32, #tpu.memory_space<hbm>> -> memref<25x40xi32, #tpu.memory_space<hbm>>
        %dma_start3A_461 = arith.constant 0 : i32
        %dma_start3A_462 = arith.constant 0 : i32
        %dma_start3A_463 = tpu.memref_slice %arg3[%add3A, %add3A_456, %dma_start3A_461, %dma_start3A_462] : memref<32x10x25x40xi32, #tpu.memory_space<hbm>> -> memref<1x1x25x40xi32, #tpu.memory_space<hbm>>
        %dma_start3A_464 = tpu.memref_squeeze %dma_start3A_463 : memref<1x1x25x40xi32, #tpu.memory_space<hbm>> -> memref<25x40xi32, #tpu.memory_space<hbm>>
        tpu.enqueue_dma source(%dma_start3A_464 : memref<25x40xi32, #tpu.memory_space<hbm>>) target(%arg6 : memref<25x40xi32, #tpu.memory_space<vmem>>) target_semaphore(%arg18 : memref<!tpu.dma_semaphore, #tpu.memory_space<semaphore_mem>>)
        %add3A_465 = arith.constant 1 : i32
        %add3A_466 = arith.addi %add3A_359, %add3A_465 : i32
        %dma_start3A_467 = arith.constant 1 : i32
        %dma_start3A_468 = arith.constant 0 : i32
        %dma_start3A_469 = arith.constant 0 : i32
        %dma_start3A_470 = tpu.memref_slice %arg4[%dma_start3A_467, %add3A, %add3A_466, %dma_start3A_468, %dma_start3A_469] : memref<2x32x10x25x40xi32, #tpu.memory_space<hbm>> -> memref<1x1x1x25x40xi32, #tpu.memory_space<hbm>>
        %dma_start3A_471 = tpu.memref_squeeze %dma_start3A_470 : memref<1x1x1x25x40xi32, #tpu.memory_space<hbm>> -> memref<25x40xi32, #tpu.memory_space<hbm>>
        %dma_start3A_472 = arith.constant 0 : i32
        %dma_start3A_473 = arith.constant 0 : i32
        %dma_start3A_474 = tpu.memref_slice %arg4[%dma_start3A_467, %add3A, %add3A_466, %dma_start3A_472, %dma_start3A_473] : memref<2x32x10x25x40xi32, #tpu.memory_space<hbm>> -> memref<1x1x1x25x40xi32, #tpu.memory_space<hbm>>
        %dma_start3A_475 = tpu.memref_squeeze %dma_start3A_474 : memref<1x1x1x25x40xi32, #tpu.memory_space<hbm>> -> memref<25x40xi32, #tpu.memory_space<hbm>>
        tpu.enqueue_dma source(%dma_start3A_475 : memref<25x40xi32, #tpu.memory_space<hbm>>) target(%arg7 : memref<25x40xi32, #tpu.memory_space<vmem>>) target_semaphore(%arg18 : memref<!tpu.dma_semaphore, #tpu.memory_space<semaphore_mem>>)
      } else {
      }
      %dma_start3A_367 = arith.constant 0 : i32
      %dma_start3A_368 = arith.constant 0 : i32
      %dma_start3A_369 = tpu.memref_slice %arg8[%dma_start3A_367, %dma_start3A_368] : memref<25x40xi32, #tpu.memory_space<vmem>> -> memref<1x40xi32, #tpu.memory_space<vmem>>
      %dma_start3A_370 = tpu.memref_squeeze %dma_start3A_369 : memref<1x40xi32, #tpu.memory_space<vmem>> -> memref<40xi32, #tpu.memory_space<vmem>>
      %dma_start3A_371 = arith.constant 0 : i32
      %dma_start3A_372 = arith.constant 0 : i32
      %dma_start3A_373 = tpu.memref_slice %arg2[%dma_start3A_371, %dma_start3A_372] : memref<270000x128xf32, #tpu.memory_space<hbm>> -> memref<270000x128xf32, #tpu.memory_space<hbm>>
      tpu.enqueue_indirect_dma source(%dma_start3A_373 : memref<270000x128xf32, #tpu.memory_space<hbm>>) target(%arg10 : memref<40x128xf32, #tpu.memory_space<vmem>>) offsets(%dma_start3A_370 : memref<40xi32, #tpu.memory_space<vmem>>) semaphore(%arg14 : memref<!tpu.dma_semaphore, #tpu.memory_space<semaphore_mem>>)
      %dma_start3A_374 = arith.constant 1 : i32
      %dma_start3A_375 = arith.constant 0 : i32
      %dma_start3A_376 = tpu.memref_slice %arg8[%dma_start3A_374, %dma_start3A_375] : memref<25x40xi32, #tpu.memory_space<vmem>> -> memref<1x40xi32, #tpu.memory_space<vmem>>
      %dma_start3A_377 = tpu.memref_squeeze %dma_start3A_376 : memref<1x40xi32, #tpu.memory_space<vmem>> -> memref<40xi32, #tpu.memory_space<vmem>>
      %dma_start3A_378 = arith.constant 0 : i32
      %dma_start3A_379 = arith.constant 0 : i32
      %dma_start3A_380 = tpu.memref_slice %arg2[%dma_start3A_378, %dma_start3A_379] : memref<270000x128xf32, #tpu.memory_space<hbm>> -> memref<270000x128xf32, #tpu.memory_space<hbm>>
      tpu.enqueue_indirect_dma source(%dma_start3A_380 : memref<270000x128xf32, #tpu.memory_space<hbm>>) target(%arg11 : memref<40x128xf32, #tpu.memory_space<vmem>>) offsets(%dma_start3A_377 : memref<40xi32, #tpu.memory_space<vmem>>) semaphore(%arg15 : memref<!tpu.dma_semaphore, #tpu.memory_space<semaphore_mem>>)
      %dma_start3A_381 = arith.constant 2 : i32
      %dma_start3A_382 = arith.constant 0 : i32
      %dma_start3A_383 = tpu.memref_slice %arg8[%dma_start3A_381, %dma_start3A_382] : memref<25x40xi32, #tpu.memory_space<vmem>> -> memref<1x40xi32, #tpu.memory_space<vmem>>
      %dma_start3A_384 = tpu.memref_squeeze %dma_start3A_383 : memref<1x40xi32, #tpu.memory_space<vmem>> -> memref<40xi32, #tpu.memory_space<vmem>>
      %dma_start3A_385 = arith.constant 0 : i32
      %dma_start3A_386 = arith.constant 0 : i32
      %dma_start3A_387 = tpu.memref_slice %arg2[%dma_start3A_385, %dma_start3A_386] : memref<270000x128xf32, #tpu.memory_space<hbm>> -> memref<270000x128xf32, #tpu.memory_space<hbm>>
      tpu.enqueue_indirect_dma source(%dma_start3A_387 : memref<270000x128xf32, #tpu.memory_space<hbm>>) target(%arg12 : memref<40x128xf32, #tpu.memory_space<vmem>>) offsets(%dma_start3A_384 : memref<40xi32, #tpu.memory_space<vmem>>) semaphore(%arg16 : memref<!tpu.dma_semaphore, #tpu.memory_space<semaphore_mem>>)
      %dma_start3A_388 = arith.constant 3 : i32
      %dma_start3A_389 = arith.constant 0 : i32
      %dma_start3A_390 = tpu.memref_slice %arg8[%dma_start3A_388, %dma_start3A_389] : memref<25x40xi32, #tpu.memory_space<vmem>> -> memref<1x40xi32, #tpu.memory_space<vmem>>
      %dma_start3A_391 = tpu.memref_squeeze %dma_start3A_390 : memref<1x40xi32, #tpu.memory_space<vmem>> -> memref<40xi32, #tpu.memory_space<vmem>>
      %dma_start3A_392 = arith.constant 0 : i32
      %dma_start3A_393 = arith.constant 0 : i32
      %dma_start3A_394 = tpu.memref_slice %arg2[%dma_start3A_392, %dma_start3A_393] : memref<270000x128xf32, #tpu.memory_space<hbm>> -> memref<270000x128xf32, #tpu.memory_space<hbm>>
      tpu.enqueue_indirect_dma source(%dma_start3A_394 : memref<270000x128xf32, #tpu.memory_space<hbm>>) target(%arg13 : memref<40x128xf32, #tpu.memory_space<vmem>>) offsets(%dma_start3A_391 : memref<40xi32, #tpu.memory_space<vmem>>) semaphore(%arg17 : memref<!tpu.dma_semaphore, #tpu.memory_space<semaphore_mem>>)
      %scan3A_395 = arith.constant 0 : i32
      %scan3A_396 = arith.constant 0 : i32
      %scan3A_397 = arith.constant 5 : i32
      %scan3A_398 = arith.addi %scan3A_396, %scan3A_397 : i32
      %scan3A_399 = arith.constant 1 : i32
      scf.for %scan3A_455 = %scan3A_396 to %scan3A_398 step %scan3A_399  : i32 {
        %mul3A_456 = arith.constant 4 : i32
        %mul3A_457 = arith.muli %mul3A_456, %scan3A_455 : i32
        %add3A_458 = arith.constant 0 : i32
        %add3A_459 = arith.addi %mul3A_457, %add3A_458 : i32
        %dma_wait3A_460 = arith.constant 0 : i32
        %dma_wait3A_461 = tpu.memref_slice %arg8[%add3A_459, %dma_wait3A_460] : memref<25x40xi32, #tpu.memory_space<vmem>> -> memref<1x40xi32, #tpu.memory_space<vmem>>
        %dma_wait3A_462 = tpu.memref_squeeze %dma_wait3A_461 : memref<1x40xi32, #tpu.memory_space<vmem>> -> memref<40xi32, #tpu.memory_space<vmem>>
        %dma_wait3A_463 = arith.constant 0 : i32
        %dma_wait3A_464 = arith.constant 0 : i32
        %dma_wait3A_465 = tpu.memref_slice %arg2[%dma_wait3A_463, %dma_wait3A_464] : memref<270000x128xf32, #tpu.memory_space<hbm>> -> memref<270000x128xf32, #tpu.memory_space<hbm>>
        tpu.wait_indirect_dma semaphore(%arg14 : memref<!tpu.dma_semaphore, #tpu.memory_space<semaphore_mem>>) src(%dma_wait3A_465 : memref<270000x128xf32, #tpu.memory_space<hbm>>) dst(%arg10 : memref<40x128xf32, #tpu.memory_space<vmem>>)
        "tpu.region"() ({
          %run_scoped3A_528 = tpu.sem_alloc : memref<!tpu.dma_semaphore, #tpu.memory_space<semaphore_mem>>
          %dma_start3A_529 = arith.constant 0 : i32
          %dma_start3A_530 = tpu.memref_slice %arg9[%add3A_459, %dma_start3A_529] : memref<25x40xi32, #tpu.memory_space<vmem>> -> memref<1x40xi32, #tpu.memory_space<vmem>>
          %dma_start3A_531 = tpu.memref_squeeze %dma_start3A_530 : memref<1x40xi32, #tpu.memory_space<vmem>> -> memref<40xi32, #tpu.memory_space<vmem>>
          %dma_start3A_532 = arith.constant 0 : i32
          %dma_start3A_533 = arith.constant 0 : i32
          %dma_start3A_534 = tpu.memref_slice %arg19[%dma_start3A_532, %dma_start3A_533] : memref<10240x128xf32, #tpu.memory_space<vmem_shared>> -> memref<10240x128xf32, #tpu.memory_space<vmem_shared>>
          tpu.enqueue_indirect_dma source(%arg10 : memref<40x128xf32, #tpu.memory_space<vmem>>) target(%dma_start3A_534 : memref<10240x128xf32, #tpu.memory_space<vmem_shared>>) offsets(%dma_start3A_531 : memref<40xi32, #tpu.memory_space<vmem>>) semaphore(%run_scoped3A_528 : memref<!tpu.dma_semaphore, #tpu.memory_space<semaphore_mem>>) {add = true}
          %dma_wait3A_535 = arith.constant 0 : i32
          %dma_wait3A_536 = tpu.memref_slice %arg9[%add3A_459, %dma_wait3A_535] : memref<25x40xi32, #tpu.memory_space<vmem>> -> memref<1x40xi32, #tpu.memory_space<vmem>>
          %dma_wait3A_537 = tpu.memref_squeeze %dma_wait3A_536 : memref<1x40xi32, #tpu.memory_space<vmem>> -> memref<40xi32, #tpu.memory_space<vmem>>
          %dma_wait3A_538 = arith.constant 0 : i32
          %dma_wait3A_539 = arith.constant 0 : i32
          %dma_wait3A_540 = tpu.memref_slice %arg19[%dma_wait3A_538, %dma_wait3A_539] : memref<10240x128xf32, #tpu.memory_space<vmem_shared>> -> memref<10240x128xf32, #tpu.memory_space<vmem_shared>>
          tpu.wait_indirect_dma semaphore(%run_scoped3A_528 : memref<!tpu.dma_semaphore, #tpu.memory_space<semaphore_mem>>) src(%arg10 : memref<40x128xf32, #tpu.memory_space<vmem>>) dst(%dma_wait3A_540 : memref<10240x128xf32, #tpu.memory_space<vmem_shared>>)
          tpu.yield
        }) : () -> ()
        %add3A_466 = arith.constant 4 : i32
        %add3A_467 = arith.addi %add3A_459, %add3A_466 : i32
        %dma_start3A_468 = arith.constant 0 : i32
        %dma_start3A_469 = tpu.memref_slice %arg8[%add3A_467, %dma_start3A_468] : memref<25x40xi32, #tpu.memory_space<vmem>> -> memref<1x40xi32, #tpu.memory_space<vmem>>
        %dma_start3A_470 = tpu.memref_squeeze %dma_start3A_469 : memref<1x40xi32, #tpu.memory_space<vmem>> -> memref<40xi32, #tpu.memory_space<vmem>>
        %dma_start3A_471 = arith.constant 0 : i32
        %dma_start3A_472 = arith.constant 0 : i32
        %dma_start3A_473 = tpu.memref_slice %arg2[%dma_start3A_471, %dma_start3A_472] : memref<270000x128xf32, #tpu.memory_space<hbm>> -> memref<270000x128xf32, #tpu.memory_space<hbm>>
        tpu.enqueue_indirect_dma source(%dma_start3A_473 : memref<270000x128xf32, #tpu.memory_space<hbm>>) target(%arg10 : memref<40x128xf32, #tpu.memory_space<vmem>>) offsets(%dma_start3A_470 : memref<40xi32, #tpu.memory_space<vmem>>) semaphore(%arg14 : memref<!tpu.dma_semaphore, #tpu.memory_space<semaphore_mem>>)
        %mul3A_474 = arith.constant 4 : i32
        %mul3A_475 = arith.muli %mul3A_474, %scan3A_455 : i32
        %add3A_476 = arith.constant 1 : i32
        %add3A_477 = arith.addi %mul3A_475, %add3A_476 : i32
        %dma_wait3A_478 = arith.constant 0 : i32
        %dma_wait3A_479 = tpu.memref_slice %arg8[%add3A_477, %dma_wait3A_478] : memref<25x40xi32, #tpu.memory_space<vmem>> -> memref<1x40xi32, #tpu.memory_space<vmem>>
        %dma_wait3A_480 = tpu.memref_squeeze %dma_wait3A_479 : memref<1x40xi32, #tpu.memory_space<vmem>> -> memref<40xi32, #tpu.memory_space<vmem>>
        %dma_wait3A_481 = arith.constant 0 : i32
        %dma_wait3A_482 = arith.constant 0 : i32
        %dma_wait3A_483 = tpu.memref_slice %arg2[%dma_wait3A_481, %dma_wait3A_482] : memref<270000x128xf32, #tpu.memory_space<hbm>> -> memref<270000x128xf32, #tpu.memory_space<hbm>>
        tpu.wait_indirect_dma semaphore(%arg15 : memref<!tpu.dma_semaphore, #tpu.memory_space<semaphore_mem>>) src(%dma_wait3A_483 : memref<270000x128xf32, #tpu.memory_space<hbm>>) dst(%arg11 : memref<40x128xf32, #tpu.memory_space<vmem>>)
        "tpu.region"() ({
          %run_scoped3A_528 = tpu.sem_alloc : memref<!tpu.dma_semaphore, #tpu.memory_space<semaphore_mem>>
          %dma_start3A_529 = arith.constant 0 : i32
          %dma_start3A_530 = tpu.memref_slice %arg9[%add3A_477, %dma_start3A_529] : memref<25x40xi32, #tpu.memory_space<vmem>> -> memref<1x40xi32, #tpu.memory_space<vmem>>
          %dma_start3A_531 = tpu.memref_squeeze %dma_start3A_530 : memref<1x40xi32, #tpu.memory_space<vmem>> -> memref<40xi32, #tpu.memory_space<vmem>>
          %dma_start3A_532 = arith.constant 0 : i32
          %dma_start3A_533 = arith.constant 0 : i32
          %dma_start3A_534 = tpu.memref_slice %arg19[%dma_start3A_532, %dma_start3A_533] : memref<10240x128xf32, #tpu.memory_space<vmem_shared>> -> memref<10240x128xf32, #tpu.memory_space<vmem_shared>>
          tpu.enqueue_indirect_dma source(%arg11 : memref<40x128xf32, #tpu.memory_space<vmem>>) target(%dma_start3A_534 : memref<10240x128xf32, #tpu.memory_space<vmem_shared>>) offsets(%dma_start3A_531 : memref<40xi32, #tpu.memory_space<vmem>>) semaphore(%run_scoped3A_528 : memref<!tpu.dma_semaphore, #tpu.memory_space<semaphore_mem>>) {add = true}
          %dma_wait3A_535 = arith.constant 0 : i32
          %dma_wait3A_536 = tpu.memref_slice %arg9[%add3A_477, %dma_wait3A_535] : memref<25x40xi32, #tpu.memory_space<vmem>> -> memref<1x40xi32, #tpu.memory_space<vmem>>
          %dma_wait3A_537 = tpu.memref_squeeze %dma_wait3A_536 : memref<1x40xi32, #tpu.memory_space<vmem>> -> memref<40xi32, #tpu.memory_space<vmem>>
          %dma_wait3A_538 = arith.constant 0 : i32
          %dma_wait3A_539 = arith.constant 0 : i32
          %dma_wait3A_540 = tpu.memref_slice %arg19[%dma_wait3A_538, %dma_wait3A_539] : memref<10240x128xf32, #tpu.memory_space<vmem_shared>> -> memref<10240x128xf32, #tpu.memory_space<vmem_shared>>
          tpu.wait_indirect_dma semaphore(%run_scoped3A_528 : memref<!tpu.dma_semaphore, #tpu.memory_space<semaphore_mem>>) src(%arg11 : memref<40x128xf32, #tpu.memory_space<vmem>>) dst(%dma_wait3A_540 : memref<10240x128xf32, #tpu.memory_space<vmem_shared>>)
          tpu.yield
        }) : () -> ()
        %add3A_484 = arith.constant 4 : i32
        %add3A_485 = arith.addi %add3A_477, %add3A_484 : i32
        %dma_start3A_486 = arith.constant 0 : i32
        %dma_start3A_487 = tpu.memref_slice %arg8[%add3A_485, %dma_start3A_486] : memref<25x40xi32, #tpu.memory_space<vmem>> -> memref<1x40xi32, #tpu.memory_space<vmem>>
        %dma_start3A_488 = tpu.memref_squeeze %dma_start3A_487 : memref<1x40xi32, #tpu.memory_space<vmem>> -> memref<40xi32, #tpu.memory_space<vmem>>
        %dma_start3A_489 = arith.constant 0 : i32
        %dma_start3A_490 = arith.constant 0 : i32
        %dma_start3A_491 = tpu.memref_slice %arg2[%dma_start3A_489, %dma_start3A_490] : memref<270000x128xf32, #tpu.memory_space<hbm>> -> memref<270000x128xf32, #tpu.memory_space<hbm>>
        tpu.enqueue_indirect_dma source(%dma_start3A_491 : memref<270000x128xf32, #tpu.memory_space<hbm>>) target(%arg11 : memref<40x128xf32, #tpu.memory_space<vmem>>) offsets(%dma_start3A_488 : memref<40xi32, #tpu.memory_space<vmem>>) semaphore(%arg15 : memref<!tpu.dma_semaphore, #tpu.memory_space<semaphore_mem>>)
        %mul3A_492 = arith.constant 4 : i32
        %mul3A_493 = arith.muli %mul3A_492, %scan3A_455 : i32
        %add3A_494 = arith.constant 2 : i32
        %add3A_495 = arith.addi %mul3A_493, %add3A_494 : i32
        %dma_wait3A_496 = arith.constant 0 : i32
        %dma_wait3A_497 = tpu.memref_slice %arg8[%add3A_495, %dma_wait3A_496] : memref<25x40xi32, #tpu.memory_space<vmem>> -> memref<1x40xi32, #tpu.memory_space<vmem>>
        %dma_wait3A_498 = tpu.memref_squeeze %dma_wait3A_497 : memref<1x40xi32, #tpu.memory_space<vmem>> -> memref<40xi32, #tpu.memory_space<vmem>>
        %dma_wait3A_499 = arith.constant 0 : i32
        %dma_wait3A_500 = arith.constant 0 : i32
        %dma_wait3A_501 = tpu.memref_slice %arg2[%dma_wait3A_499, %dma_wait3A_500] : memref<270000x128xf32, #tpu.memory_space<hbm>> -> memref<270000x128xf32, #tpu.memory_space<hbm>>
        tpu.wait_indirect_dma semaphore(%arg16 : memref<!tpu.dma_semaphore, #tpu.memory_space<semaphore_mem>>) src(%dma_wait3A_501 : memref<270000x128xf32, #tpu.memory_space<hbm>>) dst(%arg12 : memref<40x128xf32, #tpu.memory_space<vmem>>)
        "tpu.region"() ({
          %run_scoped3A_528 = tpu.sem_alloc : memref<!tpu.dma_semaphore, #tpu.memory_space<semaphore_mem>>
          %dma_start3A_529 = arith.constant 0 : i32
          %dma_start3A_530 = tpu.memref_slice %arg9[%add3A_495, %dma_start3A_529] : memref<25x40xi32, #tpu.memory_space<vmem>> -> memref<1x40xi32, #tpu.memory_space<vmem>>
          %dma_start3A_531 = tpu.memref_squeeze %dma_start3A_530 : memref<1x40xi32, #tpu.memory_space<vmem>> -> memref<40xi32, #tpu.memory_space<vmem>>
          %dma_start3A_532 = arith.constant 0 : i32
          %dma_start3A_533 = arith.constant 0 : i32
          %dma_start3A_534 = tpu.memref_slice %arg19[%dma_start3A_532, %dma_start3A_533] : memref<10240x128xf32, #tpu.memory_space<vmem_shared>> -> memref<10240x128xf32, #tpu.memory_space<vmem_shared>>
          tpu.enqueue_indirect_dma source(%arg12 : memref<40x128xf32, #tpu.memory_space<vmem>>) target(%dma_start3A_534 : memref<10240x128xf32, #tpu.memory_space<vmem_shared>>) offsets(%dma_start3A_531 : memref<40xi32, #tpu.memory_space<vmem>>) semaphore(%run_scoped3A_528 : memref<!tpu.dma_semaphore, #tpu.memory_space<semaphore_mem>>) {add = true}
          %dma_wait3A_535 = arith.constant 0 : i32
          %dma_wait3A_536 = tpu.memref_slice %arg9[%add3A_495, %dma_wait3A_535] : memref<25x40xi32, #tpu.memory_space<vmem>> -> memref<1x40xi32, #tpu.memory_space<vmem>>
          %dma_wait3A_537 = tpu.memref_squeeze %dma_wait3A_536 : memref<1x40xi32, #tpu.memory_space<vmem>> -> memref<40xi32, #tpu.memory_space<vmem>>
          %dma_wait3A_538 = arith.constant 0 : i32
          %dma_wait3A_539 = arith.constant 0 : i32
          %dma_wait3A_540 = tpu.memref_slice %arg19[%dma_wait3A_538, %dma_wait3A_539] : memref<10240x128xf32, #tpu.memory_space<vmem_shared>> -> memref<10240x128xf32, #tpu.memory_space<vmem_shared>>
          tpu.wait_indirect_dma semaphore(%run_scoped3A_528 : memref<!tpu.dma_semaphore, #tpu.memory_space<semaphore_mem>>) src(%arg12 : memref<40x128xf32, #tpu.memory_space<vmem>>) dst(%dma_wait3A_540 : memref<10240x128xf32, #tpu.memory_space<vmem_shared>>)
          tpu.yield
        }) : () -> ()
        %add3A_502 = arith.constant 4 : i32
        %add3A_503 = arith.addi %add3A_495, %add3A_502 : i32
        %dma_start3A_504 = arith.constant 0 : i32
        %dma_start3A_505 = tpu.memref_slice %arg8[%add3A_503, %dma_start3A_504] : memref<25x40xi32, #tpu.memory_space<vmem>> -> memref<1x40xi32, #tpu.memory_space<vmem>>
        %dma_start3A_506 = tpu.memref_squeeze %dma_start3A_505 : memref<1x40xi32, #tpu.memory_space<vmem>> -> memref<40xi32, #tpu.memory_space<vmem>>
        %dma_start3A_507 = arith.constant 0 : i32
        %dma_start3A_508 = arith.constant 0 : i32
        %dma_start3A_509 = tpu.memref_slice %arg2[%dma_start3A_507, %dma_start3A_508] : memref<270000x128xf32, #tpu.memory_space<hbm>> -> memref<270000x128xf32, #tpu.memory_space<hbm>>
        tpu.enqueue_indirect_dma source(%dma_start3A_509 : memref<270000x128xf32, #tpu.memory_space<hbm>>) target(%arg12 : memref<40x128xf32, #tpu.memory_space<vmem>>) offsets(%dma_start3A_506 : memref<40xi32, #tpu.memory_space<vmem>>) semaphore(%arg16 : memref<!tpu.dma_semaphore, #tpu.memory_space<semaphore_mem>>)
        %mul3A_510 = arith.constant 4 : i32
        %mul3A_511 = arith.muli %mul3A_510, %scan3A_455 : i32
        %add3A_512 = arith.constant 3 : i32
        %add3A_513 = arith.addi %mul3A_511, %add3A_512 : i32
        %dma_wait3A_514 = arith.constant 0 : i32
        %dma_wait3A_515 = tpu.memref_slice %arg8[%add3A_513, %dma_wait3A_514] : memref<25x40xi32, #tpu.memory_space<vmem>> -> memref<1x40xi32, #tpu.memory_space<vmem>>
        %dma_wait3A_516 = tpu.memref_squeeze %dma_wait3A_515 : memref<1x40xi32, #tpu.memory_space<vmem>> -> memref<40xi32, #tpu.memory_space<vmem>>
        %dma_wait3A_517 = arith.constant 0 : i32
        %dma_wait3A_518 = arith.constant 0 : i32
        %dma_wait3A_519 = tpu.memref_slice %arg2[%dma_wait3A_517, %dma_wait3A_518] : memref<270000x128xf32, #tpu.memory_space<hbm>> -> memref<270000x128xf32, #tpu.memory_space<hbm>>
        tpu.wait_indirect_dma semaphore(%arg17 : memref<!tpu.dma_semaphore, #tpu.memory_space<semaphore_mem>>) src(%dma_wait3A_519 : memref<270000x128xf32, #tpu.memory_space<hbm>>) dst(%arg13 : memref<40x128xf32, #tpu.memory_space<vmem>>)
        "tpu.region"() ({
          %run_scoped3A_528 = tpu.sem_alloc : memref<!tpu.dma_semaphore, #tpu.memory_space<semaphore_mem>>
          %dma_start3A_529 = arith.constant 0 : i32
          %dma_start3A_530 = tpu.memref_slice %arg9[%add3A_513, %dma_start3A_529] : memref<25x40xi32, #tpu.memory_space<vmem>> -> memref<1x40xi32, #tpu.memory_space<vmem>>
          %dma_start3A_531 = tpu.memref_squeeze %dma_start3A_530 : memref<1x40xi32, #tpu.memory_space<vmem>> -> memref<40xi32, #tpu.memory_space<vmem>>
          %dma_start3A_532 = arith.constant 0 : i32
          %dma_start3A_533 = arith.constant 0 : i32
          %dma_start3A_534 = tpu.memref_slice %arg19[%dma_start3A_532, %dma_start3A_533] : memref<10240x128xf32, #tpu.memory_space<vmem_shared>> -> memref<10240x128xf32, #tpu.memory_space<vmem_shared>>
          tpu.enqueue_indirect_dma source(%arg13 : memref<40x128xf32, #tpu.memory_space<vmem>>) target(%dma_start3A_534 : memref<10240x128xf32, #tpu.memory_space<vmem_shared>>) offsets(%dma_start3A_531 : memref<40xi32, #tpu.memory_space<vmem>>) semaphore(%run_scoped3A_528 : memref<!tpu.dma_semaphore, #tpu.memory_space<semaphore_mem>>) {add = true}
          %dma_wait3A_535 = arith.constant 0 : i32
          %dma_wait3A_536 = tpu.memref_slice %arg9[%add3A_513, %dma_wait3A_535] : memref<25x40xi32, #tpu.memory_space<vmem>> -> memref<1x40xi32, #tpu.memory_space<vmem>>
          %dma_wait3A_537 = tpu.memref_squeeze %dma_wait3A_536 : memref<1x40xi32, #tpu.memory_space<vmem>> -> memref<40xi32, #tpu.memory_space<vmem>>
          %dma_wait3A_538 = arith.constant 0 : i32
          %dma_wait3A_539 = arith.constant 0 : i32
          %dma_wait3A_540 = tpu.memref_slice %arg19[%dma_wait3A_538, %dma_wait3A_539] : memref<10240x128xf32, #tpu.memory_space<vmem_shared>> -> memref<10240x128xf32, #tpu.memory_space<vmem_shared>>
          tpu.wait_indirect_dma semaphore(%run_scoped3A_528 : memref<!tpu.dma_semaphore, #tpu.memory_space<semaphore_mem>>) src(%arg13 : memref<40x128xf32, #tpu.memory_space<vmem>>) dst(%dma_wait3A_540 : memref<10240x128xf32, #tpu.memory_space<vmem_shared>>)
          tpu.yield
        }) : () -> ()
        %add3A_520 = arith.constant 4 : i32
        %add3A_521 = arith.addi %add3A_513, %add3A_520 : i32
        %dma_start3A_522 = arith.constant 0 : i32
        %dma_start3A_523 = tpu.memref_slice %arg8[%add3A_521, %dma_start3A_522] : memref<25x40xi32, #tpu.memory_space<vmem>> -> memref<1x40xi32, #tpu.memory_space<vmem>>
        %dma_start3A_524 = tpu.memref_squeeze %dma_start3A_523 : memref<1x40xi32, #tpu.memory_space<vmem>> -> memref<40xi32, #tpu.memory_space<vmem>>
        %dma_start3A_525 = arith.constant 0 : i32
        %dma_start3A_526 = arith.constant 0 : i32
        %dma_start3A_527 = tpu.memref_slice %arg2[%dma_start3A_525, %dma_start3A_526] : memref<270000x128xf32, #tpu.memory_space<hbm>> -> memref<270000x128xf32, #tpu.memory_space<hbm>>
        tpu.enqueue_indirect_dma source(%dma_start3A_527 : memref<270000x128xf32, #tpu.memory_space<hbm>>) target(%arg13 : memref<40x128xf32, #tpu.memory_space<vmem>>) offsets(%dma_start3A_524 : memref<40xi32, #tpu.memory_space<vmem>>) semaphore(%arg17 : memref<!tpu.dma_semaphore, #tpu.memory_space<semaphore_mem>>)
      }
      %scan3A_400 = arith.constant 5 : i32
      %dma_wait3A_401 = arith.constant 20 : i32
      %dma_wait3A_402 = arith.constant 0 : i32
      %dma_wait3A_403 = tpu.memref_slice %arg8[%dma_wait3A_401, %dma_wait3A_402] : memref<25x40xi32, #tpu.memory_space<vmem>> -> memref<1x40xi32, #tpu.memory_space<vmem>>
      %dma_wait3A_404 = tpu.memref_squeeze %dma_wait3A_403 : memref<1x40xi32, #tpu.memory_space<vmem>> -> memref<40xi32, #tpu.memory_space<vmem>>
      %dma_wait3A_405 = arith.constant 0 : i32
      %dma_wait3A_406 = arith.constant 0 : i32
      %dma_wait3A_407 = tpu.memref_slice %arg2[%dma_wait3A_405, %dma_wait3A_406] : memref<270000x128xf32, #tpu.memory_space<hbm>> -> memref<270000x128xf32, #tpu.memory_space<hbm>>
      tpu.wait_indirect_dma semaphore(%arg14 : memref<!tpu.dma_semaphore, #tpu.memory_space<semaphore_mem>>) src(%dma_wait3A_407 : memref<270000x128xf32, #tpu.memory_space<hbm>>) dst(%arg10 : memref<40x128xf32, #tpu.memory_space<vmem>>)
      %run_scoped3A_408 = arith.constant 20 : i32
      "tpu.region"() ({
        %run_scoped3A_455 = tpu.sem_alloc : memref<!tpu.dma_semaphore, #tpu.memory_space<semaphore_mem>>
        %dma_start3A_456 = arith.constant 0 : i32
        %dma_start3A_457 = tpu.memref_slice %arg9[%run_scoped3A_408, %dma_start3A_456] : memref<25x40xi32, #tpu.memory_space<vmem>> -> memref<1x40xi32, #tpu.memory_space<vmem>>
        %dma_start3A_458 = tpu.memref_squeeze %dma_start3A_457 : memref<1x40xi32, #tpu.memory_space<vmem>> -> memref<40xi32, #tpu.memory_space<vmem>>
        %dma_start3A_459 = arith.constant 0 : i32
        %dma_start3A_460 = arith.constant 0 : i32
        %dma_start3A_461 = tpu.memref_slice %arg19[%dma_start3A_459, %dma_start3A_460] : memref<10240x128xf32, #tpu.memory_space<vmem_shared>> -> memref<10240x128xf32, #tpu.memory_space<vmem_shared>>
        tpu.enqueue_indirect_dma source(%arg10 : memref<40x128xf32, #tpu.memory_space<vmem>>) target(%dma_start3A_461 : memref<10240x128xf32, #tpu.memory_space<vmem_shared>>) offsets(%dma_start3A_458 : memref<40xi32, #tpu.memory_space<vmem>>) semaphore(%run_scoped3A_455 : memref<!tpu.dma_semaphore, #tpu.memory_space<semaphore_mem>>) {add = true}
        %dma_wait3A_462 = arith.constant 0 : i32
        %dma_wait3A_463 = tpu.memref_slice %arg9[%run_scoped3A_408, %dma_wait3A_462] : memref<25x40xi32, #tpu.memory_space<vmem>> -> memref<1x40xi32, #tpu.memory_space<vmem>>
        %dma_wait3A_464 = tpu.memref_squeeze %dma_wait3A_463 : memref<1x40xi32, #tpu.memory_space<vmem>> -> memref<40xi32, #tpu.memory_space<vmem>>
        %dma_wait3A_465 = arith.constant 0 : i32
        %dma_wait3A_466 = arith.constant 0 : i32
        %dma_wait3A_467 = tpu.memref_slice %arg19[%dma_wait3A_465, %dma_wait3A_466] : memref<10240x128xf32, #tpu.memory_space<vmem_shared>> -> memref<10240x128xf32, #tpu.memory_space<vmem_shared>>
        tpu.wait_indirect_dma semaphore(%run_scoped3A_455 : memref<!tpu.dma_semaphore, #tpu.memory_space<semaphore_mem>>) src(%arg10 : memref<40x128xf32, #tpu.memory_space<vmem>>) dst(%dma_wait3A_467 : memref<10240x128xf32, #tpu.memory_space<vmem_shared>>)
        tpu.yield
      }) : () -> ()
      %dma_start3A_409 = arith.constant 24 : i32
      %dma_start3A_410 = arith.constant 0 : i32
      %dma_start3A_411 = tpu.memref_slice %arg8[%dma_start3A_409, %dma_start3A_410] : memref<25x40xi32, #tpu.memory_space<vmem>> -> memref<1x40xi32, #tpu.memory_space<vmem>>
      %dma_start3A_412 = tpu.memref_squeeze %dma_start3A_411 : memref<1x40xi32, #tpu.memory_space<vmem>> -> memref<40xi32, #tpu.memory_space<vmem>>
      %dma_start3A_413 = arith.constant 0 : i32
      %dma_start3A_414 = arith.constant 0 : i32
      %dma_start3A_415 = tpu.memref_slice %arg2[%dma_start3A_413, %dma_start3A_414] : memref<270000x128xf32, #tpu.memory_space<hbm>> -> memref<270000x128xf32, #tpu.memory_space<hbm>>
      tpu.enqueue_indirect_dma source(%dma_start3A_415 : memref<270000x128xf32, #tpu.memory_space<hbm>>) target(%arg10 : memref<40x128xf32, #tpu.memory_space<vmem>>) offsets(%dma_start3A_412 : memref<40xi32, #tpu.memory_space<vmem>>) semaphore(%arg14 : memref<!tpu.dma_semaphore, #tpu.memory_space<semaphore_mem>>)
      %dma_wait3A_416 = arith.constant 21 : i32
      %dma_wait3A_417 = arith.constant 0 : i32
      %dma_wait3A_418 = tpu.memref_slice %arg8[%dma_wait3A_416, %dma_wait3A_417] : memref<25x40xi32, #tpu.memory_space<vmem>> -> memref<1x40xi32, #tpu.memory_space<vmem>>
      %dma_wait3A_419 = tpu.memref_squeeze %dma_wait3A_418 : memref<1x40xi32, #tpu.memory_space<vmem>> -> memref<40xi32, #tpu.memory_space<vmem>>
      %dma_wait3A_420 = arith.constant 0 : i32
      %dma_wait3A_421 = arith.constant 0 : i32
      %dma_wait3A_422 = tpu.memref_slice %arg2[%dma_wait3A_420, %dma_wait3A_421] : memref<270000x128xf32, #tpu.memory_space<hbm>> -> memref<270000x128xf32, #tpu.memory_space<hbm>>
      tpu.wait_indirect_dma semaphore(%arg15 : memref<!tpu.dma_semaphore, #tpu.memory_space<semaphore_mem>>) src(%dma_wait3A_422 : memref<270000x128xf32, #tpu.memory_space<hbm>>) dst(%arg11 : memref<40x128xf32, #tpu.memory_space<vmem>>)
      %run_scoped3A_423 = arith.constant 21 : i32
      "tpu.region"() ({
        %run_scoped3A_455 = tpu.sem_alloc : memref<!tpu.dma_semaphore, #tpu.memory_space<semaphore_mem>>
        %dma_start3A_456 = arith.constant 0 : i32
        %dma_start3A_457 = tpu.memref_slice %arg9[%run_scoped3A_423, %dma_start3A_456] : memref<25x40xi32, #tpu.memory_space<vmem>> -> memref<1x40xi32, #tpu.memory_space<vmem>>
        %dma_start3A_458 = tpu.memref_squeeze %dma_start3A_457 : memref<1x40xi32, #tpu.memory_space<vmem>> -> memref<40xi32, #tpu.memory_space<vmem>>
        %dma_start3A_459 = arith.constant 0 : i32
        %dma_start3A_460 = arith.constant 0 : i32
        %dma_start3A_461 = tpu.memref_slice %arg19[%dma_start3A_459, %dma_start3A_460] : memref<10240x128xf32, #tpu.memory_space<vmem_shared>> -> memref<10240x128xf32, #tpu.memory_space<vmem_shared>>
        tpu.enqueue_indirect_dma source(%arg11 : memref<40x128xf32, #tpu.memory_space<vmem>>) target(%dma_start3A_461 : memref<10240x128xf32, #tpu.memory_space<vmem_shared>>) offsets(%dma_start3A_458 : memref<40xi32, #tpu.memory_space<vmem>>) semaphore(%run_scoped3A_455 : memref<!tpu.dma_semaphore, #tpu.memory_space<semaphore_mem>>) {add = true}
        %dma_wait3A_462 = arith.constant 0 : i32
        %dma_wait3A_463 = tpu.memref_slice %arg9[%run_scoped3A_423, %dma_wait3A_462] : memref<25x40xi32, #tpu.memory_space<vmem>> -> memref<1x40xi32, #tpu.memory_space<vmem>>
        %dma_wait3A_464 = tpu.memref_squeeze %dma_wait3A_463 : memref<1x40xi32, #tpu.memory_space<vmem>> -> memref<40xi32, #tpu.memory_space<vmem>>
        %dma_wait3A_465 = arith.constant 0 : i32
        %dma_wait3A_466 = arith.constant 0 : i32
        %dma_wait3A_467 = tpu.memref_slice %arg19[%dma_wait3A_465, %dma_wait3A_466] : memref<10240x128xf32, #tpu.memory_space<vmem_shared>> -> memref<10240x128xf32, #tpu.memory_space<vmem_shared>>
        tpu.wait_indirect_dma semaphore(%run_scoped3A_455 : memref<!tpu.dma_semaphore, #tpu.memory_space<semaphore_mem>>) src(%arg11 : memref<40x128xf32, #tpu.memory_space<vmem>>) dst(%dma_wait3A_467 : memref<10240x128xf32, #tpu.memory_space<vmem_shared>>)
        tpu.yield
      }) : () -> ()
      %dma_wait3A_424 = arith.constant 22 : i32
      %dma_wait3A_425 = arith.constant 0 : i32
      %dma_wait3A_426 = tpu.memref_slice %arg8[%dma_wait3A_424, %dma_wait3A_425] : memref<25x40xi32, #tpu.memory_space<vmem>> -> memref<1x40xi32, #tpu.memory_space<vmem>>
      %dma_wait3A_427 = tpu.memref_squeeze %dma_wait3A_426 : memref<1x40xi32, #tpu.memory_space<vmem>> -> memref<40xi32, #tpu.memory_space<vmem>>
      %dma_wait3A_428 = arith.constant 0 : i32
      %dma_wait3A_429 = arith.constant 0 : i32
      %dma_wait3A_430 = tpu.memref_slice %arg2[%dma_wait3A_428, %dma_wait3A_429] : memref<270000x128xf32, #tpu.memory_space<hbm>> -> memref<270000x128xf32, #tpu.memory_space<hbm>>
      tpu.wait_indirect_dma semaphore(%arg16 : memref<!tpu.dma_semaphore, #tpu.memory_space<semaphore_mem>>) src(%dma_wait3A_430 : memref<270000x128xf32, #tpu.memory_space<hbm>>) dst(%arg12 : memref<40x128xf32, #tpu.memory_space<vmem>>)
      %run_scoped3A_431 = arith.constant 22 : i32
      "tpu.region"() ({
        %run_scoped3A_455 = tpu.sem_alloc : memref<!tpu.dma_semaphore, #tpu.memory_space<semaphore_mem>>
        %dma_start3A_456 = arith.constant 0 : i32
        %dma_start3A_457 = tpu.memref_slice %arg9[%run_scoped3A_431, %dma_start3A_456] : memref<25x40xi32, #tpu.memory_space<vmem>> -> memref<1x40xi32, #tpu.memory_space<vmem>>
        %dma_start3A_458 = tpu.memref_squeeze %dma_start3A_457 : memref<1x40xi32, #tpu.memory_space<vmem>> -> memref<40xi32, #tpu.memory_space<vmem>>
        %dma_start3A_459 = arith.constant 0 : i32
        %dma_start3A_460 = arith.constant 0 : i32
        %dma_start3A_461 = tpu.memref_slice %arg19[%dma_start3A_459, %dma_start3A_460] : memref<10240x128xf32, #tpu.memory_space<vmem_shared>> -> memref<10240x128xf32, #tpu.memory_space<vmem_shared>>
        tpu.enqueue_indirect_dma source(%arg12 : memref<40x128xf32, #tpu.memory_space<vmem>>) target(%dma_start3A_461 : memref<10240x128xf32, #tpu.memory_space<vmem_shared>>) offsets(%dma_start3A_458 : memref<40xi32, #tpu.memory_space<vmem>>) semaphore(%run_scoped3A_455 : memref<!tpu.dma_semaphore, #tpu.memory_space<semaphore_mem>>) {add = true}
        %dma_wait3A_462 = arith.constant 0 : i32
        %dma_wait3A_463 = tpu.memref_slice %arg9[%run_scoped3A_431, %dma_wait3A_462] : memref<25x40xi32, #tpu.memory_space<vmem>> -> memref<1x40xi32, #tpu.memory_space<vmem>>
        %dma_wait3A_464 = tpu.memref_squeeze %dma_wait3A_463 : memref<1x40xi32, #tpu.memory_space<vmem>> -> memref<40xi32, #tpu.memory_space<vmem>>
        %dma_wait3A_465 = arith.constant 0 : i32
        %dma_wait3A_466 = arith.constant 0 : i32
        %dma_wait3A_467 = tpu.memref_slice %arg19[%dma_wait3A_465, %dma_wait3A_466] : memref<10240x128xf32, #tpu.memory_space<vmem_shared>> -> memref<10240x128xf32, #tpu.memory_space<vmem_shared>>
        tpu.wait_indirect_dma semaphore(%run_scoped3A_455 : memref<!tpu.dma_semaphore, #tpu.memory_space<semaphore_mem>>) src(%arg12 : memref<40x128xf32, #tpu.memory_space<vmem>>) dst(%dma_wait3A_467 : memref<10240x128xf32, #tpu.memory_space<vmem_shared>>)
        tpu.yield
      }) : () -> ()
      %dma_wait3A_432 = arith.constant 23 : i32
      %dma_wait3A_433 = arith.constant 0 : i32
      %dma_wait3A_434 = tpu.memref_slice %arg8[%dma_wait3A_432, %dma_wait3A_433] : memref<25x40xi32, #tpu.memory_space<vmem>> -> memref<1x40xi32, #tpu.memory_space<vmem>>
      %dma_wait3A_435 = tpu.memref_squeeze %dma_wait3A_434 : memref<1x40xi32, #tpu.memory_space<vmem>> -> memref<40xi32, #tpu.memory_space<vmem>>
      %dma_wait3A_436 = arith.constant 0 : i32
      %dma_wait3A_437 = arith.constant 0 : i32
      %dma_wait3A_438 = tpu.memref_slice %arg2[%dma_wait3A_436, %dma_wait3A_437] : memref<270000x128xf32, #tpu.memory_space<hbm>> -> memref<270000x128xf32, #tpu.memory_space<hbm>>
      tpu.wait_indirect_dma semaphore(%arg17 : memref<!tpu.dma_semaphore, #tpu.memory_space<semaphore_mem>>) src(%dma_wait3A_438 : memref<270000x128xf32, #tpu.memory_space<hbm>>) dst(%arg13 : memref<40x128xf32, #tpu.memory_space<vmem>>)
      %run_scoped3A_439 = arith.constant 23 : i32
      "tpu.region"() ({
        %run_scoped3A_455 = tpu.sem_alloc : memref<!tpu.dma_semaphore, #tpu.memory_space<semaphore_mem>>
        %dma_start3A_456 = arith.constant 0 : i32
        %dma_start3A_457 = tpu.memref_slice %arg9[%run_scoped3A_439, %dma_start3A_456] : memref<25x40xi32, #tpu.memory_space<vmem>> -> memref<1x40xi32, #tpu.memory_space<vmem>>
        %dma_start3A_458 = tpu.memref_squeeze %dma_start3A_457 : memref<1x40xi32, #tpu.memory_space<vmem>> -> memref<40xi32, #tpu.memory_space<vmem>>
        %dma_start3A_459 = arith.constant 0 : i32
        %dma_start3A_460 = arith.constant 0 : i32
        %dma_start3A_461 = tpu.memref_slice %arg19[%dma_start3A_459, %dma_start3A_460] : memref<10240x128xf32, #tpu.memory_space<vmem_shared>> -> memref<10240x128xf32, #tpu.memory_space<vmem_shared>>
        tpu.enqueue_indirect_dma source(%arg13 : memref<40x128xf32, #tpu.memory_space<vmem>>) target(%dma_start3A_461 : memref<10240x128xf32, #tpu.memory_space<vmem_shared>>) offsets(%dma_start3A_458 : memref<40xi32, #tpu.memory_space<vmem>>) semaphore(%run_scoped3A_455 : memref<!tpu.dma_semaphore, #tpu.memory_space<semaphore_mem>>) {add = true}
        %dma_wait3A_462 = arith.constant 0 : i32
        %dma_wait3A_463 = tpu.memref_slice %arg9[%run_scoped3A_439, %dma_wait3A_462] : memref<25x40xi32, #tpu.memory_space<vmem>> -> memref<1x40xi32, #tpu.memory_space<vmem>>
        %dma_wait3A_464 = tpu.memref_squeeze %dma_wait3A_463 : memref<1x40xi32, #tpu.memory_space<vmem>> -> memref<40xi32, #tpu.memory_space<vmem>>
        %dma_wait3A_465 = arith.constant 0 : i32
        %dma_wait3A_466 = arith.constant 0 : i32
        %dma_wait3A_467 = tpu.memref_slice %arg19[%dma_wait3A_465, %dma_wait3A_466] : memref<10240x128xf32, #tpu.memory_space<vmem_shared>> -> memref<10240x128xf32, #tpu.memory_space<vmem_shared>>
        tpu.wait_indirect_dma semaphore(%run_scoped3A_455 : memref<!tpu.dma_semaphore, #tpu.memory_space<semaphore_mem>>) src(%arg13 : memref<40x128xf32, #tpu.memory_space<vmem>>) dst(%dma_wait3A_467 : memref<10240x128xf32, #tpu.memory_space<vmem_shared>>)
        tpu.yield
      }) : () -> ()
      %dma_wait3A_440 = arith.constant 24 : i32
      %dma_wait3A_441 = arith.constant 0 : i32
      %dma_wait3A_442 = tpu.memref_slice %arg8[%dma_wait3A_440, %dma_wait3A_441] : memref<25x40xi32, #tpu.memory_space<vmem>> -> memref<1x40xi32, #tpu.memory_space<vmem>>
      %dma_wait3A_443 = tpu.memref_squeeze %dma_wait3A_442 : memref<1x40xi32, #tpu.memory_space<vmem>> -> memref<40xi32, #tpu.memory_space<vmem>>
      %dma_wait3A_444 = arith.constant 0 : i32
      %dma_wait3A_445 = arith.constant 0 : i32
      %dma_wait3A_446 = tpu.memref_slice %arg2[%dma_wait3A_444, %dma_wait3A_445] : memref<270000x128xf32, #tpu.memory_space<hbm>> -> memref<270000x128xf32, #tpu.memory_space<hbm>>
      tpu.wait_indirect_dma semaphore(%arg14 : memref<!tpu.dma_semaphore, #tpu.memory_space<semaphore_mem>>) src(%dma_wait3A_446 : memref<270000x128xf32, #tpu.memory_space<hbm>>) dst(%arg10 : memref<40x128xf32, #tpu.memory_space<vmem>>)
      %run_scoped3A_447 = arith.constant 24 : i32
      "tpu.region"() ({
        %run_scoped3A_455 = tpu.sem_alloc : memref<!tpu.dma_semaphore, #tpu.memory_space<semaphore_mem>>
        %dma_start3A_456 = arith.constant 0 : i32
        %dma_start3A_457 = tpu.memref_slice %arg9[%run_scoped3A_447, %dma_start3A_456] : memref<25x40xi32, #tpu.memory_space<vmem>> -> memref<1x40xi32, #tpu.memory_space<vmem>>
        %dma_start3A_458 = tpu.memref_squeeze %dma_start3A_457 : memref<1x40xi32, #tpu.memory_space<vmem>> -> memref<40xi32, #tpu.memory_space<vmem>>
        %dma_start3A_459 = arith.constant 0 : i32
        %dma_start3A_460 = arith.constant 0 : i32
        %dma_start3A_461 = tpu.memref_slice %arg19[%dma_start3A_459, %dma_start3A_460] : memref<10240x128xf32, #tpu.memory_space<vmem_shared>> -> memref<10240x128xf32, #tpu.memory_space<vmem_shared>>
        tpu.enqueue_indirect_dma source(%arg10 : memref<40x128xf32, #tpu.memory_space<vmem>>) target(%dma_start3A_461 : memref<10240x128xf32, #tpu.memory_space<vmem_shared>>) offsets(%dma_start3A_458 : memref<40xi32, #tpu.memory_space<vmem>>) semaphore(%run_scoped3A_455 : memref<!tpu.dma_semaphore, #tpu.memory_space<semaphore_mem>>) {add = true}
        %dma_wait3A_462 = arith.constant 0 : i32
        %dma_wait3A_463 = tpu.memref_slice %arg9[%run_scoped3A_447, %dma_wait3A_462] : memref<25x40xi32, #tpu.memory_space<vmem>> -> memref<1x40xi32, #tpu.memory_space<vmem>>
        %dma_wait3A_464 = tpu.memref_squeeze %dma_wait3A_463 : memref<1x40xi32, #tpu.memory_space<vmem>> -> memref<40xi32, #tpu.memory_space<vmem>>
        %dma_wait3A_465 = arith.constant 0 : i32
        %dma_wait3A_466 = arith.constant 0 : i32
        %dma_wait3A_467 = tpu.memref_slice %arg19[%dma_wait3A_465, %dma_wait3A_466] : memref<10240x128xf32, #tpu.memory_space<vmem_shared>> -> memref<10240x128xf32, #tpu.memory_space<vmem_shared>>
        tpu.wait_indirect_dma semaphore(%run_scoped3A_455 : memref<!tpu.dma_semaphore, #tpu.memory_space<semaphore_mem>>) src(%arg10 : memref<40x128xf32, #tpu.memory_space<vmem>>) dst(%dma_wait3A_467 : memref<10240x128xf32, #tpu.memory_space<vmem_shared>>)
        tpu.yield
      }) : () -> ()
      %add3A_448 = arith.constant 1 : i32
      %add3A_449 = arith.addi %add3A_359, %add3A_448 : i32
      %lt3A_450 = arith.constant 10 : i32
      %lt3A_451 = arith.cmpi slt, %add3A_449, %lt3A_450 : i32
      %convert_element_type3A_452 = arith.extui %lt3A_451 : i1 to i32
      %cond3A_453 = arith.constant 0 : i32
      %cond3A_454 = arith.cmpi ne, %convert_element_type3A_452, %cond3A_453 : i32
      scf.if %cond3A_454 {
        %add3A_455 = arith.constant 1 : i32
        %add3A_456 = arith.addi %add3A_359, %add3A_455 : i32
        %dma_wait3A_457 = arith.constant 0 : i32
        %dma_wait3A_458 = arith.constant 0 : i32
        %dma_wait3A_459 = tpu.memref_slice %arg3[%add3A, %add3A_456, %dma_wait3A_457, %dma_wait3A_458] : memref<32x10x25x40xi32, #tpu.memory_space<hbm>> -> memref<1x1x25x40xi32, #tpu.memory_space<hbm>>
        %dma_wait3A_460 = tpu.memref_squeeze %dma_wait3A_459 : memref<1x1x25x40xi32, #tpu.memory_space<hbm>> -> memref<25x40xi32, #tpu.memory_space<hbm>>
        %dma_wait3A_461 = arith.constant 0 : i32
        %dma_wait3A_462 = arith.constant 0 : i32
        %dma_wait3A_463 = tpu.memref_slice %arg3[%add3A, %add3A_456, %dma_wait3A_461, %dma_wait3A_462] : memref<32x10x25x40xi32, #tpu.memory_space<hbm>> -> memref<1x1x25x40xi32, #tpu.memory_space<hbm>>
        %dma_wait3A_464 = tpu.memref_squeeze %dma_wait3A_463 : memref<1x1x25x40xi32, #tpu.memory_space<hbm>> -> memref<25x40xi32, #tpu.memory_space<hbm>>
        tpu.wait_dma2 semaphore(%arg18 : memref<!tpu.dma_semaphore, #tpu.memory_space<semaphore_mem>>) src(%dma_wait3A_464 : memref<25x40xi32, #tpu.memory_space<hbm>>) dst(%arg6 : memref<25x40xi32, #tpu.memory_space<vmem>>)
        %add3A_465 = arith.constant 1 : i32
        %add3A_466 = arith.addi %add3A_359, %add3A_465 : i32
        %dma_wait3A_467 = arith.constant 1 : i32
        %dma_wait3A_468 = arith.constant 0 : i32
        %dma_wait3A_469 = arith.constant 0 : i32
        %dma_wait3A_470 = tpu.memref_slice %arg4[%dma_wait3A_467, %add3A, %add3A_466, %dma_wait3A_468, %dma_wait3A_469] : memref<2x32x10x25x40xi32, #tpu.memory_space<hbm>> -> memref<1x1x1x25x40xi32, #tpu.memory_space<hbm>>
        %dma_wait3A_471 = tpu.memref_squeeze %dma_wait3A_470 : memref<1x1x1x25x40xi32, #tpu.memory_space<hbm>> -> memref<25x40xi32, #tpu.memory_space<hbm>>
        %dma_wait3A_472 = arith.constant 0 : i32
        %dma_wait3A_473 = arith.constant 0 : i32
        %dma_wait3A_474 = tpu.memref_slice %arg4[%dma_wait3A_467, %add3A, %add3A_466, %dma_wait3A_472, %dma_wait3A_473] : memref<2x32x10x25x40xi32, #tpu.memory_space<hbm>> -> memref<1x1x1x25x40xi32, #tpu.memory_space<hbm>>
        %dma_wait3A_475 = tpu.memref_squeeze %dma_wait3A_474 : memref<1x1x1x25x40xi32, #tpu.memory_space<hbm>> -> memref<25x40xi32, #tpu.memory_space<hbm>>
        tpu.wait_dma2 semaphore(%arg18 : memref<!tpu.dma_semaphore, #tpu.memory_space<semaphore_mem>>) src(%dma_wait3A_475 : memref<25x40xi32, #tpu.memory_space<hbm>>) dst(%arg7 : memref<25x40xi32, #tpu.memory_space<vmem>>)
      } else {
      }
    }
    %scan3A_205 = arith.constant 5 : i32
    %barrier3A_206 = arith.constant 0 : index
    tpu.barrier barrier_id(%barrier3A_206)
    %sub3A = arith.constant 10000 : i32
    %sub3A_207 = arith.subi %sub3A, %mul3A_7 : i32
    %min3A = arith.constant 640 : i32
    %min3A_208 = arith.minsi %min3A, %sub3A_207 : i32
    %jit3A = arith.constant 40 : i32
    %div3A = arith.divsi %min3A_208, %jit3A : i32
    %sign3A = arith.constant 0 : i32
    %sign3A_209 = arith.cmpi sgt, %min3A_208, %sign3A : i32
    %sign3A_210 = arith.extui %sign3A_209 : i1 to i32
    %sign3A_211 = arith.constant 0 : i32
    %sign3A_212 = arith.cmpi slt, %min3A_208, %sign3A_211 : i32
    %sign3A_213 = arith.extui %sign3A_212 : i1 to i32
    %sign3A_214 = arith.subi %sign3A_210, %sign3A_213 : i32
    %sign3A_215 = arith.constant 0 : i32
    %sign3A_216 = arith.cmpi sgt, %jit3A, %sign3A_215 : i32
    %sign3A_217 = arith.extui %sign3A_216 : i1 to i32
    %sign3A_218 = arith.constant 0 : i32
    %sign3A_219 = arith.cmpi slt, %jit3A, %sign3A_218 : i32
    %sign3A_220 = arith.extui %sign3A_219 : i1 to i32
    %sign3A_221 = arith.subi %sign3A_217, %sign3A_220 : i32
    %ne3A = arith.cmpi ne, %sign3A_214, %sign3A_221 : i32
    %rem3A = arith.remsi %min3A_208, %jit3A : i32
    %ne3A_222 = arith.constant 0 : i32
    %ne3A_223 = arith.cmpi ne, %rem3A, %ne3A_222 : i32
    %and3A = arith.andi %ne3A, %ne3A_223 : i1
    %sub3A_224 = arith.constant 1 : i32
    %sub3A_225 = arith.subi %div3A, %sub3A_224 : i32
    %select_n3A = arith.select %and3A, %sub3A_225, %div3A : i32
    %jit3A_226 = arith.constant 2 : i32
    %div3A_227 = arith.divsi %select_n3A, %jit3A_226 : i32
    %sign3A_228 = arith.constant 0 : i32
    %sign3A_229 = arith.cmpi sgt, %select_n3A, %sign3A_228 : i32
    %sign3A_230 = arith.extui %sign3A_229 : i1 to i32
    %sign3A_231 = arith.constant 0 : i32
    %sign3A_232 = arith.cmpi slt, %select_n3A, %sign3A_231 : i32
    %sign3A_233 = arith.extui %sign3A_232 : i1 to i32
    %sign3A_234 = arith.subi %sign3A_230, %sign3A_233 : i32
    %sign3A_235 = arith.constant 0 : i32
    %sign3A_236 = arith.cmpi sgt, %jit3A_226, %sign3A_235 : i32
    %sign3A_237 = arith.extui %sign3A_236 : i1 to i32
    %sign3A_238 = arith.constant 0 : i32
    %sign3A_239 = arith.cmpi slt, %jit3A_226, %sign3A_238 : i32
    %sign3A_240 = arith.extui %sign3A_239 : i1 to i32
    %sign3A_241 = arith.subi %sign3A_237, %sign3A_240 : i32
    %ne3A_242 = arith.cmpi ne, %sign3A_234, %sign3A_241 : i32
    %rem3A_243 = arith.remsi %select_n3A, %jit3A_226 : i32
    %ne3A_244 = arith.constant 0 : i32
    %ne3A_245 = arith.cmpi ne, %rem3A_243, %ne3A_244 : i32
    %and3A_246 = arith.andi %ne3A_242, %ne3A_245 : i1
    %sub3A_247 = arith.constant 1 : i32
    %sub3A_248 = arith.subi %div3A_227, %sub3A_247 : i32
    %select_n3A_249 = arith.select %and3A_246, %sub3A_248, %div3A_227 : i32
    %while3A = arith.constant 0 : i32
    %while3A_250 = arith.constant 0 : i32
    %while3A_251 = arith.subi %select_n3A_249, %while3A_250 : i32
    %while3A_252 = arith.addi %while3A_250, %while3A_251 : i32
    %while3A_253 = arith.constant 1 : i32
    %while3A_254 = arith.divsi %while3A_251, %while3A_253 : i32
    %while3A_255 = arith.muli %while3A_254, %while3A_253 : i32
    %while3A_256 = arith.addi %while3A_250, %while3A_255 : i32
    %while3A_257 = arith.constant 1 : i32
    scf.for %while3A_259 = %while3A_250 to %while3A_256 step %while3A_257  : i32 {
      %mul3A_260 = arith.constant 2 : i32
      %mul3A_261 = arith.muli %mul3A_260, %while3A_259 : i32
      %mul3A_262 = arith.constant 40 : i32
      %mul3A_263 = arith.muli %mul3A_261, %mul3A_262 : i32
      %add3A_264 = arith.addi %mul3A_7, %mul3A_263 : i32
      %add3A_265 = arith.constant 0 : i32
      %add3A_266 = arith.addi %add3A_264, %add3A_265 : i32
      "tpu.region"() ({
        %run_scoped3A_301 = tpu.sem_alloc : memref<!tpu.dma_semaphore, #tpu.memory_space<semaphore_mem>>
        %dma_start3A_302 = arith.constant 0 : i32
        %dma_start3A_303 = tpu.memref_slice %arg19[%add3A_266, %dma_start3A_302] : memref<10240x128xf32, #tpu.memory_space<vmem_shared>> -> memref<40x128xf32, #tpu.memory_space<vmem_shared>>
        %dma_start3A_304 = arith.constant 0 : i32
        %dma_start3A_305 = tpu.memref_slice %arg19[%add3A_266, %dma_start3A_304] : memref<10240x128xf32, #tpu.memory_space<vmem_shared>> -> memref<40x128xf32, #tpu.memory_space<vmem_shared>>
        tpu.enqueue_dma source(%dma_start3A_305 : memref<40x128xf32, #tpu.memory_space<vmem_shared>>) target(%arg10 : memref<40x128xf32, #tpu.memory_space<vmem>>) target_semaphore(%run_scoped3A_301 : memref<!tpu.dma_semaphore, #tpu.memory_space<semaphore_mem>>)
        %dma_wait3A_306 = arith.constant 0 : i32
        %dma_wait3A_307 = tpu.memref_slice %arg19[%add3A_266, %dma_wait3A_306] : memref<10240x128xf32, #tpu.memory_space<vmem_shared>> -> memref<40x128xf32, #tpu.memory_space<vmem_shared>>
        %dma_wait3A_308 = arith.constant 0 : i32
        %dma_wait3A_309 = tpu.memref_slice %arg19[%add3A_266, %dma_wait3A_308] : memref<10240x128xf32, #tpu.memory_space<vmem_shared>> -> memref<40x128xf32, #tpu.memory_space<vmem_shared>>
        tpu.wait_dma2 semaphore(%run_scoped3A_301 : memref<!tpu.dma_semaphore, #tpu.memory_space<semaphore_mem>>) src(%dma_wait3A_309 : memref<40x128xf32, #tpu.memory_space<vmem_shared>>) dst(%arg10 : memref<40x128xf32, #tpu.memory_space<vmem>>)
        tpu.yield
      }) : () -> ()
      %add3A_267 = arith.constant 0 : i32
      %add3A_268 = arith.addi %add3A_264, %add3A_267 : i32
      %dma_start3A_269 = arith.constant 0 : i32
      %dma_start3A_270 = tpu.memref_slice %arg5[%arg0, %add3A_268, %dma_start3A_269] : memref<2x10000x128xf32, #tpu.memory_space<hbm>> -> memref<1x40x128xf32, #tpu.memory_space<hbm>>
      %dma_start3A_271 = tpu.memref_squeeze %dma_start3A_270 : memref<1x40x128xf32, #tpu.memory_space<hbm>> -> memref<40x128xf32, #tpu.memory_space<hbm>>
      %dma_start3A_272 = arith.constant 0 : i32
      %dma_start3A_273 = tpu.memref_slice %arg5[%arg0, %add3A_268, %dma_start3A_272] : memref<2x10000x128xf32, #tpu.memory_space<hbm>> -> memref<1x40x128xf32, #tpu.memory_space<hbm>>
      %dma_start3A_274 = tpu.memref_squeeze %dma_start3A_273 : memref<1x40x128xf32, #tpu.memory_space<hbm>> -> memref<40x128xf32, #tpu.memory_space<hbm>>
      tpu.enqueue_dma source(%arg10 : memref<40x128xf32, #tpu.memory_space<vmem>>) target(%dma_start3A_274 : memref<40x128xf32, #tpu.memory_space<hbm>>) target_semaphore(%arg14 : memref<!tpu.dma_semaphore, #tpu.memory_space<semaphore_mem>>)
      %add3A_275 = arith.constant 40 : i32
      %add3A_276 = arith.addi %add3A_264, %add3A_275 : i32
      "tpu.region"() ({
        %run_scoped3A_301 = tpu.sem_alloc : memref<!tpu.dma_semaphore, #tpu.memory_space<semaphore_mem>>
        %dma_start3A_302 = arith.constant 0 : i32
        %dma_start3A_303 = tpu.memref_slice %arg19[%add3A_276, %dma_start3A_302] : memref<10240x128xf32, #tpu.memory_space<vmem_shared>> -> memref<40x128xf32, #tpu.memory_space<vmem_shared>>
        %dma_start3A_304 = arith.constant 0 : i32
        %dma_start3A_305 = tpu.memref_slice %arg19[%add3A_276, %dma_start3A_304] : memref<10240x128xf32, #tpu.memory_space<vmem_shared>> -> memref<40x128xf32, #tpu.memory_space<vmem_shared>>
        tpu.enqueue_dma source(%dma_start3A_305 : memref<40x128xf32, #tpu.memory_space<vmem_shared>>) target(%arg11 : memref<40x128xf32, #tpu.memory_space<vmem>>) target_semaphore(%run_scoped3A_301 : memref<!tpu.dma_semaphore, #tpu.memory_space<semaphore_mem>>)
        %dma_wait3A_306 = arith.constant 0 : i32
        %dma_wait3A_307 = tpu.memref_slice %arg19[%add3A_276, %dma_wait3A_306] : memref<10240x128xf32, #tpu.memory_space<vmem_shared>> -> memref<40x128xf32, #tpu.memory_space<vmem_shared>>
        %dma_wait3A_308 = arith.constant 0 : i32
        %dma_wait3A_309 = tpu.memref_slice %arg19[%add3A_276, %dma_wait3A_308] : memref<10240x128xf32, #tpu.memory_space<vmem_shared>> -> memref<40x128xf32, #tpu.memory_space<vmem_shared>>
        tpu.wait_dma2 semaphore(%run_scoped3A_301 : memref<!tpu.dma_semaphore, #tpu.memory_space<semaphore_mem>>) src(%dma_wait3A_309 : memref<40x128xf32, #tpu.memory_space<vmem_shared>>) dst(%arg11 : memref<40x128xf32, #tpu.memory_space<vmem>>)
        tpu.yield
      }) : () -> ()
      %add3A_277 = arith.constant 40 : i32
      %add3A_278 = arith.addi %add3A_264, %add3A_277 : i32
      %dma_start3A_279 = arith.constant 0 : i32
      %dma_start3A_280 = tpu.memref_slice %arg5[%arg0, %add3A_278, %dma_start3A_279] : memref<2x10000x128xf32, #tpu.memory_space<hbm>> -> memref<1x40x128xf32, #tpu.memory_space<hbm>>
      %dma_start3A_281 = tpu.memref_squeeze %dma_start3A_280 : memref<1x40x128xf32, #tpu.memory_space<hbm>> -> memref<40x128xf32, #tpu.memory_space<hbm>>
      %dma_start3A_282 = arith.constant 0 : i32
      %dma_start3A_283 = tpu.memref_slice %arg5[%arg0, %add3A_278, %dma_start3A_282] : memref<2x10000x128xf32, #tpu.memory_space<hbm>> -> memref<1x40x128xf32, #tpu.memory_space<hbm>>
      %dma_start3A_284 = tpu.memref_squeeze %dma_start3A_283 : memref<1x40x128xf32, #tpu.memory_space<hbm>> -> memref<40x128xf32, #tpu.memory_space<hbm>>
      tpu.enqueue_dma source(%arg11 : memref<40x128xf32, #tpu.memory_space<vmem>>) target(%dma_start3A_284 : memref<40x128xf32, #tpu.memory_space<hbm>>) target_semaphore(%arg15 : memref<!tpu.dma_semaphore, #tpu.memory_space<semaphore_mem>>)
      %add3A_285 = arith.constant 0 : i32
      %add3A_286 = arith.addi %add3A_264, %add3A_285 : i32
      %dma_wait3A_287 = arith.constant 0 : i32
      %dma_wait3A_288 = tpu.memref_slice %arg5[%arg0, %add3A_286, %dma_wait3A_287] : memref<2x10000x128xf32, #tpu.memory_space<hbm>> -> memref<1x40x128xf32, #tpu.memory_space<hbm>>
      %dma_wait3A_289 = tpu.memref_squeeze %dma_wait3A_288 : memref<1x40x128xf32, #tpu.memory_space<hbm>> -> memref<40x128xf32, #tpu.memory_space<hbm>>
      %dma_wait3A_290 = arith.constant 0 : i32
      %dma_wait3A_291 = tpu.memref_slice %arg5[%arg0, %add3A_286, %dma_wait3A_290] : memref<2x10000x128xf32, #tpu.memory_space<hbm>> -> memref<1x40x128xf32, #tpu.memory_space<hbm>>
      %dma_wait3A_292 = tpu.memref_squeeze %dma_wait3A_291 : memref<1x40x128xf32, #tpu.memory_space<hbm>> -> memref<40x128xf32, #tpu.memory_space<hbm>>
      tpu.wait_dma2 semaphore(%arg14 : memref<!tpu.dma_semaphore, #tpu.memory_space<semaphore_mem>>) src(%arg10 : memref<40x128xf32, #tpu.memory_space<vmem>>) dst(%dma_wait3A_292 : memref<40x128xf32, #tpu.memory_space<hbm>>)
      %add3A_293 = arith.constant 40 : i32
      %add3A_294 = arith.addi %add3A_264, %add3A_293 : i32
      %dma_wait3A_295 = arith.constant 0 : i32
      %dma_wait3A_296 = tpu.memref_slice %arg5[%arg0, %add3A_294, %dma_wait3A_295] : memref<2x10000x128xf32, #tpu.memory_space<hbm>> -> memref<1x40x128xf32, #tpu.memory_space<hbm>>
      %dma_wait3A_297 = tpu.memref_squeeze %dma_wait3A_296 : memref<1x40x128xf32, #tpu.memory_space<hbm>> -> memref<40x128xf32, #tpu.memory_space<hbm>>
      %dma_wait3A_298 = arith.constant 0 : i32
      %dma_wait3A_299 = tpu.memref_slice %arg5[%arg0, %add3A_294, %dma_wait3A_298] : memref<2x10000x128xf32, #tpu.memory_space<hbm>> -> memref<1x40x128xf32, #tpu.memory_space<hbm>>
      %dma_wait3A_300 = tpu.memref_squeeze %dma_wait3A_299 : memref<1x40x128xf32, #tpu.memory_space<hbm>> -> memref<40x128xf32, #tpu.memory_space<hbm>>
      tpu.wait_dma2 semaphore(%arg15 : memref<!tpu.dma_semaphore, #tpu.memory_space<semaphore_mem>>) src(%arg11 : memref<40x128xf32, #tpu.memory_space<vmem>>) dst(%dma_wait3A_300 : memref<40x128xf32, #tpu.memory_space<hbm>>)
    }
    %while3A_258 = arith.constant 1 : i32
    scf.for %while3A_259 = %while3A_256 to %while3A_252 step %while3A_258  : i32 {
      %mul3A_260 = arith.constant 2 : i32
      %mul3A_261 = arith.muli %mul3A_260, %while3A_259 : i32
      %mul3A_262 = arith.constant 40 : i32
      %mul3A_263 = arith.muli %mul3A_261, %mul3A_262 : i32
      %add3A_264 = arith.addi %mul3A_7, %mul3A_263 : i32
      %add3A_265 = arith.constant 0 : i32
      %add3A_266 = arith.addi %add3A_264, %add3A_265 : i32
      "tpu.region"() ({
        %run_scoped3A_301 = tpu.sem_alloc : memref<!tpu.dma_semaphore, #tpu.memory_space<semaphore_mem>>
        %dma_start3A_302 = arith.constant 0 : i32
        %dma_start3A_303 = tpu.memref_slice %arg19[%add3A_266, %dma_start3A_302] : memref<10240x128xf32, #tpu.memory_space<vmem_shared>> -> memref<40x128xf32, #tpu.memory_space<vmem_shared>>
        %dma_start3A_304 = arith.constant 0 : i32
        %dma_start3A_305 = tpu.memref_slice %arg19[%add3A_266, %dma_start3A_304] : memref<10240x128xf32, #tpu.memory_space<vmem_shared>> -> memref<40x128xf32, #tpu.memory_space<vmem_shared>>
        tpu.enqueue_dma source(%dma_start3A_305 : memref<40x128xf32, #tpu.memory_space<vmem_shared>>) target(%arg10 : memref<40x128xf32, #tpu.memory_space<vmem>>) target_semaphore(%run_scoped3A_301 : memref<!tpu.dma_semaphore, #tpu.memory_space<semaphore_mem>>)
        %dma_wait3A_306 = arith.constant 0 : i32
        %dma_wait3A_307 = tpu.memref_slice %arg19[%add3A_266, %dma_wait3A_306] : memref<10240x128xf32, #tpu.memory_space<vmem_shared>> -> memref<40x128xf32, #tpu.memory_space<vmem_shared>>
        %dma_wait3A_308 = arith.constant 0 : i32
        %dma_wait3A_309 = tpu.memref_slice %arg19[%add3A_266, %dma_wait3A_308] : memref<10240x128xf32, #tpu.memory_space<vmem_shared>> -> memref<40x128xf32, #tpu.memory_space<vmem_shared>>
        tpu.wait_dma2 semaphore(%run_scoped3A_301 : memref<!tpu.dma_semaphore, #tpu.memory_space<semaphore_mem>>) src(%dma_wait3A_309 : memref<40x128xf32, #tpu.memory_space<vmem_shared>>) dst(%arg10 : memref<40x128xf32, #tpu.memory_space<vmem>>)
        tpu.yield
      }) : () -> ()
      %add3A_267 = arith.constant 0 : i32
      %add3A_268 = arith.addi %add3A_264, %add3A_267 : i32
      %dma_start3A_269 = arith.constant 0 : i32
      %dma_start3A_270 = tpu.memref_slice %arg5[%arg0, %add3A_268, %dma_start3A_269] : memref<2x10000x128xf32, #tpu.memory_space<hbm>> -> memref<1x40x128xf32, #tpu.memory_space<hbm>>
      %dma_start3A_271 = tpu.memref_squeeze %dma_start3A_270 : memref<1x40x128xf32, #tpu.memory_space<hbm>> -> memref<40x128xf32, #tpu.memory_space<hbm>>
      %dma_start3A_272 = arith.constant 0 : i32
      %dma_start3A_273 = tpu.memref_slice %arg5[%arg0, %add3A_268, %dma_start3A_272] : memref<2x10000x128xf32, #tpu.memory_space<hbm>> -> memref<1x40x128xf32, #tpu.memory_space<hbm>>
      %dma_start3A_274 = tpu.memref_squeeze %dma_start3A_273 : memref<1x40x128xf32, #tpu.memory_space<hbm>> -> memref<40x128xf32, #tpu.memory_space<hbm>>
      tpu.enqueue_dma source(%arg10 : memref<40x128xf32, #tpu.memory_space<vmem>>) target(%dma_start3A_274 : memref<40x128xf32, #tpu.memory_space<hbm>>) target_semaphore(%arg14 : memref<!tpu.dma_semaphore, #tpu.memory_space<semaphore_mem>>)
      %add3A_275 = arith.constant 40 : i32
      %add3A_276 = arith.addi %add3A_264, %add3A_275 : i32
      "tpu.region"() ({
        %run_scoped3A_301 = tpu.sem_alloc : memref<!tpu.dma_semaphore, #tpu.memory_space<semaphore_mem>>
        %dma_start3A_302 = arith.constant 0 : i32
        %dma_start3A_303 = tpu.memref_slice %arg19[%add3A_276, %dma_start3A_302] : memref<10240x128xf32, #tpu.memory_space<vmem_shared>> -> memref<40x128xf32, #tpu.memory_space<vmem_shared>>
        %dma_start3A_304 = arith.constant 0 : i32
        %dma_start3A_305 = tpu.memref_slice %arg19[%add3A_276, %dma_start3A_304] : memref<10240x128xf32, #tpu.memory_space<vmem_shared>> -> memref<40x128xf32, #tpu.memory_space<vmem_shared>>
        tpu.enqueue_dma source(%dma_start3A_305 : memref<40x128xf32, #tpu.memory_space<vmem_shared>>) target(%arg11 : memref<40x128xf32, #tpu.memory_space<vmem>>) target_semaphore(%run_scoped3A_301 : memref<!tpu.dma_semaphore, #tpu.memory_space<semaphore_mem>>)
        %dma_wait3A_306 = arith.constant 0 : i32
        %dma_wait3A_307 = tpu.memref_slice %arg19[%add3A_276, %dma_wait3A_306] : memref<10240x128xf32, #tpu.memory_space<vmem_shared>> -> memref<40x128xf32, #tpu.memory_space<vmem_shared>>
        %dma_wait3A_308 = arith.constant 0 : i32
        %dma_wait3A_309 = tpu.memref_slice %arg19[%add3A_276, %dma_wait3A_308] : memref<10240x128xf32, #tpu.memory_space<vmem_shared>> -> memref<40x128xf32, #tpu.memory_space<vmem_shared>>
        tpu.wait_dma2 semaphore(%run_scoped3A_301 : memref<!tpu.dma_semaphore, #tpu.memory_space<semaphore_mem>>) src(%dma_wait3A_309 : memref<40x128xf32, #tpu.memory_space<vmem_shared>>) dst(%arg11 : memref<40x128xf32, #tpu.memory_space<vmem>>)
        tpu.yield
      }) : () -> ()
      %add3A_277 = arith.constant 40 : i32
      %add3A_278 = arith.addi %add3A_264, %add3A_277 : i32
      %dma_start3A_279 = arith.constant 0 : i32
      %dma_start3A_280 = tpu.memref_slice %arg5[%arg0, %add3A_278, %dma_start3A_279] : memref<2x10000x128xf32, #tpu.memory_space<hbm>> -> memref<1x40x128xf32, #tpu.memory_space<hbm>>
      %dma_start3A_281 = tpu.memref_squeeze %dma_start3A_280 : memref<1x40x128xf32, #tpu.memory_space<hbm>> -> memref<40x128xf32, #tpu.memory_space<hbm>>
      %dma_start3A_282 = arith.constant 0 : i32
      %dma_start3A_283 = tpu.memref_slice %arg5[%arg0, %add3A_278, %dma_start3A_282] : memref<2x10000x128xf32, #tpu.memory_space<hbm>> -> memref<1x40x128xf32, #tpu.memory_space<hbm>>
      %dma_start3A_284 = tpu.memref_squeeze %dma_start3A_283 : memref<1x40x128xf32, #tpu.memory_space<hbm>> -> memref<40x128xf32, #tpu.memory_space<hbm>>
      tpu.enqueue_dma source(%arg11 : memref<40x128xf32, #tpu.memory_space<vmem>>) target(%dma_start3A_284 : memref<40x128xf32, #tpu.memory_space<hbm>>) target_semaphore(%arg15 : memref<!tpu.dma_semaphore, #tpu.memory_space<semaphore_mem>>)
      %add3A_285 = arith.constant 0 : i32
      %add3A_286 = arith.addi %add3A_264, %add3A_285 : i32
      %dma_wait3A_287 = arith.constant 0 : i32
      %dma_wait3A_288 = tpu.memref_slice %arg5[%arg0, %add3A_286, %dma_wait3A_287] : memref<2x10000x128xf32, #tpu.memory_space<hbm>> -> memref<1x40x128xf32, #tpu.memory_space<hbm>>
      %dma_wait3A_289 = tpu.memref_squeeze %dma_wait3A_288 : memref<1x40x128xf32, #tpu.memory_space<hbm>> -> memref<40x128xf32, #tpu.memory_space<hbm>>
      %dma_wait3A_290 = arith.constant 0 : i32
      %dma_wait3A_291 = tpu.memref_slice %arg5[%arg0, %add3A_286, %dma_wait3A_290] : memref<2x10000x128xf32, #tpu.memory_space<hbm>> -> memref<1x40x128xf32, #tpu.memory_space<hbm>>
      %dma_wait3A_292 = tpu.memref_squeeze %dma_wait3A_291 : memref<1x40x128xf32, #tpu.memory_space<hbm>> -> memref<40x128xf32, #tpu.memory_space<hbm>>
      tpu.wait_dma2 semaphore(%arg14 : memref<!tpu.dma_semaphore, #tpu.memory_space<semaphore_mem>>) src(%arg10 : memref<40x128xf32, #tpu.memory_space<vmem>>) dst(%dma_wait3A_292 : memref<40x128xf32, #tpu.memory_space<hbm>>)
      %add3A_293 = arith.constant 40 : i32
      %add3A_294 = arith.addi %add3A_264, %add3A_293 : i32
      %dma_wait3A_295 = arith.constant 0 : i32
      %dma_wait3A_296 = tpu.memref_slice %arg5[%arg0, %add3A_294, %dma_wait3A_295] : memref<2x10000x128xf32, #tpu.memory_space<hbm>> -> memref<1x40x128xf32, #tpu.memory_space<hbm>>
      %dma_wait3A_297 = tpu.memref_squeeze %dma_wait3A_296 : memref<1x40x128xf32, #tpu.memory_space<hbm>> -> memref<40x128xf32, #tpu.memory_space<hbm>>
      %dma_wait3A_298 = arith.constant 0 : i32
      %dma_wait3A_299 = tpu.memref_slice %arg5[%arg0, %add3A_294, %dma_wait3A_298] : memref<2x10000x128xf32, #tpu.memory_space<hbm>> -> memref<1x40x128xf32, #tpu.memory_space<hbm>>
      %dma_wait3A_300 = tpu.memref_squeeze %dma_wait3A_299 : memref<1x40x128xf32, #tpu.memory_space<hbm>> -> memref<40x128xf32, #tpu.memory_space<hbm>>
      tpu.wait_dma2 semaphore(%arg15 : memref<!tpu.dma_semaphore, #tpu.memory_space<semaphore_mem>>) src(%arg11 : memref<40x128xf32, #tpu.memory_space<vmem>>) dst(%dma_wait3A_300 : memref<40x128xf32, #tpu.memory_space<hbm>>)
    }
    return
  }
}

#map = affine_map<(d0, d1) -> (0, 0)>
#map1 = affine_map<(d0, d1) -> (0, 0, 0, 0)>
#map2 = affine_map<(d0, d1) -> (0, 0, 0, 0, 0)>
#map3 = affine_map<(d0, d1) -> (0, 0, 0)>
module attributes {stable_mosaic.version = 14 : i64} {
  func.func @_sc_conv_body(%arg0: i32, %arg1: i32, %arg2: memref<270000x128xf32, #tpu.memory_space<hbm>>, %arg3: memref<32x10x25x40xi32, #tpu.memory_space<hbm>>, %arg4: memref<2x32x10x25x40xi32, #tpu.memory_space<hbm>>, %arg5: memref<2x10000x128xf32, #tpu.memory_space<hbm>>, %arg6: memref<25x40xi32, #tpu.memory_space<vmem>>, %arg7: memref<25x40xi32, #tpu.memory_space<vmem>>, %arg8: memref<25x40xi32, #tpu.memory_space<vmem>>, %arg9: memref<25x40xi32, #tpu.memory_space<vmem>>, %arg10: memref<40x128xf32, #tpu.memory_space<vmem>>, %arg11: memref<40x128xf32, #tpu.memory_space<vmem>>, %arg12: memref<40x128xf32, #tpu.memory_space<vmem>>, %arg13: memref<40x128xf32, #tpu.memory_space<vmem>>, %arg14: memref<!tpu.dma_semaphore, #tpu.memory_space<semaphore_mem>>, %arg15: memref<!tpu.dma_semaphore, #tpu.memory_space<semaphore_mem>>, %arg16: memref<!tpu.dma_semaphore, #tpu.memory_space<semaphore_mem>>, %arg17: memref<!tpu.dma_semaphore, #tpu.memory_space<semaphore_mem>>, %arg18: memref<!tpu.dma_semaphore, #tpu.memory_space<semaphore_mem>>, %arg19: memref<10240x128xf32, #tpu.memory_space<vmem_shared>>) attributes {dimension_semantics = [#tpu.dimension_semantics<core_parallel>, #tpu.dimension_semantics<subcore_parallel>], iteration_bounds = array<i64: 2, 16>, scalar_prefetch = 0 : i64, scratch_operands = 14 : i64, tpu.core_type = #tpu.core_type<sc_vector_subcore>, window_params = [{transform_indices = #map}, {transform_indices = #map1}, {transform_indices = #map2}, {transform_indices = #map3}]} {
    %mul3A = arith.constant 2 : i32
    %mul3A_0 = arith.muli %arg1, %mul3A : i32
    %add3A = arith.addi %mul3A_0, %arg0 : i32
    %scan3A = arith.constant 0 : i32
    %scan3A_1 = arith.constant 0 : i32
    %scan3A_2 = arith.constant 40 : i32
    %scan3A_3 = arith.addi %scan3A_1, %scan3A_2 : i32
    %scan3A_4 = arith.constant 1 : i32
    scf.for %scan3A_259 = %scan3A_1 to %scan3A_3 step %scan3A_4  : i32 {
      %broadcast_in_dim3A = arith.constant 0.000000e+00 : f32
      %broadcast_in_dim3A_260 = vector.broadcast %broadcast_in_dim3A : f32 to vector<16xf32>
      %swap3A = arith.index_cast %scan3A_259 : i32 to index
      %swap3A_261 = arith.constant 0 : index
      %swap3A_262 = tpu.vector_load %arg10[%swap3A, %swap3A_261] {strides = array<i32>} : memref<40x128xf32, #tpu.memory_space<vmem>>, vector<1x16xf32>,
      %swap3A_263 = vector.shape_cast %swap3A_262 : vector<1x16xf32> to vector<16xf32>
      %swap3A_264 = vector.shape_cast %broadcast_in_dim3A_260 : vector<16xf32> to vector<1x16xf32>
      tpu.vector_store %arg10[%swap3A, %swap3A_261], %swap3A_264 {strides = array<i32>} : memref<40x128xf32, #tpu.memory_space<vmem>>, vector<1x16xf32>,
      %broadcast_in_dim3A_265 = arith.constant 0.000000e+00 : f32
      %broadcast_in_dim3A_266 = vector.broadcast %broadcast_in_dim3A_265 : f32 to vector<16xf32>
      %swap3A_267 = arith.index_cast %scan3A_259 : i32 to index
      %swap3A_268 = arith.constant 16 : index
      %swap3A_269 = tpu.vector_load %arg10[%swap3A_267, %swap3A_268] {strides = array<i32>} : memref<40x128xf32, #tpu.memory_space<vmem>>, vector<1x16xf32>,
      %swap3A_270 = vector.shape_cast %swap3A_269 : vector<1x16xf32> to vector<16xf32>
      %swap3A_271 = vector.shape_cast %broadcast_in_dim3A_266 : vector<16xf32> to vector<1x16xf32>
      tpu.vector_store %arg10[%swap3A_267, %swap3A_268], %swap3A_271 {strides = array<i32>} : memref<40x128xf32, #tpu.memory_space<vmem>>, vector<1x16xf32>,
      %broadcast_in_dim3A_272 = arith.constant 0.000000e+00 : f32
      %broadcast_in_dim3A_273 = vector.broadcast %broadcast_in_dim3A_272 : f32 to vector<16xf32>
      %swap3A_274 = arith.index_cast %scan3A_259 : i32 to index
      %swap3A_275 = arith.constant 32 : index
      %swap3A_276 = tpu.vector_load %arg10[%swap3A_274, %swap3A_275] {strides = array<i32>} : memref<40x128xf32, #tpu.memory_space<vmem>>, vector<1x16xf32>,
      %swap3A_277 = vector.shape_cast %swap3A_276 : vector<1x16xf32> to vector<16xf32>
      %swap3A_278 = vector.shape_cast %broadcast_in_dim3A_273 : vector<16xf32> to vector<1x16xf32>
      tpu.vector_store %arg10[%swap3A_274, %swap3A_275], %swap3A_278 {strides = array<i32>} : memref<40x128xf32, #tpu.memory_space<vmem>>, vector<1x16xf32>,
      %broadcast_in_dim3A_279 = arith.constant 0.000000e+00 : f32
      %broadcast_in_dim3A_280 = vector.broadcast %broadcast_in_dim3A_279 : f32 to vector<16xf32>
      %swap3A_281 = arith.index_cast %scan3A_259 : i32 to index
      %swap3A_282 = arith.constant 48 : index
      %swap3A_283 = tpu.vector_load %arg10[%swap3A_281, %swap3A_282] {strides = array<i32>} : memref<40x128xf32, #tpu.memory_space<vmem>>, vector<1x16xf32>,
      %swap3A_284 = vector.shape_cast %swap3A_283 : vector<1x16xf32> to vector<16xf32>
      %swap3A_285 = vector.shape_cast %broadcast_in_dim3A_280 : vector<16xf32> to vector<1x16xf32>
      tpu.vector_store %arg10[%swap3A_281, %swap3A_282], %swap3A_285 {strides = array<i32>} : memref<40x128xf32, #tpu.memory_space<vmem>>, vector<1x16xf32>,
      %broadcast_in_dim3A_286 = arith.constant 0.000000e+00 : f32
      %broadcast_in_dim3A_287 = vector.broadcast %broadcast_in_dim3A_286 : f32 to vector<16xf32>
      %swap3A_288 = arith.index_cast %scan3A_259 : i32 to index
      %swap3A_289 = arith.constant 64 : index
      %swap3A_290 = tpu.vector_load %arg10[%swap3A_288, %swap3A_289] {strides = array<i32>} : memref<40x128xf32, #tpu.memory_space<vmem>>, vector<1x16xf32>,
      %swap3A_291 = vector.shape_cast %swap3A_290 : vector<1x16xf32> to vector<16xf32>
      %swap3A_292 = vector.shape_cast %broadcast_in_dim3A_287 : vector<16xf32> to vector<1x16xf32>
      tpu.vector_store %arg10[%swap3A_288, %swap3A_289], %swap3A_292 {strides = array<i32>} : memref<40x128xf32, #tpu.memory_space<vmem>>, vector<1x16xf32>,
      %broadcast_in_dim3A_293 = arith.constant 0.000000e+00 : f32
      %broadcast_in_dim3A_294 = vector.broadcast %broadcast_in_dim3A_293 : f32 to vector<16xf32>
      %swap3A_295 = arith.index_cast %scan3A_259 : i32 to index
      %swap3A_296 = arith.constant 80 : index
      %swap3A_297 = tpu.vector_load %arg10[%swap3A_295, %swap3A_296] {strides = array<i32>} : memref<40x128xf32, #tpu.memory_space<vmem>>, vector<1x16xf32>,
      %swap3A_298 = vector.shape_cast %swap3A_297 : vector<1x16xf32> to vector<16xf32>
      %swap3A_299 = vector.shape_cast %broadcast_in_dim3A_294 : vector<16xf32> to vector<1x16xf32>
      tpu.vector_store %arg10[%swap3A_295, %swap3A_296], %swap3A_299 {strides = array<i32>} : memref<40x128xf32, #tpu.memory_space<vmem>>, vector<1x16xf32>,
      %broadcast_in_dim3A_300 = arith.constant 0.000000e+00 : f32
      %broadcast_in_dim3A_301 = vector.broadcast %broadcast_in_dim3A_300 : f32 to vector<16xf32>
      %swap3A_302 = arith.index_cast %scan3A_259 : i32 to index
      %swap3A_303 = arith.constant 96 : index
      %swap3A_304 = tpu.vector_load %arg10[%swap3A_302, %swap3A_303] {strides = array<i32>} : memref<40x128xf32, #tpu.memory_space<vmem>>, vector<1x16xf32>,
      %swap3A_305 = vector.shape_cast %swap3A_304 : vector<1x16xf32> to vector<16xf32>
      %swap3A_306 = vector.shape_cast %broadcast_in_dim3A_301 : vector<16xf32> to vector<1x16xf32>
      tpu.vector_store %arg10[%swap3A_302, %swap3A_303], %swap3A_306 {strides = array<i32>} : memref<40x128xf32, #tpu.memory_space<vmem>>, vector<1x16xf32>,
      %broadcast_in_dim3A_307 = arith.constant 0.000000e+00 : f32
      %broadcast_in_dim3A_308 = vector.broadcast %broadcast_in_dim3A_307 : f32 to vector<16xf32>
      %swap3A_309 = arith.index_cast %scan3A_259 : i32 to index
      %swap3A_310 = arith.constant 112 : index
      %swap3A_311 = tpu.vector_load %arg10[%swap3A_309, %swap3A_310] {strides = array<i32>} : memref<40x128xf32, #tpu.memory_space<vmem>>, vector<1x16xf32>,
      %swap3A_312 = vector.shape_cast %swap3A_311 : vector<1x16xf32> to vector<16xf32>
      %swap3A_313 = vector.shape_cast %broadcast_in_dim3A_308 : vector<16xf32> to vector<1x16xf32>
      tpu.vector_store %arg10[%swap3A_309, %swap3A_310], %swap3A_313 {strides = array<i32>} : memref<40x128xf32, #tpu.memory_space<vmem>>, vector<1x16xf32>,
    }
    %scan3A_5 = arith.constant 40 : i32
    %mul3A_6 = arith.constant 640 : i32
    %mul3A_7 = arith.muli %arg1, %mul3A_6 : i32
    %add3A_8 = arith.constant 0 : i32
    %add3A_9 = arith.addi %mul3A_7, %add3A_8 : i32
    %dma_start3A = arith.constant 0 : i32
    %dma_start3A_10 = tpu.memref_slice %arg19[%add3A_9, %dma_start3A] : memref<10240x128xf32, #tpu.memory_space<vmem_shared>> -> memref<40x128xf32, #tpu.memory_space<vmem_shared>>
    %dma_start3A_11 = arith.constant 0 : i32
    %dma_start3A_12 = tpu.memref_slice %arg19[%add3A_9, %dma_start3A_11] : memref<10240x128xf32, #tpu.memory_space<vmem_shared>> -> memref<40x128xf32, #tpu.memory_space<vmem_shared>>
    tpu.enqueue_dma source(%arg10 : memref<40x128xf32, #tpu.memory_space<vmem>>) target(%dma_start3A_12 : memref<40x128xf32, #tpu.memory_space<vmem_shared>>) target_semaphore(%arg18 : memref<!tpu.dma_semaphore, #tpu.memory_space<semaphore_mem>>)
    %add3A_13 = arith.constant 40 : i32
    %add3A_14 = arith.addi %mul3A_7, %add3A_13 : i32
    %dma_start3A_15 = arith.constant 0 : i32
    %dma_start3A_16 = tpu.memref_slice %arg19[%add3A_14, %dma_start3A_15] : memref<10240x128xf32, #tpu.memory_space<vmem_shared>> -> memref<40x128xf32, #tpu.memory_space<vmem_shared>>
    %dma_start3A_17 = arith.constant 0 : i32
    %dma_start3A_18 = tpu.memref_slice %arg19[%add3A_14, %dma_start3A_17] : memref<10240x128xf32, #tpu.memory_space<vmem_shared>> -> memref<40x128xf32, #tpu.memory_space<vmem_shared>>
    tpu.enqueue_dma source(%arg10 : memref<40x128xf32, #tpu.memory_space<vmem>>) target(%dma_start3A_18 : memref<40x128xf32, #tpu.memory_space<vmem_shared>>) target_semaphore(%arg18 : memref<!tpu.dma_semaphore, #tpu.memory_space<semaphore_mem>>)
    %add3A_19 = arith.constant 80 : i32
    %add3A_20 = arith.addi %mul3A_7, %add3A_19 : i32
    %dma_start3A_21 = arith.constant 0 : i32
    %dma_start3A_22 = tpu.memref_slice %arg19[%add3A_20, %dma_start3A_21] : memref<10240x128xf32, #tpu.memory_space<vmem_shared>> -> memref<40x128xf32, #tpu.memory_space<vmem_shared>>
    %dma_start3A_23 = arith.constant 0 : i32
    %dma_start3A_24 = tpu.memref_slice %arg19[%add3A_20, %dma_start3A_23] : memref<10240x128xf32, #tpu.memory_space<vmem_shared>> -> memref<40x128xf32, #tpu.memory_space<vmem_shared>>
    tpu.enqueue_dma source(%arg10 : memref<40x128xf32, #tpu.memory_space<vmem>>) target(%dma_start3A_24 : memref<40x128xf32, #tpu.memory_space<vmem_shared>>) target_semaphore(%arg18 : memref<!tpu.dma_semaphore, #tpu.memory_space<semaphore_mem>>)
    %add3A_25 = arith.constant 120 : i32
    %add3A_26 = arith.addi %mul3A_7, %add3A_25 : i32
    %dma_start3A_27 = arith.constant 0 : i32
    %dma_start3A_28 = tpu.memref_slice %arg19[%add3A_26, %dma_start3A_27] : memref<10240x128xf32, #tpu.memory_space<vmem_shared>> -> memref<40x128xf32, #tpu.memory_space<vmem_shared>>
    %dma_start3A_29 = arith.constant 0 : i32
    %dma_start3A_30 = tpu.memref_slice %arg19[%add3A_26, %dma_start3A_29] : memref<10240x128xf32, #tpu.memory_space<vmem_shared>> -> memref<40x128xf32, #tpu.memory_space<vmem_shared>>
    tpu.enqueue_dma source(%arg10 : memref<40x128xf32, #tpu.memory_space<vmem>>) target(%dma_start3A_30 : memref<40x128xf32, #tpu.memory_space<vmem_shared>>) target_semaphore(%arg18 : memref<!tpu.dma_semaphore, #tpu.memory_space<semaphore_mem>>)
    %add3A_31 = arith.constant 160 : i32
    %add3A_32 = arith.addi %mul3A_7, %add3A_31 : i32
    %dma_start3A_33 = arith.constant 0 : i32
    %dma_start3A_34 = tpu.memref_slice %arg19[%add3A_32, %dma_start3A_33] : memref<10240x128xf32, #tpu.memory_space<vmem_shared>> -> memref<40x128xf32, #tpu.memory_space<vmem_shared>>
    %dma_start3A_35 = arith.constant 0 : i32
    %dma_start3A_36 = tpu.memref_slice %arg19[%add3A_32, %dma_start3A_35] : memref<10240x128xf32, #tpu.memory_space<vmem_shared>> -> memref<40x128xf32, #tpu.memory_space<vmem_shared>>
    tpu.enqueue_dma source(%arg10 : memref<40x128xf32, #tpu.memory_space<vmem>>) target(%dma_start3A_36 : memref<40x128xf32, #tpu.memory_space<vmem_shared>>) target_semaphore(%arg18 : memref<!tpu.dma_semaphore, #tpu.memory_space<semaphore_mem>>)
    %add3A_37 = arith.constant 200 : i32
    %add3A_38 = arith.addi %mul3A_7, %add3A_37 : i32
    %dma_start3A_39 = arith.constant 0 : i32
    %dma_start3A_40 = tpu.memref_slice %arg19[%add3A_38, %dma_start3A_39] : memref<10240x128xf32, #tpu.memory_space<vmem_shared>> -> memref<40x128xf32, #tpu.memory_space<vmem_shared>>
    %dma_start3A_41 = arith.constant 0 : i32
    %dma_start3A_42 = tpu.memref_slice %arg19[%add3A_38, %dma_start3A_41] : memref<10240x128xf32, #tpu.memory_space<vmem_shared>> -> memref<40x128xf32, #tpu.memory_space<vmem_shared>>
    tpu.enqueue_dma source(%arg10 : memref<40x128xf32, #tpu.memory_space<vmem>>) target(%dma_start3A_42 : memref<40x128xf32, #tpu.memory_space<vmem_shared>>) target_semaphore(%arg18 : memref<!tpu.dma_semaphore, #tpu.memory_space<semaphore_mem>>)
    %add3A_43 = arith.constant 240 : i32
    %add3A_44 = arith.addi %mul3A_7, %add3A_43 : i32
    %dma_start3A_45 = arith.constant 0 : i32
    %dma_start3A_46 = tpu.memref_slice %arg19[%add3A_44, %dma_start3A_45] : memref<10240x128xf32, #tpu.memory_space<vmem_shared>> -> memref<40x128xf32, #tpu.memory_space<vmem_shared>>
    %dma_start3A_47 = arith.constant 0 : i32
    %dma_start3A_48 = tpu.memref_slice %arg19[%add3A_44, %dma_start3A_47] : memref<10240x128xf32, #tpu.memory_space<vmem_shared>> -> memref<40x128xf32, #tpu.memory_space<vmem_shared>>
    tpu.enqueue_dma source(%arg10 : memref<40x128xf32, #tpu.memory_space<vmem>>) target(%dma_start3A_48 : memref<40x128xf32, #tpu.memory_space<vmem_shared>>) target_semaphore(%arg18 : memref<!tpu.dma_semaphore, #tpu.memory_space<semaphore_mem>>)
    %add3A_49 = arith.constant 280 : i32
    %add3A_50 = arith.addi %mul3A_7, %add3A_49 : i32
    %dma_start3A_51 = arith.constant 0 : i32
    %dma_start3A_52 = tpu.memref_slice %arg19[%add3A_50, %dma_start3A_51] : memref<10240x128xf32, #tpu.memory_space<vmem_shared>> -> memref<40x128xf32, #tpu.memory_space<vmem_shared>>
    %dma_start3A_53 = arith.constant 0 : i32
    %dma_start3A_54 = tpu.memref_slice %arg19[%add3A_50, %dma_start3A_53] : memref<10240x128xf32, #tpu.memory_space<vmem_shared>> -> memref<40x128xf32, #tpu.memory_space<vmem_shared>>
    tpu.enqueue_dma source(%arg10 : memref<40x128xf32, #tpu.memory_space<vmem>>) target(%dma_start3A_54 : memref<40x128xf32, #tpu.memory_space<vmem_shared>>) target_semaphore(%arg18 : memref<!tpu.dma_semaphore, #tpu.memory_space<semaphore_mem>>)
    %add3A_55 = arith.constant 320 : i32
    %add3A_56 = arith.addi %mul3A_7, %add3A_55 : i32
    %dma_start3A_57 = arith.constant 0 : i32
    %dma_start3A_58 = tpu.memref_slice %arg19[%add3A_56, %dma_start3A_57] : memref<10240x128xf32, #tpu.memory_space<vmem_shared>> -> memref<40x128xf32, #tpu.memory_space<vmem_shared>>
    %dma_start3A_59 = arith.constant 0 : i32
    %dma_start3A_60 = tpu.memref_slice %arg19[%add3A_56, %dma_start3A_59] : memref<10240x128xf32, #tpu.memory_space<vmem_shared>> -> memref<40x128xf32, #tpu.memory_space<vmem_shared>>
    tpu.enqueue_dma source(%arg10 : memref<40x128xf32, #tpu.memory_space<vmem>>) target(%dma_start3A_60 : memref<40x128xf32, #tpu.memory_space<vmem_shared>>) target_semaphore(%arg18 : memref<!tpu.dma_semaphore, #tpu.memory_space<semaphore_mem>>)
    %add3A_61 = arith.constant 360 : i32
    %add3A_62 = arith.addi %mul3A_7, %add3A_61 : i32
    %dma_start3A_63 = arith.constant 0 : i32
    %dma_start3A_64 = tpu.memref_slice %arg19[%add3A_62, %dma_start3A_63] : memref<10240x128xf32, #tpu.memory_space<vmem_shared>> -> memref<40x128xf32, #tpu.memory_space<vmem_shared>>
    %dma_start3A_65 = arith.constant 0 : i32
    %dma_start3A_66 = tpu.memref_slice %arg19[%add3A_62, %dma_start3A_65] : memref<10240x128xf32, #tpu.memory_space<vmem_shared>> -> memref<40x128xf32, #tpu.memory_space<vmem_shared>>
    tpu.enqueue_dma source(%arg10 : memref<40x128xf32, #tpu.memory_space<vmem>>) target(%dma_start3A_66 : memref<40x128xf32, #tpu.memory_space<vmem_shared>>) target_semaphore(%arg18 : memref<!tpu.dma_semaphore, #tpu.memory_space<semaphore_mem>>)
    %add3A_67 = arith.constant 400 : i32
    %add3A_68 = arith.addi %mul3A_7, %add3A_67 : i32
    %dma_start3A_69 = arith.constant 0 : i32
    %dma_start3A_70 = tpu.memref_slice %arg19[%add3A_68, %dma_start3A_69] : memref<10240x128xf32, #tpu.memory_space<vmem_shared>> -> memref<40x128xf32, #tpu.memory_space<vmem_shared>>
    %dma_start3A_71 = arith.constant 0 : i32
    %dma_start3A_72 = tpu.memref_slice %arg19[%add3A_68, %dma_start3A_71] : memref<10240x128xf32, #tpu.memory_space<vmem_shared>> -> memref<40x128xf32, #tpu.memory_space<vmem_shared>>
    tpu.enqueue_dma source(%arg10 : memref<40x128xf32, #tpu.memory_space<vmem>>) target(%dma_start3A_72 : memref<40x128xf32, #tpu.memory_space<vmem_shared>>) target_semaphore(%arg18 : memref<!tpu.dma_semaphore, #tpu.memory_space<semaphore_mem>>)
    %add3A_73 = arith.constant 440 : i32
    %add3A_74 = arith.addi %mul3A_7, %add3A_73 : i32
    %dma_start3A_75 = arith.constant 0 : i32
    %dma_start3A_76 = tpu.memref_slice %arg19[%add3A_74, %dma_start3A_75] : memref<10240x128xf32, #tpu.memory_space<vmem_shared>> -> memref<40x128xf32, #tpu.memory_space<vmem_shared>>
    %dma_start3A_77 = arith.constant 0 : i32
    %dma_start3A_78 = tpu.memref_slice %arg19[%add3A_74, %dma_start3A_77] : memref<10240x128xf32, #tpu.memory_space<vmem_shared>> -> memref<40x128xf32, #tpu.memory_space<vmem_shared>>
    tpu.enqueue_dma source(%arg10 : memref<40x128xf32, #tpu.memory_space<vmem>>) target(%dma_start3A_78 : memref<40x128xf32, #tpu.memory_space<vmem_shared>>) target_semaphore(%arg18 : memref<!tpu.dma_semaphore, #tpu.memory_space<semaphore_mem>>)
    %add3A_79 = arith.constant 480 : i32
    %add3A_80 = arith.addi %mul3A_7, %add3A_79 : i32
    %dma_start3A_81 = arith.constant 0 : i32
    %dma_start3A_82 = tpu.memref_slice %arg19[%add3A_80, %dma_start3A_81] : memref<10240x128xf32, #tpu.memory_space<vmem_shared>> -> memref<40x128xf32, #tpu.memory_space<vmem_shared>>
    %dma_start3A_83 = arith.constant 0 : i32
    %dma_start3A_84 = tpu.memref_slice %arg19[%add3A_80, %dma_start3A_83] : memref<10240x128xf32, #tpu.memory_space<vmem_shared>> -> memref<40x128xf32, #tpu.memory_space<vmem_shared>>
    tpu.enqueue_dma source(%arg10 : memref<40x128xf32, #tpu.memory_space<vmem>>) target(%dma_start3A_84 : memref<40x128xf32, #tpu.memory_space<vmem_shared>>) target_semaphore(%arg18 : memref<!tpu.dma_semaphore, #tpu.memory_space<semaphore_mem>>)
    %add3A_85 = arith.constant 520 : i32
    %add3A_86 = arith.addi %mul3A_7, %add3A_85 : i32
    %dma_start3A_87 = arith.constant 0 : i32
    %dma_start3A_88 = tpu.memref_slice %arg19[%add3A_86, %dma_start3A_87] : memref<10240x128xf32, #tpu.memory_space<vmem_shared>> -> memref<40x128xf32, #tpu.memory_space<vmem_shared>>
    %dma_start3A_89 = arith.constant 0 : i32
    %dma_start3A_90 = tpu.memref_slice %arg19[%add3A_86, %dma_start3A_89] : memref<10240x128xf32, #tpu.memory_space<vmem_shared>> -> memref<40x128xf32, #tpu.memory_space<vmem_shared>>
    tpu.enqueue_dma source(%arg10 : memref<40x128xf32, #tpu.memory_space<vmem>>) target(%dma_start3A_90 : memref<40x128xf32, #tpu.memory_space<vmem_shared>>) target_semaphore(%arg18 : memref<!tpu.dma_semaphore, #tpu.memory_space<semaphore_mem>>)
    %add3A_91 = arith.constant 560 : i32
    %add3A_92 = arith.addi %mul3A_7, %add3A_91 : i32
    %dma_start3A_93 = arith.constant 0 : i32
    %dma_start3A_94 = tpu.memref_slice %arg19[%add3A_92, %dma_start3A_93] : memref<10240x128xf32, #tpu.memory_space<vmem_shared>> -> memref<40x128xf32, #tpu.memory_space<vmem_shared>>
    %dma_start3A_95 = arith.constant 0 : i32
    %dma_start3A_96 = tpu.memref_slice %arg19[%add3A_92, %dma_start3A_95] : memref<10240x128xf32, #tpu.memory_space<vmem_shared>> -> memref<40x128xf32, #tpu.memory_space<vmem_shared>>
    tpu.enqueue_dma source(%arg10 : memref<40x128xf32, #tpu.memory_space<vmem>>) target(%dma_start3A_96 : memref<40x128xf32, #tpu.memory_space<vmem_shared>>) target_semaphore(%arg18 : memref<!tpu.dma_semaphore, #tpu.memory_space<semaphore_mem>>)
    %add3A_97 = arith.constant 600 : i32
    %add3A_98 = arith.addi %mul3A_7, %add3A_97 : i32
    %dma_start3A_99 = arith.constant 0 : i32
    %dma_start3A_100 = tpu.memref_slice %arg19[%add3A_98, %dma_start3A_99] : memref<10240x128xf32, #tpu.memory_space<vmem_shared>> -> memref<40x128xf32, #tpu.memory_space<vmem_shared>>
    %dma_start3A_101 = arith.constant 0 : i32
    %dma_start3A_102 = tpu.memref_slice %arg19[%add3A_98, %dma_start3A_101] : memref<10240x128xf32, #tpu.memory_space<vmem_shared>> -> memref<40x128xf32, #tpu.memory_space<vmem_shared>>
    tpu.enqueue_dma source(%arg10 : memref<40x128xf32, #tpu.memory_space<vmem>>) target(%dma_start3A_102 : memref<40x128xf32, #tpu.memory_space<vmem_shared>>) target_semaphore(%arg18 : memref<!tpu.dma_semaphore, #tpu.memory_space<semaphore_mem>>)
    %add3A_103 = arith.constant 0 : i32
    %add3A_104 = arith.addi %mul3A_7, %add3A_103 : i32
    %dma_wait3A = arith.constant 0 : i32
    %dma_wait3A_105 = tpu.memref_slice %arg19[%add3A_104, %dma_wait3A] : memref<10240x128xf32, #tpu.memory_space<vmem_shared>> -> memref<40x128xf32, #tpu.memory_space<vmem_shared>>
    %dma_wait3A_106 = arith.constant 0 : i32
    %dma_wait3A_107 = tpu.memref_slice %arg19[%add3A_104, %dma_wait3A_106] : memref<10240x128xf32, #tpu.memory_space<vmem_shared>> -> memref<40x128xf32, #tpu.memory_space<vmem_shared>>
    tpu.wait_dma2 semaphore(%arg18 : memref<!tpu.dma_semaphore, #tpu.memory_space<semaphore_mem>>) src(%arg10 : memref<40x128xf32, #tpu.memory_space<vmem>>) dst(%dma_wait3A_107 : memref<40x128xf32, #tpu.memory_space<vmem_shared>>)
    %add3A_108 = arith.constant 40 : i32
    %add3A_109 = arith.addi %mul3A_7, %add3A_108 : i32
    %dma_wait3A_110 = arith.constant 0 : i32
    %dma_wait3A_111 = tpu.memref_slice %arg19[%add3A_109, %dma_wait3A_110] : memref<10240x128xf32, #tpu.memory_space<vmem_shared>> -> memref<40x128xf32, #tpu.memory_space<vmem_shared>>
    %dma_wait3A_112 = arith.constant 0 : i32
    %dma_wait3A_113 = tpu.memref_slice %arg19[%add3A_109, %dma_wait3A_112] : memref<10240x128xf32, #tpu.memory_space<vmem_shared>> -> memref<40x128xf32, #tpu.memory_space<vmem_shared>>
    tpu.wait_dma2 semaphore(%arg18 : memref<!tpu.dma_semaphore, #tpu.memory_space<semaphore_mem>>) src(%arg10 : memref<40x128xf32, #tpu.memory_space<vmem>>) dst(%dma_wait3A_113 : memref<40x128xf32, #tpu.memory_space<vmem_shared>>)
    %add3A_114 = arith.constant 80 : i32
    %add3A_115 = arith.addi %mul3A_7, %add3A_114 : i32
    %dma_wait3A_116 = arith.constant 0 : i32
    %dma_wait3A_117 = tpu.memref_slice %arg19[%add3A_115, %dma_wait3A_116] : memref<10240x128xf32, #tpu.memory_space<vmem_shared>> -> memref<40x128xf32, #tpu.memory_space<vmem_shared>>
    %dma_wait3A_118 = arith.constant 0 : i32
    %dma_wait3A_119 = tpu.memref_slice %arg19[%add3A_115, %dma_wait3A_118] : memref<10240x128xf32, #tpu.memory_space<vmem_shared>> -> memref<40x128xf32, #tpu.memory_space<vmem_shared>>
    tpu.wait_dma2 semaphore(%arg18 : memref<!tpu.dma_semaphore, #tpu.memory_space<semaphore_mem>>) src(%arg10 : memref<40x128xf32, #tpu.memory_space<vmem>>) dst(%dma_wait3A_119 : memref<40x128xf32, #tpu.memory_space<vmem_shared>>)
    %add3A_120 = arith.constant 120 : i32
    %add3A_121 = arith.addi %mul3A_7, %add3A_120 : i32
    %dma_wait3A_122 = arith.constant 0 : i32
    %dma_wait3A_123 = tpu.memref_slice %arg19[%add3A_121, %dma_wait3A_122] : memref<10240x128xf32, #tpu.memory_space<vmem_shared>> -> memref<40x128xf32, #tpu.memory_space<vmem_shared>>
    %dma_wait3A_124 = arith.constant 0 : i32
    %dma_wait3A_125 = tpu.memref_slice %arg19[%add3A_121, %dma_wait3A_124] : memref<10240x128xf32, #tpu.memory_space<vmem_shared>> -> memref<40x128xf32, #tpu.memory_space<vmem_shared>>
    tpu.wait_dma2 semaphore(%arg18 : memref<!tpu.dma_semaphore, #tpu.memory_space<semaphore_mem>>) src(%arg10 : memref<40x128xf32, #tpu.memory_space<vmem>>) dst(%dma_wait3A_125 : memref<40x128xf32, #tpu.memory_space<vmem_shared>>)
    %add3A_126 = arith.constant 160 : i32
    %add3A_127 = arith.addi %mul3A_7, %add3A_126 : i32
    %dma_wait3A_128 = arith.constant 0 : i32
    %dma_wait3A_129 = tpu.memref_slice %arg19[%add3A_127, %dma_wait3A_128] : memref<10240x128xf32, #tpu.memory_space<vmem_shared>> -> memref<40x128xf32, #tpu.memory_space<vmem_shared>>
    %dma_wait3A_130 = arith.constant 0 : i32
    %dma_wait3A_131 = tpu.memref_slice %arg19[%add3A_127, %dma_wait3A_130] : memref<10240x128xf32, #tpu.memory_space<vmem_shared>> -> memref<40x128xf32, #tpu.memory_space<vmem_shared>>
    tpu.wait_dma2 semaphore(%arg18 : memref<!tpu.dma_semaphore, #tpu.memory_space<semaphore_mem>>) src(%arg10 : memref<40x128xf32, #tpu.memory_space<vmem>>) dst(%dma_wait3A_131 : memref<40x128xf32, #tpu.memory_space<vmem_shared>>)
    %add3A_132 = arith.constant 200 : i32
    %add3A_133 = arith.addi %mul3A_7, %add3A_132 : i32
    %dma_wait3A_134 = arith.constant 0 : i32
    %dma_wait3A_135 = tpu.memref_slice %arg19[%add3A_133, %dma_wait3A_134] : memref<10240x128xf32, #tpu.memory_space<vmem_shared>> -> memref<40x128xf32, #tpu.memory_space<vmem_shared>>
    %dma_wait3A_136 = arith.constant 0 : i32
    %dma_wait3A_137 = tpu.memref_slice %arg19[%add3A_133, %dma_wait3A_136] : memref<10240x128xf32, #tpu.memory_space<vmem_shared>> -> memref<40x128xf32, #tpu.memory_space<vmem_shared>>
    tpu.wait_dma2 semaphore(%arg18 : memref<!tpu.dma_semaphore, #tpu.memory_space<semaphore_mem>>) src(%arg10 : memref<40x128xf32, #tpu.memory_space<vmem>>) dst(%dma_wait3A_137 : memref<40x128xf32, #tpu.memory_space<vmem_shared>>)
    %add3A_138 = arith.constant 240 : i32
    %add3A_139 = arith.addi %mul3A_7, %add3A_138 : i32
    %dma_wait3A_140 = arith.constant 0 : i32
    %dma_wait3A_141 = tpu.memref_slice %arg19[%add3A_139, %dma_wait3A_140] : memref<10240x128xf32, #tpu.memory_space<vmem_shared>> -> memref<40x128xf32, #tpu.memory_space<vmem_shared>>
    %dma_wait3A_142 = arith.constant 0 : i32
    %dma_wait3A_143 = tpu.memref_slice %arg19[%add3A_139, %dma_wait3A_142] : memref<10240x128xf32, #tpu.memory_space<vmem_shared>> -> memref<40x128xf32, #tpu.memory_space<vmem_shared>>
    tpu.wait_dma2 semaphore(%arg18 : memref<!tpu.dma_semaphore, #tpu.memory_space<semaphore_mem>>) src(%arg10 : memref<40x128xf32, #tpu.memory_space<vmem>>) dst(%dma_wait3A_143 : memref<40x128xf32, #tpu.memory_space<vmem_shared>>)
    %add3A_144 = arith.constant 280 : i32
    %add3A_145 = arith.addi %mul3A_7, %add3A_144 : i32
    %dma_wait3A_146 = arith.constant 0 : i32
    %dma_wait3A_147 = tpu.memref_slice %arg19[%add3A_145, %dma_wait3A_146] : memref<10240x128xf32, #tpu.memory_space<vmem_shared>> -> memref<40x128xf32, #tpu.memory_space<vmem_shared>>
    %dma_wait3A_148 = arith.constant 0 : i32
    %dma_wait3A_149 = tpu.memref_slice %arg19[%add3A_145, %dma_wait3A_148] : memref<10240x128xf32, #tpu.memory_space<vmem_shared>> -> memref<40x128xf32, #tpu.memory_space<vmem_shared>>
    tpu.wait_dma2 semaphore(%arg18 : memref<!tpu.dma_semaphore, #tpu.memory_space<semaphore_mem>>) src(%arg10 : memref<40x128xf32, #tpu.memory_space<vmem>>) dst(%dma_wait3A_149 : memref<40x128xf32, #tpu.memory_space<vmem_shared>>)
    %add3A_150 = arith.constant 320 : i32
    %add3A_151 = arith.addi %mul3A_7, %add3A_150 : i32
    %dma_wait3A_152 = arith.constant 0 : i32
    %dma_wait3A_153 = tpu.memref_slice %arg19[%add3A_151, %dma_wait3A_152] : memref<10240x128xf32, #tpu.memory_space<vmem_shared>> -> memref<40x128xf32, #tpu.memory_space<vmem_shared>>
    %dma_wait3A_154 = arith.constant 0 : i32
    %dma_wait3A_155 = tpu.memref_slice %arg19[%add3A_151, %dma_wait3A_154] : memref<10240x128xf32, #tpu.memory_space<vmem_shared>> -> memref<40x128xf32, #tpu.memory_space<vmem_shared>>
    tpu.wait_dma2 semaphore(%arg18 : memref<!tpu.dma_semaphore, #tpu.memory_space<semaphore_mem>>) src(%arg10 : memref<40x128xf32, #tpu.memory_space<vmem>>) dst(%dma_wait3A_155 : memref<40x128xf32, #tpu.memory_space<vmem_shared>>)
    %add3A_156 = arith.constant 360 : i32
    %add3A_157 = arith.addi %mul3A_7, %add3A_156 : i32
    %dma_wait3A_158 = arith.constant 0 : i32
    %dma_wait3A_159 = tpu.memref_slice %arg19[%add3A_157, %dma_wait3A_158] : memref<10240x128xf32, #tpu.memory_space<vmem_shared>> -> memref<40x128xf32, #tpu.memory_space<vmem_shared>>
    %dma_wait3A_160 = arith.constant 0 : i32
    %dma_wait3A_161 = tpu.memref_slice %arg19[%add3A_157, %dma_wait3A_160] : memref<10240x128xf32, #tpu.memory_space<vmem_shared>> -> memref<40x128xf32, #tpu.memory_space<vmem_shared>>
    tpu.wait_dma2 semaphore(%arg18 : memref<!tpu.dma_semaphore, #tpu.memory_space<semaphore_mem>>) src(%arg10 : memref<40x128xf32, #tpu.memory_space<vmem>>) dst(%dma_wait3A_161 : memref<40x128xf32, #tpu.memory_space<vmem_shared>>)
    %add3A_162 = arith.constant 400 : i32
    %add3A_163 = arith.addi %mul3A_7, %add3A_162 : i32
    %dma_wait3A_164 = arith.constant 0 : i32
    %dma_wait3A_165 = tpu.memref_slice %arg19[%add3A_163, %dma_wait3A_164] : memref<10240x128xf32, #tpu.memory_space<vmem_shared>> -> memref<40x128xf32, #tpu.memory_space<vmem_shared>>
    %dma_wait3A_166 = arith.constant 0 : i32
    %dma_wait3A_167 = tpu.memref_slice %arg19[%add3A_163, %dma_wait3A_166] : memref<10240x128xf32, #tpu.memory_space<vmem_shared>> -> memref<40x128xf32, #tpu.memory_space<vmem_shared>>
    tpu.wait_dma2 semaphore(%arg18 : memref<!tpu.dma_semaphore, #tpu.memory_space<semaphore_mem>>) src(%arg10 : memref<40x128xf32, #tpu.memory_space<vmem>>) dst(%dma_wait3A_167 : memref<40x128xf32, #tpu.memory_space<vmem_shared>>)
    %add3A_168 = arith.constant 440 : i32
    %add3A_169 = arith.addi %mul3A_7, %add3A_168 : i32
    %dma_wait3A_170 = arith.constant 0 : i32
    %dma_wait3A_171 = tpu.memref_slice %arg19[%add3A_169, %dma_wait3A_170] : memref<10240x128xf32, #tpu.memory_space<vmem_shared>> -> memref<40x128xf32, #tpu.memory_space<vmem_shared>>
    %dma_wait3A_172 = arith.constant 0 : i32
    %dma_wait3A_173 = tpu.memref_slice %arg19[%add3A_169, %dma_wait3A_172] : memref<10240x128xf32, #tpu.memory_space<vmem_shared>> -> memref<40x128xf32, #tpu.memory_space<vmem_shared>>
    tpu.wait_dma2 semaphore(%arg18 : memref<!tpu.dma_semaphore, #tpu.memory_space<semaphore_mem>>) src(%arg10 : memref<40x128xf32, #tpu.memory_space<vmem>>) dst(%dma_wait3A_173 : memref<40x128xf32, #tpu.memory_space<vmem_shared>>)
    %add3A_174 = arith.constant 480 : i32
    %add3A_175 = arith.addi %mul3A_7, %add3A_174 : i32
    %dma_wait3A_176 = arith.constant 0 : i32
    %dma_wait3A_177 = tpu.memref_slice %arg19[%add3A_175, %dma_wait3A_176] : memref<10240x128xf32, #tpu.memory_space<vmem_shared>> -> memref<40x128xf32, #tpu.memory_space<vmem_shared>>
    %dma_wait3A_178 = arith.constant 0 : i32
    %dma_wait3A_179 = tpu.memref_slice %arg19[%add3A_175, %dma_wait3A_178] : memref<10240x128xf32, #tpu.memory_space<vmem_shared>> -> memref<40x128xf32, #tpu.memory_space<vmem_shared>>
    tpu.wait_dma2 semaphore(%arg18 : memref<!tpu.dma_semaphore, #tpu.memory_space<semaphore_mem>>) src(%arg10 : memref<40x128xf32, #tpu.memory_space<vmem>>) dst(%dma_wait3A_179 : memref<40x128xf32, #tpu.memory_space<vmem_shared>>)
    %add3A_180 = arith.constant 520 : i32
    %add3A_181 = arith.addi %mul3A_7, %add3A_180 : i32
    %dma_wait3A_182 = arith.constant 0 : i32
    %dma_wait3A_183 = tpu.memref_slice %arg19[%add3A_181, %dma_wait3A_182] : memref<10240x128xf32, #tpu.memory_space<vmem_shared>> -> memref<40x128xf32, #tpu.memory_space<vmem_shared>>
    %dma_wait3A_184 = arith.constant 0 : i32
    %dma_wait3A_185 = tpu.memref_slice %arg19[%add3A_181, %dma_wait3A_184] : memref<10240x128xf32, #tpu.memory_space<vmem_shared>> -> memref<40x128xf32, #tpu.memory_space<vmem_shared>>
    tpu.wait_dma2 semaphore(%arg18 : memref<!tpu.dma_semaphore, #tpu.memory_space<semaphore_mem>>) src(%arg10 : memref<40x128xf32, #tpu.memory_space<vmem>>) dst(%dma_wait3A_185 : memref<40x128xf32, #tpu.memory_space<vmem_shared>>)
    %add3A_186 = arith.constant 560 : i32
    %add3A_187 = arith.addi %mul3A_7, %add3A_186 : i32
    %dma_wait3A_188 = arith.constant 0 : i32
    %dma_wait3A_189 = tpu.memref_slice %arg19[%add3A_187, %dma_wait3A_188] : memref<10240x128xf32, #tpu.memory_space<vmem_shared>> -> memref<40x128xf32, #tpu.memory_space<vmem_shared>>
    %dma_wait3A_190 = arith.constant 0 : i32
    %dma_wait3A_191 = tpu.memref_slice %arg19[%add3A_187, %dma_wait3A_190] : memref<10240x128xf32, #tpu.memory_space<vmem_shared>> -> memref<40x128xf32, #tpu.memory_space<vmem_shared>>
    tpu.wait_dma2 semaphore(%arg18 : memref<!tpu.dma_semaphore, #tpu.memory_space<semaphore_mem>>) src(%arg10 : memref<40x128xf32, #tpu.memory_space<vmem>>) dst(%dma_wait3A_191 : memref<40x128xf32, #tpu.memory_space<vmem_shared>>)
    %add3A_192 = arith.constant 600 : i32
    %add3A_193 = arith.addi %mul3A_7, %add3A_192 : i32
    %dma_wait3A_194 = arith.constant 0 : i32
    %dma_wait3A_195 = tpu.memref_slice %arg19[%add3A_193, %dma_wait3A_194] : memref<10240x128xf32, #tpu.memory_space<vmem_shared>> -> memref<40x128xf32, #tpu.memory_space<vmem_shared>>
    %dma_wait3A_196 = arith.constant 0 : i32
    %dma_wait3A_197 = tpu.memref_slice %arg19[%add3A_193, %dma_wait3A_196] : memref<10240x128xf32, #tpu.memory_space<vmem_shared>> -> memref<40x128xf32, #tpu.memory_space<vmem_shared>>
    tpu.wait_dma2 semaphore(%arg18 : memref<!tpu.dma_semaphore, #tpu.memory_space<semaphore_mem>>) src(%arg10 : memref<40x128xf32, #tpu.memory_space<vmem>>) dst(%dma_wait3A_197 : memref<40x128xf32, #tpu.memory_space<vmem_shared>>)
    %barrier3A = arith.constant 0 : index
    tpu.barrier barrier_id(%barrier3A)
    %run_scoped3A = arith.constant 0 : i32
    "tpu.region"() ({
      %run_scoped3A_259 = tpu.sem_alloc : memref<!tpu.dma_semaphore, #tpu.memory_space<semaphore_mem>>
      %dma_start3A_260 = arith.constant 0 : i32
      %dma_start3A_261 = arith.constant 0 : i32
      %dma_start3A_262 = tpu.memref_slice %arg3[%add3A, %run_scoped3A, %dma_start3A_260, %dma_start3A_261] : memref<32x10x25x40xi32, #tpu.memory_space<hbm>> -> memref<1x1x25x40xi32, #tpu.memory_space<hbm>>
      %dma_start3A_263 = tpu.memref_squeeze %dma_start3A_262 : memref<1x1x25x40xi32, #tpu.memory_space<hbm>> -> memref<25x40xi32, #tpu.memory_space<hbm>>
      %dma_start3A_264 = arith.constant 0 : i32
      %dma_start3A_265 = arith.constant 0 : i32
      %dma_start3A_266 = tpu.memref_slice %arg3[%add3A, %run_scoped3A, %dma_start3A_264, %dma_start3A_265] : memref<32x10x25x40xi32, #tpu.memory_space<hbm>> -> memref<1x1x25x40xi32, #tpu.memory_space<hbm>>
      %dma_start3A_267 = tpu.memref_squeeze %dma_start3A_266 : memref<1x1x25x40xi32, #tpu.memory_space<hbm>> -> memref<25x40xi32, #tpu.memory_space<hbm>>
      tpu.enqueue_dma source(%dma_start3A_267 : memref<25x40xi32, #tpu.memory_space<hbm>>) target(%arg6 : memref<25x40xi32, #tpu.memory_space<vmem>>) target_semaphore(%run_scoped3A_259 : memref<!tpu.dma_semaphore, #tpu.memory_space<semaphore_mem>>)
      %dma_wait3A_268 = arith.constant 0 : i32
      %dma_wait3A_269 = arith.constant 0 : i32
      %dma_wait3A_270 = tpu.memref_slice %arg3[%add3A, %run_scoped3A, %dma_wait3A_268, %dma_wait3A_269] : memref<32x10x25x40xi32, #tpu.memory_space<hbm>> -> memref<1x1x25x40xi32, #tpu.memory_space<hbm>>
      %dma_wait3A_271 = tpu.memref_squeeze %dma_wait3A_270 : memref<1x1x25x40xi32, #tpu.memory_space<hbm>> -> memref<25x40xi32, #tpu.memory_space<hbm>>
      %dma_wait3A_272 = arith.constant 0 : i32
      %dma_wait3A_273 = arith.constant 0 : i32
      %dma_wait3A_274 = tpu.memref_slice %arg3[%add3A, %run_scoped3A, %dma_wait3A_272, %dma_wait3A_273] : memref<32x10x25x40xi32, #tpu.memory_space<hbm>> -> memref<1x1x25x40xi32, #tpu.memory_space<hbm>>
      %dma_wait3A_275 = tpu.memref_squeeze %dma_wait3A_274 : memref<1x1x25x40xi32, #tpu.memory_space<hbm>> -> memref<25x40xi32, #tpu.memory_space<hbm>>
      tpu.wait_dma2 semaphore(%run_scoped3A_259 : memref<!tpu.dma_semaphore, #tpu.memory_space<semaphore_mem>>) src(%dma_wait3A_275 : memref<25x40xi32, #tpu.memory_space<hbm>>) dst(%arg6 : memref<25x40xi32, #tpu.memory_space<vmem>>)
      tpu.yield
    }) : () -> ()
    %run_scoped3A_198 = arith.constant 1 : i32
    %run_scoped3A_199 = arith.constant 0 : i32
    "tpu.region"() ({
      %run_scoped3A_259 = tpu.sem_alloc : memref<!tpu.dma_semaphore, #tpu.memory_space<semaphore_mem>>
      %dma_start3A_260 = arith.constant 0 : i32
      %dma_start3A_261 = arith.constant 0 : i32
      %dma_start3A_262 = tpu.memref_slice %arg4[%run_scoped3A_198, %add3A, %run_scoped3A_199, %dma_start3A_260, %dma_start3A_261] : memref<2x32x10x25x40xi32, #tpu.memory_space<hbm>> -> memref<1x1x1x25x40xi32, #tpu.memory_space<hbm>>
      %dma_start3A_263 = tpu.memref_squeeze %dma_start3A_262 : memref<1x1x1x25x40xi32, #tpu.memory_space<hbm>> -> memref<25x40xi32, #tpu.memory_space<hbm>>
      %dma_start3A_264 = arith.constant 0 : i32
      %dma_start3A_265 = arith.constant 0 : i32
      %dma_start3A_266 = tpu.memref_slice %arg4[%run_scoped3A_198, %add3A, %run_scoped3A_199, %dma_start3A_264, %dma_start3A_265] : memref<2x32x10x25x40xi32, #tpu.memory_space<hbm>> -> memref<1x1x1x25x40xi32, #tpu.memory_space<hbm>>
      %dma_start3A_267 = tpu.memref_squeeze %dma_start3A_266 : memref<1x1x1x25x40xi32, #tpu.memory_space<hbm>> -> memref<25x40xi32, #tpu.memory_space<hbm>>
      tpu.enqueue_dma source(%dma_start3A_267 : memref<25x40xi32, #tpu.memory_space<hbm>>) target(%arg7 : memref<25x40xi32, #tpu.memory_space<vmem>>) target_semaphore(%run_scoped3A_259 : memref<!tpu.dma_semaphore, #tpu.memory_space<semaphore_mem>>)
      %dma_wait3A_268 = arith.constant 0 : i32
      %dma_wait3A_269 = arith.constant 0 : i32
      %dma_wait3A_270 = tpu.memref_slice %arg4[%run_scoped3A_198, %add3A, %run_scoped3A_199, %dma_wait3A_268, %dma_wait3A_269] : memref<2x32x10x25x40xi32, #tpu.memory_space<hbm>> -> memref<1x1x1x25x40xi32, #tpu.memory_space<hbm>>
      %dma_wait3A_271 = tpu.memref_squeeze %dma_wait3A_270 : memref<1x1x1x25x40xi32, #tpu.memory_space<hbm>> -> memref<25x40xi32, #tpu.memory_space<hbm>>
      %dma_wait3A_272 = arith.constant 0 : i32
      %dma_wait3A_273 = arith.constant 0 : i32
      %dma_wait3A_274 = tpu.memref_slice %arg4[%run_scoped3A_198, %add3A, %run_scoped3A_199, %dma_wait3A_272, %dma_wait3A_273] : memref<2x32x10x25x40xi32, #tpu.memory_space<hbm>> -> memref<1x1x1x25x40xi32, #tpu.memory_space<hbm>>
      %dma_wait3A_275 = tpu.memref_squeeze %dma_wait3A_274 : memref<1x1x1x25x40xi32, #tpu.memory_space<hbm>> -> memref<25x40xi32, #tpu.memory_space<hbm>>
      tpu.wait_dma2 semaphore(%run_scoped3A_259 : memref<!tpu.dma_semaphore, #tpu.memory_space<semaphore_mem>>) src(%dma_wait3A_275 : memref<25x40xi32, #tpu.memory_space<hbm>>) dst(%arg7 : memref<25x40xi32, #tpu.memory_space<vmem>>)
      tpu.yield
    }) : () -> ()
    %scan3A_200 = arith.constant 0 : i32
    %scan3A_201 = arith.constant 0 : i32
    %scan3A_202 = arith.constant 5 : i32
    %scan3A_203 = arith.addi %scan3A_201, %scan3A_202 : i32
    %scan3A_204 = arith.constant 1 : i32
    scf.for %scan3A_259 = %scan3A_201 to %scan3A_203 step %scan3A_204  : i32 {
      %mul3A_260 = arith.constant 2 : i32
      %mul3A_261 = arith.muli %mul3A_260, %scan3A_259 : i32
      %add3A_262 = arith.constant 0 : i32
      %add3A_263 = arith.addi %mul3A_261, %add3A_262 : i32
      %add3A_264 = arith.constant 1 : i32
      %add3A_265 = arith.addi %add3A_263, %add3A_264 : i32
      %lt3A = arith.constant 10 : i32
      %lt3A_266 = arith.cmpi slt, %add3A_265, %lt3A : i32
      %convert_element_type3A = arith.extui %lt3A_266 : i1 to i32
      %cond3A = arith.constant 0 : i32
      %cond3A_267 = arith.cmpi ne, %convert_element_type3A, %cond3A : i32
      scf.if %cond3A_267 {
        %add3A_455 = arith.constant 1 : i32
        %add3A_456 = arith.addi %add3A_263, %add3A_455 : i32
        %dma_start3A_457 = arith.constant 0 : i32
        %dma_start3A_458 = arith.constant 0 : i32
        %dma_start3A_459 = tpu.memref_slice %arg3[%add3A, %add3A_456, %dma_start3A_457, %dma_start3A_458] : memref<32x10x25x40xi32, #tpu.memory_space<hbm>> -> memref<1x1x25x40xi32, #tpu.memory_space<hbm>>
        %dma_start3A_460 = tpu.memref_squeeze %dma_start3A_459 : memref<1x1x25x40xi32, #tpu.memory_space<hbm>> -> memref<25x40xi32, #tpu.memory_space<hbm>>
        %dma_start3A_461 = arith.constant 0 : i32
        %dma_start3A_462 = arith.constant 0 : i32
        %dma_start3A_463 = tpu.memref_slice %arg3[%add3A, %add3A_456, %dma_start3A_461, %dma_start3A_462] : memref<32x10x25x40xi32, #tpu.memory_space<hbm>> -> memref<1x1x25x40xi32, #tpu.memory_space<hbm>>
        %dma_start3A_464 = tpu.memref_squeeze %dma_start3A_463 : memref<1x1x25x40xi32, #tpu.memory_space<hbm>> -> memref<25x40xi32, #tpu.memory_space<hbm>>
        tpu.enqueue_dma source(%dma_start3A_464 : memref<25x40xi32, #tpu.memory_space<hbm>>) target(%arg8 : memref<25x40xi32, #tpu.memory_space<vmem>>) target_semaphore(%arg18 : memref<!tpu.dma_semaphore, #tpu.memory_space<semaphore_mem>>)
        %add3A_465 = arith.constant 1 : i32
        %add3A_466 = arith.addi %add3A_263, %add3A_465 : i32
        %dma_start3A_467 = arith.constant 1 : i32
        %dma_start3A_468 = arith.constant 0 : i32
        %dma_start3A_469 = arith.constant 0 : i32
        %dma_start3A_470 = tpu.memref_slice %arg4[%dma_start3A_467, %add3A, %add3A_466, %dma_start3A_468, %dma_start3A_469] : memref<2x32x10x25x40xi32, #tpu.memory_space<hbm>> -> memref<1x1x1x25x40xi32, #tpu.memory_space<hbm>>
        %dma_start3A_471 = tpu.memref_squeeze %dma_start3A_470 : memref<1x1x1x25x40xi32, #tpu.memory_space<hbm>> -> memref<25x40xi32, #tpu.memory_space<hbm>>
        %dma_start3A_472 = arith.constant 0 : i32
        %dma_start3A_473 = arith.constant 0 : i32
        %dma_start3A_474 = tpu.memref_slice %arg4[%dma_start3A_467, %add3A, %add3A_466, %dma_start3A_472, %dma_start3A_473] : memref<2x32x10x25x40xi32, #tpu.memory_space<hbm>> -> memref<1x1x1x25x40xi32, #tpu.memory_space<hbm>>
        %dma_start3A_475 = tpu.memref_squeeze %dma_start3A_474 : memref<1x1x1x25x40xi32, #tpu.memory_space<hbm>> -> memref<25x40xi32, #tpu.memory_space<hbm>>
        tpu.enqueue_dma source(%dma_start3A_475 : memref<25x40xi32, #tpu.memory_space<hbm>>) target(%arg9 : memref<25x40xi32, #tpu.memory_space<vmem>>) target_semaphore(%arg18 : memref<!tpu.dma_semaphore, #tpu.memory_space<semaphore_mem>>)
      } else {
      }
      %dma_start3A_268 = arith.constant 0 : i32
      %dma_start3A_269 = arith.constant 0 : i32
      %dma_start3A_270 = tpu.memref_slice %arg6[%dma_start3A_268, %dma_start3A_269] : memref<25x40xi32, #tpu.memory_space<vmem>> -> memref<1x40xi32, #tpu.memory_space<vmem>>
      %dma_start3A_271 = tpu.memref_squeeze %dma_start3A_270 : memref<1x40xi32, #tpu.memory_space<vmem>> -> memref<40xi32, #tpu.memory_space<vmem>>
      %dma_start3A_272 = arith.constant 0 : i32
      %dma_start3A_273 = arith.constant 0 : i32
      %dma_start3A_274 = tpu.memref_slice %arg2[%dma_start3A_272, %dma_start3A_273] : memref<270000x128xf32, #tpu.memory_space<hbm>> -> memref<270000x128xf32, #tpu.memory_space<hbm>>
      tpu.enqueue_indirect_dma source(%dma_start3A_274 : memref<270000x128xf32, #tpu.memory_space<hbm>>) target(%arg10 : memref<40x128xf32, #tpu.memory_space<vmem>>) offsets(%dma_start3A_271 : memref<40xi32, #tpu.memory_space<vmem>>) semaphore(%arg14 : memref<!tpu.dma_semaphore, #tpu.memory_space<semaphore_mem>>)
      %dma_start3A_275 = arith.constant 1 : i32
      %dma_start3A_276 = arith.constant 0 : i32
      %dma_start3A_277 = tpu.memref_slice %arg6[%dma_start3A_275, %dma_start3A_276] : memref<25x40xi32, #tpu.memory_space<vmem>> -> memref<1x40xi32, #tpu.memory_space<vmem>>
      %dma_start3A_278 = tpu.memref_squeeze %dma_start3A_277 : memref<1x40xi32, #tpu.memory_space<vmem>> -> memref<40xi32, #tpu.memory_space<vmem>>
      %dma_start3A_279 = arith.constant 0 : i32
      %dma_start3A_280 = arith.constant 0 : i32
      %dma_start3A_281 = tpu.memref_slice %arg2[%dma_start3A_279, %dma_start3A_280] : memref<270000x128xf32, #tpu.memory_space<hbm>> -> memref<270000x128xf32, #tpu.memory_space<hbm>>
      tpu.enqueue_indirect_dma source(%dma_start3A_281 : memref<270000x128xf32, #tpu.memory_space<hbm>>) target(%arg11 : memref<40x128xf32, #tpu.memory_space<vmem>>) offsets(%dma_start3A_278 : memref<40xi32, #tpu.memory_space<vmem>>) semaphore(%arg15 : memref<!tpu.dma_semaphore, #tpu.memory_space<semaphore_mem>>)
      %dma_start3A_282 = arith.constant 2 : i32
      %dma_start3A_283 = arith.constant 0 : i32
      %dma_start3A_284 = tpu.memref_slice %arg6[%dma_start3A_282, %dma_start3A_283] : memref<25x40xi32, #tpu.memory_space<vmem>> -> memref<1x40xi32, #tpu.memory_space<vmem>>
      %dma_start3A_285 = tpu.memref_squeeze %dma_start3A_284 : memref<1x40xi32, #tpu.memory_space<vmem>> -> memref<40xi32, #tpu.memory_space<vmem>>
      %dma_start3A_286 = arith.constant 0 : i32
      %dma_start3A_287 = arith.constant 0 : i32
      %dma_start3A_288 = tpu.memref_slice %arg2[%dma_start3A_286, %dma_start3A_287] : memref<270000x128xf32, #tpu.memory_space<hbm>> -> memref<270000x128xf32, #tpu.memory_space<hbm>>
      tpu.enqueue_indirect_dma source(%dma_start3A_288 : memref<270000x128xf32, #tpu.memory_space<hbm>>) target(%arg12 : memref<40x128xf32, #tpu.memory_space<vmem>>) offsets(%dma_start3A_285 : memref<40xi32, #tpu.memory_space<vmem>>) semaphore(%arg16 : memref<!tpu.dma_semaphore, #tpu.memory_space<semaphore_mem>>)
      %dma_start3A_289 = arith.constant 3 : i32
      %dma_start3A_290 = arith.constant 0 : i32
      %dma_start3A_291 = tpu.memref_slice %arg6[%dma_start3A_289, %dma_start3A_290] : memref<25x40xi32, #tpu.memory_space<vmem>> -> memref<1x40xi32, #tpu.memory_space<vmem>>
      %dma_start3A_292 = tpu.memref_squeeze %dma_start3A_291 : memref<1x40xi32, #tpu.memory_space<vmem>> -> memref<40xi32, #tpu.memory_space<vmem>>
      %dma_start3A_293 = arith.constant 0 : i32
      %dma_start3A_294 = arith.constant 0 : i32
      %dma_start3A_295 = tpu.memref_slice %arg2[%dma_start3A_293, %dma_start3A_294] : memref<270000x128xf32, #tpu.memory_space<hbm>> -> memref<270000x128xf32, #tpu.memory_space<hbm>>
      tpu.enqueue_indirect_dma source(%dma_start3A_295 : memref<270000x128xf32, #tpu.memory_space<hbm>>) target(%arg13 : memref<40x128xf32, #tpu.memory_space<vmem>>) offsets(%dma_start3A_292 : memref<40xi32, #tpu.memory_space<vmem>>) semaphore(%arg17 : memref<!tpu.dma_semaphore, #tpu.memory_space<semaphore_mem>>)
      %scan3A_296 = arith.constant 0 : i32
      %scan3A_297 = arith.constant 0 : i32
      %scan3A_298 = arith.constant 5 : i32
      %scan3A_299 = arith.addi %scan3A_297, %scan3A_298 : i32
      %scan3A_300 = arith.constant 1 : i32
      scf.for %scan3A_455 = %scan3A_297 to %scan3A_299 step %scan3A_300  : i32 {
        %mul3A_456 = arith.constant 4 : i32
        %mul3A_457 = arith.muli %mul3A_456, %scan3A_455 : i32
        %add3A_458 = arith.constant 0 : i32
        %add3A_459 = arith.addi %mul3A_457, %add3A_458 : i32
        %dma_wait3A_460 = arith.constant 0 : i32
        %dma_wait3A_461 = tpu.memref_slice %arg6[%add3A_459, %dma_wait3A_460] : memref<25x40xi32, #tpu.memory_space<vmem>> -> memref<1x40xi32, #tpu.memory_space<vmem>>
        %dma_wait3A_462 = tpu.memref_squeeze %dma_wait3A_461 : memref<1x40xi32, #tpu.memory_space<vmem>> -> memref<40xi32, #tpu.memory_space<vmem>>
        %dma_wait3A_463 = arith.constant 0 : i32
        %dma_wait3A_464 = arith.constant 0 : i32
        %dma_wait3A_465 = tpu.memref_slice %arg2[%dma_wait3A_463, %dma_wait3A_464] : memref<270000x128xf32, #tpu.memory_space<hbm>> -> memref<270000x128xf32, #tpu.memory_space<hbm>>
        tpu.wait_indirect_dma semaphore(%arg14 : memref<!tpu.dma_semaphore, #tpu.memory_space<semaphore_mem>>) src(%dma_wait3A_465 : memref<270000x128xf32, #tpu.memory_space<hbm>>) dst(%arg10 : memref<40x128xf32, #tpu.memory_space<vmem>>)
        "tpu.region"() ({
          %run_scoped3A_528 = tpu.sem_alloc : memref<!tpu.dma_semaphore, #tpu.memory_space<semaphore_mem>>
          %dma_start3A_529 = arith.constant 0 : i32
          %dma_start3A_530 = tpu.memref_slice %arg7[%add3A_459, %dma_start3A_529] : memref<25x40xi32, #tpu.memory_space<vmem>> -> memref<1x40xi32, #tpu.memory_space<vmem>>
          %dma_start3A_531 = tpu.memref_squeeze %dma_start3A_530 : memref<1x40xi32, #tpu.memory_space<vmem>> -> memref<40xi32, #tpu.memory_space<vmem>>
          %dma_start3A_532 = arith.constant 0 : i32
          %dma_start3A_533 = arith.constant 0 : i32
          %dma_start3A_534 = tpu.memref_slice %arg19[%dma_start3A_532, %dma_start3A_533] : memref<10240x128xf32, #tpu.memory_space<vmem_shared>> -> memref<10240x128xf32, #tpu.memory_space<vmem_shared>>
          tpu.enqueue_indirect_dma source(%arg10 : memref<40x128xf32, #tpu.memory_space<vmem>>) target(%dma_start3A_534 : memref<10240x128xf32, #tpu.memory_space<vmem_shared>>) offsets(%dma_start3A_531 : memref<40xi32, #tpu.memory_space<vmem>>) semaphore(%run_scoped3A_528 : memref<!tpu.dma_semaphore, #tpu.memory_space<semaphore_mem>>) {add = true}
          %dma_wait3A_535 = arith.constant 0 : i32
          %dma_wait3A_536 = tpu.memref_slice %arg7[%add3A_459, %dma_wait3A_535] : memref<25x40xi32, #tpu.memory_space<vmem>> -> memref<1x40xi32, #tpu.memory_space<vmem>>
          %dma_wait3A_537 = tpu.memref_squeeze %dma_wait3A_536 : memref<1x40xi32, #tpu.memory_space<vmem>> -> memref<40xi32, #tpu.memory_space<vmem>>
          %dma_wait3A_538 = arith.constant 0 : i32
          %dma_wait3A_539 = arith.constant 0 : i32
          %dma_wait3A_540 = tpu.memref_slice %arg19[%dma_wait3A_538, %dma_wait3A_539] : memref<10240x128xf32, #tpu.memory_space<vmem_shared>> -> memref<10240x128xf32, #tpu.memory_space<vmem_shared>>
          tpu.wait_indirect_dma semaphore(%run_scoped3A_528 : memref<!tpu.dma_semaphore, #tpu.memory_space<semaphore_mem>>) src(%arg10 : memref<40x128xf32, #tpu.memory_space<vmem>>) dst(%dma_wait3A_540 : memref<10240x128xf32, #tpu.memory_space<vmem_shared>>)
          tpu.yield
        }) : () -> ()
        %add3A_466 = arith.constant 4 : i32
        %add3A_467 = arith.addi %add3A_459, %add3A_466 : i32
        %dma_start3A_468 = arith.constant 0 : i32
        %dma_start3A_469 = tpu.memref_slice %arg6[%add3A_467, %dma_start3A_468] : memref<25x40xi32, #tpu.memory_space<vmem>> -> memref<1x40xi32, #tpu.memory_space<vmem>>
        %dma_start3A_470 = tpu.memref_squeeze %dma_start3A_469 : memref<1x40xi32, #tpu.memory_space<vmem>> -> memref<40xi32, #tpu.memory_space<vmem>>
        %dma_start3A_471 = arith.constant 0 : i32
        %dma_start3A_472 = arith.constant 0 : i32
        %dma_start3A_473 = tpu.memref_slice %arg2[%dma_start3A_471, %dma_start3A_472] : memref<270000x128xf32, #tpu.memory_space<hbm>> -> memref<270000x128xf32, #tpu.memory_space<hbm>>
        tpu.enqueue_indirect_dma source(%dma_start3A_473 : memref<270000x128xf32, #tpu.memory_space<hbm>>) target(%arg10 : memref<40x128xf32, #tpu.memory_space<vmem>>) offsets(%dma_start3A_470 : memref<40xi32, #tpu.memory_space<vmem>>) semaphore(%arg14 : memref<!tpu.dma_semaphore, #tpu.memory_space<semaphore_mem>>)
        %mul3A_474 = arith.constant 4 : i32
        %mul3A_475 = arith.muli %mul3A_474, %scan3A_455 : i32
        %add3A_476 = arith.constant 1 : i32
        %add3A_477 = arith.addi %mul3A_475, %add3A_476 : i32
        %dma_wait3A_478 = arith.constant 0 : i32
        %dma_wait3A_479 = tpu.memref_slice %arg6[%add3A_477, %dma_wait3A_478] : memref<25x40xi32, #tpu.memory_space<vmem>> -> memref<1x40xi32, #tpu.memory_space<vmem>>
        %dma_wait3A_480 = tpu.memref_squeeze %dma_wait3A_479 : memref<1x40xi32, #tpu.memory_space<vmem>> -> memref<40xi32, #tpu.memory_space<vmem>>
        %dma_wait3A_481 = arith.constant 0 : i32
        %dma_wait3A_482 = arith.constant 0 : i32
        %dma_wait3A_483 = tpu.memref_slice %arg2[%dma_wait3A_481, %dma_wait3A_482] : memref<270000x128xf32, #tpu.memory_space<hbm>> -> memref<270000x128xf32, #tpu.memory_space<hbm>>
        tpu.wait_indirect_dma semaphore(%arg15 : memref<!tpu.dma_semaphore, #tpu.memory_space<semaphore_mem>>) src(%dma_wait3A_483 : memref<270000x128xf32, #tpu.memory_space<hbm>>) dst(%arg11 : memref<40x128xf32, #tpu.memory_space<vmem>>)
        "tpu.region"() ({
          %run_scoped3A_528 = tpu.sem_alloc : memref<!tpu.dma_semaphore, #tpu.memory_space<semaphore_mem>>
          %dma_start3A_529 = arith.constant 0 : i32
          %dma_start3A_530 = tpu.memref_slice %arg7[%add3A_477, %dma_start3A_529] : memref<25x40xi32, #tpu.memory_space<vmem>> -> memref<1x40xi32, #tpu.memory_space<vmem>>
          %dma_start3A_531 = tpu.memref_squeeze %dma_start3A_530 : memref<1x40xi32, #tpu.memory_space<vmem>> -> memref<40xi32, #tpu.memory_space<vmem>>
          %dma_start3A_532 = arith.constant 0 : i32
          %dma_start3A_533 = arith.constant 0 : i32
          %dma_start3A_534 = tpu.memref_slice %arg19[%dma_start3A_532, %dma_start3A_533] : memref<10240x128xf32, #tpu.memory_space<vmem_shared>> -> memref<10240x128xf32, #tpu.memory_space<vmem_shared>>
          tpu.enqueue_indirect_dma source(%arg11 : memref<40x128xf32, #tpu.memory_space<vmem>>) target(%dma_start3A_534 : memref<10240x128xf32, #tpu.memory_space<vmem_shared>>) offsets(%dma_start3A_531 : memref<40xi32, #tpu.memory_space<vmem>>) semaphore(%run_scoped3A_528 : memref<!tpu.dma_semaphore, #tpu.memory_space<semaphore_mem>>) {add = true}
          %dma_wait3A_535 = arith.constant 0 : i32
          %dma_wait3A_536 = tpu.memref_slice %arg7[%add3A_477, %dma_wait3A_535] : memref<25x40xi32, #tpu.memory_space<vmem>> -> memref<1x40xi32, #tpu.memory_space<vmem>>
          %dma_wait3A_537 = tpu.memref_squeeze %dma_wait3A_536 : memref<1x40xi32, #tpu.memory_space<vmem>> -> memref<40xi32, #tpu.memory_space<vmem>>
          %dma_wait3A_538 = arith.constant 0 : i32
          %dma_wait3A_539 = arith.constant 0 : i32
          %dma_wait3A_540 = tpu.memref_slice %arg19[%dma_wait3A_538, %dma_wait3A_539] : memref<10240x128xf32, #tpu.memory_space<vmem_shared>> -> memref<10240x128xf32, #tpu.memory_space<vmem_shared>>
          tpu.wait_indirect_dma semaphore(%run_scoped3A_528 : memref<!tpu.dma_semaphore, #tpu.memory_space<semaphore_mem>>) src(%arg11 : memref<40x128xf32, #tpu.memory_space<vmem>>) dst(%dma_wait3A_540 : memref<10240x128xf32, #tpu.memory_space<vmem_shared>>)
          tpu.yield
        }) : () -> ()
        %add3A_484 = arith.constant 4 : i32
        %add3A_485 = arith.addi %add3A_477, %add3A_484 : i32
        %dma_start3A_486 = arith.constant 0 : i32
        %dma_start3A_487 = tpu.memref_slice %arg6[%add3A_485, %dma_start3A_486] : memref<25x40xi32, #tpu.memory_space<vmem>> -> memref<1x40xi32, #tpu.memory_space<vmem>>
        %dma_start3A_488 = tpu.memref_squeeze %dma_start3A_487 : memref<1x40xi32, #tpu.memory_space<vmem>> -> memref<40xi32, #tpu.memory_space<vmem>>
        %dma_start3A_489 = arith.constant 0 : i32
        %dma_start3A_490 = arith.constant 0 : i32
        %dma_start3A_491 = tpu.memref_slice %arg2[%dma_start3A_489, %dma_start3A_490] : memref<270000x128xf32, #tpu.memory_space<hbm>> -> memref<270000x128xf32, #tpu.memory_space<hbm>>
        tpu.enqueue_indirect_dma source(%dma_start3A_491 : memref<270000x128xf32, #tpu.memory_space<hbm>>) target(%arg11 : memref<40x128xf32, #tpu.memory_space<vmem>>) offsets(%dma_start3A_488 : memref<40xi32, #tpu.memory_space<vmem>>) semaphore(%arg15 : memref<!tpu.dma_semaphore, #tpu.memory_space<semaphore_mem>>)
        %mul3A_492 = arith.constant 4 : i32
        %mul3A_493 = arith.muli %mul3A_492, %scan3A_455 : i32
        %add3A_494 = arith.constant 2 : i32
        %add3A_495 = arith.addi %mul3A_493, %add3A_494 : i32
        %dma_wait3A_496 = arith.constant 0 : i32
        %dma_wait3A_497 = tpu.memref_slice %arg6[%add3A_495, %dma_wait3A_496] : memref<25x40xi32, #tpu.memory_space<vmem>> -> memref<1x40xi32, #tpu.memory_space<vmem>>
        %dma_wait3A_498 = tpu.memref_squeeze %dma_wait3A_497 : memref<1x40xi32, #tpu.memory_space<vmem>> -> memref<40xi32, #tpu.memory_space<vmem>>
        %dma_wait3A_499 = arith.constant 0 : i32
        %dma_wait3A_500 = arith.constant 0 : i32
        %dma_wait3A_501 = tpu.memref_slice %arg2[%dma_wait3A_499, %dma_wait3A_500] : memref<270000x128xf32, #tpu.memory_space<hbm>> -> memref<270000x128xf32, #tpu.memory_space<hbm>>
        tpu.wait_indirect_dma semaphore(%arg16 : memref<!tpu.dma_semaphore, #tpu.memory_space<semaphore_mem>>) src(%dma_wait3A_501 : memref<270000x128xf32, #tpu.memory_space<hbm>>) dst(%arg12 : memref<40x128xf32, #tpu.memory_space<vmem>>)
        "tpu.region"() ({
          %run_scoped3A_528 = tpu.sem_alloc : memref<!tpu.dma_semaphore, #tpu.memory_space<semaphore_mem>>
          %dma_start3A_529 = arith.constant 0 : i32
          %dma_start3A_530 = tpu.memref_slice %arg7[%add3A_495, %dma_start3A_529] : memref<25x40xi32, #tpu.memory_space<vmem>> -> memref<1x40xi32, #tpu.memory_space<vmem>>
          %dma_start3A_531 = tpu.memref_squeeze %dma_start3A_530 : memref<1x40xi32, #tpu.memory_space<vmem>> -> memref<40xi32, #tpu.memory_space<vmem>>
          %dma_start3A_532 = arith.constant 0 : i32
          %dma_start3A_533 = arith.constant 0 : i32
          %dma_start3A_534 = tpu.memref_slice %arg19[%dma_start3A_532, %dma_start3A_533] : memref<10240x128xf32, #tpu.memory_space<vmem_shared>> -> memref<10240x128xf32, #tpu.memory_space<vmem_shared>>
          tpu.enqueue_indirect_dma source(%arg12 : memref<40x128xf32, #tpu.memory_space<vmem>>) target(%dma_start3A_534 : memref<10240x128xf32, #tpu.memory_space<vmem_shared>>) offsets(%dma_start3A_531 : memref<40xi32, #tpu.memory_space<vmem>>) semaphore(%run_scoped3A_528 : memref<!tpu.dma_semaphore, #tpu.memory_space<semaphore_mem>>) {add = true}
          %dma_wait3A_535 = arith.constant 0 : i32
          %dma_wait3A_536 = tpu.memref_slice %arg7[%add3A_495, %dma_wait3A_535] : memref<25x40xi32, #tpu.memory_space<vmem>> -> memref<1x40xi32, #tpu.memory_space<vmem>>
          %dma_wait3A_537 = tpu.memref_squeeze %dma_wait3A_536 : memref<1x40xi32, #tpu.memory_space<vmem>> -> memref<40xi32, #tpu.memory_space<vmem>>
          %dma_wait3A_538 = arith.constant 0 : i32
          %dma_wait3A_539 = arith.constant 0 : i32
          %dma_wait3A_540 = tpu.memref_slice %arg19[%dma_wait3A_538, %dma_wait3A_539] : memref<10240x128xf32, #tpu.memory_space<vmem_shared>> -> memref<10240x128xf32, #tpu.memory_space<vmem_shared>>
          tpu.wait_indirect_dma semaphore(%run_scoped3A_528 : memref<!tpu.dma_semaphore, #tpu.memory_space<semaphore_mem>>) src(%arg12 : memref<40x128xf32, #tpu.memory_space<vmem>>) dst(%dma_wait3A_540 : memref<10240x128xf32, #tpu.memory_space<vmem_shared>>)
          tpu.yield
        }) : () -> ()
        %add3A_502 = arith.constant 4 : i32
        %add3A_503 = arith.addi %add3A_495, %add3A_502 : i32
        %dma_start3A_504 = arith.constant 0 : i32
        %dma_start3A_505 = tpu.memref_slice %arg6[%add3A_503, %dma_start3A_504] : memref<25x40xi32, #tpu.memory_space<vmem>> -> memref<1x40xi32, #tpu.memory_space<vmem>>
        %dma_start3A_506 = tpu.memref_squeeze %dma_start3A_505 : memref<1x40xi32, #tpu.memory_space<vmem>> -> memref<40xi32, #tpu.memory_space<vmem>>
        %dma_start3A_507 = arith.constant 0 : i32
        %dma_start3A_508 = arith.constant 0 : i32
        %dma_start3A_509 = tpu.memref_slice %arg2[%dma_start3A_507, %dma_start3A_508] : memref<270000x128xf32, #tpu.memory_space<hbm>> -> memref<270000x128xf32, #tpu.memory_space<hbm>>
        tpu.enqueue_indirect_dma source(%dma_start3A_509 : memref<270000x128xf32, #tpu.memory_space<hbm>>) target(%arg12 : memref<40x128xf32, #tpu.memory_space<vmem>>) offsets(%dma_start3A_506 : memref<40xi32, #tpu.memory_space<vmem>>) semaphore(%arg16 : memref<!tpu.dma_semaphore, #tpu.memory_space<semaphore_mem>>)
        %mul3A_510 = arith.constant 4 : i32
        %mul3A_511 = arith.muli %mul3A_510, %scan3A_455 : i32
        %add3A_512 = arith.constant 3 : i32
        %add3A_513 = arith.addi %mul3A_511, %add3A_512 : i32
        %dma_wait3A_514 = arith.constant 0 : i32
        %dma_wait3A_515 = tpu.memref_slice %arg6[%add3A_513, %dma_wait3A_514] : memref<25x40xi32, #tpu.memory_space<vmem>> -> memref<1x40xi32, #tpu.memory_space<vmem>>
        %dma_wait3A_516 = tpu.memref_squeeze %dma_wait3A_515 : memref<1x40xi32, #tpu.memory_space<vmem>> -> memref<40xi32, #tpu.memory_space<vmem>>
        %dma_wait3A_517 = arith.constant 0 : i32
        %dma_wait3A_518 = arith.constant 0 : i32
        %dma_wait3A_519 = tpu.memref_slice %arg2[%dma_wait3A_517, %dma_wait3A_518] : memref<270000x128xf32, #tpu.memory_space<hbm>> -> memref<270000x128xf32, #tpu.memory_space<hbm>>
        tpu.wait_indirect_dma semaphore(%arg17 : memref<!tpu.dma_semaphore, #tpu.memory_space<semaphore_mem>>) src(%dma_wait3A_519 : memref<270000x128xf32, #tpu.memory_space<hbm>>) dst(%arg13 : memref<40x128xf32, #tpu.memory_space<vmem>>)
        "tpu.region"() ({
          %run_scoped3A_528 = tpu.sem_alloc : memref<!tpu.dma_semaphore, #tpu.memory_space<semaphore_mem>>
          %dma_start3A_529 = arith.constant 0 : i32
          %dma_start3A_530 = tpu.memref_slice %arg7[%add3A_513, %dma_start3A_529] : memref<25x40xi32, #tpu.memory_space<vmem>> -> memref<1x40xi32, #tpu.memory_space<vmem>>
          %dma_start3A_531 = tpu.memref_squeeze %dma_start3A_530 : memref<1x40xi32, #tpu.memory_space<vmem>> -> memref<40xi32, #tpu.memory_space<vmem>>
          %dma_start3A_532 = arith.constant 0 : i32
          %dma_start3A_533 = arith.constant 0 : i32
          %dma_start3A_534 = tpu.memref_slice %arg19[%dma_start3A_532, %dma_start3A_533] : memref<10240x128xf32, #tpu.memory_space<vmem_shared>> -> memref<10240x128xf32, #tpu.memory_space<vmem_shared>>
          tpu.enqueue_indirect_dma source(%arg13 : memref<40x128xf32, #tpu.memory_space<vmem>>) target(%dma_start3A_534 : memref<10240x128xf32, #tpu.memory_space<vmem_shared>>) offsets(%dma_start3A_531 : memref<40xi32, #tpu.memory_space<vmem>>) semaphore(%run_scoped3A_528 : memref<!tpu.dma_semaphore, #tpu.memory_space<semaphore_mem>>) {add = true}
          %dma_wait3A_535 = arith.constant 0 : i32
          %dma_wait3A_536 = tpu.memref_slice %arg7[%add3A_513, %dma_wait3A_535] : memref<25x40xi32, #tpu.memory_space<vmem>> -> memref<1x40xi32, #tpu.memory_space<vmem>>
          %dma_wait3A_537 = tpu.memref_squeeze %dma_wait3A_536 : memref<1x40xi32, #tpu.memory_space<vmem>> -> memref<40xi32, #tpu.memory_space<vmem>>
          %dma_wait3A_538 = arith.constant 0 : i32
          %dma_wait3A_539 = arith.constant 0 : i32
          %dma_wait3A_540 = tpu.memref_slice %arg19[%dma_wait3A_538, %dma_wait3A_539] : memref<10240x128xf32, #tpu.memory_space<vmem_shared>> -> memref<10240x128xf32, #tpu.memory_space<vmem_shared>>
          tpu.wait_indirect_dma semaphore(%run_scoped3A_528 : memref<!tpu.dma_semaphore, #tpu.memory_space<semaphore_mem>>) src(%arg13 : memref<40x128xf32, #tpu.memory_space<vmem>>) dst(%dma_wait3A_540 : memref<10240x128xf32, #tpu.memory_space<vmem_shared>>)
          tpu.yield
        }) : () -> ()
        %add3A_520 = arith.constant 4 : i32
        %add3A_521 = arith.addi %add3A_513, %add3A_520 : i32
        %dma_start3A_522 = arith.constant 0 : i32
        %dma_start3A_523 = tpu.memref_slice %arg6[%add3A_521, %dma_start3A_522] : memref<25x40xi32, #tpu.memory_space<vmem>> -> memref<1x40xi32, #tpu.memory_space<vmem>>
        %dma_start3A_524 = tpu.memref_squeeze %dma_start3A_523 : memref<1x40xi32, #tpu.memory_space<vmem>> -> memref<40xi32, #tpu.memory_space<vmem>>
        %dma_start3A_525 = arith.constant 0 : i32
        %dma_start3A_526 = arith.constant 0 : i32
        %dma_start3A_527 = tpu.memref_slice %arg2[%dma_start3A_525, %dma_start3A_526] : memref<270000x128xf32, #tpu.memory_space<hbm>> -> memref<270000x128xf32, #tpu.memory_space<hbm>>
        tpu.enqueue_indirect_dma source(%dma_start3A_527 : memref<270000x128xf32, #tpu.memory_space<hbm>>) target(%arg13 : memref<40x128xf32, #tpu.memory_space<vmem>>) offsets(%dma_start3A_524 : memref<40xi32, #tpu.memory_space<vmem>>) semaphore(%arg17 : memref<!tpu.dma_semaphore, #tpu.memory_space<semaphore_mem>>)
      }
      %scan3A_301 = arith.constant 5 : i32
      %dma_wait3A_302 = arith.constant 20 : i32
      %dma_wait3A_303 = arith.constant 0 : i32
      %dma_wait3A_304 = tpu.memref_slice %arg6[%dma_wait3A_302, %dma_wait3A_303] : memref<25x40xi32, #tpu.memory_space<vmem>> -> memref<1x40xi32, #tpu.memory_space<vmem>>
      %dma_wait3A_305 = tpu.memref_squeeze %dma_wait3A_304 : memref<1x40xi32, #tpu.memory_space<vmem>> -> memref<40xi32, #tpu.memory_space<vmem>>
      %dma_wait3A_306 = arith.constant 0 : i32
      %dma_wait3A_307 = arith.constant 0 : i32
      %dma_wait3A_308 = tpu.memref_slice %arg2[%dma_wait3A_306, %dma_wait3A_307] : memref<270000x128xf32, #tpu.memory_space<hbm>> -> memref<270000x128xf32, #tpu.memory_space<hbm>>
      tpu.wait_indirect_dma semaphore(%arg14 : memref<!tpu.dma_semaphore, #tpu.memory_space<semaphore_mem>>) src(%dma_wait3A_308 : memref<270000x128xf32, #tpu.memory_space<hbm>>) dst(%arg10 : memref<40x128xf32, #tpu.memory_space<vmem>>)
      %run_scoped3A_309 = arith.constant 20 : i32
      "tpu.region"() ({
        %run_scoped3A_455 = tpu.sem_alloc : memref<!tpu.dma_semaphore, #tpu.memory_space<semaphore_mem>>
        %dma_start3A_456 = arith.constant 0 : i32
        %dma_start3A_457 = tpu.memref_slice %arg7[%run_scoped3A_309, %dma_start3A_456] : memref<25x40xi32, #tpu.memory_space<vmem>> -> memref<1x40xi32, #tpu.memory_space<vmem>>
        %dma_start3A_458 = tpu.memref_squeeze %dma_start3A_457 : memref<1x40xi32, #tpu.memory_space<vmem>> -> memref<40xi32, #tpu.memory_space<vmem>>
        %dma_start3A_459 = arith.constant 0 : i32
        %dma_start3A_460 = arith.constant 0 : i32
        %dma_start3A_461 = tpu.memref_slice %arg19[%dma_start3A_459, %dma_start3A_460] : memref<10240x128xf32, #tpu.memory_space<vmem_shared>> -> memref<10240x128xf32, #tpu.memory_space<vmem_shared>>
        tpu.enqueue_indirect_dma source(%arg10 : memref<40x128xf32, #tpu.memory_space<vmem>>) target(%dma_start3A_461 : memref<10240x128xf32, #tpu.memory_space<vmem_shared>>) offsets(%dma_start3A_458 : memref<40xi32, #tpu.memory_space<vmem>>) semaphore(%run_scoped3A_455 : memref<!tpu.dma_semaphore, #tpu.memory_space<semaphore_mem>>) {add = true}
        %dma_wait3A_462 = arith.constant 0 : i32
        %dma_wait3A_463 = tpu.memref_slice %arg7[%run_scoped3A_309, %dma_wait3A_462] : memref<25x40xi32, #tpu.memory_space<vmem>> -> memref<1x40xi32, #tpu.memory_space<vmem>>
        %dma_wait3A_464 = tpu.memref_squeeze %dma_wait3A_463 : memref<1x40xi32, #tpu.memory_space<vmem>> -> memref<40xi32, #tpu.memory_space<vmem>>
        %dma_wait3A_465 = arith.constant 0 : i32
        %dma_wait3A_466 = arith.constant 0 : i32
        %dma_wait3A_467 = tpu.memref_slice %arg19[%dma_wait3A_465, %dma_wait3A_466] : memref<10240x128xf32, #tpu.memory_space<vmem_shared>> -> memref<10240x128xf32, #tpu.memory_space<vmem_shared>>
        tpu.wait_indirect_dma semaphore(%run_scoped3A_455 : memref<!tpu.dma_semaphore, #tpu.memory_space<semaphore_mem>>) src(%arg10 : memref<40x128xf32, #tpu.memory_space<vmem>>) dst(%dma_wait3A_467 : memref<10240x128xf32, #tpu.memory_space<vmem_shared>>)
        tpu.yield
      }) : () -> ()
      %dma_start3A_310 = arith.constant 24 : i32
      %dma_start3A_311 = arith.constant 0 : i32
      %dma_start3A_312 = tpu.memref_slice %arg6[%dma_start3A_310, %dma_start3A_311] : memref<25x40xi32, #tpu.memory_space<vmem>> -> memref<1x40xi32, #tpu.memory_space<vmem>>
      %dma_start3A_313 = tpu.memref_squeeze %dma_start3A_312 : memref<1x40xi32, #tpu.memory_space<vmem>> -> memref<40xi32, #tpu.memory_space<vmem>>
      %dma_start3A_314 = arith.constant 0 : i32
      %dma_start3A_315 = arith.constant 0 : i32
      %dma_start3A_316 = tpu.memref_slice %arg2[%dma_start3A_314, %dma_start3A_315] : memref<270000x128xf32, #tpu.memory_space<hbm>> -> memref<270000x128xf32, #tpu.memory_space<hbm>>
      tpu.enqueue_indirect_dma source(%dma_start3A_316 : memref<270000x128xf32, #tpu.memory_space<hbm>>) target(%arg10 : memref<40x128xf32, #tpu.memory_space<vmem>>) offsets(%dma_start3A_313 : memref<40xi32, #tpu.memory_space<vmem>>) semaphore(%arg14 : memref<!tpu.dma_semaphore, #tpu.memory_space<semaphore_mem>>)
      %dma_wait3A_317 = arith.constant 21 : i32
      %dma_wait3A_318 = arith.constant 0 : i32
      %dma_wait3A_319 = tpu.memref_slice %arg6[%dma_wait3A_317, %dma_wait3A_318] : memref<25x40xi32, #tpu.memory_space<vmem>> -> memref<1x40xi32, #tpu.memory_space<vmem>>
      %dma_wait3A_320 = tpu.memref_squeeze %dma_wait3A_319 : memref<1x40xi32, #tpu.memory_space<vmem>> -> memref<40xi32, #tpu.memory_space<vmem>>
      %dma_wait3A_321 = arith.constant 0 : i32
      %dma_wait3A_322 = arith.constant 0 : i32
      %dma_wait3A_323 = tpu.memref_slice %arg2[%dma_wait3A_321, %dma_wait3A_322] : memref<270000x128xf32, #tpu.memory_space<hbm>> -> memref<270000x128xf32, #tpu.memory_space<hbm>>
      tpu.wait_indirect_dma semaphore(%arg15 : memref<!tpu.dma_semaphore, #tpu.memory_space<semaphore_mem>>) src(%dma_wait3A_323 : memref<270000x128xf32, #tpu.memory_space<hbm>>) dst(%arg11 : memref<40x128xf32, #tpu.memory_space<vmem>>)
      %run_scoped3A_324 = arith.constant 21 : i32
      "tpu.region"() ({
        %run_scoped3A_455 = tpu.sem_alloc : memref<!tpu.dma_semaphore, #tpu.memory_space<semaphore_mem>>
        %dma_start3A_456 = arith.constant 0 : i32
        %dma_start3A_457 = tpu.memref_slice %arg7[%run_scoped3A_324, %dma_start3A_456] : memref<25x40xi32, #tpu.memory_space<vmem>> -> memref<1x40xi32, #tpu.memory_space<vmem>>
        %dma_start3A_458 = tpu.memref_squeeze %dma_start3A_457 : memref<1x40xi32, #tpu.memory_space<vmem>> -> memref<40xi32, #tpu.memory_space<vmem>>
        %dma_start3A_459 = arith.constant 0 : i32
        %dma_start3A_460 = arith.constant 0 : i32
        %dma_start3A_461 = tpu.memref_slice %arg19[%dma_start3A_459, %dma_start3A_460] : memref<10240x128xf32, #tpu.memory_space<vmem_shared>> -> memref<10240x128xf32, #tpu.memory_space<vmem_shared>>
        tpu.enqueue_indirect_dma source(%arg11 : memref<40x128xf32, #tpu.memory_space<vmem>>) target(%dma_start3A_461 : memref<10240x128xf32, #tpu.memory_space<vmem_shared>>) offsets(%dma_start3A_458 : memref<40xi32, #tpu.memory_space<vmem>>) semaphore(%run_scoped3A_455 : memref<!tpu.dma_semaphore, #tpu.memory_space<semaphore_mem>>) {add = true}
        %dma_wait3A_462 = arith.constant 0 : i32
        %dma_wait3A_463 = tpu.memref_slice %arg7[%run_scoped3A_324, %dma_wait3A_462] : memref<25x40xi32, #tpu.memory_space<vmem>> -> memref<1x40xi32, #tpu.memory_space<vmem>>
        %dma_wait3A_464 = tpu.memref_squeeze %dma_wait3A_463 : memref<1x40xi32, #tpu.memory_space<vmem>> -> memref<40xi32, #tpu.memory_space<vmem>>
        %dma_wait3A_465 = arith.constant 0 : i32
        %dma_wait3A_466 = arith.constant 0 : i32
        %dma_wait3A_467 = tpu.memref_slice %arg19[%dma_wait3A_465, %dma_wait3A_466] : memref<10240x128xf32, #tpu.memory_space<vmem_shared>> -> memref<10240x128xf32, #tpu.memory_space<vmem_shared>>
        tpu.wait_indirect_dma semaphore(%run_scoped3A_455 : memref<!tpu.dma_semaphore, #tpu.memory_space<semaphore_mem>>) src(%arg11 : memref<40x128xf32, #tpu.memory_space<vmem>>) dst(%dma_wait3A_467 : memref<10240x128xf32, #tpu.memory_space<vmem_shared>>)
        tpu.yield
      }) : () -> ()
      %dma_wait3A_325 = arith.constant 22 : i32
      %dma_wait3A_326 = arith.constant 0 : i32
      %dma_wait3A_327 = tpu.memref_slice %arg6[%dma_wait3A_325, %dma_wait3A_326] : memref<25x40xi32, #tpu.memory_space<vmem>> -> memref<1x40xi32, #tpu.memory_space<vmem>>
      %dma_wait3A_328 = tpu.memref_squeeze %dma_wait3A_327 : memref<1x40xi32, #tpu.memory_space<vmem>> -> memref<40xi32, #tpu.memory_space<vmem>>
      %dma_wait3A_329 = arith.constant 0 : i32
      %dma_wait3A_330 = arith.constant 0 : i32
      %dma_wait3A_331 = tpu.memref_slice %arg2[%dma_wait3A_329, %dma_wait3A_330] : memref<270000x128xf32, #tpu.memory_space<hbm>> -> memref<270000x128xf32, #tpu.memory_space<hbm>>
      tpu.wait_indirect_dma semaphore(%arg16 : memref<!tpu.dma_semaphore, #tpu.memory_space<semaphore_mem>>) src(%dma_wait3A_331 : memref<270000x128xf32, #tpu.memory_space<hbm>>) dst(%arg12 : memref<40x128xf32, #tpu.memory_space<vmem>>)
      %run_scoped3A_332 = arith.constant 22 : i32
      "tpu.region"() ({
        %run_scoped3A_455 = tpu.sem_alloc : memref<!tpu.dma_semaphore, #tpu.memory_space<semaphore_mem>>
        %dma_start3A_456 = arith.constant 0 : i32
        %dma_start3A_457 = tpu.memref_slice %arg7[%run_scoped3A_332, %dma_start3A_456] : memref<25x40xi32, #tpu.memory_space<vmem>> -> memref<1x40xi32, #tpu.memory_space<vmem>>
        %dma_start3A_458 = tpu.memref_squeeze %dma_start3A_457 : memref<1x40xi32, #tpu.memory_space<vmem>> -> memref<40xi32, #tpu.memory_space<vmem>>
        %dma_start3A_459 = arith.constant 0 : i32
        %dma_start3A_460 = arith.constant 0 : i32
        %dma_start3A_461 = tpu.memref_slice %arg19[%dma_start3A_459, %dma_start3A_460] : memref<10240x128xf32, #tpu.memory_space<vmem_shared>> -> memref<10240x128xf32, #tpu.memory_space<vmem_shared>>
        tpu.enqueue_indirect_dma source(%arg12 : memref<40x128xf32, #tpu.memory_space<vmem>>) target(%dma_start3A_461 : memref<10240x128xf32, #tpu.memory_space<vmem_shared>>) offsets(%dma_start3A_458 : memref<40xi32, #tpu.memory_space<vmem>>) semaphore(%run_scoped3A_455 : memref<!tpu.dma_semaphore, #tpu.memory_space<semaphore_mem>>) {add = true}
        %dma_wait3A_462 = arith.constant 0 : i32
        %dma_wait3A_463 = tpu.memref_slice %arg7[%run_scoped3A_332, %dma_wait3A_462] : memref<25x40xi32, #tpu.memory_space<vmem>> -> memref<1x40xi32, #tpu.memory_space<vmem>>
        %dma_wait3A_464 = tpu.memref_squeeze %dma_wait3A_463 : memref<1x40xi32, #tpu.memory_space<vmem>> -> memref<40xi32, #tpu.memory_space<vmem>>
        %dma_wait3A_465 = arith.constant 0 : i32
        %dma_wait3A_466 = arith.constant 0 : i32
        %dma_wait3A_467 = tpu.memref_slice %arg19[%dma_wait3A_465, %dma_wait3A_466] : memref<10240x128xf32, #tpu.memory_space<vmem_shared>> -> memref<10240x128xf32, #tpu.memory_space<vmem_shared>>
        tpu.wait_indirect_dma semaphore(%run_scoped3A_455 : memref<!tpu.dma_semaphore, #tpu.memory_space<semaphore_mem>>) src(%arg12 : memref<40x128xf32, #tpu.memory_space<vmem>>) dst(%dma_wait3A_467 : memref<10240x128xf32, #tpu.memory_space<vmem_shared>>)
        tpu.yield
      }) : () -> ()
      %dma_wait3A_333 = arith.constant 23 : i32
      %dma_wait3A_334 = arith.constant 0 : i32
      %dma_wait3A_335 = tpu.memref_slice %arg6[%dma_wait3A_333, %dma_wait3A_334] : memref<25x40xi32, #tpu.memory_space<vmem>> -> memref<1x40xi32, #tpu.memory_space<vmem>>
      %dma_wait3A_336 = tpu.memref_squeeze %dma_wait3A_335 : memref<1x40xi32, #tpu.memory_space<vmem>> -> memref<40xi32, #tpu.memory_space<vmem>>
      %dma_wait3A_337 = arith.constant 0 : i32
      %dma_wait3A_338 = arith.constant 0 : i32
      %dma_wait3A_339 = tpu.memref_slice %arg2[%dma_wait3A_337, %dma_wait3A_338] : memref<270000x128xf32, #tpu.memory_space<hbm>> -> memref<270000x128xf32, #tpu.memory_space<hbm>>
      tpu.wait_indirect_dma semaphore(%arg17 : memref<!tpu.dma_semaphore, #tpu.memory_space<semaphore_mem>>) src(%dma_wait3A_339 : memref<270000x128xf32, #tpu.memory_space<hbm>>) dst(%arg13 : memref<40x128xf32, #tpu.memory_space<vmem>>)
      %run_scoped3A_340 = arith.constant 23 : i32
      "tpu.region"() ({
        %run_scoped3A_455 = tpu.sem_alloc : memref<!tpu.dma_semaphore, #tpu.memory_space<semaphore_mem>>
        %dma_start3A_456 = arith.constant 0 : i32
        %dma_start3A_457 = tpu.memref_slice %arg7[%run_scoped3A_340, %dma_start3A_456] : memref<25x40xi32, #tpu.memory_space<vmem>> -> memref<1x40xi32, #tpu.memory_space<vmem>>
        %dma_start3A_458 = tpu.memref_squeeze %dma_start3A_457 : memref<1x40xi32, #tpu.memory_space<vmem>> -> memref<40xi32, #tpu.memory_space<vmem>>
        %dma_start3A_459 = arith.constant 0 : i32
        %dma_start3A_460 = arith.constant 0 : i32
        %dma_start3A_461 = tpu.memref_slice %arg19[%dma_start3A_459, %dma_start3A_460] : memref<10240x128xf32, #tpu.memory_space<vmem_shared>> -> memref<10240x128xf32, #tpu.memory_space<vmem_shared>>
        tpu.enqueue_indirect_dma source(%arg13 : memref<40x128xf32, #tpu.memory_space<vmem>>) target(%dma_start3A_461 : memref<10240x128xf32, #tpu.memory_space<vmem_shared>>) offsets(%dma_start3A_458 : memref<40xi32, #tpu.memory_space<vmem>>) semaphore(%run_scoped3A_455 : memref<!tpu.dma_semaphore, #tpu.memory_space<semaphore_mem>>) {add = true}
        %dma_wait3A_462 = arith.constant 0 : i32
        %dma_wait3A_463 = tpu.memref_slice %arg7[%run_scoped3A_340, %dma_wait3A_462] : memref<25x40xi32, #tpu.memory_space<vmem>> -> memref<1x40xi32, #tpu.memory_space<vmem>>
        %dma_wait3A_464 = tpu.memref_squeeze %dma_wait3A_463 : memref<1x40xi32, #tpu.memory_space<vmem>> -> memref<40xi32, #tpu.memory_space<vmem>>
        %dma_wait3A_465 = arith.constant 0 : i32
        %dma_wait3A_466 = arith.constant 0 : i32
        %dma_wait3A_467 = tpu.memref_slice %arg19[%dma_wait3A_465, %dma_wait3A_466] : memref<10240x128xf32, #tpu.memory_space<vmem_shared>> -> memref<10240x128xf32, #tpu.memory_space<vmem_shared>>
        tpu.wait_indirect_dma semaphore(%run_scoped3A_455 : memref<!tpu.dma_semaphore, #tpu.memory_space<semaphore_mem>>) src(%arg13 : memref<40x128xf32, #tpu.memory_space<vmem>>) dst(%dma_wait3A_467 : memref<10240x128xf32, #tpu.memory_space<vmem_shared>>)
        tpu.yield
      }) : () -> ()
      %dma_wait3A_341 = arith.constant 24 : i32
      %dma_wait3A_342 = arith.constant 0 : i32
      %dma_wait3A_343 = tpu.memref_slice %arg6[%dma_wait3A_341, %dma_wait3A_342] : memref<25x40xi32, #tpu.memory_space<vmem>> -> memref<1x40xi32, #tpu.memory_space<vmem>>
      %dma_wait3A_344 = tpu.memref_squeeze %dma_wait3A_343 : memref<1x40xi32, #tpu.memory_space<vmem>> -> memref<40xi32, #tpu.memory_space<vmem>>
      %dma_wait3A_345 = arith.constant 0 : i32
      %dma_wait3A_346 = arith.constant 0 : i32
      %dma_wait3A_347 = tpu.memref_slice %arg2[%dma_wait3A_345, %dma_wait3A_346] : memref<270000x128xf32, #tpu.memory_space<hbm>> -> memref<270000x128xf32, #tpu.memory_space<hbm>>
      tpu.wait_indirect_dma semaphore(%arg14 : memref<!tpu.dma_semaphore, #tpu.memory_space<semaphore_mem>>) src(%dma_wait3A_347 : memref<270000x128xf32, #tpu.memory_space<hbm>>) dst(%arg10 : memref<40x128xf32, #tpu.memory_space<vmem>>)
      %run_scoped3A_348 = arith.constant 24 : i32
      "tpu.region"() ({
        %run_scoped3A_455 = tpu.sem_alloc : memref<!tpu.dma_semaphore, #tpu.memory_space<semaphore_mem>>
        %dma_start3A_456 = arith.constant 0 : i32
        %dma_start3A_457 = tpu.memref_slice %arg7[%run_scoped3A_348, %dma_start3A_456] : memref<25x40xi32, #tpu.memory_space<vmem>> -> memref<1x40xi32, #tpu.memory_space<vmem>>
        %dma_start3A_458 = tpu.memref_squeeze %dma_start3A_457 : memref<1x40xi32, #tpu.memory_space<vmem>> -> memref<40xi32, #tpu.memory_space<vmem>>
        %dma_start3A_459 = arith.constant 0 : i32
        %dma_start3A_460 = arith.constant 0 : i32
        %dma_start3A_461 = tpu.memref_slice %arg19[%dma_start3A_459, %dma_start3A_460] : memref<10240x128xf32, #tpu.memory_space<vmem_shared>> -> memref<10240x128xf32, #tpu.memory_space<vmem_shared>>
        tpu.enqueue_indirect_dma source(%arg10 : memref<40x128xf32, #tpu.memory_space<vmem>>) target(%dma_start3A_461 : memref<10240x128xf32, #tpu.memory_space<vmem_shared>>) offsets(%dma_start3A_458 : memref<40xi32, #tpu.memory_space<vmem>>) semaphore(%run_scoped3A_455 : memref<!tpu.dma_semaphore, #tpu.memory_space<semaphore_mem>>) {add = true}
        %dma_wait3A_462 = arith.constant 0 : i32
        %dma_wait3A_463 = tpu.memref_slice %arg7[%run_scoped3A_348, %dma_wait3A_462] : memref<25x40xi32, #tpu.memory_space<vmem>> -> memref<1x40xi32, #tpu.memory_space<vmem>>
        %dma_wait3A_464 = tpu.memref_squeeze %dma_wait3A_463 : memref<1x40xi32, #tpu.memory_space<vmem>> -> memref<40xi32, #tpu.memory_space<vmem>>
        %dma_wait3A_465 = arith.constant 0 : i32
        %dma_wait3A_466 = arith.constant 0 : i32
        %dma_wait3A_467 = tpu.memref_slice %arg19[%dma_wait3A_465, %dma_wait3A_466] : memref<10240x128xf32, #tpu.memory_space<vmem_shared>> -> memref<10240x128xf32, #tpu.memory_space<vmem_shared>>
        tpu.wait_indirect_dma semaphore(%run_scoped3A_455 : memref<!tpu.dma_semaphore, #tpu.memory_space<semaphore_mem>>) src(%arg10 : memref<40x128xf32, #tpu.memory_space<vmem>>) dst(%dma_wait3A_467 : memref<10240x128xf32, #tpu.memory_space<vmem_shared>>)
        tpu.yield
      }) : () -> ()
      %add3A_349 = arith.constant 1 : i32
      %add3A_350 = arith.addi %add3A_263, %add3A_349 : i32
      %lt3A_351 = arith.constant 10 : i32
      %lt3A_352 = arith.cmpi slt, %add3A_350, %lt3A_351 : i32
      %convert_element_type3A_353 = arith.extui %lt3A_352 : i1 to i32
      %cond3A_354 = arith.constant 0 : i32
      %cond3A_355 = arith.cmpi ne, %convert_element_type3A_353, %cond3A_354 : i32
      scf.if %cond3A_355 {
        %add3A_455 = arith.constant 1 : i32
        %add3A_456 = arith.addi %add3A_263, %add3A_455 : i32
        %dma_wait3A_457 = arith.constant 0 : i32
        %dma_wait3A_458 = arith.constant 0 : i32
        %dma_wait3A_459 = tpu.memref_slice %arg3[%add3A, %add3A_456, %dma_wait3A_457, %dma_wait3A_458] : memref<32x10x25x40xi32, #tpu.memory_space<hbm>> -> memref<1x1x25x40xi32, #tpu.memory_space<hbm>>
        %dma_wait3A_460 = tpu.memref_squeeze %dma_wait3A_459 : memref<1x1x25x40xi32, #tpu.memory_space<hbm>> -> memref<25x40xi32, #tpu.memory_space<hbm>>
        %dma_wait3A_461 = arith.constant 0 : i32
        %dma_wait3A_462 = arith.constant 0 : i32
        %dma_wait3A_463 = tpu.memref_slice %arg3[%add3A, %add3A_456, %dma_wait3A_461, %dma_wait3A_462] : memref<32x10x25x40xi32, #tpu.memory_space<hbm>> -> memref<1x1x25x40xi32, #tpu.memory_space<hbm>>
        %dma_wait3A_464 = tpu.memref_squeeze %dma_wait3A_463 : memref<1x1x25x40xi32, #tpu.memory_space<hbm>> -> memref<25x40xi32, #tpu.memory_space<hbm>>
        tpu.wait_dma2 semaphore(%arg18 : memref<!tpu.dma_semaphore, #tpu.memory_space<semaphore_mem>>) src(%dma_wait3A_464 : memref<25x40xi32, #tpu.memory_space<hbm>>) dst(%arg8 : memref<25x40xi32, #tpu.memory_space<vmem>>)
        %add3A_465 = arith.constant 1 : i32
        %add3A_466 = arith.addi %add3A_263, %add3A_465 : i32
        %dma_wait3A_467 = arith.constant 1 : i32
        %dma_wait3A_468 = arith.constant 0 : i32
        %dma_wait3A_469 = arith.constant 0 : i32
        %dma_wait3A_470 = tpu.memref_slice %arg4[%dma_wait3A_467, %add3A, %add3A_466, %dma_wait3A_468, %dma_wait3A_469] : memref<2x32x10x25x40xi32, #tpu.memory_space<hbm>> -> memref<1x1x1x25x40xi32, #tpu.memory_space<hbm>>
        %dma_wait3A_471 = tpu.memref_squeeze %dma_wait3A_470 : memref<1x1x1x25x40xi32, #tpu.memory_space<hbm>> -> memref<25x40xi32, #tpu.memory_space<hbm>>
        %dma_wait3A_472 = arith.constant 0 : i32
        %dma_wait3A_473 = arith.constant 0 : i32
        %dma_wait3A_474 = tpu.memref_slice %arg4[%dma_wait3A_467, %add3A, %add3A_466, %dma_wait3A_472, %dma_wait3A_473] : memref<2x32x10x25x40xi32, #tpu.memory_space<hbm>> -> memref<1x1x1x25x40xi32, #tpu.memory_space<hbm>>
        %dma_wait3A_475 = tpu.memref_squeeze %dma_wait3A_474 : memref<1x1x1x25x40xi32, #tpu.memory_space<hbm>> -> memref<25x40xi32, #tpu.memory_space<hbm>>
        tpu.wait_dma2 semaphore(%arg18 : memref<!tpu.dma_semaphore, #tpu.memory_space<semaphore_mem>>) src(%dma_wait3A_475 : memref<25x40xi32, #tpu.memory_space<hbm>>) dst(%arg9 : memref<25x40xi32, #tpu.memory_space<vmem>>)
      } else {
      }
      %mul3A_356 = arith.constant 2 : i32
      %mul3A_357 = arith.muli %mul3A_356, %scan3A_259 : i32
      %add3A_358 = arith.constant 1 : i32
      %add3A_359 = arith.addi %mul3A_357, %add3A_358 : i32
      %add3A_360 = arith.constant 1 : i32
      %add3A_361 = arith.addi %add3A_359, %add3A_360 : i32
      %lt3A_362 = arith.constant 10 : i32
      %lt3A_363 = arith.cmpi slt, %add3A_361, %lt3A_362 : i32
      %convert_element_type3A_364 = arith.extui %lt3A_363 : i1 to i32
      %cond3A_365 = arith.constant 0 : i32
      %cond3A_366 = arith.cmpi ne, %convert_element_type3A_364, %cond3A_365 : i32
      scf.if %cond3A_366 {
        %add3A_455 = arith.constant 1 : i32
        %add3A_456 = arith.addi %add3A_359, %add3A_455 : i32
        %dma_start3A_457 = arith.constant 0 : i32
        %dma_start3A_458 = arith.constant 0 : i32
        %dma_start3A_459 = tpu.memref_slice %arg3[%add3A, %add3A_456, %dma_start3A_457, %dma_start3A_458] : memref<32x10x25x40xi32, #tpu.memory_space<hbm>> -> memref<1x1x25x40xi32, #tpu.memory_space<hbm>>
        %dma_start3A_460 = tpu.memref_squeeze %dma_start3A_459 : memref<1x1x25x40xi32, #tpu.memory_space<hbm>> -> memref<25x40xi32, #tpu.memory_space<hbm>>
        %dma_start3A_461 = arith.constant 0 : i32
        %dma_start3A_462 = arith.constant 0 : i32
        %dma_start3A_463 = tpu.memref_slice %arg3[%add3A, %add3A_456, %dma_start3A_461, %dma_start3A_462] : memref<32x10x25x40xi32, #tpu.memory_space<hbm>> -> memref<1x1x25x40xi32, #tpu.memory_space<hbm>>
        %dma_start3A_464 = tpu.memref_squeeze %dma_start3A_463 : memref<1x1x25x40xi32, #tpu.memory_space<hbm>> -> memref<25x40xi32, #tpu.memory_space<hbm>>
        tpu.enqueue_dma source(%dma_start3A_464 : memref<25x40xi32, #tpu.memory_space<hbm>>) target(%arg6 : memref<25x40xi32, #tpu.memory_space<vmem>>) target_semaphore(%arg18 : memref<!tpu.dma_semaphore, #tpu.memory_space<semaphore_mem>>)
        %add3A_465 = arith.constant 1 : i32
        %add3A_466 = arith.addi %add3A_359, %add3A_465 : i32
        %dma_start3A_467 = arith.constant 1 : i32
        %dma_start3A_468 = arith.constant 0 : i32
        %dma_start3A_469 = arith.constant 0 : i32
        %dma_start3A_470 = tpu.memref_slice %arg4[%dma_start3A_467, %add3A, %add3A_466, %dma_start3A_468, %dma_start3A_469] : memref<2x32x10x25x40xi32, #tpu.memory_space<hbm>> -> memref<1x1x1x25x40xi32, #tpu.memory_space<hbm>>
        %dma_start3A_471 = tpu.memref_squeeze %dma_start3A_470 : memref<1x1x1x25x40xi32, #tpu.memory_space<hbm>> -> memref<25x40xi32, #tpu.memory_space<hbm>>
        %dma_start3A_472 = arith.constant 0 : i32
        %dma_start3A_473 = arith.constant 0 : i32
        %dma_start3A_474 = tpu.memref_slice %arg4[%dma_start3A_467, %add3A, %add3A_466, %dma_start3A_472, %dma_start3A_473] : memref<2x32x10x25x40xi32, #tpu.memory_space<hbm>> -> memref<1x1x1x25x40xi32, #tpu.memory_space<hbm>>
        %dma_start3A_475 = tpu.memref_squeeze %dma_start3A_474 : memref<1x1x1x25x40xi32, #tpu.memory_space<hbm>> -> memref<25x40xi32, #tpu.memory_space<hbm>>
        tpu.enqueue_dma source(%dma_start3A_475 : memref<25x40xi32, #tpu.memory_space<hbm>>) target(%arg7 : memref<25x40xi32, #tpu.memory_space<vmem>>) target_semaphore(%arg18 : memref<!tpu.dma_semaphore, #tpu.memory_space<semaphore_mem>>)
      } else {
      }
      %dma_start3A_367 = arith.constant 0 : i32
      %dma_start3A_368 = arith.constant 0 : i32
      %dma_start3A_369 = tpu.memref_slice %arg8[%dma_start3A_367, %dma_start3A_368] : memref<25x40xi32, #tpu.memory_space<vmem>> -> memref<1x40xi32, #tpu.memory_space<vmem>>
      %dma_start3A_370 = tpu.memref_squeeze %dma_start3A_369 : memref<1x40xi32, #tpu.memory_space<vmem>> -> memref<40xi32, #tpu.memory_space<vmem>>
      %dma_start3A_371 = arith.constant 0 : i32
      %dma_start3A_372 = arith.constant 0 : i32
      %dma_start3A_373 = tpu.memref_slice %arg2[%dma_start3A_371, %dma_start3A_372] : memref<270000x128xf32, #tpu.memory_space<hbm>> -> memref<270000x128xf32, #tpu.memory_space<hbm>>
      tpu.enqueue_indirect_dma source(%dma_start3A_373 : memref<270000x128xf32, #tpu.memory_space<hbm>>) target(%arg10 : memref<40x128xf32, #tpu.memory_space<vmem>>) offsets(%dma_start3A_370 : memref<40xi32, #tpu.memory_space<vmem>>) semaphore(%arg14 : memref<!tpu.dma_semaphore, #tpu.memory_space<semaphore_mem>>)
      %dma_start3A_374 = arith.constant 1 : i32
      %dma_start3A_375 = arith.constant 0 : i32
      %dma_start3A_376 = tpu.memref_slice %arg8[%dma_start3A_374, %dma_start3A_375] : memref<25x40xi32, #tpu.memory_space<vmem>> -> memref<1x40xi32, #tpu.memory_space<vmem>>
      %dma_start3A_377 = tpu.memref_squeeze %dma_start3A_376 : memref<1x40xi32, #tpu.memory_space<vmem>> -> memref<40xi32, #tpu.memory_space<vmem>>
      %dma_start3A_378 = arith.constant 0 : i32
      %dma_start3A_379 = arith.constant 0 : i32
      %dma_start3A_380 = tpu.memref_slice %arg2[%dma_start3A_378, %dma_start3A_379] : memref<270000x128xf32, #tpu.memory_space<hbm>> -> memref<270000x128xf32, #tpu.memory_space<hbm>>
      tpu.enqueue_indirect_dma source(%dma_start3A_380 : memref<270000x128xf32, #tpu.memory_space<hbm>>) target(%arg11 : memref<40x128xf32, #tpu.memory_space<vmem>>) offsets(%dma_start3A_377 : memref<40xi32, #tpu.memory_space<vmem>>) semaphore(%arg15 : memref<!tpu.dma_semaphore, #tpu.memory_space<semaphore_mem>>)
      %dma_start3A_381 = arith.constant 2 : i32
      %dma_start3A_382 = arith.constant 0 : i32
      %dma_start3A_383 = tpu.memref_slice %arg8[%dma_start3A_381, %dma_start3A_382] : memref<25x40xi32, #tpu.memory_space<vmem>> -> memref<1x40xi32, #tpu.memory_space<vmem>>
      %dma_start3A_384 = tpu.memref_squeeze %dma_start3A_383 : memref<1x40xi32, #tpu.memory_space<vmem>> -> memref<40xi32, #tpu.memory_space<vmem>>
      %dma_start3A_385 = arith.constant 0 : i32
      %dma_start3A_386 = arith.constant 0 : i32
      %dma_start3A_387 = tpu.memref_slice %arg2[%dma_start3A_385, %dma_start3A_386] : memref<270000x128xf32, #tpu.memory_space<hbm>> -> memref<270000x128xf32, #tpu.memory_space<hbm>>
      tpu.enqueue_indirect_dma source(%dma_start3A_387 : memref<270000x128xf32, #tpu.memory_space<hbm>>) target(%arg12 : memref<40x128xf32, #tpu.memory_space<vmem>>) offsets(%dma_start3A_384 : memref<40xi32, #tpu.memory_space<vmem>>) semaphore(%arg16 : memref<!tpu.dma_semaphore, #tpu.memory_space<semaphore_mem>>)
      %dma_start3A_388 = arith.constant 3 : i32
      %dma_start3A_389 = arith.constant 0 : i32
      %dma_start3A_390 = tpu.memref_slice %arg8[%dma_start3A_388, %dma_start3A_389] : memref<25x40xi32, #tpu.memory_space<vmem>> -> memref<1x40xi32, #tpu.memory_space<vmem>>
      %dma_start3A_391 = tpu.memref_squeeze %dma_start3A_390 : memref<1x40xi32, #tpu.memory_space<vmem>> -> memref<40xi32, #tpu.memory_space<vmem>>
      %dma_start3A_392 = arith.constant 0 : i32
      %dma_start3A_393 = arith.constant 0 : i32
      %dma_start3A_394 = tpu.memref_slice %arg2[%dma_start3A_392, %dma_start3A_393] : memref<270000x128xf32, #tpu.memory_space<hbm>> -> memref<270000x128xf32, #tpu.memory_space<hbm>>
      tpu.enqueue_indirect_dma source(%dma_start3A_394 : memref<270000x128xf32, #tpu.memory_space<hbm>>) target(%arg13 : memref<40x128xf32, #tpu.memory_space<vmem>>) offsets(%dma_start3A_391 : memref<40xi32, #tpu.memory_space<vmem>>) semaphore(%arg17 : memref<!tpu.dma_semaphore, #tpu.memory_space<semaphore_mem>>)
      %scan3A_395 = arith.constant 0 : i32
      %scan3A_396 = arith.constant 0 : i32
      %scan3A_397 = arith.constant 5 : i32
      %scan3A_398 = arith.addi %scan3A_396, %scan3A_397 : i32
      %scan3A_399 = arith.constant 1 : i32
      scf.for %scan3A_455 = %scan3A_396 to %scan3A_398 step %scan3A_399  : i32 {
        %mul3A_456 = arith.constant 4 : i32
        %mul3A_457 = arith.muli %mul3A_456, %scan3A_455 : i32
        %add3A_458 = arith.constant 0 : i32
        %add3A_459 = arith.addi %mul3A_457, %add3A_458 : i32
        %dma_wait3A_460 = arith.constant 0 : i32
        %dma_wait3A_461 = tpu.memref_slice %arg8[%add3A_459, %dma_wait3A_460] : memref<25x40xi32, #tpu.memory_space<vmem>> -> memref<1x40xi32, #tpu.memory_space<vmem>>
        %dma_wait3A_462 = tpu.memref_squeeze %dma_wait3A_461 : memref<1x40xi32, #tpu.memory_space<vmem>> -> memref<40xi32, #tpu.memory_space<vmem>>
        %dma_wait3A_463 = arith.constant 0 : i32
        %dma_wait3A_464 = arith.constant 0 : i32
        %dma_wait3A_465 = tpu.memref_slice %arg2[%dma_wait3A_463, %dma_wait3A_464] : memref<270000x128xf32, #tpu.memory_space<hbm>> -> memref<270000x128xf32, #tpu.memory_space<hbm>>
        tpu.wait_indirect_dma semaphore(%arg14 : memref<!tpu.dma_semaphore, #tpu.memory_space<semaphore_mem>>) src(%dma_wait3A_465 : memref<270000x128xf32, #tpu.memory_space<hbm>>) dst(%arg10 : memref<40x128xf32, #tpu.memory_space<vmem>>)
        "tpu.region"() ({
          %run_scoped3A_528 = tpu.sem_alloc : memref<!tpu.dma_semaphore, #tpu.memory_space<semaphore_mem>>
          %dma_start3A_529 = arith.constant 0 : i32
          %dma_start3A_530 = tpu.memref_slice %arg9[%add3A_459, %dma_start3A_529] : memref<25x40xi32, #tpu.memory_space<vmem>> -> memref<1x40xi32, #tpu.memory_space<vmem>>
          %dma_start3A_531 = tpu.memref_squeeze %dma_start3A_530 : memref<1x40xi32, #tpu.memory_space<vmem>> -> memref<40xi32, #tpu.memory_space<vmem>>
          %dma_start3A_532 = arith.constant 0 : i32
          %dma_start3A_533 = arith.constant 0 : i32
          %dma_start3A_534 = tpu.memref_slice %arg19[%dma_start3A_532, %dma_start3A_533] : memref<10240x128xf32, #tpu.memory_space<vmem_shared>> -> memref<10240x128xf32, #tpu.memory_space<vmem_shared>>
          tpu.enqueue_indirect_dma source(%arg10 : memref<40x128xf32, #tpu.memory_space<vmem>>) target(%dma_start3A_534 : memref<10240x128xf32, #tpu.memory_space<vmem_shared>>) offsets(%dma_start3A_531 : memref<40xi32, #tpu.memory_space<vmem>>) semaphore(%run_scoped3A_528 : memref<!tpu.dma_semaphore, #tpu.memory_space<semaphore_mem>>) {add = true}
          %dma_wait3A_535 = arith.constant 0 : i32
          %dma_wait3A_536 = tpu.memref_slice %arg9[%add3A_459, %dma_wait3A_535] : memref<25x40xi32, #tpu.memory_space<vmem>> -> memref<1x40xi32, #tpu.memory_space<vmem>>
          %dma_wait3A_537 = tpu.memref_squeeze %dma_wait3A_536 : memref<1x40xi32, #tpu.memory_space<vmem>> -> memref<40xi32, #tpu.memory_space<vmem>>
          %dma_wait3A_538 = arith.constant 0 : i32
          %dma_wait3A_539 = arith.constant 0 : i32
          %dma_wait3A_540 = tpu.memref_slice %arg19[%dma_wait3A_538, %dma_wait3A_539] : memref<10240x128xf32, #tpu.memory_space<vmem_shared>> -> memref<10240x128xf32, #tpu.memory_space<vmem_shared>>
          tpu.wait_indirect_dma semaphore(%run_scoped3A_528 : memref<!tpu.dma_semaphore, #tpu.memory_space<semaphore_mem>>) src(%arg10 : memref<40x128xf32, #tpu.memory_space<vmem>>) dst(%dma_wait3A_540 : memref<10240x128xf32, #tpu.memory_space<vmem_shared>>)
          tpu.yield
        }) : () -> ()
        %add3A_466 = arith.constant 4 : i32
        %add3A_467 = arith.addi %add3A_459, %add3A_466 : i32
        %dma_start3A_468 = arith.constant 0 : i32
        %dma_start3A_469 = tpu.memref_slice %arg8[%add3A_467, %dma_start3A_468] : memref<25x40xi32, #tpu.memory_space<vmem>> -> memref<1x40xi32, #tpu.memory_space<vmem>>
        %dma_start3A_470 = tpu.memref_squeeze %dma_start3A_469 : memref<1x40xi32, #tpu.memory_space<vmem>> -> memref<40xi32, #tpu.memory_space<vmem>>
        %dma_start3A_471 = arith.constant 0 : i32
        %dma_start3A_472 = arith.constant 0 : i32
        %dma_start3A_473 = tpu.memref_slice %arg2[%dma_start3A_471, %dma_start3A_472] : memref<270000x128xf32, #tpu.memory_space<hbm>> -> memref<270000x128xf32, #tpu.memory_space<hbm>>
        tpu.enqueue_indirect_dma source(%dma_start3A_473 : memref<270000x128xf32, #tpu.memory_space<hbm>>) target(%arg10 : memref<40x128xf32, #tpu.memory_space<vmem>>) offsets(%dma_start3A_470 : memref<40xi32, #tpu.memory_space<vmem>>) semaphore(%arg14 : memref<!tpu.dma_semaphore, #tpu.memory_space<semaphore_mem>>)
        %mul3A_474 = arith.constant 4 : i32
        %mul3A_475 = arith.muli %mul3A_474, %scan3A_455 : i32
        %add3A_476 = arith.constant 1 : i32
        %add3A_477 = arith.addi %mul3A_475, %add3A_476 : i32
        %dma_wait3A_478 = arith.constant 0 : i32
        %dma_wait3A_479 = tpu.memref_slice %arg8[%add3A_477, %dma_wait3A_478] : memref<25x40xi32, #tpu.memory_space<vmem>> -> memref<1x40xi32, #tpu.memory_space<vmem>>
        %dma_wait3A_480 = tpu.memref_squeeze %dma_wait3A_479 : memref<1x40xi32, #tpu.memory_space<vmem>> -> memref<40xi32, #tpu.memory_space<vmem>>
        %dma_wait3A_481 = arith.constant 0 : i32
        %dma_wait3A_482 = arith.constant 0 : i32
        %dma_wait3A_483 = tpu.memref_slice %arg2[%dma_wait3A_481, %dma_wait3A_482] : memref<270000x128xf32, #tpu.memory_space<hbm>> -> memref<270000x128xf32, #tpu.memory_space<hbm>>
        tpu.wait_indirect_dma semaphore(%arg15 : memref<!tpu.dma_semaphore, #tpu.memory_space<semaphore_mem>>) src(%dma_wait3A_483 : memref<270000x128xf32, #tpu.memory_space<hbm>>) dst(%arg11 : memref<40x128xf32, #tpu.memory_space<vmem>>)
        "tpu.region"() ({
          %run_scoped3A_528 = tpu.sem_alloc : memref<!tpu.dma_semaphore, #tpu.memory_space<semaphore_mem>>
          %dma_start3A_529 = arith.constant 0 : i32
          %dma_start3A_530 = tpu.memref_slice %arg9[%add3A_477, %dma_start3A_529] : memref<25x40xi32, #tpu.memory_space<vmem>> -> memref<1x40xi32, #tpu.memory_space<vmem>>
          %dma_start3A_531 = tpu.memref_squeeze %dma_start3A_530 : memref<1x40xi32, #tpu.memory_space<vmem>> -> memref<40xi32, #tpu.memory_space<vmem>>
          %dma_start3A_532 = arith.constant 0 : i32
          %dma_start3A_533 = arith.constant 0 : i32
          %dma_start3A_534 = tpu.memref_slice %arg19[%dma_start3A_532, %dma_start3A_533] : memref<10240x128xf32, #tpu.memory_space<vmem_shared>> -> memref<10240x128xf32, #tpu.memory_space<vmem_shared>>
          tpu.enqueue_indirect_dma source(%arg11 : memref<40x128xf32, #tpu.memory_space<vmem>>) target(%dma_start3A_534 : memref<10240x128xf32, #tpu.memory_space<vmem_shared>>) offsets(%dma_start3A_531 : memref<40xi32, #tpu.memory_space<vmem>>) semaphore(%run_scoped3A_528 : memref<!tpu.dma_semaphore, #tpu.memory_space<semaphore_mem>>) {add = true}
          %dma_wait3A_535 = arith.constant 0 : i32
          %dma_wait3A_536 = tpu.memref_slice %arg9[%add3A_477, %dma_wait3A_535] : memref<25x40xi32, #tpu.memory_space<vmem>> -> memref<1x40xi32, #tpu.memory_space<vmem>>
          %dma_wait3A_537 = tpu.memref_squeeze %dma_wait3A_536 : memref<1x40xi32, #tpu.memory_space<vmem>> -> memref<40xi32, #tpu.memory_space<vmem>>
          %dma_wait3A_538 = arith.constant 0 : i32
          %dma_wait3A_539 = arith.constant 0 : i32
          %dma_wait3A_540 = tpu.memref_slice %arg19[%dma_wait3A_538, %dma_wait3A_539] : memref<10240x128xf32, #tpu.memory_space<vmem_shared>> -> memref<10240x128xf32, #tpu.memory_space<vmem_shared>>
          tpu.wait_indirect_dma semaphore(%run_scoped3A_528 : memref<!tpu.dma_semaphore, #tpu.memory_space<semaphore_mem>>) src(%arg11 : memref<40x128xf32, #tpu.memory_space<vmem>>) dst(%dma_wait3A_540 : memref<10240x128xf32, #tpu.memory_space<vmem_shared>>)
          tpu.yield
        }) : () -> ()
        %add3A_484 = arith.constant 4 : i32
        %add3A_485 = arith.addi %add3A_477, %add3A_484 : i32
        %dma_start3A_486 = arith.constant 0 : i32
        %dma_start3A_487 = tpu.memref_slice %arg8[%add3A_485, %dma_start3A_486] : memref<25x40xi32, #tpu.memory_space<vmem>> -> memref<1x40xi32, #tpu.memory_space<vmem>>
        %dma_start3A_488 = tpu.memref_squeeze %dma_start3A_487 : memref<1x40xi32, #tpu.memory_space<vmem>> -> memref<40xi32, #tpu.memory_space<vmem>>
        %dma_start3A_489 = arith.constant 0 : i32
        %dma_start3A_490 = arith.constant 0 : i32
        %dma_start3A_491 = tpu.memref_slice %arg2[%dma_start3A_489, %dma_start3A_490] : memref<270000x128xf32, #tpu.memory_space<hbm>> -> memref<270000x128xf32, #tpu.memory_space<hbm>>
        tpu.enqueue_indirect_dma source(%dma_start3A_491 : memref<270000x128xf32, #tpu.memory_space<hbm>>) target(%arg11 : memref<40x128xf32, #tpu.memory_space<vmem>>) offsets(%dma_start3A_488 : memref<40xi32, #tpu.memory_space<vmem>>) semaphore(%arg15 : memref<!tpu.dma_semaphore, #tpu.memory_space<semaphore_mem>>)
        %mul3A_492 = arith.constant 4 : i32
        %mul3A_493 = arith.muli %mul3A_492, %scan3A_455 : i32
        %add3A_494 = arith.constant 2 : i32
        %add3A_495 = arith.addi %mul3A_493, %add3A_494 : i32
        %dma_wait3A_496 = arith.constant 0 : i32
        %dma_wait3A_497 = tpu.memref_slice %arg8[%add3A_495, %dma_wait3A_496] : memref<25x40xi32, #tpu.memory_space<vmem>> -> memref<1x40xi32, #tpu.memory_space<vmem>>
        %dma_wait3A_498 = tpu.memref_squeeze %dma_wait3A_497 : memref<1x40xi32, #tpu.memory_space<vmem>> -> memref<40xi32, #tpu.memory_space<vmem>>
        %dma_wait3A_499 = arith.constant 0 : i32
        %dma_wait3A_500 = arith.constant 0 : i32
        %dma_wait3A_501 = tpu.memref_slice %arg2[%dma_wait3A_499, %dma_wait3A_500] : memref<270000x128xf32, #tpu.memory_space<hbm>> -> memref<270000x128xf32, #tpu.memory_space<hbm>>
        tpu.wait_indirect_dma semaphore(%arg16 : memref<!tpu.dma_semaphore, #tpu.memory_space<semaphore_mem>>) src(%dma_wait3A_501 : memref<270000x128xf32, #tpu.memory_space<hbm>>) dst(%arg12 : memref<40x128xf32, #tpu.memory_space<vmem>>)
        "tpu.region"() ({
          %run_scoped3A_528 = tpu.sem_alloc : memref<!tpu.dma_semaphore, #tpu.memory_space<semaphore_mem>>
          %dma_start3A_529 = arith.constant 0 : i32
          %dma_start3A_530 = tpu.memref_slice %arg9[%add3A_495, %dma_start3A_529] : memref<25x40xi32, #tpu.memory_space<vmem>> -> memref<1x40xi32, #tpu.memory_space<vmem>>
          %dma_start3A_531 = tpu.memref_squeeze %dma_start3A_530 : memref<1x40xi32, #tpu.memory_space<vmem>> -> memref<40xi32, #tpu.memory_space<vmem>>
          %dma_start3A_532 = arith.constant 0 : i32
          %dma_start3A_533 = arith.constant 0 : i32
          %dma_start3A_534 = tpu.memref_slice %arg19[%dma_start3A_532, %dma_start3A_533] : memref<10240x128xf32, #tpu.memory_space<vmem_shared>> -> memref<10240x128xf32, #tpu.memory_space<vmem_shared>>
          tpu.enqueue_indirect_dma source(%arg12 : memref<40x128xf32, #tpu.memory_space<vmem>>) target(%dma_start3A_534 : memref<10240x128xf32, #tpu.memory_space<vmem_shared>>) offsets(%dma_start3A_531 : memref<40xi32, #tpu.memory_space<vmem>>) semaphore(%run_scoped3A_528 : memref<!tpu.dma_semaphore, #tpu.memory_space<semaphore_mem>>) {add = true}
          %dma_wait3A_535 = arith.constant 0 : i32
          %dma_wait3A_536 = tpu.memref_slice %arg9[%add3A_495, %dma_wait3A_535] : memref<25x40xi32, #tpu.memory_space<vmem>> -> memref<1x40xi32, #tpu.memory_space<vmem>>
          %dma_wait3A_537 = tpu.memref_squeeze %dma_wait3A_536 : memref<1x40xi32, #tpu.memory_space<vmem>> -> memref<40xi32, #tpu.memory_space<vmem>>
          %dma_wait3A_538 = arith.constant 0 : i32
          %dma_wait3A_539 = arith.constant 0 : i32
          %dma_wait3A_540 = tpu.memref_slice %arg19[%dma_wait3A_538, %dma_wait3A_539] : memref<10240x128xf32, #tpu.memory_space<vmem_shared>> -> memref<10240x128xf32, #tpu.memory_space<vmem_shared>>
          tpu.wait_indirect_dma semaphore(%run_scoped3A_528 : memref<!tpu.dma_semaphore, #tpu.memory_space<semaphore_mem>>) src(%arg12 : memref<40x128xf32, #tpu.memory_space<vmem>>) dst(%dma_wait3A_540 : memref<10240x128xf32, #tpu.memory_space<vmem_shared>>)
          tpu.yield
        }) : () -> ()
        %add3A_502 = arith.constant 4 : i32
        %add3A_503 = arith.addi %add3A_495, %add3A_502 : i32
        %dma_start3A_504 = arith.constant 0 : i32
        %dma_start3A_505 = tpu.memref_slice %arg8[%add3A_503, %dma_start3A_504] : memref<25x40xi32, #tpu.memory_space<vmem>> -> memref<1x40xi32, #tpu.memory_space<vmem>>
        %dma_start3A_506 = tpu.memref_squeeze %dma_start3A_505 : memref<1x40xi32, #tpu.memory_space<vmem>> -> memref<40xi32, #tpu.memory_space<vmem>>
        %dma_start3A_507 = arith.constant 0 : i32
        %dma_start3A_508 = arith.constant 0 : i32
        %dma_start3A_509 = tpu.memref_slice %arg2[%dma_start3A_507, %dma_start3A_508] : memref<270000x128xf32, #tpu.memory_space<hbm>> -> memref<270000x128xf32, #tpu.memory_space<hbm>>
        tpu.enqueue_indirect_dma source(%dma_start3A_509 : memref<270000x128xf32, #tpu.memory_space<hbm>>) target(%arg12 : memref<40x128xf32, #tpu.memory_space<vmem>>) offsets(%dma_start3A_506 : memref<40xi32, #tpu.memory_space<vmem>>) semaphore(%arg16 : memref<!tpu.dma_semaphore, #tpu.memory_space<semaphore_mem>>)
        %mul3A_510 = arith.constant 4 : i32
        %mul3A_511 = arith.muli %mul3A_510, %scan3A_455 : i32
        %add3A_512 = arith.constant 3 : i32
        %add3A_513 = arith.addi %mul3A_511, %add3A_512 : i32
        %dma_wait3A_514 = arith.constant 0 : i32
        %dma_wait3A_515 = tpu.memref_slice %arg8[%add3A_513, %dma_wait3A_514] : memref<25x40xi32, #tpu.memory_space<vmem>> -> memref<1x40xi32, #tpu.memory_space<vmem>>
        %dma_wait3A_516 = tpu.memref_squeeze %dma_wait3A_515 : memref<1x40xi32, #tpu.memory_space<vmem>> -> memref<40xi32, #tpu.memory_space<vmem>>
        %dma_wait3A_517 = arith.constant 0 : i32
        %dma_wait3A_518 = arith.constant 0 : i32
        %dma_wait3A_519 = tpu.memref_slice %arg2[%dma_wait3A_517, %dma_wait3A_518] : memref<270000x128xf32, #tpu.memory_space<hbm>> -> memref<270000x128xf32, #tpu.memory_space<hbm>>
        tpu.wait_indirect_dma semaphore(%arg17 : memref<!tpu.dma_semaphore, #tpu.memory_space<semaphore_mem>>) src(%dma_wait3A_519 : memref<270000x128xf32, #tpu.memory_space<hbm>>) dst(%arg13 : memref<40x128xf32, #tpu.memory_space<vmem>>)
        "tpu.region"() ({
          %run_scoped3A_528 = tpu.sem_alloc : memref<!tpu.dma_semaphore, #tpu.memory_space<semaphore_mem>>
          %dma_start3A_529 = arith.constant 0 : i32
          %dma_start3A_530 = tpu.memref_slice %arg9[%add3A_513, %dma_start3A_529] : memref<25x40xi32, #tpu.memory_space<vmem>> -> memref<1x40xi32, #tpu.memory_space<vmem>>
          %dma_start3A_531 = tpu.memref_squeeze %dma_start3A_530 : memref<1x40xi32, #tpu.memory_space<vmem>> -> memref<40xi32, #tpu.memory_space<vmem>>
          %dma_start3A_532 = arith.constant 0 : i32
          %dma_start3A_533 = arith.constant 0 : i32
          %dma_start3A_534 = tpu.memref_slice %arg19[%dma_start3A_532, %dma_start3A_533] : memref<10240x128xf32, #tpu.memory_space<vmem_shared>> -> memref<10240x128xf32, #tpu.memory_space<vmem_shared>>
          tpu.enqueue_indirect_dma source(%arg13 : memref<40x128xf32, #tpu.memory_space<vmem>>) target(%dma_start3A_534 : memref<10240x128xf32, #tpu.memory_space<vmem_shared>>) offsets(%dma_start3A_531 : memref<40xi32, #tpu.memory_space<vmem>>) semaphore(%run_scoped3A_528 : memref<!tpu.dma_semaphore, #tpu.memory_space<semaphore_mem>>) {add = true}
          %dma_wait3A_535 = arith.constant 0 : i32
          %dma_wait3A_536 = tpu.memref_slice %arg9[%add3A_513, %dma_wait3A_535] : memref<25x40xi32, #tpu.memory_space<vmem>> -> memref<1x40xi32, #tpu.memory_space<vmem>>
          %dma_wait3A_537 = tpu.memref_squeeze %dma_wait3A_536 : memref<1x40xi32, #tpu.memory_space<vmem>> -> memref<40xi32, #tpu.memory_space<vmem>>
          %dma_wait3A_538 = arith.constant 0 : i32
          %dma_wait3A_539 = arith.constant 0 : i32
          %dma_wait3A_540 = tpu.memref_slice %arg19[%dma_wait3A_538, %dma_wait3A_539] : memref<10240x128xf32, #tpu.memory_space<vmem_shared>> -> memref<10240x128xf32, #tpu.memory_space<vmem_shared>>
          tpu.wait_indirect_dma semaphore(%run_scoped3A_528 : memref<!tpu.dma_semaphore, #tpu.memory_space<semaphore_mem>>) src(%arg13 : memref<40x128xf32, #tpu.memory_space<vmem>>) dst(%dma_wait3A_540 : memref<10240x128xf32, #tpu.memory_space<vmem_shared>>)
          tpu.yield
        }) : () -> ()
        %add3A_520 = arith.constant 4 : i32
        %add3A_521 = arith.addi %add3A_513, %add3A_520 : i32
        %dma_start3A_522 = arith.constant 0 : i32
        %dma_start3A_523 = tpu.memref_slice %arg8[%add3A_521, %dma_start3A_522] : memref<25x40xi32, #tpu.memory_space<vmem>> -> memref<1x40xi32, #tpu.memory_space<vmem>>
        %dma_start3A_524 = tpu.memref_squeeze %dma_start3A_523 : memref<1x40xi32, #tpu.memory_space<vmem>> -> memref<40xi32, #tpu.memory_space<vmem>>
        %dma_start3A_525 = arith.constant 0 : i32
        %dma_start3A_526 = arith.constant 0 : i32
        %dma_start3A_527 = tpu.memref_slice %arg2[%dma_start3A_525, %dma_start3A_526] : memref<270000x128xf32, #tpu.memory_space<hbm>> -> memref<270000x128xf32, #tpu.memory_space<hbm>>
        tpu.enqueue_indirect_dma source(%dma_start3A_527 : memref<270000x128xf32, #tpu.memory_space<hbm>>) target(%arg13 : memref<40x128xf32, #tpu.memory_space<vmem>>) offsets(%dma_start3A_524 : memref<40xi32, #tpu.memory_space<vmem>>) semaphore(%arg17 : memref<!tpu.dma_semaphore, #tpu.memory_space<semaphore_mem>>)
      }
      %scan3A_400 = arith.constant 5 : i32
      %dma_wait3A_401 = arith.constant 20 : i32
      %dma_wait3A_402 = arith.constant 0 : i32
      %dma_wait3A_403 = tpu.memref_slice %arg8[%dma_wait3A_401, %dma_wait3A_402] : memref<25x40xi32, #tpu.memory_space<vmem>> -> memref<1x40xi32, #tpu.memory_space<vmem>>
      %dma_wait3A_404 = tpu.memref_squeeze %dma_wait3A_403 : memref<1x40xi32, #tpu.memory_space<vmem>> -> memref<40xi32, #tpu.memory_space<vmem>>
      %dma_wait3A_405 = arith.constant 0 : i32
      %dma_wait3A_406 = arith.constant 0 : i32
      %dma_wait3A_407 = tpu.memref_slice %arg2[%dma_wait3A_405, %dma_wait3A_406] : memref<270000x128xf32, #tpu.memory_space<hbm>> -> memref<270000x128xf32, #tpu.memory_space<hbm>>
      tpu.wait_indirect_dma semaphore(%arg14 : memref<!tpu.dma_semaphore, #tpu.memory_space<semaphore_mem>>) src(%dma_wait3A_407 : memref<270000x128xf32, #tpu.memory_space<hbm>>) dst(%arg10 : memref<40x128xf32, #tpu.memory_space<vmem>>)
      %run_scoped3A_408 = arith.constant 20 : i32
      "tpu.region"() ({
        %run_scoped3A_455 = tpu.sem_alloc : memref<!tpu.dma_semaphore, #tpu.memory_space<semaphore_mem>>
        %dma_start3A_456 = arith.constant 0 : i32
        %dma_start3A_457 = tpu.memref_slice %arg9[%run_scoped3A_408, %dma_start3A_456] : memref<25x40xi32, #tpu.memory_space<vmem>> -> memref<1x40xi32, #tpu.memory_space<vmem>>
        %dma_start3A_458 = tpu.memref_squeeze %dma_start3A_457 : memref<1x40xi32, #tpu.memory_space<vmem>> -> memref<40xi32, #tpu.memory_space<vmem>>
        %dma_start3A_459 = arith.constant 0 : i32
        %dma_start3A_460 = arith.constant 0 : i32
        %dma_start3A_461 = tpu.memref_slice %arg19[%dma_start3A_459, %dma_start3A_460] : memref<10240x128xf32, #tpu.memory_space<vmem_shared>> -> memref<10240x128xf32, #tpu.memory_space<vmem_shared>>
        tpu.enqueue_indirect_dma source(%arg10 : memref<40x128xf32, #tpu.memory_space<vmem>>) target(%dma_start3A_461 : memref<10240x128xf32, #tpu.memory_space<vmem_shared>>) offsets(%dma_start3A_458 : memref<40xi32, #tpu.memory_space<vmem>>) semaphore(%run_scoped3A_455 : memref<!tpu.dma_semaphore, #tpu.memory_space<semaphore_mem>>) {add = true}
        %dma_wait3A_462 = arith.constant 0 : i32
        %dma_wait3A_463 = tpu.memref_slice %arg9[%run_scoped3A_408, %dma_wait3A_462] : memref<25x40xi32, #tpu.memory_space<vmem>> -> memref<1x40xi32, #tpu.memory_space<vmem>>
        %dma_wait3A_464 = tpu.memref_squeeze %dma_wait3A_463 : memref<1x40xi32, #tpu.memory_space<vmem>> -> memref<40xi32, #tpu.memory_space<vmem>>
        %dma_wait3A_465 = arith.constant 0 : i32
        %dma_wait3A_466 = arith.constant 0 : i32
        %dma_wait3A_467 = tpu.memref_slice %arg19[%dma_wait3A_465, %dma_wait3A_466] : memref<10240x128xf32, #tpu.memory_space<vmem_shared>> -> memref<10240x128xf32, #tpu.memory_space<vmem_shared>>
        tpu.wait_indirect_dma semaphore(%run_scoped3A_455 : memref<!tpu.dma_semaphore, #tpu.memory_space<semaphore_mem>>) src(%arg10 : memref<40x128xf32, #tpu.memory_space<vmem>>) dst(%dma_wait3A_467 : memref<10240x128xf32, #tpu.memory_space<vmem_shared>>)
        tpu.yield
      }) : () -> ()
      %dma_start3A_409 = arith.constant 24 : i32
      %dma_start3A_410 = arith.constant 0 : i32
      %dma_start3A_411 = tpu.memref_slice %arg8[%dma_start3A_409, %dma_start3A_410] : memref<25x40xi32, #tpu.memory_space<vmem>> -> memref<1x40xi32, #tpu.memory_space<vmem>>
      %dma_start3A_412 = tpu.memref_squeeze %dma_start3A_411 : memref<1x40xi32, #tpu.memory_space<vmem>> -> memref<40xi32, #tpu.memory_space<vmem>>
      %dma_start3A_413 = arith.constant 0 : i32
      %dma_start3A_414 = arith.constant 0 : i32
      %dma_start3A_415 = tpu.memref_slice %arg2[%dma_start3A_413, %dma_start3A_414] : memref<270000x128xf32, #tpu.memory_space<hbm>> -> memref<270000x128xf32, #tpu.memory_space<hbm>>
      tpu.enqueue_indirect_dma source(%dma_start3A_415 : memref<270000x128xf32, #tpu.memory_space<hbm>>) target(%arg10 : memref<40x128xf32, #tpu.memory_space<vmem>>) offsets(%dma_start3A_412 : memref<40xi32, #tpu.memory_space<vmem>>) semaphore(%arg14 : memref<!tpu.dma_semaphore, #tpu.memory_space<semaphore_mem>>)
      %dma_wait3A_416 = arith.constant 21 : i32
      %dma_wait3A_417 = arith.constant 0 : i32
      %dma_wait3A_418 = tpu.memref_slice %arg8[%dma_wait3A_416, %dma_wait3A_417] : memref<25x40xi32, #tpu.memory_space<vmem>> -> memref<1x40xi32, #tpu.memory_space<vmem>>
      %dma_wait3A_419 = tpu.memref_squeeze %dma_wait3A_418 : memref<1x40xi32, #tpu.memory_space<vmem>> -> memref<40xi32, #tpu.memory_space<vmem>>
      %dma_wait3A_420 = arith.constant 0 : i32
      %dma_wait3A_421 = arith.constant 0 : i32
      %dma_wait3A_422 = tpu.memref_slice %arg2[%dma_wait3A_420, %dma_wait3A_421] : memref<270000x128xf32, #tpu.memory_space<hbm>> -> memref<270000x128xf32, #tpu.memory_space<hbm>>
      tpu.wait_indirect_dma semaphore(%arg15 : memref<!tpu.dma_semaphore, #tpu.memory_space<semaphore_mem>>) src(%dma_wait3A_422 : memref<270000x128xf32, #tpu.memory_space<hbm>>) dst(%arg11 : memref<40x128xf32, #tpu.memory_space<vmem>>)
      %run_scoped3A_423 = arith.constant 21 : i32
      "tpu.region"() ({
        %run_scoped3A_455 = tpu.sem_alloc : memref<!tpu.dma_semaphore, #tpu.memory_space<semaphore_mem>>
        %dma_start3A_456 = arith.constant 0 : i32
        %dma_start3A_457 = tpu.memref_slice %arg9[%run_scoped3A_423, %dma_start3A_456] : memref<25x40xi32, #tpu.memory_space<vmem>> -> memref<1x40xi32, #tpu.memory_space<vmem>>
        %dma_start3A_458 = tpu.memref_squeeze %dma_start3A_457 : memref<1x40xi32, #tpu.memory_space<vmem>> -> memref<40xi32, #tpu.memory_space<vmem>>
        %dma_start3A_459 = arith.constant 0 : i32
        %dma_start3A_460 = arith.constant 0 : i32
        %dma_start3A_461 = tpu.memref_slice %arg19[%dma_start3A_459, %dma_start3A_460] : memref<10240x128xf32, #tpu.memory_space<vmem_shared>> -> memref<10240x128xf32, #tpu.memory_space<vmem_shared>>
        tpu.enqueue_indirect_dma source(%arg11 : memref<40x128xf32, #tpu.memory_space<vmem>>) target(%dma_start3A_461 : memref<10240x128xf32, #tpu.memory_space<vmem_shared>>) offsets(%dma_start3A_458 : memref<40xi32, #tpu.memory_space<vmem>>) semaphore(%run_scoped3A_455 : memref<!tpu.dma_semaphore, #tpu.memory_space<semaphore_mem>>) {add = true}
        %dma_wait3A_462 = arith.constant 0 : i32
        %dma_wait3A_463 = tpu.memref_slice %arg9[%run_scoped3A_423, %dma_wait3A_462] : memref<25x40xi32, #tpu.memory_space<vmem>> -> memref<1x40xi32, #tpu.memory_space<vmem>>
        %dma_wait3A_464 = tpu.memref_squeeze %dma_wait3A_463 : memref<1x40xi32, #tpu.memory_space<vmem>> -> memref<40xi32, #tpu.memory_space<vmem>>
        %dma_wait3A_465 = arith.constant 0 : i32
        %dma_wait3A_466 = arith.constant 0 : i32
        %dma_wait3A_467 = tpu.memref_slice %arg19[%dma_wait3A_465, %dma_wait3A_466] : memref<10240x128xf32, #tpu.memory_space<vmem_shared>> -> memref<10240x128xf32, #tpu.memory_space<vmem_shared>>
        tpu.wait_indirect_dma semaphore(%run_scoped3A_455 : memref<!tpu.dma_semaphore, #tpu.memory_space<semaphore_mem>>) src(%arg11 : memref<40x128xf32, #tpu.memory_space<vmem>>) dst(%dma_wait3A_467 : memref<10240x128xf32, #tpu.memory_space<vmem_shared>>)
        tpu.yield
      }) : () -> ()
      %dma_wait3A_424 = arith.constant 22 : i32
      %dma_wait3A_425 = arith.constant 0 : i32
      %dma_wait3A_426 = tpu.memref_slice %arg8[%dma_wait3A_424, %dma_wait3A_425] : memref<25x40xi32, #tpu.memory_space<vmem>> -> memref<1x40xi32, #tpu.memory_space<vmem>>
      %dma_wait3A_427 = tpu.memref_squeeze %dma_wait3A_426 : memref<1x40xi32, #tpu.memory_space<vmem>> -> memref<40xi32, #tpu.memory_space<vmem>>
      %dma_wait3A_428 = arith.constant 0 : i32
      %dma_wait3A_429 = arith.constant 0 : i32
      %dma_wait3A_430 = tpu.memref_slice %arg2[%dma_wait3A_428, %dma_wait3A_429] : memref<270000x128xf32, #tpu.memory_space<hbm>> -> memref<270000x128xf32, #tpu.memory_space<hbm>>
      tpu.wait_indirect_dma semaphore(%arg16 : memref<!tpu.dma_semaphore, #tpu.memory_space<semaphore_mem>>) src(%dma_wait3A_430 : memref<270000x128xf32, #tpu.memory_space<hbm>>) dst(%arg12 : memref<40x128xf32, #tpu.memory_space<vmem>>)
      %run_scoped3A_431 = arith.constant 22 : i32
      "tpu.region"() ({
        %run_scoped3A_455 = tpu.sem_alloc : memref<!tpu.dma_semaphore, #tpu.memory_space<semaphore_mem>>
        %dma_start3A_456 = arith.constant 0 : i32
        %dma_start3A_457 = tpu.memref_slice %arg9[%run_scoped3A_431, %dma_start3A_456] : memref<25x40xi32, #tpu.memory_space<vmem>> -> memref<1x40xi32, #tpu.memory_space<vmem>>
        %dma_start3A_458 = tpu.memref_squeeze %dma_start3A_457 : memref<1x40xi32, #tpu.memory_space<vmem>> -> memref<40xi32, #tpu.memory_space<vmem>>
        %dma_start3A_459 = arith.constant 0 : i32
        %dma_start3A_460 = arith.constant 0 : i32
        %dma_start3A_461 = tpu.memref_slice %arg19[%dma_start3A_459, %dma_start3A_460] : memref<10240x128xf32, #tpu.memory_space<vmem_shared>> -> memref<10240x128xf32, #tpu.memory_space<vmem_shared>>
        tpu.enqueue_indirect_dma source(%arg12 : memref<40x128xf32, #tpu.memory_space<vmem>>) target(%dma_start3A_461 : memref<10240x128xf32, #tpu.memory_space<vmem_shared>>) offsets(%dma_start3A_458 : memref<40xi32, #tpu.memory_space<vmem>>) semaphore(%run_scoped3A_455 : memref<!tpu.dma_semaphore, #tpu.memory_space<semaphore_mem>>) {add = true}
        %dma_wait3A_462 = arith.constant 0 : i32
        %dma_wait3A_463 = tpu.memref_slice %arg9[%run_scoped3A_431, %dma_wait3A_462] : memref<25x40xi32, #tpu.memory_space<vmem>> -> memref<1x40xi32, #tpu.memory_space<vmem>>
        %dma_wait3A_464 = tpu.memref_squeeze %dma_wait3A_463 : memref<1x40xi32, #tpu.memory_space<vmem>> -> memref<40xi32, #tpu.memory_space<vmem>>
        %dma_wait3A_465 = arith.constant 0 : i32
        %dma_wait3A_466 = arith.constant 0 : i32
        %dma_wait3A_467 = tpu.memref_slice %arg19[%dma_wait3A_465, %dma_wait3A_466] : memref<10240x128xf32, #tpu.memory_space<vmem_shared>> -> memref<10240x128xf32, #tpu.memory_space<vmem_shared>>
        tpu.wait_indirect_dma semaphore(%run_scoped3A_455 : memref<!tpu.dma_semaphore, #tpu.memory_space<semaphore_mem>>) src(%arg12 : memref<40x128xf32, #tpu.memory_space<vmem>>) dst(%dma_wait3A_467 : memref<10240x128xf32, #tpu.memory_space<vmem_shared>>)
        tpu.yield
      }) : () -> ()
      %dma_wait3A_432 = arith.constant 23 : i32
      %dma_wait3A_433 = arith.constant 0 : i32
      %dma_wait3A_434 = tpu.memref_slice %arg8[%dma_wait3A_432, %dma_wait3A_433] : memref<25x40xi32, #tpu.memory_space<vmem>> -> memref<1x40xi32, #tpu.memory_space<vmem>>
      %dma_wait3A_435 = tpu.memref_squeeze %dma_wait3A_434 : memref<1x40xi32, #tpu.memory_space<vmem>> -> memref<40xi32, #tpu.memory_space<vmem>>
      %dma_wait3A_436 = arith.constant 0 : i32
      %dma_wait3A_437 = arith.constant 0 : i32
      %dma_wait3A_438 = tpu.memref_slice %arg2[%dma_wait3A_436, %dma_wait3A_437] : memref<270000x128xf32, #tpu.memory_space<hbm>> -> memref<270000x128xf32, #tpu.memory_space<hbm>>
      tpu.wait_indirect_dma semaphore(%arg17 : memref<!tpu.dma_semaphore, #tpu.memory_space<semaphore_mem>>) src(%dma_wait3A_438 : memref<270000x128xf32, #tpu.memory_space<hbm>>) dst(%arg13 : memref<40x128xf32, #tpu.memory_space<vmem>>)
      %run_scoped3A_439 = arith.constant 23 : i32
      "tpu.region"() ({
        %run_scoped3A_455 = tpu.sem_alloc : memref<!tpu.dma_semaphore, #tpu.memory_space<semaphore_mem>>
        %dma_start3A_456 = arith.constant 0 : i32
        %dma_start3A_457 = tpu.memref_slice %arg9[%run_scoped3A_439, %dma_start3A_456] : memref<25x40xi32, #tpu.memory_space<vmem>> -> memref<1x40xi32, #tpu.memory_space<vmem>>
        %dma_start3A_458 = tpu.memref_squeeze %dma_start3A_457 : memref<1x40xi32, #tpu.memory_space<vmem>> -> memref<40xi32, #tpu.memory_space<vmem>>
        %dma_start3A_459 = arith.constant 0 : i32
        %dma_start3A_460 = arith.constant 0 : i32
        %dma_start3A_461 = tpu.memref_slice %arg19[%dma_start3A_459, %dma_start3A_460] : memref<10240x128xf32, #tpu.memory_space<vmem_shared>> -> memref<10240x128xf32, #tpu.memory_space<vmem_shared>>
        tpu.enqueue_indirect_dma source(%arg13 : memref<40x128xf32, #tpu.memory_space<vmem>>) target(%dma_start3A_461 : memref<10240x128xf32, #tpu.memory_space<vmem_shared>>) offsets(%dma_start3A_458 : memref<40xi32, #tpu.memory_space<vmem>>) semaphore(%run_scoped3A_455 : memref<!tpu.dma_semaphore, #tpu.memory_space<semaphore_mem>>) {add = true}
        %dma_wait3A_462 = arith.constant 0 : i32
        %dma_wait3A_463 = tpu.memref_slice %arg9[%run_scoped3A_439, %dma_wait3A_462] : memref<25x40xi32, #tpu.memory_space<vmem>> -> memref<1x40xi32, #tpu.memory_space<vmem>>
        %dma_wait3A_464 = tpu.memref_squeeze %dma_wait3A_463 : memref<1x40xi32, #tpu.memory_space<vmem>> -> memref<40xi32, #tpu.memory_space<vmem>>
        %dma_wait3A_465 = arith.constant 0 : i32
        %dma_wait3A_466 = arith.constant 0 : i32
        %dma_wait3A_467 = tpu.memref_slice %arg19[%dma_wait3A_465, %dma_wait3A_466] : memref<10240x128xf32, #tpu.memory_space<vmem_shared>> -> memref<10240x128xf32, #tpu.memory_space<vmem_shared>>
        tpu.wait_indirect_dma semaphore(%run_scoped3A_455 : memref<!tpu.dma_semaphore, #tpu.memory_space<semaphore_mem>>) src(%arg13 : memref<40x128xf32, #tpu.memory_space<vmem>>) dst(%dma_wait3A_467 : memref<10240x128xf32, #tpu.memory_space<vmem_shared>>)
        tpu.yield
      }) : () -> ()
      %dma_wait3A_440 = arith.constant 24 : i32
      %dma_wait3A_441 = arith.constant 0 : i32
      %dma_wait3A_442 = tpu.memref_slice %arg8[%dma_wait3A_440, %dma_wait3A_441] : memref<25x40xi32, #tpu.memory_space<vmem>> -> memref<1x40xi32, #tpu.memory_space<vmem>>
      %dma_wait3A_443 = tpu.memref_squeeze %dma_wait3A_442 : memref<1x40xi32, #tpu.memory_space<vmem>> -> memref<40xi32, #tpu.memory_space<vmem>>
      %dma_wait3A_444 = arith.constant 0 : i32
      %dma_wait3A_445 = arith.constant 0 : i32
      %dma_wait3A_446 = tpu.memref_slice %arg2[%dma_wait3A_444, %dma_wait3A_445] : memref<270000x128xf32, #tpu.memory_space<hbm>> -> memref<270000x128xf32, #tpu.memory_space<hbm>>
      tpu.wait_indirect_dma semaphore(%arg14 : memref<!tpu.dma_semaphore, #tpu.memory_space<semaphore_mem>>) src(%dma_wait3A_446 : memref<270000x128xf32, #tpu.memory_space<hbm>>) dst(%arg10 : memref<40x128xf32, #tpu.memory_space<vmem>>)
      %run_scoped3A_447 = arith.constant 24 : i32
      "tpu.region"() ({
        %run_scoped3A_455 = tpu.sem_alloc : memref<!tpu.dma_semaphore, #tpu.memory_space<semaphore_mem>>
        %dma_start3A_456 = arith.constant 0 : i32
        %dma_start3A_457 = tpu.memref_slice %arg9[%run_scoped3A_447, %dma_start3A_456] : memref<25x40xi32, #tpu.memory_space<vmem>> -> memref<1x40xi32, #tpu.memory_space<vmem>>
        %dma_start3A_458 = tpu.memref_squeeze %dma_start3A_457 : memref<1x40xi32, #tpu.memory_space<vmem>> -> memref<40xi32, #tpu.memory_space<vmem>>
        %dma_start3A_459 = arith.constant 0 : i32
        %dma_start3A_460 = arith.constant 0 : i32
        %dma_start3A_461 = tpu.memref_slice %arg19[%dma_start3A_459, %dma_start3A_460] : memref<10240x128xf32, #tpu.memory_space<vmem_shared>> -> memref<10240x128xf32, #tpu.memory_space<vmem_shared>>
        tpu.enqueue_indirect_dma source(%arg10 : memref<40x128xf32, #tpu.memory_space<vmem>>) target(%dma_start3A_461 : memref<10240x128xf32, #tpu.memory_space<vmem_shared>>) offsets(%dma_start3A_458 : memref<40xi32, #tpu.memory_space<vmem>>) semaphore(%run_scoped3A_455 : memref<!tpu.dma_semaphore, #tpu.memory_space<semaphore_mem>>) {add = true}
        %dma_wait3A_462 = arith.constant 0 : i32
        %dma_wait3A_463 = tpu.memref_slice %arg9[%run_scoped3A_447, %dma_wait3A_462] : memref<25x40xi32, #tpu.memory_space<vmem>> -> memref<1x40xi32, #tpu.memory_space<vmem>>
        %dma_wait3A_464 = tpu.memref_squeeze %dma_wait3A_463 : memref<1x40xi32, #tpu.memory_space<vmem>> -> memref<40xi32, #tpu.memory_space<vmem>>
        %dma_wait3A_465 = arith.constant 0 : i32
        %dma_wait3A_466 = arith.constant 0 : i32
        %dma_wait3A_467 = tpu.memref_slice %arg19[%dma_wait3A_465, %dma_wait3A_466] : memref<10240x128xf32, #tpu.memory_space<vmem_shared>> -> memref<10240x128xf32, #tpu.memory_space<vmem_shared>>
        tpu.wait_indirect_dma semaphore(%run_scoped3A_455 : memref<!tpu.dma_semaphore, #tpu.memory_space<semaphore_mem>>) src(%arg10 : memref<40x128xf32, #tpu.memory_space<vmem>>) dst(%dma_wait3A_467 : memref<10240x128xf32, #tpu.memory_space<vmem_shared>>)
        tpu.yield
      }) : () -> ()
      %add3A_448 = arith.constant 1 : i32
      %add3A_449 = arith.addi %add3A_359, %add3A_448 : i32
      %lt3A_450 = arith.constant 10 : i32
      %lt3A_451 = arith.cmpi slt, %add3A_449, %lt3A_450 : i32
      %convert_element_type3A_452 = arith.extui %lt3A_451 : i1 to i32
      %cond3A_453 = arith.constant 0 : i32
      %cond3A_454 = arith.cmpi ne, %convert_element_type3A_452, %cond3A_453 : i32
      scf.if %cond3A_454 {
        %add3A_455 = arith.constant 1 : i32
        %add3A_456 = arith.addi %add3A_359, %add3A_455 : i32
        %dma_wait3A_457 = arith.constant 0 : i32
        %dma_wait3A_458 = arith.constant 0 : i32
        %dma_wait3A_459 = tpu.memref_slice %arg3[%add3A, %add3A_456, %dma_wait3A_457, %dma_wait3A_458] : memref<32x10x25x40xi32, #tpu.memory_space<hbm>> -> memref<1x1x25x40xi32, #tpu.memory_space<hbm>>
        %dma_wait3A_460 = tpu.memref_squeeze %dma_wait3A_459 : memref<1x1x25x40xi32, #tpu.memory_space<hbm>> -> memref<25x40xi32, #tpu.memory_space<hbm>>
        %dma_wait3A_461 = arith.constant 0 : i32
        %dma_wait3A_462 = arith.constant 0 : i32
        %dma_wait3A_463 = tpu.memref_slice %arg3[%add3A, %add3A_456, %dma_wait3A_461, %dma_wait3A_462] : memref<32x10x25x40xi32, #tpu.memory_space<hbm>> -> memref<1x1x25x40xi32, #tpu.memory_space<hbm>>
        %dma_wait3A_464 = tpu.memref_squeeze %dma_wait3A_463 : memref<1x1x25x40xi32, #tpu.memory_space<hbm>> -> memref<25x40xi32, #tpu.memory_space<hbm>>
        tpu.wait_dma2 semaphore(%arg18 : memref<!tpu.dma_semaphore, #tpu.memory_space<semaphore_mem>>) src(%dma_wait3A_464 : memref<25x40xi32, #tpu.memory_space<hbm>>) dst(%arg6 : memref<25x40xi32, #tpu.memory_space<vmem>>)
        %add3A_465 = arith.constant 1 : i32
        %add3A_466 = arith.addi %add3A_359, %add3A_465 : i32
        %dma_wait3A_467 = arith.constant 1 : i32
        %dma_wait3A_468 = arith.constant 0 : i32
        %dma_wait3A_469 = arith.constant 0 : i32
        %dma_wait3A_470 = tpu.memref_slice %arg4[%dma_wait3A_467, %add3A, %add3A_466, %dma_wait3A_468, %dma_wait3A_469] : memref<2x32x10x25x40xi32, #tpu.memory_space<hbm>> -> memref<1x1x1x25x40xi32, #tpu.memory_space<hbm>>
        %dma_wait3A_471 = tpu.memref_squeeze %dma_wait3A_470 : memref<1x1x1x25x40xi32, #tpu.memory_space<hbm>> -> memref<25x40xi32, #tpu.memory_space<hbm>>
        %dma_wait3A_472 = arith.constant 0 : i32
        %dma_wait3A_473 = arith.constant 0 : i32
        %dma_wait3A_474 = tpu.memref_slice %arg4[%dma_wait3A_467, %add3A, %add3A_466, %dma_wait3A_472, %dma_wait3A_473] : memref<2x32x10x25x40xi32, #tpu.memory_space<hbm>> -> memref<1x1x1x25x40xi32, #tpu.memory_space<hbm>>
        %dma_wait3A_475 = tpu.memref_squeeze %dma_wait3A_474 : memref<1x1x1x25x40xi32, #tpu.memory_space<hbm>> -> memref<25x40xi32, #tpu.memory_space<hbm>>
        tpu.wait_dma2 semaphore(%arg18 : memref<!tpu.dma_semaphore, #tpu.memory_space<semaphore_mem>>) src(%dma_wait3A_475 : memref<25x40xi32, #tpu.memory_space<hbm>>) dst(%arg7 : memref<25x40xi32, #tpu.memory_space<vmem>>)
      } else {
      }
    }
    %scan3A_205 = arith.constant 5 : i32
    %barrier3A_206 = arith.constant 0 : index
    tpu.barrier barrier_id(%barrier3A_206)
    %sub3A = arith.constant 10000 : i32
    %sub3A_207 = arith.subi %sub3A, %mul3A_7 : i32
    %min3A = arith.constant 640 : i32
    %min3A_208 = arith.minsi %min3A, %sub3A_207 : i32
    %jit3A = arith.constant 40 : i32
    %div3A = arith.divsi %min3A_208, %jit3A : i32
    %sign3A = arith.constant 0 : i32
    %sign3A_209 = arith.cmpi sgt, %min3A_208, %sign3A : i32
    %sign3A_210 = arith.extui %sign3A_209 : i1 to i32
    %sign3A_211 = arith.constant 0 : i32
    %sign3A_212 = arith.cmpi slt, %min3A_208, %sign3A_211 : i32
    %sign3A_213 = arith.extui %sign3A_212 : i1 to i32
    %sign3A_214 = arith.subi %sign3A_210, %sign3A_213 : i32
    %sign3A_215 = arith.constant 0 : i32
    %sign3A_216 = arith.cmpi sgt, %jit3A, %sign3A_215 : i32
    %sign3A_217 = arith.extui %sign3A_216 : i1 to i32
    %sign3A_218 = arith.constant 0 : i32
    %sign3A_219 = arith.cmpi slt, %jit3A, %sign3A_218 : i32
    %sign3A_220 = arith.extui %sign3A_219 : i1 to i32
    %sign3A_221 = arith.subi %sign3A_217, %sign3A_220 : i32
    %ne3A = arith.cmpi ne, %sign3A_214, %sign3A_221 : i32
    %rem3A = arith.remsi %min3A_208, %jit3A : i32
    %ne3A_222 = arith.constant 0 : i32
    %ne3A_223 = arith.cmpi ne, %rem3A, %ne3A_222 : i32
    %and3A = arith.andi %ne3A, %ne3A_223 : i1
    %sub3A_224 = arith.constant 1 : i32
    %sub3A_225 = arith.subi %div3A, %sub3A_224 : i32
    %select_n3A = arith.select %and3A, %sub3A_225, %div3A : i32
    %jit3A_226 = arith.constant 2 : i32
    %div3A_227 = arith.divsi %select_n3A, %jit3A_226 : i32
    %sign3A_228 = arith.constant 0 : i32
    %sign3A_229 = arith.cmpi sgt, %select_n3A, %sign3A_228 : i32
    %sign3A_230 = arith.extui %sign3A_229 : i1 to i32
    %sign3A_231 = arith.constant 0 : i32
    %sign3A_232 = arith.cmpi slt, %select_n3A, %sign3A_231 : i32
    %sign3A_233 = arith.extui %sign3A_232 : i1 to i32
    %sign3A_234 = arith.subi %sign3A_230, %sign3A_233 : i32
    %sign3A_235 = arith.constant 0 : i32
    %sign3A_236 = arith.cmpi sgt, %jit3A_226, %sign3A_235 : i32
    %sign3A_237 = arith.extui %sign3A_236 : i1 to i32
    %sign3A_238 = arith.constant 0 : i32
    %sign3A_239 = arith.cmpi slt, %jit3A_226, %sign3A_238 : i32
    %sign3A_240 = arith.extui %sign3A_239 : i1 to i32
    %sign3A_241 = arith.subi %sign3A_237, %sign3A_240 : i32
    %ne3A_242 = arith.cmpi ne, %sign3A_234, %sign3A_241 : i32
    %rem3A_243 = arith.remsi %select_n3A, %jit3A_226 : i32
    %ne3A_244 = arith.constant 0 : i32
    %ne3A_245 = arith.cmpi ne, %rem3A_243, %ne3A_244 : i32
    %and3A_246 = arith.andi %ne3A_242, %ne3A_245 : i1
    %sub3A_247 = arith.constant 1 : i32
    %sub3A_248 = arith.subi %div3A_227, %sub3A_247 : i32
    %select_n3A_249 = arith.select %and3A_246, %sub3A_248, %div3A_227 : i32
    %while3A = arith.constant 0 : i32
    %while3A_250 = arith.constant 0 : i32
    %while3A_251 = arith.subi %select_n3A_249, %while3A_250 : i32
    %while3A_252 = arith.addi %while3A_250, %while3A_251 : i32
    %while3A_253 = arith.constant 1 : i32
    %while3A_254 = arith.divsi %while3A_251, %while3A_253 : i32
    %while3A_255 = arith.muli %while3A_254, %while3A_253 : i32
    %while3A_256 = arith.addi %while3A_250, %while3A_255 : i32
    %while3A_257 = arith.constant 1 : i32
    scf.for %while3A_259 = %while3A_250 to %while3A_256 step %while3A_257  : i32 {
      %mul3A_260 = arith.constant 2 : i32
      %mul3A_261 = arith.muli %mul3A_260, %while3A_259 : i32
      %mul3A_262 = arith.constant 40 : i32
      %mul3A_263 = arith.muli %mul3A_261, %mul3A_262 : i32
      %add3A_264 = arith.addi %mul3A_7, %mul3A_263 : i32
      %add3A_265 = arith.constant 0 : i32
      %add3A_266 = arith.addi %add3A_264, %add3A_265 : i32
      "tpu.region"() ({
        %run_scoped3A_301 = tpu.sem_alloc : memref<!tpu.dma_semaphore, #tpu.memory_space<semaphore_mem>>
        %dma_start3A_302 = arith.constant 0 : i32
        %dma_start3A_303 = tpu.memref_slice %arg19[%add3A_266, %dma_start3A_302] : memref<10240x128xf32, #tpu.memory_space<vmem_shared>> -> memref<40x128xf32, #tpu.memory_space<vmem_shared>>
        %dma_start3A_304 = arith.constant 0 : i32
        %dma_start3A_305 = tpu.memref_slice %arg19[%add3A_266, %dma_start3A_304] : memref<10240x128xf32, #tpu.memory_space<vmem_shared>> -> memref<40x128xf32, #tpu.memory_space<vmem_shared>>
        tpu.enqueue_dma source(%dma_start3A_305 : memref<40x128xf32, #tpu.memory_space<vmem_shared>>) target(%arg10 : memref<40x128xf32, #tpu.memory_space<vmem>>) target_semaphore(%run_scoped3A_301 : memref<!tpu.dma_semaphore, #tpu.memory_space<semaphore_mem>>)
        %dma_wait3A_306 = arith.constant 0 : i32
        %dma_wait3A_307 = tpu.memref_slice %arg19[%add3A_266, %dma_wait3A_306] : memref<10240x128xf32, #tpu.memory_space<vmem_shared>> -> memref<40x128xf32, #tpu.memory_space<vmem_shared>>
        %dma_wait3A_308 = arith.constant 0 : i32
        %dma_wait3A_309 = tpu.memref_slice %arg19[%add3A_266, %dma_wait3A_308] : memref<10240x128xf32, #tpu.memory_space<vmem_shared>> -> memref<40x128xf32, #tpu.memory_space<vmem_shared>>
        tpu.wait_dma2 semaphore(%run_scoped3A_301 : memref<!tpu.dma_semaphore, #tpu.memory_space<semaphore_mem>>) src(%dma_wait3A_309 : memref<40x128xf32, #tpu.memory_space<vmem_shared>>) dst(%arg10 : memref<40x128xf32, #tpu.memory_space<vmem>>)
        tpu.yield
      }) : () -> ()
      %add3A_267 = arith.constant 0 : i32
      %add3A_268 = arith.addi %add3A_264, %add3A_267 : i32
      %dma_start3A_269 = arith.constant 0 : i32
      %dma_start3A_270 = tpu.memref_slice %arg5[%arg0, %add3A_268, %dma_start3A_269] : memref<2x10000x128xf32, #tpu.memory_space<hbm>> -> memref<1x40x128xf32, #tpu.memory_space<hbm>>
      %dma_start3A_271 = tpu.memref_squeeze %dma_start3A_270 : memref<1x40x128xf32, #tpu.memory_space<hbm>> -> memref<40x128xf32, #tpu.memory_space<hbm>>
      %dma_start3A_272 = arith.constant 0 : i32
      %dma_start3A_273 = tpu.memref_slice %arg5[%arg0, %add3A_268, %dma_start3A_272] : memref<2x10000x128xf32, #tpu.memory_space<hbm>> -> memref<1x40x128xf32, #tpu.memory_space<hbm>>
      %dma_start3A_274 = tpu.memref_squeeze %dma_start3A_273 : memref<1x40x128xf32, #tpu.memory_space<hbm>> -> memref<40x128xf32, #tpu.memory_space<hbm>>
      tpu.enqueue_dma source(%arg10 : memref<40x128xf32, #tpu.memory_space<vmem>>) target(%dma_start3A_274 : memref<40x128xf32, #tpu.memory_space<hbm>>) target_semaphore(%arg14 : memref<!tpu.dma_semaphore, #tpu.memory_space<semaphore_mem>>)
      %add3A_275 = arith.constant 40 : i32
      %add3A_276 = arith.addi %add3A_264, %add3A_275 : i32
      "tpu.region"() ({
        %run_scoped3A_301 = tpu.sem_alloc : memref<!tpu.dma_semaphore, #tpu.memory_space<semaphore_mem>>
        %dma_start3A_302 = arith.constant 0 : i32
        %dma_start3A_303 = tpu.memref_slice %arg19[%add3A_276, %dma_start3A_302] : memref<10240x128xf32, #tpu.memory_space<vmem_shared>> -> memref<40x128xf32, #tpu.memory_space<vmem_shared>>
        %dma_start3A_304 = arith.constant 0 : i32
        %dma_start3A_305 = tpu.memref_slice %arg19[%add3A_276, %dma_start3A_304] : memref<10240x128xf32, #tpu.memory_space<vmem_shared>> -> memref<40x128xf32, #tpu.memory_space<vmem_shared>>
        tpu.enqueue_dma source(%dma_start3A_305 : memref<40x128xf32, #tpu.memory_space<vmem_shared>>) target(%arg11 : memref<40x128xf32, #tpu.memory_space<vmem>>) target_semaphore(%run_scoped3A_301 : memref<!tpu.dma_semaphore, #tpu.memory_space<semaphore_mem>>)
        %dma_wait3A_306 = arith.constant 0 : i32
        %dma_wait3A_307 = tpu.memref_slice %arg19[%add3A_276, %dma_wait3A_306] : memref<10240x128xf32, #tpu.memory_space<vmem_shared>> -> memref<40x128xf32, #tpu.memory_space<vmem_shared>>
        %dma_wait3A_308 = arith.constant 0 : i32
        %dma_wait3A_309 = tpu.memref_slice %arg19[%add3A_276, %dma_wait3A_308] : memref<10240x128xf32, #tpu.memory_space<vmem_shared>> -> memref<40x128xf32, #tpu.memory_space<vmem_shared>>
        tpu.wait_dma2 semaphore(%run_scoped3A_301 : memref<!tpu.dma_semaphore, #tpu.memory_space<semaphore_mem>>) src(%dma_wait3A_309 : memref<40x128xf32, #tpu.memory_space<vmem_shared>>) dst(%arg11 : memref<40x128xf32, #tpu.memory_space<vmem>>)
        tpu.yield
      }) : () -> ()
      %add3A_277 = arith.constant 40 : i32
      %add3A_278 = arith.addi %add3A_264, %add3A_277 : i32
      %dma_start3A_279 = arith.constant 0 : i32
      %dma_start3A_280 = tpu.memref_slice %arg5[%arg0, %add3A_278, %dma_start3A_279] : memref<2x10000x128xf32, #tpu.memory_space<hbm>> -> memref<1x40x128xf32, #tpu.memory_space<hbm>>
      %dma_start3A_281 = tpu.memref_squeeze %dma_start3A_280 : memref<1x40x128xf32, #tpu.memory_space<hbm>> -> memref<40x128xf32, #tpu.memory_space<hbm>>
      %dma_start3A_282 = arith.constant 0 : i32
      %dma_start3A_283 = tpu.memref_slice %arg5[%arg0, %add3A_278, %dma_start3A_282] : memref<2x10000x128xf32, #tpu.memory_space<hbm>> -> memref<1x40x128xf32, #tpu.memory_space<hbm>>
      %dma_start3A_284 = tpu.memref_squeeze %dma_start3A_283 : memref<1x40x128xf32, #tpu.memory_space<hbm>> -> memref<40x128xf32, #tpu.memory_space<hbm>>
      tpu.enqueue_dma source(%arg11 : memref<40x128xf32, #tpu.memory_space<vmem>>) target(%dma_start3A_284 : memref<40x128xf32, #tpu.memory_space<hbm>>) target_semaphore(%arg15 : memref<!tpu.dma_semaphore, #tpu.memory_space<semaphore_mem>>)
      %add3A_285 = arith.constant 0 : i32
      %add3A_286 = arith.addi %add3A_264, %add3A_285 : i32
      %dma_wait3A_287 = arith.constant 0 : i32
      %dma_wait3A_288 = tpu.memref_slice %arg5[%arg0, %add3A_286, %dma_wait3A_287] : memref<2x10000x128xf32, #tpu.memory_space<hbm>> -> memref<1x40x128xf32, #tpu.memory_space<hbm>>
      %dma_wait3A_289 = tpu.memref_squeeze %dma_wait3A_288 : memref<1x40x128xf32, #tpu.memory_space<hbm>> -> memref<40x128xf32, #tpu.memory_space<hbm>>
      %dma_wait3A_290 = arith.constant 0 : i32
      %dma_wait3A_291 = tpu.memref_slice %arg5[%arg0, %add3A_286, %dma_wait3A_290] : memref<2x10000x128xf32, #tpu.memory_space<hbm>> -> memref<1x40x128xf32, #tpu.memory_space<hbm>>
      %dma_wait3A_292 = tpu.memref_squeeze %dma_wait3A_291 : memref<1x40x128xf32, #tpu.memory_space<hbm>> -> memref<40x128xf32, #tpu.memory_space<hbm>>
      tpu.wait_dma2 semaphore(%arg14 : memref<!tpu.dma_semaphore, #tpu.memory_space<semaphore_mem>>) src(%arg10 : memref<40x128xf32, #tpu.memory_space<vmem>>) dst(%dma_wait3A_292 : memref<40x128xf32, #tpu.memory_space<hbm>>)
      %add3A_293 = arith.constant 40 : i32
      %add3A_294 = arith.addi %add3A_264, %add3A_293 : i32
      %dma_wait3A_295 = arith.constant 0 : i32
      %dma_wait3A_296 = tpu.memref_slice %arg5[%arg0, %add3A_294, %dma_wait3A_295] : memref<2x10000x128xf32, #tpu.memory_space<hbm>> -> memref<1x40x128xf32, #tpu.memory_space<hbm>>
      %dma_wait3A_297 = tpu.memref_squeeze %dma_wait3A_296 : memref<1x40x128xf32, #tpu.memory_space<hbm>> -> memref<40x128xf32, #tpu.memory_space<hbm>>
      %dma_wait3A_298 = arith.constant 0 : i32
      %dma_wait3A_299 = tpu.memref_slice %arg5[%arg0, %add3A_294, %dma_wait3A_298] : memref<2x10000x128xf32, #tpu.memory_space<hbm>> -> memref<1x40x128xf32, #tpu.memory_space<hbm>>
      %dma_wait3A_300 = tpu.memref_squeeze %dma_wait3A_299 : memref<1x40x128xf32, #tpu.memory_space<hbm>> -> memref<40x128xf32, #tpu.memory_space<hbm>>
      tpu.wait_dma2 semaphore(%arg15 : memref<!tpu.dma_semaphore, #tpu.memory_space<semaphore_mem>>) src(%arg11 : memref<40x128xf32, #tpu.memory_space<vmem>>) dst(%dma_wait3A_300 : memref<40x128xf32, #tpu.memory_space<hbm>>)
    }
    %while3A_258 = arith.constant 1 : i32
    scf.for %while3A_259 = %while3A_256 to %while3A_252 step %while3A_258  : i32 {
      %mul3A_260 = arith.constant 2 : i32
      %mul3A_261 = arith.muli %mul3A_260, %while3A_259 : i32
      %mul3A_262 = arith.constant 40 : i32
      %mul3A_263 = arith.muli %mul3A_261, %mul3A_262 : i32
      %add3A_264 = arith.addi %mul3A_7, %mul3A_263 : i32
      %add3A_265 = arith.constant 0 : i32
      %add3A_266 = arith.addi %add3A_264, %add3A_265 : i32
      "tpu.region"() ({
        %run_scoped3A_301 = tpu.sem_alloc : memref<!tpu.dma_semaphore, #tpu.memory_space<semaphore_mem>>
        %dma_start3A_302 = arith.constant 0 : i32
        %dma_start3A_303 = tpu.memref_slice %arg19[%add3A_266, %dma_start3A_302] : memref<10240x128xf32, #tpu.memory_space<vmem_shared>> -> memref<40x128xf32, #tpu.memory_space<vmem_shared>>
        %dma_start3A_304 = arith.constant 0 : i32
        %dma_start3A_305 = tpu.memref_slice %arg19[%add3A_266, %dma_start3A_304] : memref<10240x128xf32, #tpu.memory_space<vmem_shared>> -> memref<40x128xf32, #tpu.memory_space<vmem_shared>>
        tpu.enqueue_dma source(%dma_start3A_305 : memref<40x128xf32, #tpu.memory_space<vmem_shared>>) target(%arg10 : memref<40x128xf32, #tpu.memory_space<vmem>>) target_semaphore(%run_scoped3A_301 : memref<!tpu.dma_semaphore, #tpu.memory_space<semaphore_mem>>)
        %dma_wait3A_306 = arith.constant 0 : i32
        %dma_wait3A_307 = tpu.memref_slice %arg19[%add3A_266, %dma_wait3A_306] : memref<10240x128xf32, #tpu.memory_space<vmem_shared>> -> memref<40x128xf32, #tpu.memory_space<vmem_shared>>
        %dma_wait3A_308 = arith.constant 0 : i32
        %dma_wait3A_309 = tpu.memref_slice %arg19[%add3A_266, %dma_wait3A_308] : memref<10240x128xf32, #tpu.memory_space<vmem_shared>> -> memref<40x128xf32, #tpu.memory_space<vmem_shared>>
        tpu.wait_dma2 semaphore(%run_scoped3A_301 : memref<!tpu.dma_semaphore, #tpu.memory_space<semaphore_mem>>) src(%dma_wait3A_309 : memref<40x128xf32, #tpu.memory_space<vmem_shared>>) dst(%arg10 : memref<40x128xf32, #tpu.memory_space<vmem>>)
        tpu.yield
      }) : () -> ()
      %add3A_267 = arith.constant 0 : i32
      %add3A_268 = arith.addi %add3A_264, %add3A_267 : i32
      %dma_start3A_269 = arith.constant 0 : i32
      %dma_start3A_270 = tpu.memref_slice %arg5[%arg0, %add3A_268, %dma_start3A_269] : memref<2x10000x128xf32, #tpu.memory_space<hbm>> -> memref<1x40x128xf32, #tpu.memory_space<hbm>>
      %dma_start3A_271 = tpu.memref_squeeze %dma_start3A_270 : memref<1x40x128xf32, #tpu.memory_space<hbm>> -> memref<40x128xf32, #tpu.memory_space<hbm>>
      %dma_start3A_272 = arith.constant 0 : i32
      %dma_start3A_273 = tpu.memref_slice %arg5[%arg0, %add3A_268, %dma_start3A_272] : memref<2x10000x128xf32, #tpu.memory_space<hbm>> -> memref<1x40x128xf32, #tpu.memory_space<hbm>>
      %dma_start3A_274 = tpu.memref_squeeze %dma_start3A_273 : memref<1x40x128xf32, #tpu.memory_space<hbm>> -> memref<40x128xf32, #tpu.memory_space<hbm>>
      tpu.enqueue_dma source(%arg10 : memref<40x128xf32, #tpu.memory_space<vmem>>) target(%dma_start3A_274 : memref<40x128xf32, #tpu.memory_space<hbm>>) target_semaphore(%arg14 : memref<!tpu.dma_semaphore, #tpu.memory_space<semaphore_mem>>)
      %add3A_275 = arith.constant 40 : i32
      %add3A_276 = arith.addi %add3A_264, %add3A_275 : i32
      "tpu.region"() ({
        %run_scoped3A_301 = tpu.sem_alloc : memref<!tpu.dma_semaphore, #tpu.memory_space<semaphore_mem>>
        %dma_start3A_302 = arith.constant 0 : i32
        %dma_start3A_303 = tpu.memref_slice %arg19[%add3A_276, %dma_start3A_302] : memref<10240x128xf32, #tpu.memory_space<vmem_shared>> -> memref<40x128xf32, #tpu.memory_space<vmem_shared>>
        %dma_start3A_304 = arith.constant 0 : i32
        %dma_start3A_305 = tpu.memref_slice %arg19[%add3A_276, %dma_start3A_304] : memref<10240x128xf32, #tpu.memory_space<vmem_shared>> -> memref<40x128xf32, #tpu.memory_space<vmem_shared>>
        tpu.enqueue_dma source(%dma_start3A_305 : memref<40x128xf32, #tpu.memory_space<vmem_shared>>) target(%arg11 : memref<40x128xf32, #tpu.memory_space<vmem>>) target_semaphore(%run_scoped3A_301 : memref<!tpu.dma_semaphore, #tpu.memory_space<semaphore_mem>>)
        %dma_wait3A_306 = arith.constant 0 : i32
        %dma_wait3A_307 = tpu.memref_slice %arg19[%add3A_276, %dma_wait3A_306] : memref<10240x128xf32, #tpu.memory_space<vmem_shared>> -> memref<40x128xf32, #tpu.memory_space<vmem_shared>>
        %dma_wait3A_308 = arith.constant 0 : i32
        %dma_wait3A_309 = tpu.memref_slice %arg19[%add3A_276, %dma_wait3A_308] : memref<10240x128xf32, #tpu.memory_space<vmem_shared>> -> memref<40x128xf32, #tpu.memory_space<vmem_shared>>
        tpu.wait_dma2 semaphore(%run_scoped3A_301 : memref<!tpu.dma_semaphore, #tpu.memory_space<semaphore_mem>>) src(%dma_wait3A_309 : memref<40x128xf32, #tpu.memory_space<vmem_shared>>) dst(%arg11 : memref<40x128xf32, #tpu.memory_space<vmem>>)
        tpu.yield
      }) : () -> ()
      %add3A_277 = arith.constant 40 : i32
      %add3A_278 = arith.addi %add3A_264, %add3A_277 : i32
      %dma_start3A_279 = arith.constant 0 : i32
      %dma_start3A_280 = tpu.memref_slice %arg5[%arg0, %add3A_278, %dma_start3A_279] : memref<2x10000x128xf32, #tpu.memory_space<hbm>> -> memref<1x40x128xf32, #tpu.memory_space<hbm>>
      %dma_start3A_281 = tpu.memref_squeeze %dma_start3A_280 : memref<1x40x128xf32, #tpu.memory_space<hbm>> -> memref<40x128xf32, #tpu.memory_space<hbm>>
      %dma_start3A_282 = arith.constant 0 : i32
      %dma_start3A_283 = tpu.memref_slice %arg5[%arg0, %add3A_278, %dma_start3A_282] : memref<2x10000x128xf32, #tpu.memory_space<hbm>> -> memref<1x40x128xf32, #tpu.memory_space<hbm>>
      %dma_start3A_284 = tpu.memref_squeeze %dma_start3A_283 : memref<1x40x128xf32, #tpu.memory_space<hbm>> -> memref<40x128xf32, #tpu.memory_space<hbm>>
      tpu.enqueue_dma source(%arg11 : memref<40x128xf32, #tpu.memory_space<vmem>>) target(%dma_start3A_284 : memref<40x128xf32, #tpu.memory_space<hbm>>) target_semaphore(%arg15 : memref<!tpu.dma_semaphore, #tpu.memory_space<semaphore_mem>>)
      %add3A_285 = arith.constant 0 : i32
      %add3A_286 = arith.addi %add3A_264, %add3A_285 : i32
      %dma_wait3A_287 = arith.constant 0 : i32
      %dma_wait3A_288 = tpu.memref_slice %arg5[%arg0, %add3A_286, %dma_wait3A_287] : memref<2x10000x128xf32, #tpu.memory_space<hbm>> -> memref<1x40x128xf32, #tpu.memory_space<hbm>>
      %dma_wait3A_289 = tpu.memref_squeeze %dma_wait3A_288 : memref<1x40x128xf32, #tpu.memory_space<hbm>> -> memref<40x128xf32, #tpu.memory_space<hbm>>
      %dma_wait3A_290 = arith.constant 0 : i32
      %dma_wait3A_291 = tpu.memref_slice %arg5[%arg0, %add3A_286, %dma_wait3A_290] : memref<2x10000x128xf32, #tpu.memory_space<hbm>> -> memref<1x40x128xf32, #tpu.memory_space<hbm>>
      %dma_wait3A_292 = tpu.memref_squeeze %dma_wait3A_291 : memref<1x40x128xf32, #tpu.memory_space<hbm>> -> memref<40x128xf32, #tpu.memory_space<hbm>>
      tpu.wait_dma2 semaphore(%arg14 : memref<!tpu.dma_semaphore, #tpu.memory_space<semaphore_mem>>) src(%arg10 : memref<40x128xf32, #tpu.memory_space<vmem>>) dst(%dma_wait3A_292 : memref<40x128xf32, #tpu.memory_space<hbm>>)
      %add3A_293 = arith.constant 40 : i32
      %add3A_294 = arith.addi %add3A_264, %add3A_293 : i32
      %dma_wait3A_295 = arith.constant 0 : i32
      %dma_wait3A_296 = tpu.memref_slice %arg5[%arg0, %add3A_294, %dma_wait3A_295] : memref<2x10000x128xf32, #tpu.memory_space<hbm>> -> memref<1x40x128xf32, #tpu.memory_space<hbm>>
      %dma_wait3A_297 = tpu.memref_squeeze %dma_wait3A_296 : memref<1x40x128xf32, #tpu.memory_space<hbm>> -> memref<40x128xf32, #tpu.memory_space<hbm>>
      %dma_wait3A_298 = arith.constant 0 : i32
      %dma_wait3A_299 = tpu.memref_slice %arg5[%arg0, %add3A_294, %dma_wait3A_298] : memref<2x10000x128xf32, #tpu.memory_space<hbm>> -> memref<1x40x128xf32, #tpu.memory_space<hbm>>
      %dma_wait3A_300 = tpu.memref_squeeze %dma_wait3A_299 : memref<1x40x128xf32, #tpu.memory_space<hbm>> -> memref<40x128xf32, #tpu.memory_space<hbm>>
      tpu.wait_dma2 semaphore(%arg15 : memref<!tpu.dma_semaphore, #tpu.memory_space<semaphore_mem>>) src(%arg11 : memref<40x128xf32, #tpu.memory_space<vmem>>) dst(%dma_wait3A_300 : memref<40x128xf32, #tpu.memory_space<hbm>>)
    }
    return
  }
}

module attributes {stable_mosaic.version = 14 : i64} {
  func.func @_gidx_body(%arg0: i32, %arg1: memref<1x2500x128xi32, #tpu.memory_space<vmem>>, %arg2: memref<2500x128xi32, #tpu.memory_space<vmem>>, %arg3: memref<2500x128xi32, #tpu.memory_space<vmem>>) attributes {dimension_semantics = [#tpu.dimension_semantics<arbitrary>], iteration_bounds = array<i64: 1>, scalar_prefetch = 0 : i64, scratch_operands = 0 : i64, tpu.core_type = #tpu.core_type<tc>, window_params = [{transform_indices = @transform_0, window_bounds = array<i64: 1, 2500, 128>}, {pipeline_mode = #tpu.pipeline_mode<synchronous>, transform_indices = @transform_1, window_bounds = array<i64: 2500, 128>}, {pipeline_mode = #tpu.pipeline_mode<synchronous>, transform_indices = @transform_2, window_bounds = array<i64: 2500, 128>}]} {
    %get3A = arith.constant 0 : index
    %get3A_0 = arith.constant 0 : index
    %get3A_1 = arith.constant 0 : index
    %get3A_2 = vector.load %arg1[%get3A, %get3A_0, %get3A_1] : memref<1x2500x128xi32, #tpu.memory_space<vmem>>, vector<1x2500x128xi32>
    %get3A_3 = vector.shape_cast %get3A_2 : vector<1x2500x128xi32> to vector<2500x128xi32>
    %jit3A = arith.constant 2000 : i32
    %div3A = vector.broadcast %jit3A : i32 to vector<2500x128xi32>
    %div3A_4 = arith.divsi %get3A_3, %div3A : vector<2500x128xi32>
    %sign3A = arith.constant 0 : i32
    %sign3A_5 = vector.broadcast %sign3A : i32 to vector<2500x128xi32>
    %sign3A_6 = arith.cmpi sgt, %get3A_3, %sign3A_5 : vector<2500x128xi32>
    %sign3A_7 = arith.extui %sign3A_6 : vector<2500x128xi1> to vector<2500x128xi32>
    %sign3A_8 = arith.constant 0 : i32
    %sign3A_9 = vector.broadcast %sign3A_8 : i32 to vector<2500x128xi32>
    %sign3A_10 = arith.cmpi slt, %get3A_3, %sign3A_9 : vector<2500x128xi32>
    %sign3A_11 = arith.extui %sign3A_10 : vector<2500x128xi1> to vector<2500x128xi32>
    %sign3A_12 = arith.subi %sign3A_7, %sign3A_11 : vector<2500x128xi32>
    %sign3A_13 = arith.constant 0 : i32
    %sign3A_14 = arith.cmpi sgt, %jit3A, %sign3A_13 : i32
    %sign3A_15 = arith.extui %sign3A_14 : i1 to i32
    %sign3A_16 = arith.constant 0 : i32
    %sign3A_17 = arith.cmpi slt, %jit3A, %sign3A_16 : i32
    %sign3A_18 = arith.extui %sign3A_17 : i1 to i32
    %sign3A_19 = arith.subi %sign3A_15, %sign3A_18 : i32
    %ne3A = vector.broadcast %sign3A_19 : i32 to vector<2500x128xi32>
    %ne3A_20 = arith.cmpi ne, %sign3A_12, %ne3A : vector<2500x128xi32>
    %rem3A = vector.broadcast %jit3A : i32 to vector<2500x128xi32>
    %rem3A_21 = arith.remsi %get3A_3, %rem3A : vector<2500x128xi32>
    %ne3A_22 = arith.constant 0 : i32
    %ne3A_23 = vector.broadcast %ne3A_22 : i32 to vector<2500x128xi32>
    %ne3A_24 = arith.cmpi ne, %rem3A_21, %ne3A_23 : vector<2500x128xi32>
    %and3A = arith.andi %ne3A_20, %ne3A_24 : vector<2500x128xi1>
    %sub3A = arith.constant 1 : i32
    %sub3A_25 = vector.broadcast %sub3A : i32 to vector<2500x128xi32>
    %sub3A_26 = arith.subi %div3A_4, %sub3A_25 : vector<2500x128xi32>
    %select_n3A = arith.select %and3A, %sub3A_26, %div3A_4 : vector<2500x128xi1>, vector<2500x128xi32>
    %mul3A = arith.constant 54000 : i32
    %mul3A_27 = vector.broadcast %mul3A : i32 to vector<2500x128xi32>
    %mul3A_28 = arith.muli %select_n3A, %mul3A_27 : vector<2500x128xi32>
    %get3A_29 = arith.constant 0 : index
    %get3A_30 = arith.constant 0 : index
    %get3A_31 = vector.load %arg2[%get3A_29, %get3A_30] : memref<2500x128xi32, #tpu.memory_space<vmem>>, vector<2500x128xi32>
    %mul3A_32 = arith.constant 2000 : i32
    %mul3A_33 = vector.broadcast %mul3A_32 : i32 to vector<2500x128xi32>
    %mul3A_34 = arith.muli %get3A_31, %mul3A_33 : vector<2500x128xi32>
    %add3A = arith.addi %mul3A_28, %mul3A_34 : vector<2500x128xi32>
    %rem3A_35 = arith.constant 2000 : i32
    %rem3A_36 = vector.broadcast %rem3A_35 : i32 to vector<2500x128xi32>
    %rem3A_37 = arith.remsi %get3A_3, %rem3A_36 : vector<2500x128xi32>
    %add3A_38 = arith.addi %add3A, %rem3A_37 : vector<2500x128xi32>
    %swap3A = arith.constant 0 : index
    %swap3A_39 = arith.constant 0 : index
    %swap3A_40 = vector.load %arg3[%swap3A, %swap3A_39] : memref<2500x128xi32, #tpu.memory_space<vmem>>, vector<2500x128xi32>
    tpu.vector_store %arg3[%swap3A, %swap3A_39], %add3A_38 {strides = array<i32>} : memref<2500x128xi32, #tpu.memory_space<vmem>>, vector<2500x128xi32>,
    return
  }
  func.func @transform_0(%arg0: i32) -> (i32, i32, i32) {
    %c0_i32 = arith.constant 0 : i32
    %c0_i32_0 = arith.constant 0 : i32
    %c0_i32_1 = arith.constant 0 : i32
    %c0_i32_2 = arith.constant 0 : i32
    return %c0_i32, %c0_i32_0, %c0_i32_1 : i32, i32, i32
  }
  func.func @transform_1(%arg0: i32) -> (i32, i32) {
    %c0_i32 = arith.constant 0 : i32
    %c0_i32_0 = arith.constant 0 : i32
    %c0_i32_1 = arith.constant 0 : i32
    return %c0_i32, %c0_i32_0 : i32, i32
  }
  func.func @transform_2(%arg0: i32) -> (i32, i32) {
    %c0_i32 = arith.constant 0 : i32
    %c0_i32_0 = arith.constant 0 : i32
    %c0_i32_1 = arith.constant 0 : i32
    return %c0_i32, %c0_i32_0 : i32, i32
  }
}

module attributes {stable_mosaic.version = 14 : i64} {
  func.func @_mm_body(%arg0: i32, %arg1: i32, %arg2: memref<2000x128xbf16, #tpu.memory_space<vmem>>, %arg3: memref<1x128x128xbf16, #tpu.memory_space<vmem>>, %arg4: memref<1x1x2000x128xf32, #tpu.memory_space<vmem>>) attributes {dimension_semantics = [#tpu.dimension_semantics<arbitrary>, #tpu.dimension_semantics<arbitrary>], iteration_bounds = array<i64: 5, 27>, scalar_prefetch = 0 : i64, scratch_operands = 0 : i64, tpu.core_type = #tpu.core_type<tc>, window_params = [{transform_indices = @transform_0, window_bounds = array<i64: 2000, 128>}, {transform_indices = @transform_1, window_bounds = array<i64: 1, 128, 128>}, {transform_indices = @transform_2, window_bounds = array<i64: 1, 1, 2000, 128>}]} {
    %get3A = arith.constant 0 : index
    %get3A_0 = arith.constant 0 : index
    %get3A_1 = vector.load %arg2[%get3A, %get3A_0] : memref<2000x128xbf16, #tpu.memory_space<vmem>>, vector<2000x128xbf16>
    %get3A_2 = arith.constant 0 : index
    %get3A_3 = arith.constant 0 : index
    %get3A_4 = arith.constant 0 : index
    %get3A_5 = vector.load %arg3[%get3A_2, %get3A_3, %get3A_4] : memref<1x128x128xbf16, #tpu.memory_space<vmem>>, vector<1x128x128xbf16>
    %get3A_6 = vector.shape_cast %get3A_5 : vector<1x128x128xbf16> to vector<128x128xbf16>
    %dot_general3A = arith.constant dense<0.000000e+00> : vector<2000x128xf32>
    %dot_general3A_7 = tpu.matmul %get3A_1, %get3A_6, %dot_general3A {dimension_numbers = #tpu.dot_dimension_numbers<[1], [0], [0], [1], [0, 0, 1, 1], [], []>, transpose_lhs_hint = false} : vector<2000x128xbf16>, vector<128x128xbf16>, vector<2000x128xf32> -> vector<2000x128xf32>
    %swap3A = arith.constant 0 : index
    %swap3A_8 = arith.constant 0 : index
    %swap3A_9 = arith.constant 0 : index
    %swap3A_10 = arith.constant 0 : index
    %swap3A_11 = vector.load %arg4[%swap3A, %swap3A_8, %swap3A_9, %swap3A_10] : memref<1x1x2000x128xf32, #tpu.memory_space<vmem>>, vector<1x1x2000x128xf32>
    %swap3A_12 = vector.shape_cast %swap3A_11 : vector<1x1x2000x128xf32> to vector<2000x128xf32>
    %swap3A_13 = vector.shape_cast %dot_general3A_7 : vector<2000x128xf32> to vector<1x1x2000x128xf32>
    tpu.vector_store %arg4[%swap3A, %swap3A_8, %swap3A_9, %swap3A_10], %swap3A_13 {strides = array<i32>} : memref<1x1x2000x128xf32, #tpu.memory_space<vmem>>, vector<1x1x2000x128xf32>,
    return
  }
  func.func @transform_0(%arg0: i32, %arg1: i32) -> (i32, i32) {
    %c0_i32 = arith.constant 0 : i32
    %c0_i32_0 = arith.constant 0 : i32
    return %arg0, %c0_i32 : i32, i32
  }
  func.func @transform_1(%arg0: i32, %arg1: i32) -> (i32, i32, i32) {
    %c0_i32 = arith.constant 0 : i32
    %c0_i32_0 = arith.constant 0 : i32
    %c0_i32_1 = arith.constant 0 : i32
    return %arg1, %c0_i32, %c0_i32_0 : i32, i32, i32
  }
  func.func @transform_2(%arg0: i32, %arg1: i32) -> (i32, i32, i32, i32) {
    %c0_i32 = arith.constant 0 : i32
    %c0_i32_0 = arith.constant 0 : i32
    %c0_i32_1 = arith.constant 0 : i32
    return %arg0, %arg1, %c0_i32, %c0_i32_0 : i32, i32, i32, i32
  }
}

module attributes {stable_mosaic.version = 14 : i64} {
  func.func @_bn_relu_body(%arg0: memref<2x10000x128xf32, #tpu.memory_space<vmem>>, %arg1: memref<1x128xf32, #tpu.memory_space<vmem>>, %arg2: memref<1x128xf32, #tpu.memory_space<vmem>>, %arg3: memref<10000x128xbf16, #tpu.memory_space<vmem>>) attributes {dimension_semantics = [], scalar_prefetch = 0 : i64, scratch_operands = 0 : i64, tpu.core_type = #tpu.core_type<tc>} {
    %get3A = arith.constant 0 : index
    %get3A_0 = arith.constant 0 : index
    %get3A_1 = arith.constant 0 : index
    %get3A_2 = vector.load %arg0[%get3A, %get3A_0, %get3A_1] : memref<2x10000x128xf32, #tpu.memory_space<vmem>>, vector<1x10000x128xf32>
    %get3A_3 = vector.shape_cast %get3A_2 : vector<1x10000x128xf32> to vector<10000x128xf32>
    %get3A_4 = arith.constant 1 : index
    %get3A_5 = arith.constant 0 : index
    %get3A_6 = arith.constant 0 : index
    %get3A_7 = vector.load %arg0[%get3A_4, %get3A_5, %get3A_6] : memref<2x10000x128xf32, #tpu.memory_space<vmem>>, vector<1x10000x128xf32>
    %get3A_8 = vector.shape_cast %get3A_7 : vector<1x10000x128xf32> to vector<10000x128xf32>
    %add3A = arith.addf %get3A_3, %get3A_8 : vector<10000x128xf32>
    %reduce_sum3A = arith.constant dense<0.000000e+00> : vector<128xf32>
    %reduce_sum3A_9 = vector.multi_reduction <add>, %add3A, %reduce_sum3A [0] : vector<10000x128xf32> to vector<128xf32>
    %broadcast_in_dim3A = vector.shape_cast %reduce_sum3A_9 : vector<128xf32> to vector<1x128xf32>
    %div3A = arith.constant 1.000000e+04 : f32
    %div3A_10 = vector.broadcast %div3A : f32 to vector<1x128xf32>
    %div3A_11 = arith.divf %broadcast_in_dim3A, %div3A_10 : vector<1x128xf32>
    %sub3A = vector.broadcast %div3A_11 : vector<1x128xf32> to vector<10000x128xf32>
    %sub3A_12 = arith.subf %add3A, %sub3A : vector<10000x128xf32>
    %integer_pow3A = arith.mulf %sub3A_12, %sub3A_12 : vector<10000x128xf32>
    %reduce_sum3A_13 = arith.constant dense<0.000000e+00> : vector<128xf32>
    %reduce_sum3A_14 = vector.multi_reduction <add>, %integer_pow3A, %reduce_sum3A_13 [0] : vector<10000x128xf32> to vector<128xf32>
    %broadcast_in_dim3A_15 = vector.shape_cast %reduce_sum3A_14 : vector<128xf32> to vector<1x128xf32>
    %div3A_16 = arith.constant 1.000000e+04 : f32
    %div3A_17 = vector.broadcast %div3A_16 : f32 to vector<1x128xf32>
    %div3A_18 = arith.divf %broadcast_in_dim3A_15, %div3A_17 : vector<1x128xf32>
    %sub3A_19 = vector.broadcast %div3A_11 : vector<1x128xf32> to vector<10000x128xf32>
    %sub3A_20 = arith.subf %add3A, %sub3A_19 : vector<10000x128xf32>
    %add3A_21 = arith.constant 9.99999974E-6 : f32
    %add3A_22 = vector.broadcast %add3A_21 : f32 to vector<1x128xf32>
    %add3A_23 = arith.addf %div3A_18, %add3A_22 : vector<1x128xf32>
    %rsqrt3A = math.rsqrt %add3A_23 : vector<1x128xf32>
    %mul3A = vector.broadcast %rsqrt3A : vector<1x128xf32> to vector<10000x128xf32>
    %mul3A_24 = arith.mulf %sub3A_20, %mul3A : vector<10000x128xf32>
    %get3A_25 = arith.constant 0 : index
    %get3A_26 = arith.constant 0 : index
    %get3A_27 = vector.load %arg1[%get3A_25, %get3A_26] : memref<1x128xf32, #tpu.memory_space<vmem>>, vector<1x128xf32>
    %mul3A_28 = vector.broadcast %get3A_27 : vector<1x128xf32> to vector<10000x128xf32>
    %mul3A_29 = arith.mulf %mul3A_24, %mul3A_28 : vector<10000x128xf32>
    %get3A_30 = arith.constant 0 : index
    %get3A_31 = arith.constant 0 : index
    %get3A_32 = vector.load %arg2[%get3A_30, %get3A_31] : memref<1x128xf32, #tpu.memory_space<vmem>>, vector<1x128xf32>
    %add3A_33 = vector.broadcast %get3A_32 : vector<1x128xf32> to vector<10000x128xf32>
    %add3A_34 = arith.addf %mul3A_29, %add3A_33 : vector<10000x128xf32>
    %max3A = arith.constant 0.000000e+00 : f32
    %max3A_35 = vector.broadcast %max3A : f32 to vector<10000x128xf32>
    %max3A_36 = arith.maximumf %add3A_34, %max3A_35 : vector<10000x128xf32>
    %convert_element_type3A = arith.truncf %max3A_36 : vector<10000x128xf32> to vector<10000x128xbf16>
    %swap3A = arith.constant 0 : index
    %swap3A_37 = arith.constant 0 : index
    %swap3A_38 = vector.load %arg3[%swap3A, %swap3A_37] : memref<10000x128xbf16, #tpu.memory_space<vmem>>, vector<10000x128xbf16>
    tpu.vector_store %arg3[%swap3A, %swap3A_37], %convert_element_type3A {strides = array<i32>} : memref<10000x128xbf16, #tpu.memory_space<vmem>>, vector<10000x128xbf16>,
    return
  }
}

module attributes {stable_mosaic.version = 14 : i64} {
  func.func @_final_body(%arg0: memref<2x10000x128xf32, #tpu.memory_space<vmem>>, %arg1: memref<10000x128xf32, #tpu.memory_space<vmem>>, %arg2: memref<1x128xf32, #tpu.memory_space<vmem>>, %arg3: memref<1x128xf32, #tpu.memory_space<vmem>>, %arg4: memref<128x8xf32, #tpu.memory_space<vmem>>, %arg5: memref<1x8xf32, #tpu.memory_space<vmem>>, %arg6: memref<8x128xf32, #tpu.memory_space<vmem>>, %arg7: memref<1x128xf32, #tpu.memory_space<vmem>>, %arg8: memref<10000x128xf32, #tpu.memory_space<vmem>>) attributes {dimension_semantics = [], scalar_prefetch = 0 : i64, scratch_operands = 0 : i64, tpu.core_type = #tpu.core_type<tc>} {
    %get3A = arith.constant 0 : index
    %get3A_0 = arith.constant 0 : index
    %get3A_1 = arith.constant 0 : index
    %get3A_2 = vector.load %arg0[%get3A, %get3A_0, %get3A_1] : memref<2x10000x128xf32, #tpu.memory_space<vmem>>, vector<1x10000x128xf32>
    %get3A_3 = vector.shape_cast %get3A_2 : vector<1x10000x128xf32> to vector<10000x128xf32>
    %get3A_4 = arith.constant 1 : index
    %get3A_5 = arith.constant 0 : index
    %get3A_6 = arith.constant 0 : index
    %get3A_7 = vector.load %arg0[%get3A_4, %get3A_5, %get3A_6] : memref<2x10000x128xf32, #tpu.memory_space<vmem>>, vector<1x10000x128xf32>
    %get3A_8 = vector.shape_cast %get3A_7 : vector<1x10000x128xf32> to vector<10000x128xf32>
    %add3A = arith.addf %get3A_3, %get3A_8 : vector<10000x128xf32>
    %reduce_sum3A = arith.constant dense<0.000000e+00> : vector<128xf32>
    %reduce_sum3A_9 = vector.multi_reduction <add>, %add3A, %reduce_sum3A [0] : vector<10000x128xf32> to vector<128xf32>
    %broadcast_in_dim3A = vector.shape_cast %reduce_sum3A_9 : vector<128xf32> to vector<1x128xf32>
    %div3A = arith.constant 1.000000e+04 : f32
    %div3A_10 = vector.broadcast %div3A : f32 to vector<1x128xf32>
    %div3A_11 = arith.divf %broadcast_in_dim3A, %div3A_10 : vector<1x128xf32>
    %sub3A = vector.broadcast %div3A_11 : vector<1x128xf32> to vector<10000x128xf32>
    %sub3A_12 = arith.subf %add3A, %sub3A : vector<10000x128xf32>
    %integer_pow3A = arith.mulf %sub3A_12, %sub3A_12 : vector<10000x128xf32>
    %reduce_sum3A_13 = arith.constant dense<0.000000e+00> : vector<128xf32>
    %reduce_sum3A_14 = vector.multi_reduction <add>, %integer_pow3A, %reduce_sum3A_13 [0] : vector<10000x128xf32> to vector<128xf32>
    %broadcast_in_dim3A_15 = vector.shape_cast %reduce_sum3A_14 : vector<128xf32> to vector<1x128xf32>
    %div3A_16 = arith.constant 1.000000e+04 : f32
    %div3A_17 = vector.broadcast %div3A_16 : f32 to vector<1x128xf32>
    %div3A_18 = arith.divf %broadcast_in_dim3A_15, %div3A_17 : vector<1x128xf32>
    %sub3A_19 = vector.broadcast %div3A_11 : vector<1x128xf32> to vector<10000x128xf32>
    %sub3A_20 = arith.subf %add3A, %sub3A_19 : vector<10000x128xf32>
    %add3A_21 = arith.constant 9.99999974E-6 : f32
    %add3A_22 = vector.broadcast %add3A_21 : f32 to vector<1x128xf32>
    %add3A_23 = arith.addf %div3A_18, %add3A_22 : vector<1x128xf32>
    %rsqrt3A = math.rsqrt %add3A_23 : vector<1x128xf32>
    %mul3A = vector.broadcast %rsqrt3A : vector<1x128xf32> to vector<10000x128xf32>
    %mul3A_24 = arith.mulf %sub3A_20, %mul3A : vector<10000x128xf32>
    %get3A_25 = arith.constant 0 : index
    %get3A_26 = arith.constant 0 : index
    %get3A_27 = vector.load %arg2[%get3A_25, %get3A_26] : memref<1x128xf32, #tpu.memory_space<vmem>>, vector<1x128xf32>
    %mul3A_28 = vector.broadcast %get3A_27 : vector<1x128xf32> to vector<10000x128xf32>
    %mul3A_29 = arith.mulf %mul3A_24, %mul3A_28 : vector<10000x128xf32>
    %get3A_30 = arith.constant 0 : index
    %get3A_31 = arith.constant 0 : index
    %get3A_32 = vector.load %arg3[%get3A_30, %get3A_31] : memref<1x128xf32, #tpu.memory_space<vmem>>, vector<1x128xf32>
    %add3A_33 = vector.broadcast %get3A_32 : vector<1x128xf32> to vector<10000x128xf32>
    %add3A_34 = arith.addf %mul3A_29, %add3A_33 : vector<10000x128xf32>
    %reduce_sum3A_35 = arith.constant dense<0.000000e+00> : vector<128xf32>
    %reduce_sum3A_36 = vector.multi_reduction <add>, %add3A_34, %reduce_sum3A_35 [0] : vector<10000x128xf32> to vector<128xf32>
    %broadcast_in_dim3A_37 = vector.shape_cast %reduce_sum3A_36 : vector<128xf32> to vector<1x128xf32>
    %div3A_38 = arith.constant 1.000000e+04 : f32
    %div3A_39 = vector.broadcast %div3A_38 : f32 to vector<1x128xf32>
    %div3A_40 = arith.divf %broadcast_in_dim3A_37, %div3A_39 : vector<1x128xf32>
    %get3A_41 = arith.constant 0 : index
    %get3A_42 = arith.constant 0 : index
    %get3A_43 = vector.load %arg4[%get3A_41, %get3A_42] : memref<128x8xf32, #tpu.memory_space<vmem>>, vector<128x8xf32>
    %dot_general3A = arith.constant dense<0.000000e+00> : vector<1x8xf32>
    %dot_general3A_44 = tpu.matmul %div3A_40, %get3A_43, %dot_general3A {dimension_numbers = #tpu.dot_dimension_numbers<[1], [0], [0], [1], [0, 0, 1, 1], [], []>, transpose_lhs_hint = false} : vector<1x128xf32>, vector<128x8xf32>, vector<1x8xf32> -> vector<1x8xf32>
    %get3A_45 = arith.constant 0 : index
    %get3A_46 = arith.constant 0 : index
    %get3A_47 = vector.load %arg5[%get3A_45, %get3A_46] : memref<1x8xf32, #tpu.memory_space<vmem>>, vector<1x8xf32>
    %add3A_48 = arith.addf %dot_general3A_44, %get3A_47 : vector<1x8xf32>
    %max3A = arith.constant 0.000000e+00 : f32
    %max3A_49 = vector.broadcast %max3A : f32 to vector<1x8xf32>
    %max3A_50 = arith.maximumf %add3A_48, %max3A_49 : vector<1x8xf32>
    %get3A_51 = arith.constant 0 : index
    %get3A_52 = arith.constant 0 : index
    %get3A_53 = vector.load %arg6[%get3A_51, %get3A_52] : memref<8x128xf32, #tpu.memory_space<vmem>>, vector<8x128xf32>
    %dot_general3A_54 = arith.constant dense<0.000000e+00> : vector<1x128xf32>
    %dot_general3A_55 = tpu.matmul %max3A_50, %get3A_53, %dot_general3A_54 {dimension_numbers = #tpu.dot_dimension_numbers<[1], [0], [0], [1], [0, 0, 1, 1], [], []>, transpose_lhs_hint = false} : vector<1x8xf32>, vector<8x128xf32>, vector<1x128xf32> -> vector<1x128xf32>
    %get3A_56 = arith.constant 0 : index
    %get3A_57 = arith.constant 0 : index
    %get3A_58 = vector.load %arg7[%get3A_56, %get3A_57] : memref<1x128xf32, #tpu.memory_space<vmem>>, vector<1x128xf32>
    %add3A_59 = arith.addf %dot_general3A_55, %get3A_58 : vector<1x128xf32>
    %neg3A = arith.constant 0.000000e+00 : f32
    %neg3A_60 = vector.broadcast %neg3A : f32 to vector<1x128xf32>
    %neg3A_61 = arith.subf %neg3A_60, %add3A_59 : vector<1x128xf32>
    %exp3A = math.exp %neg3A_61 : vector<1x128xf32>
    %add3A_62 = arith.constant 1.000000e+00 : f32
    %add3A_63 = vector.broadcast %add3A_62 : f32 to vector<1x128xf32>
    %add3A_64 = arith.addf %add3A_63, %exp3A : vector<1x128xf32>
    %div3A_65 = arith.constant 1.000000e+00 : f32
    %div3A_66 = vector.broadcast %div3A_65 : f32 to vector<1x128xf32>
    %div3A_67 = arith.divf %div3A_66, %add3A_64 : vector<1x128xf32>
    %mul3A_68 = vector.broadcast %div3A_67 : vector<1x128xf32> to vector<10000x128xf32>
    %mul3A_69 = arith.mulf %add3A_34, %mul3A_68 : vector<10000x128xf32>
    %get3A_70 = arith.constant 0 : index
    %get3A_71 = arith.constant 0 : index
    %get3A_72 = vector.load %arg1[%get3A_70, %get3A_71] : memref<10000x128xf32, #tpu.memory_space<vmem>>, vector<10000x128xf32>
    %add3A_73 = arith.addf %mul3A_69, %get3A_72 : vector<10000x128xf32>
    %max3A_74 = arith.constant 0.000000e+00 : f32
    %max3A_75 = vector.broadcast %max3A_74 : f32 to vector<10000x128xf32>
    %max3A_76 = arith.maximumf %add3A_73, %max3A_75 : vector<10000x128xf32>
    %swap3A = arith.constant 0 : index
    %swap3A_77 = arith.constant 0 : index
    %swap3A_78 = vector.load %arg8[%swap3A, %swap3A_77] : memref<10000x128xf32, #tpu.memory_space<vmem>>, vector<10000x128xf32>
    tpu.vector_store %arg8[%swap3A, %swap3A_77], %max3A_76 {strides = array<i32>} : memref<10000x128xf32, #tpu.memory_space<vmem>>, vector<10000x128xf32>,
    return
  }
}

</mosaic_0001>

<sc_bundles>
// kernel: kernel.12.cloned.1.call-start
scs
__scs_entry_jumppad:
0x0: {  	(pc) =	sbr.rel $0x88, $3  }
0x1: {  	(tag) =	ssettag $0x0;
	lr =	simm.s32 $0x1  }
0x2: {  	[smem:$0x3F94] =	sst lr;
	_ =	strace $0xD0000000  }
0x3: {  	_ = 	snop  }
0x4: {  	_ = 	snop  }
0x5: {  	_ = 	snop  }
0x6: {  	_ = 	snop  }
0x7: {  	_ = 	snop  }
__scs_overlays_trampoline_lowered:
0x8: {  	[smem:$0x3FA3] =	sst s0  }
0x9: {  	[smem:$0x3FA4] =	sst s1  }
0xa: {  	[smem:$0x3FA5] =	sst s2  }
0xb: {  	[smem:$0x3FA6] =	sst s3  }
0xc: {  	[smem:$0x3FA7] =	sst s4  }
0xd: {  	[smem:$0x3FA8] =	sst s5  }
0xe: {  	[smem:$0x3FA9] =	sst s6  }
0xf: {  	[smem:$0x3FAA] =	sst s7  }
0x10: {  	[smem:$0x3FAB] =	sst s8  }
0x11: {  	[smem:$0x3FAC] =	sst s9;
	s0 =	simm.s32 @!p0 $0x0  }
0x12: {  	s1 =	sld [smem:$0x3F92];
	s0 =	simm.s32 @p0 $0x1  }
0x13: {  	[smem:$0x3FAD] =	sst s0;
	s0 =	simm.s32 @!p1 $0x0  }
0x14: {  	s2 =	sld [smem:$0x3F91];
	s0 =	simm.s32 @p1 $0x1  }
0x15: {  	[smem:$0x3FAE] =	sst s0;
	s0 =	simm.s32 @!p2 $0x0  }
0x16: {  	s3 =	sld [smem:$0x3FDB];
	s0 =	simm.s32 @p2 $0x1  }
0x17: {  	s4 =	simm.s32 $0x1BF5;
	[smem:$0x3FB0] =	sst s0  }
0x18: {  	s0 =	sld [smem:$0x3F93];
	_ =	swait.ge [sflag:s4], $0x0  }
0x19: {  	s7 =	sld [smem:$0x3F94]  }
0x1a: {  	s8 =	sadd.s32 $0xFFFFE003, lr  }
0x1b: {  	s9 =	sadd.s32 $0xFFFFFEF7, lr;
	s5 =	simm.s32 $0xFFFFFFFF;
	p2 =	slt.u32 s8, $0xFFFFF086  }
0x1c: {  	p1 =	slt.u32 s9, $0xF7A;
	s5 =	simm.s32 @!p2 $0x0  }
0x1d: {  	s5 =	simm.s32 @p1 $0x1;
	p0 =	seq.s32 s7, s2  }
0x1e: {  	s7 =	smul.u32 @!p0 $0xF7A, s2;
	p2 =	seq.s32 @!p0 s5, $0x0  }
0x1f: {  	s9 =	smul.u32 $0xF7A, s1;
	s8 =	simm.s32 @!p0 $0x1BF5;
	p2 =	por !p2, p0  }
0x20: {  	[sflag:s8] =	ssyncset.s32 @!p0 $0xFFFFF086;
	s6 =	sadd.s32 @!p0 s3, s7;
	s7 =	simm.s32 @!p0 $0x108  }
0x21: {  	s3 =	sadd.s32 s3, s9;
	s6 =	sadd.s32 @!p0 $0x88, s6;
	s7 =	simm.s32 @p2 $0x1082  }
0x22: {  	[simem:s7], [sflag:s8] =	dma.local @!p0 [hbm:s6], $0xF7A  }
0x23: {  	s9 =	sor.u32 $0xD0000000, s2;
	s6 =	simm.s32 $0x108;
	_ =	swait.ge @!p0 [sflag:s8], $0x0  }
0x24: {  	s3 =	sadd.s32 $0x88, s3;
	s6 =	simm.s32 @!p1 $0x1082;
	[sflag:s4] =	ssyncset.s32 $0xFFFFF086  }
0x25: {  	[simem:s6], [sflag:s4] =	dma.local [hbm:s3], $0xF7A  }
0x26: {  	[smem:$0x3F94] =	sst s1;
	(tag) =	ssettag s2;
	_ =	strace s9  }
0x27: {  	s1 =	sld [smem:$0x3FA4]  }
0x28: {  	s2 =	sld [smem:$0x3FA5]  }
0x29: {  	s4 =	sld [smem:$0x3FA7]  }
0x2a: {  	p0 =	seq.s32 s5, $0x0;
	s5 =	sld [smem:$0x3FA8]  }
0x2b: {  	s6 =	sld [smem:$0x3FA9]  }
0x2c: {  	s7 =	sld [smem:$0x3FAA]  }
0x2d: {  	s3 =	simm.s32 $0x108;
	s8 =	sld [smem:$0x3FAB]  }
0x2e: {  	s3 =	simm.s32 @!p0 $0x1082;
	s9 =	sld [smem:$0x3FAC]  }
0x2f: {  	lr =	sadd.s32 s0, s3;
	s0 =	sld [smem:$0x3FA3]  }
0x30: {  	s3 =	sld [smem:$0x3FA6]  }
0x31: {  	[smem:$0x3FAF] =	sst s10  }
0x32: {  	s10 =	sld [smem:$0x3FAD];
	_ =	sdelay $0x3  }
0x33: {  	p0 =	seq.s32 s10, $0x1;
	s10 =	sld [smem:$0x3FAF];
	_ =	sdelay $0x3  }
0x34: {  	[smem:$0x3FAF] =	sst s10  }
0x35: {  	s10 =	sld [smem:$0x3FAE];
	_ =	sdelay $0x3  }
0x36: {  	p1 =	seq.s32 s10, $0x1;
	s10 =	sld [smem:$0x3FAF];
	_ =	sdelay $0x3  }
0x37: {  	[smem:$0x3FAF] =	sst s10  }
0x38: {  	s10 =	sld [smem:$0x3FB0]  }
0x39: {  	_ = 	snop;
	(pc) =	sbr.ind lr, $3  }
0x3a: {  	_ = 	snop  }
0x3b: {  	_ = 	snop  }
0x3c: {  	p2 =	seq.s32 s10, $0x1;
	s10 =	sld [smem:$0x3FAF]  }
0x3d: {  	_ =	shalt  }
0x3e: {  	_ =	shalt  }
0x3f: {  	_ =	shalt  }
0x40: {  	_ =	shalt  }
0x41: {  	_ =	shalt  }
0x42: {  	_ =	shalt  }
0x43: {  	_ =	shalt  }
0x44: {  	_ =	shalt  }
0x45: {  	_ =	shalt  }
0x46: {  	_ =	shalt  }
0x47: {  	_ =	shalt  }
0x48: {  	_ =	shalt  }
0x49: {  	_ =	shalt  }
0x4a: {  	_ =	shalt  }
0x4b: {  	_ =	shalt  }
0x4c: {  	_ =	shalt  }
0x4d: {  	_ =	shalt  }
0x4e: {  	_ =	shalt  }
0x4f: {  	_ =	shalt  }
0x50: {  	_ =	shalt  }
0x51: {  	_ =	shalt  }
0x52: {  	_ =	shalt  }
0x53: {  	_ =	shalt  }
0x54: {  	_ =	shalt  }
0x55: {  	_ =	shalt  }
0x56: {  	_ =	shalt  }
0x57: {  	_ =	shalt  }
0x58: {  	_ =	shalt  }
0x59: {  	_ =	shalt  }
0x5a: {  	_ =	shalt  }
0x5b: {  	_ =	shalt  }
0x5c: {  	_ =	shalt  }
0x5d: {  	_ =	shalt  }
0x5e: {  	_ =	shalt  }
0x5f: {  	_ =	shalt  }
0x60: {  	_ =	shalt  }
0x61: {  	_ =	shalt  }
0x62: {  	_ =	shalt  }
0x63: {  	_ =	shalt  }
0x64: {  	_ =	shalt  }
0x65: {  	_ =	shalt  }
0x66: {  	_ =	shalt  }
0x67: {  	_ =	shalt  }
0x68: {  	_ =	shalt  }
0x69: {  	_ =	shalt  }
0x6a: {  	_ =	shalt  }
0x6b: {  	_ =	shalt  }
0x6c: {  	_ =	shalt  }
0x6d: {  	_ =	shalt  }
0x6e: {  	_ =	shalt  }
0x6f: {  	_ =	shalt  }
0x70: {  	_ =	shalt  }
0x71: {  	_ =	shalt  }
0x72: {  	_ =	shalt  }
0x73: {  	_ =	shalt  }
0x74: {  	_ =	shalt  }
0x75: {  	_ =	shalt  }
0x76: {  	_ =	shalt  }
0x77: {  	_ =	shalt  }
0x78: {  	_ =	shalt  }
0x79: {  	_ =	shalt  }
0x7a: {  	_ =	shalt  }
0x7b: {  	_ =	shalt  }
0x7c: {  	_ =	shalt  }
0x7d: {  	_ =	shalt  }
0x7e: {  	_ =	shalt  }
0x7f: {  	_ =	shalt  }
0x80: {  	_ =	shalt  }
0x81: {  	_ =	shalt  }
0x82: {  	_ =	shalt  }
0x83: {  	_ =	shalt  }
0x84: {  	_ =	shalt  }
0x85: {  	_ =	shalt  }
0x86: {  	_ =	shalt  }
0x87: {  	_ =	shalt  }
.Lfunc_end0:
.L_simem_size_0:
called_computation.1_lowered:
.L_overlay_start_0:
0x88: {  	s2 =	sld [smem:$0x3FD9]  }
0x89: {  	s3 =	sld [smem:$0x3FFE];
	_ =	sdelay $0x1  }
0x8a: {  	s1 =	srdreg.scid  }
0x8b: {  	s0 =	sand.u32 $0x1, s1  }
0x8c: {  	s16 =	sshll.u32 s0, $0xA;
	s2 =	sadd.s32 s3, s2  }
0x8d: {  	s2 =	sadd.s32 s2, s16  }
0x8e: {  	[smem:$0x3FBB] =	sst s2  }
0x8f: {  	_ = 	snop  }
0x90: {  	(tm) =	ssettm $0x1  }
0x91: {  	s17 =	sld [smem:$0x3FFB];
	_ =	sdelay $0x3  }
0x92: {  	_ =	strace s17  }
0x93: {  	s2 =	sld [smem:$0x3FFC];
	_ =	sdelay $0x3  }
0x94: {  	_ =	strace s2  }
0x95: {  	s2 =	sld [smem:$0x3FFD];
	_ =	sdelay $0x3  }
0x96: {  	_ =	strace s2  }
0x97: {  	_ =	strace $0x8FFFFFFF  }
0x98: {  	s18 =	sld [smem:$0x3FDB];
	_ =	sdelay $0x1  }
0x99: {  	s19 =	simm.s32 $_scs_section_size  }
0x9a: {  	s4 =	simm.s32 $_size__tile_overlayer_lowered;
	s5 =	simm.s32 $_tile_overlayer_lowered  }
0x9b: {  	s22 =	simm.s32 $0x1BFF;
	s21 =	sshll.u32 s5, $0x1;
	s2 =	sadd.s32 s19, s18  }
0x9c: {  	s6 =	simm.s32 $0x0;
	s20 =	sshll.u32 s4, $0x1;
	s4 =	sadd.s32 s21, s2  }
0x9d: {  	[timem:s6], [sflag:s22] =	dma.local [hbm:s4], s20  }
0x9e: {  	_ =	swait.ge [sflag:s22], s20  }
0x9f: {  	s3 =	ssub.s32 $0x0, s20;
	[sflag:s22] =	ssyncset.done $0x0  }
0xa0: {  	[sflag:s22] =	ssyncadd.s32 s3;
	_ =	sdelay $0x1  }
0xa1: {  	s23 =	simm.s32 $0x1B8B  }
0xa2: {  	_ =	swait.ge [sflag:s23], $0x1  }
0xa3: {  	[sflag:s23] =	ssyncset.done $0x0  }
0xa4: {  	s25 =	simm.s32 $0x1B8E;
	s24 =	sld [smem:$0x3FFE];
	[sflag:s23] =	ssyncadd.s32 $0xFFFFFFFF  }
0xa5: {  	s26 =	simm.s32 $execute0_lowered;
	[smem:$0x3FD2] =	sst s25  }
0xa6: {  	s4 =	sshll.u32 s26, $0x1;
	_ =	strace $0x80000049;
	[dreg:$0x1] =	wrdreg $0xFFFFFFFF  }
0xa7: {  	s28 =	simm.s32 $_size_execute0_lowered;
	s2 =	sadd.s32 s2, s4;
	[dreg:$0x0] =	wrdreg $0x0  }
0xa8: {  	s4 =	sshll.u32 s28, $0x1;
	[dreg:$0x2] =	wrdreg s2  }
0xa9: {  	[dreg:$0x3] =	wrdreg s4  }
0xaa: {  	[dreg:$0x4] =	wrdreg $0xC0  }
0xab: {  	_ =	task [dreg:s6], $0x5FFFF  }
0xac: {  	[dreg:$0x1] =	wrdreg $0xFFFFFFFF  }
0xad: {  	[dreg:$0x0] =	wrdreg $0x60  }
0xae: {  	[dreg:$0x2] =	wrdreg s24  }
0xaf: {  	[dreg:$0x3] =	wrdreg $0x90000  }
0xb0: {  	[dreg:$0x4] =	wrdreg $0x9  }
0xb1: {  	_ =	task.clear_ibuf [dreg:s6], $0x5FFFF;
	_ =	strace $0x90000049  }
0xb2: {  	s29 =	simm.s32 $0x9;
	_ =	strace $0x8000004B  }
0xb3: {  	_ =	swait.ge [sflag:s29], $0x1  }
0xb4: {  	[sflag:s29] =	ssyncadd.s32 $0xFFFFFFFF  }
0xb5: {  	_ =	strace $0x9000004B  }
0xb6: {  	_ =	sfence  }
0xb7: {  	s30 =	sld [smem:$0x0];
	_ =	sdelay $0x2  }
0xb8: {  	s31 =	sshll.u32 s1, $0xD;
	s1 =	sshrl.u32 s1, $0x2  }
0xb9: {  	s3 =	sand.u32 $0x4000, s31;
	s1 =	sadd.s32 s1, s30  }
0xba: {  	s0 =	sor.u32 s3, s0;
	s1 =	sshll.u32 s1, $0x11  }
0xbb: {  	s0 =	sor.u32 s1, s0  }
0xbc: {  	s0 =	sadd.s32 $0x8F2B, s0  }
0xbd: {  	[sflag:s0] =	ssyncadd.remote.s32 $0x1  }
0xbe: {  	_ =	sfence.sel $0xFFFF  }
0xbf: {  	[dreg:$0x0] =	wrdreg $0xFFFFFFFF;
	(pc) =	sbr.abs _section_cstart, $3  }
0xc0: {  	[dreg:$0x1] =	wrdreg $0xFFFFFFFF  }
0xc1: {  	_ =	task.clear_ibuf [dreg:s6], $0x2FFFF;
	_ =	strace $0x9FFFFFFF  }
0xc2: {  	(tm) =	ssettm $0x7FFFFFFF  }
0xc3: {  	_ =	shalt  }
tec
execute0_lowered:
.L_overlay_start_1:
0x0: {  	(tag) =	ssettag $0x1  }
0x1: {  	s0 =	rddreg [dreg:$0x0]  }
0x2: {  	s1 =	rddreg [dreg:$0x1];
	s2 =	simm.s32 $0x0;
	s3 =	srdreg.scid  }
0x3: {  	s11 =	stileid.u32;
	s28 =	simm.s32 $0x1;
	s30 =	simm.s32 $0x2  }
0x4: {  	s29 =	simm.s32 $0x3A00;
	s31 =	simm.s32 $0x2C00;
	[smem:$0x7FF] =	sst s2  }
0x5: {  	s4 =	sadd.s32 $0x7AE00, s0;
	s3 =	sand.u32 $0x1, s3;
	s5 =	sadd.s32 $0x52E00, s0  }
0x6: {  	s7 =	smul.u32 $0x50000, s11;
	s8 =	sadd.s32 $0x2E00, s0;
	s0 =	sadd.s32 $0x499A00, s0  }
0x7: {  	s13 =	sshll.u32 s11, $0x1;
	s10 =	smul.u32 $0x280, s11;
	s6 =	ssub.s32 $0x2, s3  }
0x8: {  	s21 =	smul.u32 $0x14000, s11;
	s9 =	sshrl.u32 s6, $0x1;
	s7 =	sshrl.u32 s7, $0x2  }
0x9: {  	s6 =	ssub.s32 s6, s9;
	s9 =	sor.u32 s3, s13;
	s13 =	sadd.s32 s7, s1  }
0xa: {  	_ =	strace $0x8000004A;
	s7 =	sadd.s32 $0x1400, s13;
	[dreg:$0x3] =	wrdreg s13  }
0xb: {  	s23 =	smul.u32 $0xA000, s3;
	s14 =	sadd.s32 $0x2800, s13;
	[dreg:$0x4] =	wrdreg s7  }
0xc: {  	s10 =	ssub.s32 $0x2710, s10;
	s15 =	sadd.s32 $0x3C00, s13;
	[dreg:$0x5] =	wrdreg s14  }
0xd: {  	s3 =	smul.u32 $0x138800, s3;
	s16 =	sadd.s32 $0x5000, s13;
	[dreg:$0x6] =	wrdreg s15  }
0xe: {  	s11 =	sadd.s32 s23, s21;
	s17 =	sadd.s32 $0x6400, s13;
	[dreg:$0x7] =	wrdreg s16  }
0xf: {  	s10 =	smin.u32 s10, $0x280;
	s19 =	sadd.s32 $0x7800, s13;
	[dreg:$0x8] =	wrdreg s17  }
0x10: {  	s18 =	smul.u32 $0xA000, s9;
	s20 =	sadd.s32 $0x8C00, s13;
	[dreg:$0x9] =	wrdreg s19  }
0x11: {  	s22 =	sadd.s32 $0xA000, s13;
	s12 =	sadd.s32 $0xB400, s13;
	[dreg:$0xa] =	wrdreg s20  }
0x12: {  	s25 =	sadd.s32 $0x142000, s11;
	s26 =	sadd.s32 $0x141000, s11;
	[dreg:$0xb] =	wrdreg s22  }
0x13: {  	s10 =	smul.u32 $0x334, s10;
	s23 =	sadd.s32 $0x10400, s13;
	[dreg:$0xc] =	wrdreg s12  }
0x14: {  	s3 =	sadd.s32 s21, s3;
	s12 =	sshrl.u32 s25, $0x3;
	s9 =	sshrl.u32 s26, $0x3  }
0x15: {  	s16 =	smax.u32 s6, $0x1;
	s19 =	sadd.s32 $0x2000, s11;
	[dreg:$0x17] =	wrdreg s23  }
0x16: {  	s20 =	sadd.s32 $0xC800, s13;
	s21 =	sadd.s32 $0xDC00, s13;
	[dreg:$0x12] =	wrdreg s16  }
0x17: {  	s22 =	sadd.s32 $0xF000, s13;
	s26 =	sadd.s32 $0x12C00, s13;
	[dreg:$0x13] =	wrdreg s19  }
0x18: {  	s7 =	sshrl.u32 s18, $0x3;
	s17 =	sadd.s32 s12, s8;
	[dreg:$0x14] =	wrdreg s20  }
0x19: {  	s18 =	sadd.s32 s9, s8;
	s9 =	sadd.s32 $0x1400, s3;
	[dreg:$0x15] =	wrdreg s21  }
0x1a: {  	s3 =	sshrl.u32 s3, $0x3;
	s12 =	sor.u32 $0x1000, s11;
	[dreg:$0x16] =	wrdreg s22  }
0x1b: {  	s15 =	sshrl.u32 s10, $0x10;
	[dreg:$0x19] =	wrdreg s26;
	s11 =	simm.s32 $0x2000  }
0x1c: {  	s21 =	simm.s32 $0x6800;
	s26 =	simm.s32 $0x7C00;
	s22 =	simm.s32 $0x4  }
0x1d: {  	s20 =	simm.s32 $0x3B80;
	s19 =	simm.s32 $0x3C00;
	s10 =	simm.s32 $0x0  }
0x1e: {  	s24 =	sadd.s32 s5, s7;
	s7 =	sadd.s32 s8, s7;
	[dreg:$0x11] =	wrdreg s15  }
0x1f: {  	s8 =	sshrl.u32 s9, $0x3;
	s3 =	sadd.s32 s3, s0;
	[dreg:$0xd] =	wrdreg s24  }
0x20: {  	s9 =	simm.s32 $0x6;
	s15 =	simm.s32 $0x5400;
	[dreg:$0xe] =	wrdreg s3  }
0x21: {  	s0 =	sadd.s32 s8, s0;
	s14 =	sadd.s32 $0x28000, s7;
	s24 =	sadd.s32 $0x11800, s13  }
0x22: {  	s3 =	simm.s32 $0x4000;
	s8 =	simm.s32 $0x5;
	[dreg:$0xf] =	wrdreg s0  }
0x23: {  	s13 =	simm.s32 $0x28;
	s7 =	simm.s32 $0x3B00;
	[dreg:$0x10] =	wrdreg s14  }
0x24: {  	s0 =	sshrl.u32 s12, $0x3;
	[dreg:$0x18] =	wrdreg s24;
	s12 =	simm.s32 $0x3000  }
0x25: {  	v0 =	vimm.f32 $0.0e+00;
	s24 =	simm.s32 $0x3;
	s25 =	sadd.s32 s0, s5;
	s0 =	simm.s32 $0x3A80  }
.LBB2_1:
0x26: {  	[dreg:$0x1a] =	wrdreg s10;
	s6 =	simm.s32 $0x0;
	s10 =	simm.s32 $0x200  }
.LBB2_2:
0x27: {  	p0 =	sne.s32 s10, $0x4E00;
	[tilespmem:s6+$0x4070] =	vst v0  }
0x28: {  	[tilespmem:s6+$0x4000] =	vst v0  }
0x29: {  	[tilespmem:s6+$0x4010] =	vst v0  }
.Ltmp0:
0x2a: {  	[tilespmem:s6+$0x4020] =	vst v0;
	(pc) =	sbr.rel @p0 .LBB2_2-.Ltmp0, $4  }
0x2b: {  	[tilespmem:s6+$0x4030] =	vst v0  }
0x2c: {  	[tilespmem:s6+$0x4040] =	vst v0  }
0x2d: {  	[tilespmem:s6+$0x4050] =	vst v0  }
0x2e: {  	[tilespmem:s6+$0x4060] =	vst v0;
	s6 =	sshra.s32 s10, $0x2;
	s10 =	sadd.s32 $0x200, s10  }
0x2f: {  	[tilespmem:s6+$0x4070] =	vst v0  }
0x30: {  	[tilespmem:s6+$0x4000] =	vst v0  }
0x31: {  	[tilespmem:s6+$0x4010] =	vst v0  }
0x32: {  	[tilespmem:s6+$0x4020] =	vst v0  }
0x33: {  	[tilespmem:s6+$0x4030] =	vst v0  }
0x34: {  	[tilespmem:s6+$0x4040] =	vst v0  }
0x35: {  	[tilespmem:s6+$0x4050] =	vst v0  }
0x36: {  	[tilespmem:s6+$0x4060] =	vst v0;
	s23 =	rddreg [dreg:$0x3]  }
0x37: {  	[spmem:s23] =	stream.linear.scatter [tilespmem:s3], [sflag:$0x5], $0x1400, $0x38;
	[tilespmem:$0x1D000] =	vst v63  }
0x38: {  	s10 =	rddreg [dreg:$0x4]  }
0x39: {  	[spmem:s10] =	stream.linear.scatter [tilespmem:s3], [sflag:$0x5], $0x1400, $0x38;
	[tilespmem:$0x1D000] =	vst v63  }
0x3a: {  	s14 =	rddreg [dreg:$0x5]  }
0x3b: {  	[spmem:s14] =	stream.linear.scatter [tilespmem:s3], [sflag:$0x5], $0x1400, $0x38;
	[tilespmem:$0x1D000] =	vst v63  }
0x3c: {  	s16 =	rddreg [dreg:$0x6]  }
0x3d: {  	[spmem:s16] =	stream.linear.scatter [tilespmem:s3], [sflag:$0x5], $0x1400, $0x38;
	[tilespmem:$0x1D000] =	vst v63  }
0x3e: {  	s23 =	rddreg [dreg:$0x7]  }
0x3f: {  	[spmem:s23] =	stream.linear.scatter [tilespmem:s3], [sflag:$0x5], $0x1400, $0x38;
	[tilespmem:$0x1D000] =	vst v63  }
0x40: {  	s10 =	rddreg [dreg:$0x8]  }
0x41: {  	[spmem:s10] =	stream.linear.scatter [tilespmem:s3], [sflag:$0x5], $0x1400, $0x38;
	[tilespmem:$0x1D000] =	vst v63  }
0x42: {  	s14 =	rddreg [dreg:$0x9]  }
0x43: {  	[spmem:s14] =	stream.linear.scatter [tilespmem:s3], [sflag:$0x5], $0x1400, $0x38;
	[tilespmem:$0x1D000] =	vst v63  }
0x44: {  	s16 =	rddreg [dreg:$0xa]  }
0x45: {  	[spmem:s16] =	stream.linear.scatter [tilespmem:s3], [sflag:$0x5], $0x1400, $0x38;
	[tilespmem:$0x1D000] =	vst v63  }
0x46: {  	s23 =	rddreg [dreg:$0xb]  }
0x47: {  	[spmem:s23] =	stream.linear.scatter [tilespmem:s3], [sflag:$0x5], $0x1400, $0x38;
	[tilespmem:$0x1D000] =	vst v63  }
0x48: {  	s10 =	rddreg [dreg:$0xc]  }
0x49: {  	[spmem:s10] =	stream.linear.scatter [tilespmem:s3], [sflag:$0x5], $0x1400, $0x38;
	[tilespmem:$0x1D000] =	vst v63  }
0x4a: {  	s14 =	rddreg [dreg:$0x14]  }
0x4b: {  	[spmem:s14] =	stream.linear.scatter [tilespmem:s3], [sflag:$0x5], $0x1400, $0x38;
	[tilespmem:$0x1D000] =	vst v63  }
0x4c: {  	s16 =	rddreg [dreg:$0x15]  }
0x4d: {  	[spmem:s16] =	stream.linear.scatter [tilespmem:s3], [sflag:$0x5], $0x1400, $0x38;
	[tilespmem:$0x1D000] =	vst v63  }
0x4e: {  	s23 =	rddreg [dreg:$0x16]  }
0x4f: {  	[spmem:s23] =	stream.linear.scatter [tilespmem:s3], [sflag:$0x5], $0x1400, $0x38;
	[tilespmem:$0x1D000] =	vst v63  }
0x50: {  	s10 =	rddreg [dreg:$0x17]  }
0x51: {  	[spmem:s10] =	stream.linear.scatter [tilespmem:s3], [sflag:$0x5], $0x1400, $0x38;
	[tilespmem:$0x1D000] =	vst v63  }
0x52: {  	s14 =	rddreg [dreg:$0x18]  }
0x53: {  	[spmem:s14] =	stream.linear.scatter [tilespmem:s3], [sflag:$0x5], $0x1400, $0x38;
	[tilespmem:$0x1D000] =	vst v63  }
0x54: {  	s16 =	rddreg [dreg:$0x19]  }
0x55: {  	[spmem:s16] =	stream.linear.scatter [tilespmem:s3], [sflag:$0x5], $0x1400, $0x38;
	[tilespmem:$0x1D000] =	vst v63  }
0x56: {  	_ =	swait.ge [sflag:s8], $0x1400  }
0x57: {  	[sflag:s8] =	ssyncset.done $0x0  }
0x58: {  	[sflag:s8] =	ssyncadd.s32 $0xFFFFEC00  }
0x59: {  	_ =	swait.ge [sflag:s8], $0x1400  }
0x5a: {  	[sflag:s8] =	ssyncset.done $0x0  }
0x5b: {  	[sflag:s8] =	ssyncadd.s32 $0xFFFFEC00  }
0x5c: {  	_ =	swait.ge [sflag:s8], $0x1400  }
0x5d: {  	[sflag:s8] =	ssyncset.done $0x0  }
0x5e: {  	[sflag:s8] =	ssyncadd.s32 $0xFFFFEC00  }
0x5f: {  	_ =	swait.ge [sflag:s8], $0x1400  }
0x60: {  	[sflag:s8] =	ssyncset.done $0x0  }
0x61: {  	[sflag:s8] =	ssyncadd.s32 $0xFFFFEC00  }
0x62: {  	_ =	swait.ge [sflag:s8], $0x1400  }
0x63: {  	[sflag:s8] =	ssyncset.done $0x0  }
0x64: {  	[sflag:s8] =	ssyncadd.s32 $0xFFFFEC00  }
0x65: {  	_ =	swait.ge [sflag:s8], $0x1400  }
0x66: {  	[sflag:s8] =	ssyncset.done $0x0  }
0x67: {  	[sflag:s8] =	ssyncadd.s32 $0xFFFFEC00  }
0x68: {  	_ =	swait.ge [sflag:s8], $0x1400  }
0x69: {  	[sflag:s8] =	ssyncset.done $0x0  }
0x6a: {  	[sflag:s8] =	ssyncadd.s32 $0xFFFFEC00  }
0x6b: {  	_ =	swait.ge [sflag:s8], $0x1400  }
0x6c: {  	[sflag:s8] =	ssyncset.done $0x0  }
0x6d: {  	[sflag:s8] =	ssyncadd.s32 $0xFFFFEC00  }
0x6e: {  	_ =	swait.ge [sflag:s8], $0x1400  }
0x6f: {  	[sflag:s8] =	ssyncset.done $0x0  }
0x70: {  	[sflag:s8] =	ssyncadd.s32 $0xFFFFEC00  }
0x71: {  	_ =	swait.ge [sflag:s8], $0x1400  }
0x72: {  	[sflag:s8] =	ssyncset.done $0x0  }
0x73: {  	[sflag:s8] =	ssyncadd.s32 $0xFFFFEC00  }
0x74: {  	_ =	swait.ge [sflag:s8], $0x1400  }
0x75: {  	[sflag:s8] =	ssyncset.done $0x0  }
0x76: {  	[sflag:s8] =	ssyncadd.s32 $0xFFFFEC00  }
0x77: {  	_ =	swait.ge [sflag:s8], $0x1400  }
0x78: {  	[sflag:s8] =	ssyncset.done $0x0  }
0x79: {  	[sflag:s8] =	ssyncadd.s32 $0xFFFFEC00  }
0x7a: {  	_ =	swait.ge [sflag:s8], $0x1400  }
0x7b: {  	[sflag:s8] =	ssyncset.done $0x0  }
0x7c: {  	[sflag:s8] =	ssyncadd.s32 $0xFFFFEC00  }
0x7d: {  	_ =	swait.ge [sflag:s8], $0x1400  }
0x7e: {  	[sflag:s8] =	ssyncset.done $0x0  }
0x7f: {  	[sflag:s8] =	ssyncadd.s32 $0xFFFFEC00  }
0x80: {  	_ =	swait.ge [sflag:s8], $0x1400  }
0x81: {  	[sflag:s8] =	ssyncset.done $0x0  }
0x82: {  	[sflag:s8] =	ssyncadd.s32 $0xFFFFEC00  }
0x83: {  	_ =	swait.ge [sflag:s8], $0x1400  }
0x84: {  	[sflag:s8] =	ssyncset.done $0x0  }
0x85: {  	[sflag:s8] =	ssyncadd.s32 $0xFFFFEC00  }
0x86: {  	[bflag:$0x0] =	sbarrier.arrive $0xFFFF  }
0x87: {  	s6 =	simm.s32 $0x0;
	s10 =	rddreg [dreg:$0xd]  }
0x88: {  	[tilespmem:s6], [sflag:$0x6] =	stream.linear.gather [hbm4b:s10+s6], $0xC80, $0x38;
	[tilespmem:$0x1D000] =	vst v63  }
0x89: {  	_ =	swait.ge [sflag:s9], $0xC80  }
0x8a: {  	[sflag:s9] =	ssyncset.done $0x0  }
0x8b: {  	s14 =	simm.s32 $0x1000;
	s23 =	rddreg [dreg:$0x10];
	[sflag:s9] =	ssyncadd.s32 $0xFFFFF380  }
0x8c: {  	[tilespmem:s14], [sflag:$0x6] =	stream.linear.gather [hbm4b:s23+s6], $0xC80, $0x38;
	[tilespmem:$0x1D000] =	vst v63  }
0x8d: {  	_ =	swait.ge [sflag:s9], $0xC80  }
0x8e: {  	[sflag:s9] =	ssyncset.done $0x0  }
0x8f: {  	s14 =	rddreg [dreg:$0x13];
	[sflag:s9] =	ssyncadd.s32 $0xFFFFF380  }
.LBB2_4:
0x90: {  	s10 =	sadd.s32 s6, s25  }
0x91: {  	[tilespmem:s11], [sflag:$0x5] =	stream.linear.gather [hbm4b:s10+s2], $0xC80, $0x38;
	[tilespmem:$0x1D000] =	vst v63  }
0x92: {  	s16 =	sadd.s32 s6, s18  }
0x93: {  	[tilespmem:s12], [sflag:$0x5] =	stream.linear.gather [hbm4b:s16+s2], $0xC80, $0x38;
	[tilespmem:$0x1D000] =	vst v63  }
0x94: {  	_ = 	snop  }
0x95: {  	[tilespmem:s3], [sflag:$0x1] =	stream.indirect.gather [hbm4b:s4+s13], $0x80, s2, s13, $0xb8;
	[tilespmem:$0x1D000] =	vst v63  }
0x96: {  	s23 =	simm.s32 $0x80  }
0x97: {  	[tilespmem:s15], [sflag:$0x2] =	stream.indirect.gather [hbm4b:s4+s13], $0x80, s23, s13, $0xb8;
	[tilespmem:$0x1D000] =	vst v63  }
0x98: {  	s16 =	simm.s32 $0x100  }
0x99: {  	[tilespmem:s21], [sflag:$0x3] =	stream.indirect.gather [hbm4b:s4+s13], $0x80, s16, s13, $0xb8;
	[tilespmem:$0x1D000] =	vst v63  }
0x9a: {  	s23 =	simm.s32 $0x180  }
0x9b: {  	[tilespmem:s26], [sflag:$0x4] =	stream.indirect.gather [hbm4b:s4+s13], $0x80, s23, s13, $0xb8;
	[tilespmem:$0x1D000] =	vst v63  }
0x9c: {  	_ =	swait.ge [sflag:s28], $0x1400  }
0x9d: {  	[sflag:s28] =	ssyncset.done $0x0  }
0x9e: {  	s16 =	simm.s32 $0x1000;
	[sflag:s28] =	ssyncadd.s32 $0xFFFFEC00  }
0x9f: {  	[spmem:s1] =	stream.indirect.scatter.add.f32 [tilespmem:s3], [sflag:$0x6], $0x80, s16, s13, $0xb8;
	[tilespmem:$0x1D000] =	vst v63  }
0xa0: {  	_ =	swait.ge [sflag:s9], $0x1400  }
0xa1: {  	[sflag:s9] =	ssyncset.done $0x0  }
0xa2: {  	s23 =	simm.s32 $0x200;
	[sflag:s9] =	ssyncadd.s32 $0xFFFFEC00  }
0xa3: {  	[tilespmem:s3], [sflag:$0x1] =	stream.indirect.gather [hbm4b:s4+s13], $0x80, s23, s13, $0xb8;
	[tilespmem:$0x1D000] =	vst v63  }
0xa4: {  	_ =	swait.ge [sflag:s30], $0x1400  }
0xa5: {  	[sflag:s30] =	ssyncset.done $0x0  }
0xa6: {  	s16 =	simm.s32 $0x1080;
	[sflag:s30] =	ssyncadd.s32 $0xFFFFEC00  }
0xa7: {  	[spmem:s1] =	stream.indirect.scatter.add.f32 [tilespmem:s15], [sflag:$0x6], $0x80, s16, s13, $0xb8;
	[tilespmem:$0x1D000] =	vst v63  }
0xa8: {  	_ =	swait.ge [sflag:s9], $0x1400  }
0xa9: {  	[sflag:s9] =	ssyncset.done $0x0  }
0xaa: {  	s23 =	simm.s32 $0x280;
	[sflag:s9] =	ssyncadd.s32 $0xFFFFEC00  }
0xab: {  	[tilespmem:s15], [sflag:$0x2] =	stream.indirect.gather [hbm4b:s4+s13], $0x80, s23, s13, $0xb8;
	[tilespmem:$0x1D000] =	vst v63  }
0xac: {  	_ =	swait.ge [sflag:s24], $0x1400  }
0xad: {  	[sflag:s24] =	ssyncset.done $0x0  }
0xae: {  	s16 =	simm.s32 $0x1100;
	[sflag:s24] =	ssyncadd.s32 $0xFFFFEC00  }
0xaf: {  	[spmem:s1] =	stream.indirect.scatter.add.f32 [tilespmem:s21], [sflag:$0x6], $0x80, s16, s13, $0xb8;
	[tilespmem:$0x1D000] =	vst v63  }
0xb0: {  	_ =	swait.ge [sflag:s9], $0x1400  }
0xb1: {  	[sflag:s9] =	ssyncset.done $0x0  }
0xb2: {  	s23 =	simm.s32 $0x300;
	[sflag:s9] =	ssyncadd.s32 $0xFFFFEC00  }
0xb3: {  	[tilespmem:s21], [sflag:$0x3] =	stream.indirect.gather [hbm4b:s4+s13], $0x80, s23, s13, $0xb8;
	[tilespmem:$0x1D000] =	vst v63  }
0xb4: {  	_ =	swait.ge [sflag:s22], $0x1400  }
0xb5: {  	[sflag:s22] =	ssyncset.done $0x0  }
0xb6: {  	s16 =	simm.s32 $0x1180;
	[sflag:s22] =	ssyncadd.s32 $0xFFFFEC00  }
0xb7: {  	[spmem:s1] =	stream.indirect.scatter.add.f32 [tilespmem:s26], [sflag:$0x6], $0x80, s16, s13, $0xb8;
	[tilespmem:$0x1D000] =	vst v63  }
0xb8: {  	_ =	swait.ge [sflag:s9], $0x1400  }
0xb9: {  	[sflag:s9] =	ssyncset.done $0x0  }
0xba: {  	s23 =	simm.s32 $0x380;
	[sflag:s9] =	ssyncadd.s32 $0xFFFFEC00  }
0xbb: {  	[tilespmem:s26], [sflag:$0x4] =	stream.indirect.gather [hbm4b:s4+s13], $0x80, s23, s13, $0xb8;
	[tilespmem:$0x1D000] =	vst v63  }
0xbc: {  	_ =	swait.ge [sflag:s28], $0x1400  }
0xbd: {  	[sflag:s28] =	ssyncset.done $0x0  }
0xbe: {  	s16 =	simm.s32 $0x1200;
	[sflag:s28] =	ssyncadd.s32 $0xFFFFEC00  }
0xbf: {  	[spmem:s1] =	stream.indirect.scatter.add.f32 [tilespmem:s3], [sflag:$0x6], $0x80, s16, s13, $0xb8;
	[tilespmem:$0x1D000] =	vst v63  }
0xc0: {  	_ =	swait.ge [sflag:s9], $0x1400  }
0xc1: {  	[sflag:s9] =	ssyncset.done $0x0  }
0xc2: {  	s23 =	simm.s32 $0x400;
	[sflag:s9] =	ssyncadd.s32 $0xFFFFEC00  }
0xc3: {  	[tilespmem:s3], [sflag:$0x1] =	stream.indirect.gather [hbm4b:s4+s13], $0x80, s23, s13, $0xb8;
	[tilespmem:$0x1D000] =	vst v63  }
0xc4: {  	_ =	swait.ge [sflag:s30], $0x1400  }
0xc5: {  	[sflag:s30] =	ssyncset.done $0x0  }
0xc6: {  	s16 =	simm.s32 $0x1280;
	[sflag:s30] =	ssyncadd.s32 $0xFFFFEC00  }
0xc7: {  	[spmem:s1] =	stream.indirect.scatter.add.f32 [tilespmem:s15], [sflag:$0x6], $0x80, s16, s13, $0xb8;
	[tilespmem:$0x1D000] =	vst v63  }
0xc8: {  	_ =	swait.ge [sflag:s9], $0x1400  }
0xc9: {  	[sflag:s9] =	ssyncset.done $0x0  }
0xca: {  	s23 =	simm.s32 $0x480;
	[sflag:s9] =	ssyncadd.s32 $0xFFFFEC00  }
0xcb: {  	[tilespmem:s15], [sflag:$0x2] =	stream.indirect.gather [hbm4b:s4+s13], $0x80, s23, s13, $0xb8;
	[tilespmem:$0x1D000] =	vst v63  }
0xcc: {  	_ =	swait.ge [sflag:s24], $0x1400  }
0xcd: {  	[sflag:s24] =	ssyncset.done $0x0  }
0xce: {  	s16 =	simm.s32 $0x1300;
	[sflag:s24] =	ssyncadd.s32 $0xFFFFEC00  }
0xcf: {  	[spmem:s1] =	stream.indirect.scatter.add.f32 [tilespmem:s21], [sflag:$0x6], $0x80, s16, s13, $0xb8;
	[tilespmem:$0x1D000] =	vst v63  }
0xd0: {  	_ =	swait.ge [sflag:s9], $0x1400  }
0xd1: {  	[sflag:s9] =	ssyncset.done $0x0  }
0xd2: {  	s23 =	simm.s32 $0x500;
	[sflag:s9] =	ssyncadd.s32 $0xFFFFEC00  }
0xd3: {  	[tilespmem:s21], [sflag:$0x3] =	stream.indirect.gather [hbm4b:s4+s13], $0x80, s23, s13, $0xb8;
	[tilespmem:$0x1D000] =	vst v63  }
0xd4: {  	_ =	swait.ge [sflag:s22], $0x1400  }
0xd5: {  	[sflag:s22] =	ssyncset.done $0x0  }
0xd6: {  	s16 =	simm.s32 $0x1380;
	[sflag:s22] =	ssyncadd.s32 $0xFFFFEC00  }
0xd7: {  	[spmem:s1] =	stream.indirect.scatter.add.f32 [tilespmem:s26], [sflag:$0x6], $0x80, s16, s13, $0xb8;
	[tilespmem:$0x1D000] =	vst v63  }
0xd8: {  	_ =	swait.ge [sflag:s9], $0x1400  }
0xd9: {  	[sflag:s9] =	ssyncset.done $0x0  }
0xda: {  	s23 =	simm.s32 $0x580;
	[sflag:s9] =	ssyncadd.s32 $0xFFFFEC00  }
0xdb: {  	[tilespmem:s26], [sflag:$0x4] =	stream.indirect.gather [hbm4b:s4+s13], $0x80, s23, s13, $0xb8;
	[tilespmem:$0x1D000] =	vst v63  }
0xdc: {  	_ =	swait.ge [sflag:s28], $0x1400  }
0xdd: {  	[sflag:s28] =	ssyncset.done $0x0  }
0xde: {  	s16 =	simm.s32 $0x1400;
	[sflag:s28] =	ssyncadd.s32 $0xFFFFEC00  }
0xdf: {  	[spmem:s1] =	stream.indirect.scatter.add.f32 [tilespmem:s3], [sflag:$0x6], $0x80, s16, s13, $0xb8;
	[tilespmem:$0x1D000] =	vst v63  }
0xe0: {  	_ =	swait.ge [sflag:s9], $0x1400  }
0xe1: {  	[sflag:s9] =	ssyncset.done $0x0  }
0xe2: {  	s23 =	simm.s32 $0x600;
	[sflag:s9] =	ssyncadd.s32 $0xFFFFEC00  }
0xe3: {  	[tilespmem:s3], [sflag:$0x1] =	stream.indirect.gather [hbm4b:s4+s13], $0x80, s23, s13, $0xb8;
	[tilespmem:$0x1D000] =	vst v63  }
0xe4: {  	_ =	swait.ge [sflag:s30], $0x1400  }
0xe5: {  	[sflag:s30] =	ssyncset.done $0x0  }
0xe6: {  	s16 =	simm.s32 $0x1480;
	[sflag:s30] =	ssyncadd.s32 $0xFFFFEC00  }
0xe7: {  	[spmem:s1] =	stream.indirect.scatter.add.f32 [tilespmem:s15], [sflag:$0x6], $0x80, s16, s13, $0xb8;
	[tilespmem:$0x1D000] =	vst v63  }
0xe8: {  	_ =	swait.ge [sflag:s9], $0x1400  }
0xe9: {  	[sflag:s9] =	ssyncset.done $0x0  }
0xea: {  	s23 =	simm.s32 $0x680;
	[sflag:s9] =	ssyncadd.s32 $0xFFFFEC00  }
0xeb: {  	[tilespmem:s15], [sflag:$0x2] =	stream.indirect.gather [hbm4b:s4+s13], $0x80, s23, s13, $0xb8;
	[tilespmem:$0x1D000] =	vst v63  }
0xec: {  	_ =	swait.ge [sflag:s24], $0x1400  }
0xed: {  	[sflag:s24] =	ssyncset.done $0x0  }
0xee: {  	s16 =	simm.s32 $0x1500;
	[sflag:s24] =	ssyncadd.s32 $0xFFFFEC00  }
0xef: {  	[spmem:s1] =	stream.indirect.scatter.add.f32 [tilespmem:s21], [sflag:$0x6], $0x80, s16, s13, $0xb8;
	[tilespmem:$0x1D000] =	vst v63  }
0xf0: {  	_ =	swait.ge [sflag:s9], $0x1400  }
0xf1: {  	[sflag:s9] =	ssyncset.done $0x0  }
0xf2: {  	s23 =	simm.s32 $0x700;
	[sflag:s9] =	ssyncadd.s32 $0xFFFFEC00  }
0xf3: {  	[tilespmem:s21], [sflag:$0x3] =	stream.indirect.gather [hbm4b:s4+s13], $0x80, s23, s13, $0xb8;
	[tilespmem:$0x1D000] =	vst v63  }
0xf4: {  	_ =	swait.ge [sflag:s22], $0x1400  }
0xf5: {  	[sflag:s22] =	ssyncset.done $0x0  }
0xf6: {  	s16 =	simm.s32 $0x1580;
	[sflag:s22] =	ssyncadd.s32 $0xFFFFEC00  }
0xf7: {  	[spmem:s1] =	stream.indirect.scatter.add.f32 [tilespmem:s26], [sflag:$0x6], $0x80, s16, s13, $0xb8;
	[tilespmem:$0x1D000] =	vst v63  }
0xf8: {  	_ =	swait.ge [sflag:s9], $0x1400  }
0xf9: {  	[sflag:s9] =	ssyncset.done $0x0  }
0xfa: {  	s23 =	simm.s32 $0x780;
	[sflag:s9] =	ssyncadd.s32 $0xFFFFEC00  }
0xfb: {  	[tilespmem:s26], [sflag:$0x4] =	stream.indirect.gather [hbm4b:s4+s13], $0x80, s23, s13, $0xb8;
	[tilespmem:$0x1D000] =	vst v63  }
0xfc: {  	_ =	swait.ge [sflag:s28], $0x1400  }
0xfd: {  	[sflag:s28] =	ssyncset.done $0x0  }
0xfe: {  	s16 =	simm.s32 $0x1600;
	[sflag:s28] =	ssyncadd.s32 $0xFFFFEC00  }
0xff: {  	[spmem:s1] =	stream.indirect.scatter.add.f32 [tilespmem:s3], [sflag:$0x6], $0x80, s16, s13, $0xb8;
	[tilespmem:$0x1D000] =	vst v63  }
0x100: {  	_ =	swait.ge [sflag:s9], $0x1400  }
0x101: {  	[sflag:s9] =	ssyncset.done $0x0  }
0x102: {  	s23 =	simm.s32 $0x800;
	[sflag:s9] =	ssyncadd.s32 $0xFFFFEC00  }
0x103: {  	[tilespmem:s3], [sflag:$0x1] =	stream.indirect.gather [hbm4b:s4+s13], $0x80, s23, s13, $0xb8;
	[tilespmem:$0x1D000] =	vst v63  }
0x104: {  	_ =	swait.ge [sflag:s30], $0x1400  }
0x105: {  	[sflag:s30] =	ssyncset.done $0x0  }
0x106: {  	s16 =	simm.s32 $0x1680;
	[sflag:s30] =	ssyncadd.s32 $0xFFFFEC00  }
0x107: {  	[spmem:s1] =	stream.indirect.scatter.add.f32 [tilespmem:s15], [sflag:$0x6], $0x80, s16, s13, $0xb8;
	[tilespmem:$0x1D000] =	vst v63  }
0x108: {  	_ =	swait.ge [sflag:s9], $0x1400  }
0x109: {  	[sflag:s9] =	ssyncset.done $0x0  }
0x10a: {  	s23 =	simm.s32 $0x880;
	[sflag:s9] =	ssyncadd.s32 $0xFFFFEC00  }
0x10b: {  	[tilespmem:s15], [sflag:$0x2] =	stream.indirect.gather [hbm4b:s4+s13], $0x80, s23, s13, $0xb8;
	[tilespmem:$0x1D000] =	vst v63  }
0x10c: {  	_ =	swait.ge [sflag:s24], $0x1400  }
0x10d: {  	[sflag:s24] =	ssyncset.done $0x0  }
0x10e: {  	s16 =	simm.s32 $0x1700;
	[sflag:s24] =	ssyncadd.s32 $0xFFFFEC00  }
0x10f: {  	[spmem:s1] =	stream.indirect.scatter.add.f32 [tilespmem:s21], [sflag:$0x6], $0x80, s16, s13, $0xb8;
	[tilespmem:$0x1D000] =	vst v63  }
0x110: {  	_ =	swait.ge [sflag:s9], $0x1400  }
0x111: {  	[sflag:s9] =	ssyncset.done $0x0  }
0x112: {  	s23 =	simm.s32 $0x900;
	[sflag:s9] =	ssyncadd.s32 $0xFFFFEC00  }
0x113: {  	[tilespmem:s21], [sflag:$0x3] =	stream.indirect.gather [hbm4b:s4+s13], $0x80, s23, s13, $0xb8;
	[tilespmem:$0x1D000] =	vst v63  }
0x114: {  	_ =	swait.ge [sflag:s22], $0x1400  }
0x115: {  	[sflag:s22] =	ssyncset.done $0x0  }
0x116: {  	s16 =	simm.s32 $0x1780;
	[sflag:s22] =	ssyncadd.s32 $0xFFFFEC00  }
0x117: {  	[spmem:s1] =	stream.indirect.scatter.add.f32 [tilespmem:s26], [sflag:$0x6], $0x80, s16, s13, $0xb8;
	[tilespmem:$0x1D000] =	vst v63  }
0x118: {  	_ =	swait.ge [sflag:s9], $0x1400  }
0x119: {  	[sflag:s9] =	ssyncset.done $0x0  }
0x11a: {  	s23 =	simm.s32 $0x980;
	[sflag:s9] =	ssyncadd.s32 $0xFFFFEC00  }
0x11b: {  	[tilespmem:s26], [sflag:$0x4] =	stream.indirect.gather [hbm4b:s4+s13], $0x80, s23, s13, $0xb8;
	[tilespmem:$0x1D000] =	vst v63  }
0x11c: {  	_ =	swait.ge [sflag:s28], $0x1400  }
0x11d: {  	[sflag:s28] =	ssyncset.done $0x0  }
0x11e: {  	s16 =	simm.s32 $0x1800;
	[sflag:s28] =	ssyncadd.s32 $0xFFFFEC00  }
0x11f: {  	[spmem:s1] =	stream.indirect.scatter.add.f32 [tilespmem:s3], [sflag:$0x6], $0x80, s16, s13, $0xb8;
	[tilespmem:$0x1D000] =	vst v63  }
0x120: {  	_ =	swait.ge [sflag:s9], $0x1400  }
0x121: {  	[sflag:s9] =	ssyncset.done $0x0  }
0x122: {  	s23 =	simm.s32 $0xA00;
	[sflag:s9] =	ssyncadd.s32 $0xFFFFEC00  }
0x123: {  	[tilespmem:s3], [sflag:$0x1] =	stream.indirect.gather [hbm4b:s4+s13], $0x80, s23, s13, $0xb8;
	[tilespmem:$0x1D000] =	vst v63  }
0x124: {  	_ =	swait.ge [sflag:s30], $0x1400  }
0x125: {  	[sflag:s30] =	ssyncset.done $0x0  }
0x126: {  	s16 =	simm.s32 $0x1880;
	[sflag:s30] =	ssyncadd.s32 $0xFFFFEC00  }
0x127: {  	[spmem:s1] =	stream.indirect.scatter.add.f32 [tilespmem:s15], [sflag:$0x6], $0x80, s16, s13, $0xb8;
	[tilespmem:$0x1D000] =	vst v63  }
0x128: {  	_ =	swait.ge [sflag:s9], $0x1400  }
0x129: {  	[sflag:s9] =	ssyncset.done $0x0  }
0x12a: {  	s23 =	simm.s32 $0xA80;
	[sflag:s9] =	ssyncadd.s32 $0xFFFFEC00  }
0x12b: {  	[tilespmem:s15], [sflag:$0x2] =	stream.indirect.gather [hbm4b:s4+s13], $0x80, s23, s13, $0xb8;
	[tilespmem:$0x1D000] =	vst v63  }
0x12c: {  	_ =	swait.ge [sflag:s24], $0x1400  }
0x12d: {  	[sflag:s24] =	ssyncset.done $0x0  }
0x12e: {  	s16 =	simm.s32 $0x1900;
	[sflag:s24] =	ssyncadd.s32 $0xFFFFEC00  }
0x12f: {  	[spmem:s1] =	stream.indirect.scatter.add.f32 [tilespmem:s21], [sflag:$0x6], $0x80, s16, s13, $0xb8;
	[tilespmem:$0x1D000] =	vst v63  }
0x130: {  	_ =	swait.ge [sflag:s9], $0x1400  }
0x131: {  	[sflag:s9] =	ssyncset.done $0x0  }
0x132: {  	s23 =	simm.s32 $0xB00;
	[sflag:s9] =	ssyncadd.s32 $0xFFFFEC00  }
0x133: {  	[tilespmem:s21], [sflag:$0x3] =	stream.indirect.gather [hbm4b:s4+s13], $0x80, s23, s13, $0xb8;
	[tilespmem:$0x1D000] =	vst v63  }
0x134: {  	_ =	swait.ge [sflag:s22], $0x1400  }
0x135: {  	[sflag:s22] =	ssyncset.done $0x0  }
0x136: {  	s16 =	simm.s32 $0x1980;
	[sflag:s22] =	ssyncadd.s32 $0xFFFFEC00  }
0x137: {  	[spmem:s1] =	stream.indirect.scatter.add.f32 [tilespmem:s26], [sflag:$0x6], $0x80, s16, s13, $0xb8;
	[tilespmem:$0x1D000] =	vst v63  }
0x138: {  	_ =	swait.ge [sflag:s9], $0x1400  }
0x139: {  	[sflag:s9] =	ssyncset.done $0x0  }
0x13a: {  	s23 =	simm.s32 $0xB80;
	[sflag:s9] =	ssyncadd.s32 $0xFFFFEC00  }
0x13b: {  	[tilespmem:s26], [sflag:$0x4] =	stream.indirect.gather [hbm4b:s4+s13], $0x80, s23, s13, $0xb8;
	[tilespmem:$0x1D000] =	vst v63  }
0x13c: {  	_ =	swait.ge [sflag:s28], $0x1400  }
0x13d: {  	[sflag:s28] =	ssyncset.done $0x0  }
0x13e: {  	s16 =	simm.s32 $0x1A00;
	[sflag:s28] =	ssyncadd.s32 $0xFFFFEC00  }
0x13f: {  	[spmem:s1] =	stream.indirect.scatter.add.f32 [tilespmem:s3], [sflag:$0x6], $0x80, s16, s13, $0xb8;
	[tilespmem:$0x1D000] =	vst v63  }
0x140: {  	_ =	swait.ge [sflag:s9], $0x1400  }
0x141: {  	[sflag:s9] =	ssyncset.done $0x0  }
0x142: {  	s23 =	simm.s32 $0xC00;
	[sflag:s9] =	ssyncadd.s32 $0xFFFFEC00  }
0x143: {  	[tilespmem:s3], [sflag:$0x1] =	stream.indirect.gather [hbm4b:s4+s13], $0x80, s23, s13, $0xb8;
	[tilespmem:$0x1D000] =	vst v63  }
0x144: {  	_ =	swait.ge [sflag:s30], $0x1400  }
0x145: {  	[sflag:s30] =	ssyncset.done $0x0  }
0x146: {  	s16 =	simm.s32 $0x1A80;
	[sflag:s30] =	ssyncadd.s32 $0xFFFFEC00  }
0x147: {  	[spmem:s1] =	stream.indirect.scatter.add.f32 [tilespmem:s15], [sflag:$0x6], $0x80, s16, s13, $0xb8;
	[tilespmem:$0x1D000] =	vst v63  }
0x148: {  	_ =	swait.ge [sflag:s9], $0x1400  }
0x149: {  	[sflag:s9] =	ssyncset.done $0x0  }
0x14a: {  	[sflag:s9] =	ssyncadd.s32 $0xFFFFEC00  }
0x14b: {  	_ =	swait.ge [sflag:s24], $0x1400  }
0x14c: {  	[sflag:s24] =	ssyncset.done $0x0  }
0x14d: {  	s23 =	simm.s32 $0x1B00;
	[sflag:s24] =	ssyncadd.s32 $0xFFFFEC00  }
0x14e: {  	[spmem:s1] =	stream.indirect.scatter.add.f32 [tilespmem:s21], [sflag:$0x6], $0x80, s23, s13, $0xb8;
	[tilespmem:$0x1D000] =	vst v63  }
0x14f: {  	_ =	swait.ge [sflag:s9], $0x1400  }
0x150: {  	[sflag:s9] =	ssyncset.done $0x0  }
0x151: {  	[sflag:s9] =	ssyncadd.s32 $0xFFFFEC00  }
0x152: {  	_ =	swait.ge [sflag:s22], $0x1400  }
0x153: {  	[sflag:s22] =	ssyncset.done $0x0  }
0x154: {  	s16 =	simm.s32 $0x1B80;
	[sflag:s22] =	ssyncadd.s32 $0xFFFFEC00  }
0x155: {  	[spmem:s1] =	stream.indirect.scatter.add.f32 [tilespmem:s26], [sflag:$0x6], $0x80, s16, s13, $0xb8;
	[tilespmem:$0x1D000] =	vst v63  }
0x156: {  	_ =	swait.ge [sflag:s9], $0x1400  }
0x157: {  	[sflag:s9] =	ssyncset.done $0x0  }
0x158: {  	[sflag:s9] =	ssyncadd.s32 $0xFFFFEC00  }
0x159: {  	_ =	swait.ge [sflag:s28], $0x1400  }
0x15a: {  	[sflag:s28] =	ssyncset.done $0x0  }
0x15b: {  	s23 =	simm.s32 $0x1C00;
	[sflag:s28] =	ssyncadd.s32 $0xFFFFEC00  }
0x15c: {  	[spmem:s1] =	stream.indirect.scatter.add.f32 [tilespmem:s3], [sflag:$0x6], $0x80, s23, s13, $0xb8;
	[tilespmem:$0x1D000] =	vst v63  }
0x15d: {  	_ =	swait.ge [sflag:s9], $0x1400  }
0x15e: {  	[sflag:s9] =	ssyncset.done $0x0  }
0x15f: {  	[sflag:s9] =	ssyncadd.s32 $0xFFFFEC00  }
0x160: {  	_ =	swait.ge [sflag:s8], $0xC80  }
0x161: {  	[sflag:s8] =	ssyncset.done $0x0  }
0x162: {  	[sflag:s8] =	ssyncadd.s32 $0xFFFFF380  }
0x163: {  	p0 =	seq.s32 s6, $0x1000;
	_ =	swait.ge [sflag:s8], $0xC80  }
0x164: {  	s10 =	sshrl.u32 @!p0 s14, $0x3;
	[sflag:s8] =	ssyncset.done $0x0  }
0x165: {  	s10 =	sadd.s32 @!p0 s5, s10;
	s16 =	simm.s32 @!p0 $0x0;
	[sflag:s8] =	ssyncadd.s32 $0xFFFFF380  }
0x166: {  	[tilespmem:s16], [sflag:$0x5] =	stream.linear.gather @!p0 [hbm4b:s10+s16], $0xC80, $0x38;
	[tilespmem:$0x1D000] =	vst v63  }
0x167: {  	s23 =	simm.s32 @!p0 $0x1000;
	s10 =	sadd.s32 @!p0 s6, s17  }
0x168: {  	[tilespmem:s23], [sflag:$0x5] =	stream.linear.gather @!p0 [hbm4b:s10+s16], $0xC80, $0x38;
	[tilespmem:$0x1D000] =	vst v63  }
0x169: {  	_ = 	snop  }
0x16a: {  	[tilespmem:s3], [sflag:$0x1] =	stream.indirect.gather [hbm4b:s4+s13], $0x80, s11, s13, $0xb8;
	[tilespmem:$0x1D000] =	vst v63  }
0x16b: {  	s16 =	simm.s32 $0x2080  }
0x16c: {  	[tilespmem:s15], [sflag:$0x2] =	stream.indirect.gather [hbm4b:s4+s13], $0x80, s16, s13, $0xb8;
	[tilespmem:$0x1D000] =	vst v63  }
0x16d: {  	s23 =	simm.s32 $0x2100  }
0x16e: {  	[tilespmem:s21], [sflag:$0x3] =	stream.indirect.gather [hbm4b:s4+s13], $0x80, s23, s13, $0xb8;
	[tilespmem:$0x1D000] =	vst v63  }
0x16f: {  	s16 =	simm.s32 $0x2180  }
0x170: {  	[tilespmem:s26], [sflag:$0x4] =	stream.indirect.gather [hbm4b:s4+s13], $0x80, s16, s13, $0xb8;
	[tilespmem:$0x1D000] =	vst v63  }
0x171: {  	_ =	swait.ge [sflag:s28], $0x1400  }
0x172: {  	[sflag:s28] =	ssyncset.done $0x0  }
0x173: {  	[sflag:s28] =	ssyncadd.s32 $0xFFFFEC00  }
0x174: {  	[spmem:s1] =	stream.indirect.scatter.add.f32 [tilespmem:s3], [sflag:$0x6], $0x80, s12, s13, $0xb8;
	[tilespmem:$0x1D000] =	vst v63  }
0x175: {  	_ =	swait.ge [sflag:s9], $0x1400  }
0x176: {  	[sflag:s9] =	ssyncset.done $0x0  }
0x177: {  	s23 =	simm.s32 $0x2200;
	[sflag:s9] =	ssyncadd.s32 $0xFFFFEC00  }
0x178: {  	[tilespmem:s3], [sflag:$0x1] =	stream.indirect.gather [hbm4b:s4+s13], $0x80, s23, s13, $0xb8;
	[tilespmem:$0x1D000] =	vst v63  }
0x179: {  	_ =	swait.ge [sflag:s30], $0x1400  }
0x17a: {  	[sflag:s30] =	ssyncset.done $0x0  }
0x17b: {  	s16 =	simm.s32 $0x3080;
	[sflag:s30] =	ssyncadd.s32 $0xFFFFEC00  }
0x17c: {  	[spmem:s1] =	stream.indirect.scatter.add.f32 [tilespmem:s15], [sflag:$0x6], $0x80, s16, s13, $0xb8;
	[tilespmem:$0x1D000] =	vst v63  }
0x17d: {  	_ =	swait.ge [sflag:s9], $0x1400  }
0x17e: {  	[sflag:s9] =	ssyncset.done $0x0  }
0x17f: {  	s23 =	simm.s32 $0x2280;
	[sflag:s9] =	ssyncadd.s32 $0xFFFFEC00  }
0x180: {  	[tilespmem:s15], [sflag:$0x2] =	stream.indirect.gather [hbm4b:s4+s13], $0x80, s23, s13, $0xb8;
	[tilespmem:$0x1D000] =	vst v63  }
0x181: {  	_ =	swait.ge [sflag:s24], $0x1400  }
0x182: {  	[sflag:s24] =	ssyncset.done $0x0  }
0x183: {  	s16 =	simm.s32 $0x3100;
	[sflag:s24] =	ssyncadd.s32 $0xFFFFEC00  }
0x184: {  	[spmem:s1] =	stream.indirect.scatter.add.f32 [tilespmem:s21], [sflag:$0x6], $0x80, s16, s13, $0xb8;
	[tilespmem:$0x1D000] =	vst v63  }
0x185: {  	_ =	swait.ge [sflag:s9], $0x1400  }
0x186: {  	[sflag:s9] =	ssyncset.done $0x0  }
0x187: {  	s23 =	simm.s32 $0x2300;
	[sflag:s9] =	ssyncadd.s32 $0xFFFFEC00  }
0x188: {  	[tilespmem:s21], [sflag:$0x3] =	stream.indirect.gather [hbm4b:s4+s13], $0x80, s23, s13, $0xb8;
	[tilespmem:$0x1D000] =	vst v63  }
0x189: {  	_ =	swait.ge [sflag:s22], $0x1400  }
0x18a: {  	[sflag:s22] =	ssyncset.done $0x0  }
0x18b: {  	s16 =	simm.s32 $0x3180;
	[sflag:s22] =	ssyncadd.s32 $0xFFFFEC00  }
0x18c: {  	[spmem:s1] =	stream.indirect.scatter.add.f32 [tilespmem:s26], [sflag:$0x6], $0x80, s16, s13, $0xb8;
	[tilespmem:$0x1D000] =	vst v63  }
0x18d: {  	_ =	swait.ge [sflag:s9], $0x1400  }
0x18e: {  	[sflag:s9] =	ssyncset.done $0x0  }
0x18f: {  	s23 =	simm.s32 $0x2380;
	[sflag:s9] =	ssyncadd.s32 $0xFFFFEC00  }
0x190: {  	[tilespmem:s26], [sflag:$0x4] =	stream.indirect.gather [hbm4b:s4+s13], $0x80, s23, s13, $0xb8;
	[tilespmem:$0x1D000] =	vst v63  }
0x191: {  	_ =	swait.ge [sflag:s28], $0x1400  }
0x192: {  	[sflag:s28] =	ssyncset.done $0x0  }
0x193: {  	s16 =	simm.s32 $0x3200;
	[sflag:s28] =	ssyncadd.s32 $0xFFFFEC00  }
0x194: {  	[spmem:s1] =	stream.indirect.scatter.add.f32 [tilespmem:s3], [sflag:$0x6], $0x80, s16, s13, $0xb8;
	[tilespmem:$0x1D000] =	vst v63  }
0x195: {  	_ =	swait.ge [sflag:s9], $0x1400  }
0x196: {  	[sflag:s9] =	ssyncset.done $0x0  }
0x197: {  	s23 =	simm.s32 $0x2400;
	[sflag:s9] =	ssyncadd.s32 $0xFFFFEC00  }
0x198: {  	[tilespmem:s3], [sflag:$0x1] =	stream.indirect.gather [hbm4b:s4+s13], $0x80, s23, s13, $0xb8;
	[tilespmem:$0x1D000] =	vst v63  }
0x199: {  	_ =	swait.ge [sflag:s30], $0x1400  }
0x19a: {  	[sflag:s30] =	ssyncset.done $0x0  }
0x19b: {  	s16 =	simm.s32 $0x3280;
	[sflag:s30] =	ssyncadd.s32 $0xFFFFEC00  }
0x19c: {  	[spmem:s1] =	stream.indirect.scatter.add.f32 [tilespmem:s15], [sflag:$0x6], $0x80, s16, s13, $0xb8;
	[tilespmem:$0x1D000] =	vst v63  }
0x19d: {  	_ =	swait.ge [sflag:s9], $0x1400  }
0x19e: {  	[sflag:s9] =	ssyncset.done $0x0  }
0x19f: {  	s23 =	simm.s32 $0x2480;
	[sflag:s9] =	ssyncadd.s32 $0xFFFFEC00  }
0x1a0: {  	[tilespmem:s15], [sflag:$0x2] =	stream.indirect.gather [hbm4b:s4+s13], $0x80, s23, s13, $0xb8;
	[tilespmem:$0x1D000] =	vst v63  }
0x1a1: {  	_ =	swait.ge [sflag:s24], $0x1400  }
0x1a2: {  	[sflag:s24] =	ssyncset.done $0x0  }
0x1a3: {  	s16 =	simm.s32 $0x3300;
	[sflag:s24] =	ssyncadd.s32 $0xFFFFEC00  }
0x1a4: {  	[spmem:s1] =	stream.indirect.scatter.add.f32 [tilespmem:s21], [sflag:$0x6], $0x80, s16, s13, $0xb8;
	[tilespmem:$0x1D000] =	vst v63  }
0x1a5: {  	_ =	swait.ge [sflag:s9], $0x1400  }
0x1a6: {  	[sflag:s9] =	ssyncset.done $0x0  }
0x1a7: {  	s23 =	simm.s32 $0x2500;
	[sflag:s9] =	ssyncadd.s32 $0xFFFFEC00  }
0x1a8: {  	[tilespmem:s21], [sflag:$0x3] =	stream.indirect.gather [hbm4b:s4+s13], $0x80, s23, s13, $0xb8;
	[tilespmem:$0x1D000] =	vst v63  }
0x1a9: {  	_ =	swait.ge [sflag:s22], $0x1400  }
0x1aa: {  	[sflag:s22] =	ssyncset.done $0x0  }
0x1ab: {  	s16 =	simm.s32 $0x3380;
	[sflag:s22] =	ssyncadd.s32 $0xFFFFEC00  }
0x1ac: {  	[spmem:s1] =	stream.indirect.scatter.add.f32 [tilespmem:s26], [sflag:$0x6], $0x80, s16, s13, $0xb8;
	[tilespmem:$0x1D000] =	vst v63  }
0x1ad: {  	_ =	swait.ge [sflag:s9], $0x1400  }
0x1ae: {  	[sflag:s9] =	ssyncset.done $0x0  }
0x1af: {  	s23 =	simm.s32 $0x2580;
	[sflag:s9] =	ssyncadd.s32 $0xFFFFEC00  }
0x1b0: {  	[tilespmem:s26], [sflag:$0x4] =	stream.indirect.gather [hbm4b:s4+s13], $0x80, s23, s13, $0xb8;
	[tilespmem:$0x1D000] =	vst v63  }
0x1b1: {  	_ =	swait.ge [sflag:s28], $0x1400  }
0x1b2: {  	[sflag:s28] =	ssyncset.done $0x0  }
0x1b3: {  	s16 =	simm.s32 $0x3400;
	[sflag:s28] =	ssyncadd.s32 $0xFFFFEC00  }
0x1b4: {  	[spmem:s1] =	stream.indirect.scatter.add.f32 [tilespmem:s3], [sflag:$0x6], $0x80, s16, s13, $0xb8;
	[tilespmem:$0x1D000] =	vst v63  }
0x1b5: {  	_ =	swait.ge [sflag:s9], $0x1400  }
0x1b6: {  	[sflag:s9] =	ssyncset.done $0x0  }
0x1b7: {  	s23 =	simm.s32 $0x2600;
	[sflag:s9] =	ssyncadd.s32 $0xFFFFEC00  }
0x1b8: {  	[tilespmem:s3], [sflag:$0x1] =	stream.indirect.gather [hbm4b:s4+s13], $0x80, s23, s13, $0xb8;
	[tilespmem:$0x1D000] =	vst v63  }
0x1b9: {  	_ =	swait.ge [sflag:s30], $0x1400  }
0x1ba: {  	[sflag:s30] =	ssyncset.done $0x0  }
0x1bb: {  	s16 =	simm.s32 $0x3480;
	[sflag:s30] =	ssyncadd.s32 $0xFFFFEC00  }
0x1bc: {  	[spmem:s1] =	stream.indirect.scatter.add.f32 [tilespmem:s15], [sflag:$0x6], $0x80, s16, s13, $0xb8;
	[tilespmem:$0x1D000] =	vst v63  }
0x1bd: {  	_ =	swait.ge [sflag:s9], $0x1400  }
0x1be: {  	[sflag:s9] =	ssyncset.done $0x0  }
0x1bf: {  	s23 =	simm.s32 $0x2680;
	[sflag:s9] =	ssyncadd.s32 $0xFFFFEC00  }
0x1c0: {  	[tilespmem:s15], [sflag:$0x2] =	stream.indirect.gather [hbm4b:s4+s13], $0x80, s23, s13, $0xb8;
	[tilespmem:$0x1D000] =	vst v63  }
0x1c1: {  	_ =	swait.ge [sflag:s24], $0x1400  }
0x1c2: {  	[sflag:s24] =	ssyncset.done $0x0  }
0x1c3: {  	s16 =	simm.s32 $0x3500;
	[sflag:s24] =	ssyncadd.s32 $0xFFFFEC00  }
0x1c4: {  	[spmem:s1] =	stream.indirect.scatter.add.f32 [tilespmem:s21], [sflag:$0x6], $0x80, s16, s13, $0xb8;
	[tilespmem:$0x1D000] =	vst v63  }
0x1c5: {  	_ =	swait.ge [sflag:s9], $0x1400  }
0x1c6: {  	[sflag:s9] =	ssyncset.done $0x0  }
0x1c7: {  	s23 =	simm.s32 $0x2700;
	[sflag:s9] =	ssyncadd.s32 $0xFFFFEC00  }
0x1c8: {  	[tilespmem:s21], [sflag:$0x3] =	stream.indirect.gather [hbm4b:s4+s13], $0x80, s23, s13, $0xb8;
	[tilespmem:$0x1D000] =	vst v63  }
0x1c9: {  	_ =	swait.ge [sflag:s22], $0x1400  }
0x1ca: {  	[sflag:s22] =	ssyncset.done $0x0  }
0x1cb: {  	s16 =	simm.s32 $0x3580;
	[sflag:s22] =	ssyncadd.s32 $0xFFFFEC00  }
0x1cc: {  	[spmem:s1] =	stream.indirect.scatter.add.f32 [tilespmem:s26], [sflag:$0x6], $0x80, s16, s13, $0xb8;
	[tilespmem:$0x1D000] =	vst v63  }
0x1cd: {  	_ =	swait.ge [sflag:s9], $0x1400  }
0x1ce: {  	[sflag:s9] =	ssyncset.done $0x0  }
0x1cf: {  	s23 =	simm.s32 $0x2780;
	[sflag:s9] =	ssyncadd.s32 $0xFFFFEC00  }
0x1d0: {  	[tilespmem:s26], [sflag:$0x4] =	stream.indirect.gather [hbm4b:s4+s13], $0x80, s23, s13, $0xb8;
	[tilespmem:$0x1D000] =	vst v63  }
0x1d1: {  	_ =	swait.ge [sflag:s28], $0x1400  }
0x1d2: {  	[sflag:s28] =	ssyncset.done $0x0  }
0x1d3: {  	s16 =	simm.s32 $0x3600;
	[sflag:s28] =	ssyncadd.s32 $0xFFFFEC00  }
0x1d4: {  	[spmem:s1] =	stream.indirect.scatter.add.f32 [tilespmem:s3], [sflag:$0x6], $0x80, s16, s13, $0xb8;
	[tilespmem:$0x1D000] =	vst v63  }
0x1d5: {  	_ =	swait.ge [sflag:s9], $0x1400  }
0x1d6: {  	[sflag:s9] =	ssyncset.done $0x0  }
0x1d7: {  	s23 =	simm.s32 $0x2800;
	[sflag:s9] =	ssyncadd.s32 $0xFFFFEC00  }
0x1d8: {  	[tilespmem:s3], [sflag:$0x1] =	stream.indirect.gather [hbm4b:s4+s13], $0x80, s23, s13, $0xb8;
	[tilespmem:$0x1D000] =	vst v63  }
0x1d9: {  	_ =	swait.ge [sflag:s30], $0x1400  }
0x1da: {  	[sflag:s30] =	ssyncset.done $0x0  }
0x1db: {  	s16 =	simm.s32 $0x3680;
	[sflag:s30] =	ssyncadd.s32 $0xFFFFEC00  }
0x1dc: {  	[spmem:s1] =	stream.indirect.scatter.add.f32 [tilespmem:s15], [sflag:$0x6], $0x80, s16, s13, $0xb8;
	[tilespmem:$0x1D000] =	vst v63  }
0x1dd: {  	_ =	swait.ge [sflag:s9], $0x1400  }
0x1de: {  	[sflag:s9] =	ssyncset.done $0x0  }
0x1df: {  	s23 =	simm.s32 $0x2880;
	[sflag:s9] =	ssyncadd.s32 $0xFFFFEC00  }
0x1e0: {  	[tilespmem:s15], [sflag:$0x2] =	stream.indirect.gather [hbm4b:s4+s13], $0x80, s23, s13, $0xb8;
	[tilespmem:$0x1D000] =	vst v63  }
0x1e1: {  	_ =	swait.ge [sflag:s24], $0x1400  }
0x1e2: {  	[sflag:s24] =	ssyncset.done $0x0  }
0x1e3: {  	s16 =	simm.s32 $0x3700;
	[sflag:s24] =	ssyncadd.s32 $0xFFFFEC00  }
0x1e4: {  	[spmem:s1] =	stream.indirect.scatter.add.f32 [tilespmem:s21], [sflag:$0x6], $0x80, s16, s13, $0xb8;
	[tilespmem:$0x1D000] =	vst v63  }
0x1e5: {  	_ =	swait.ge [sflag:s9], $0x1400  }
0x1e6: {  	[sflag:s9] =	ssyncset.done $0x0  }
0x1e7: {  	s23 =	simm.s32 $0x2900;
	[sflag:s9] =	ssyncadd.s32 $0xFFFFEC00  }
0x1e8: {  	[tilespmem:s21], [sflag:$0x3] =	stream.indirect.gather [hbm4b:s4+s13], $0x80, s23, s13, $0xb8;
	[tilespmem:$0x1D000] =	vst v63  }
0x1e9: {  	_ =	swait.ge [sflag:s22], $0x1400  }
0x1ea: {  	[sflag:s22] =	ssyncset.done $0x0  }
0x1eb: {  	s16 =	simm.s32 $0x3780;
	[sflag:s22] =	ssyncadd.s32 $0xFFFFEC00  }
0x1ec: {  	[spmem:s1] =	stream.indirect.scatter.add.f32 [tilespmem:s26], [sflag:$0x6], $0x80, s16, s13, $0xb8;
	[tilespmem:$0x1D000] =	vst v63  }
0x1ed: {  	_ =	swait.ge [sflag:s9], $0x1400  }
0x1ee: {  	[sflag:s9] =	ssyncset.done $0x0  }
0x1ef: {  	s23 =	simm.s32 $0x2980;
	[sflag:s9] =	ssyncadd.s32 $0xFFFFEC00  }
0x1f0: {  	[tilespmem:s26], [sflag:$0x4] =	stream.indirect.gather [hbm4b:s4+s13], $0x80, s23, s13, $0xb8;
	[tilespmem:$0x1D000] =	vst v63  }
0x1f1: {  	_ =	swait.ge [sflag:s28], $0x1400  }
0x1f2: {  	[sflag:s28] =	ssyncset.done $0x0  }
0x1f3: {  	s16 =	simm.s32 $0x3800;
	[sflag:s28] =	ssyncadd.s32 $0xFFFFEC00  }
0x1f4: {  	[spmem:s1] =	stream.indirect.scatter.add.f32 [tilespmem:s3], [sflag:$0x6], $0x80, s16, s13, $0xb8;
	[tilespmem:$0x1D000] =	vst v63  }
0x1f5: {  	_ =	swait.ge [sflag:s9], $0x1400  }
0x1f6: {  	[sflag:s9] =	ssyncset.done $0x0  }
0x1f7: {  	s23 =	simm.s32 $0x2A00;
	[sflag:s9] =	ssyncadd.s32 $0xFFFFEC00  }
0x1f8: {  	[tilespmem:s3], [sflag:$0x1] =	stream.indirect.gather [hbm4b:s4+s13], $0x80, s23, s13, $0xb8;
	[tilespmem:$0x1D000] =	vst v63  }
0x1f9: {  	_ =	swait.ge [sflag:s30], $0x1400  }
0x1fa: {  	[sflag:s30] =	ssyncset.done $0x0  }
0x1fb: {  	s16 =	simm.s32 $0x3880;
	[sflag:s30] =	ssyncadd.s32 $0xFFFFEC00  }
0x1fc: {  	[spmem:s1] =	stream.indirect.scatter.add.f32 [tilespmem:s15], [sflag:$0x6], $0x80, s16, s13, $0xb8;
	[tilespmem:$0x1D000] =	vst v63  }
0x1fd: {  	_ =	swait.ge [sflag:s9], $0x1400  }
0x1fe: {  	[sflag:s9] =	ssyncset.done $0x0  }
0x1ff: {  	s23 =	simm.s32 $0x2A80;
	[sflag:s9] =	ssyncadd.s32 $0xFFFFEC00  }
0x200: {  	[tilespmem:s15], [sflag:$0x2] =	stream.indirect.gather [hbm4b:s4+s13], $0x80, s23, s13, $0xb8;
	[tilespmem:$0x1D000] =	vst v63  }
0x201: {  	_ =	swait.ge [sflag:s24], $0x1400  }
0x202: {  	[sflag:s24] =	ssyncset.done $0x0  }
0x203: {  	s16 =	simm.s32 $0x3900;
	[sflag:s24] =	ssyncadd.s32 $0xFFFFEC00  }
0x204: {  	[spmem:s1] =	stream.indirect.scatter.add.f32 [tilespmem:s21], [sflag:$0x6], $0x80, s16, s13, $0xb8;
	[tilespmem:$0x1D000] =	vst v63  }
0x205: {  	_ =	swait.ge [sflag:s9], $0x1400  }
0x206: {  	[sflag:s9] =	ssyncset.done $0x0  }
0x207: {  	s23 =	simm.s32 $0x2B00;
	[sflag:s9] =	ssyncadd.s32 $0xFFFFEC00  }
0x208: {  	[tilespmem:s21], [sflag:$0x3] =	stream.indirect.gather [hbm4b:s4+s13], $0x80, s23, s13, $0xb8;
	[tilespmem:$0x1D000] =	vst v63  }
0x209: {  	_ =	swait.ge [sflag:s22], $0x1400  }
0x20a: {  	[sflag:s22] =	ssyncset.done $0x0  }
0x20b: {  	s16 =	simm.s32 $0x3980;
	[sflag:s22] =	ssyncadd.s32 $0xFFFFEC00  }
0x20c: {  	[spmem:s1] =	stream.indirect.scatter.add.f32 [tilespmem:s26], [sflag:$0x6], $0x80, s16, s13, $0xb8;
	[tilespmem:$0x1D000] =	vst v63  }
0x20d: {  	_ =	swait.ge [sflag:s9], $0x1400  }
0x20e: {  	[sflag:s9] =	ssyncset.done $0x0  }
0x20f: {  	s23 =	simm.s32 $0x2B80;
	[sflag:s9] =	ssyncadd.s32 $0xFFFFEC00  }
0x210: {  	[tilespmem:s26], [sflag:$0x4] =	stream.indirect.gather [hbm4b:s4+s13], $0x80, s23, s13, $0xb8;
	[tilespmem:$0x1D000] =	vst v63  }
0x211: {  	_ =	swait.ge [sflag:s28], $0x1400  }
0x212: {  	[sflag:s28] =	ssyncset.done $0x0  }
0x213: {  	[sflag:s28] =	ssyncadd.s32 $0xFFFFEC00  }
0x214: {  	[spmem:s1] =	stream.indirect.scatter.add.f32 [tilespmem:s3], [sflag:$0x6], $0x80, s29, s13, $0xb8;
	[tilespmem:$0x1D000] =	vst v63  }
0x215: {  	_ =	swait.ge [sflag:s9], $0x1400  }
0x216: {  	[sflag:s9] =	ssyncset.done $0x0  }
0x217: {  	[sflag:s9] =	ssyncadd.s32 $0xFFFFEC00  }
0x218: {  	[tilespmem:s3], [sflag:$0x1] =	stream.indirect.gather [hbm4b:s4+s13], $0x80, s31, s13, $0xb8;
	[tilespmem:$0x1D000] =	vst v63  }
0x219: {  	_ =	swait.ge [sflag:s30], $0x1400  }
0x21a: {  	[sflag:s30] =	ssyncset.done $0x0  }
0x21b: {  	[sflag:s30] =	ssyncadd.s32 $0xFFFFEC00  }
0x21c: {  	[spmem:s1] =	stream.indirect.scatter.add.f32 [tilespmem:s15], [sflag:$0x6], $0x80, s0, s13, $0xb8;
	[tilespmem:$0x1D000] =	vst v63  }
0x21d: {  	_ =	swait.ge [sflag:s9], $0x1400  }
0x21e: {  	[sflag:s9] =	ssyncset.done $0x0  }
0x21f: {  	[sflag:s9] =	ssyncadd.s32 $0xFFFFEC00  }
0x220: {  	_ =	swait.ge [sflag:s24], $0x1400  }
0x221: {  	[sflag:s24] =	ssyncset.done $0x0  }
0x222: {  	[sflag:s24] =	ssyncadd.s32 $0xFFFFEC00  }
0x223: {  	[spmem:s1] =	stream.indirect.scatter.add.f32 [tilespmem:s21], [sflag:$0x6], $0x80, s7, s13, $0xb8;
	[tilespmem:$0x1D000] =	vst v63  }
0x224: {  	_ =	swait.ge [sflag:s9], $0x1400  }
0x225: {  	[sflag:s9] =	ssyncset.done $0x0  }
0x226: {  	[sflag:s9] =	ssyncadd.s32 $0xFFFFEC00  }
0x227: {  	_ =	swait.ge [sflag:s22], $0x1400  }
0x228: {  	[sflag:s22] =	ssyncset.done $0x0  }
0x229: {  	[sflag:s22] =	ssyncadd.s32 $0xFFFFEC00  }
0x22a: {  	[spmem:s1] =	stream.indirect.scatter.add.f32 [tilespmem:s26], [sflag:$0x6], $0x80, s20, s13, $0xb8;
	[tilespmem:$0x1D000] =	vst v63  }
0x22b: {  	_ =	swait.ge [sflag:s9], $0x1400  }
0x22c: {  	[sflag:s9] =	ssyncset.done $0x0  }
0x22d: {  	[sflag:s9] =	ssyncadd.s32 $0xFFFFEC00  }
0x22e: {  	_ =	swait.ge [sflag:s28], $0x1400  }
0x22f: {  	[sflag:s28] =	ssyncset.done $0x0  }
.Ltmp1:
0x230: {  	[sflag:s28] =	ssyncadd.s32 $0xFFFFEC00;
	(pc) =	sbr.rel @p0 .LBB2_6-.Ltmp1, $4  }
0x231: {  	[spmem:s1] =	stream.indirect.scatter.add.f32 [tilespmem:s3], [sflag:$0x6], $0x80, s19, s13, $0xb8;
	[tilespmem:$0x1D000] =	vst v63  }
0x232: {  	_ =	swait.ge [sflag:s9], $0x1400  }
0x233: {  	[sflag:s9] =	ssyncset.done $0x0  }
0x234: {  	[sflag:s9] =	ssyncadd.s32 $0xFFFFEC00  }
0x235: {  	_ =	swait.ge [sflag:s8], $0xC80  }
.Ltmp2:
0x236: {  	[sflag:s8] =	ssyncset.done $0x0;
	(pc) =	sbr.rel .LBB2_4-.Ltmp2, $4  }
0x237: {  	[sflag:s8] =	ssyncadd.s32 $0xFFFFF380  }
0x238: {  	_ =	swait.ge [sflag:s8], $0xC80  }
0x239: {  	[sflag:s8] =	ssyncset.done $0x0  }
0x23a: {  	s6 =	sadd.s32 $0x400, s6;
	s14 =	sadd.s32 $0x2000, s14;
	[sflag:s8] =	ssyncadd.s32 $0xFFFFF380  }
.LBB2_6:
0x23b: {  	[bflag:$0x0] =	sbarrier.arrive $0xFFFF  }
0x23c: {  	s10 =	rddreg [dreg:$0x3]  }
0x23d: {  	[tilespmem:s3], [sflag:$0x6] =	stream.linear.gather [spmem:s10], $0x1400, $0x38;
	[tilespmem:$0x1D000] =	vst v63  }
0x23e: {  	_ =	swait.ge [sflag:s9], $0x1400  }
0x23f: {  	[sflag:s9] =	ssyncset.done $0x0  }
0x240: {  	s16 =	rddreg [dreg:$0xe];
	[sflag:s9] =	ssyncadd.s32 $0xFFFFEC00  }
0x241: {  	[hbm4b:s16+s2] =	stream.linear.scatter [tilespmem:s3], [sflag:$0x1], $0x1400, $0x38;
	[tilespmem:$0x1D000] =	vst v63  }
0x242: {  	s6 =	rddreg [dreg:$0x4]  }
0x243: {  	[tilespmem:s15], [sflag:$0x6] =	stream.linear.gather [spmem:s6], $0x1400, $0x38;
	[tilespmem:$0x1D000] =	vst v63  }
0x244: {  	_ =	swait.ge [sflag:s9], $0x1400  }
0x245: {  	[sflag:s9] =	ssyncset.done $0x0  }
0x246: {  	s14 =	rddreg [dreg:$0xf];
	[sflag:s9] =	ssyncadd.s32 $0xFFFFEC00  }
0x247: {  	[hbm4b:s14+s2] =	stream.linear.scatter [tilespmem:s15], [sflag:$0x2], $0x1400, $0x38;
	[tilespmem:$0x1D000] =	vst v63  }
0x248: {  	_ =	swait.ge [sflag:s28], $0x1400  }
0x249: {  	s23 =	rddreg [dreg:$0x11]  }
0x24a: {  	p0 =	sne.s32 s23, $0x1  }
.Ltmp3:
0x24b: {  	_ = 	snop;
	(pc) =	sbr.rel @!p0 .LBB2_8-.Ltmp3, $4  }
0x24c: {  	[sflag:s28] =	ssyncset.done $0x0  }
0x24d: {  	[sflag:s28] =	ssyncadd.s32 $0xFFFFEC00  }
0x24e: {  	_ =	swait.ge [sflag:s30], $0x1400  }
0x24f: {  	s14 =	sadd.s32 $0x500, s14;
	s6 =	sadd.s32 $0xFFFFFFFF, s23;
	[sflag:s30] =	ssyncset.done $0x0  }
.LBB2_7:
0x250: {  	[sflag:s30] =	ssyncadd.s32 $0xFFFFEC00;
	s16 =	sadd.s32 $0x500, s16;
	s10 =	sadd.s32 $0x2800, s10  }
0x251: {  	[tilespmem:s3], [sflag:$0x6] =	stream.linear.gather [spmem:s10], $0x1400, $0x38;
	[tilespmem:$0x1D000] =	vst v63  }
0x252: {  	p0 =	sne.s32 s6, $0x1;
	s6 =	sadd.s32 $0xFFFFFFFF, s6;
	_ =	swait.ge [sflag:s9], $0x1400  }
0x253: {  	[sflag:s9] =	ssyncset.done $0x0  }
0x254: {  	[sflag:s9] =	ssyncadd.s32 $0xFFFFEC00  }
0x255: {  	[hbm4b:s16+s2] =	stream.linear.scatter [tilespmem:s3], [sflag:$0x1], $0x1400, $0x38;
	[tilespmem:$0x1D000] =	vst v63  }
0x256: {  	s23 =	sadd.s32 $0x1400, s10  }
0x257: {  	[tilespmem:s15], [sflag:$0x6] =	stream.linear.gather [spmem:s23], $0x1400, $0x38;
	[tilespmem:$0x1D000] =	vst v63  }
0x258: {  	_ =	swait.ge [sflag:s9], $0x1400  }
0x259: {  	[sflag:s9] =	ssyncset.done $0x0  }
0x25a: {  	[sflag:s9] =	ssyncadd.s32 $0xFFFFEC00  }
0x25b: {  	[hbm4b:s14+s2] =	stream.linear.scatter [tilespmem:s15], [sflag:$0x2], $0x1400, $0x38;
	[tilespmem:$0x1D000] =	vst v63  }
.Ltmp4:
0x25c: {  	_ =	swait.ge [sflag:s28], $0x1400;
	(pc) =	sbr.rel @p0 .LBB2_7-.Ltmp4, $4  }
0x25d: {  	[sflag:s28] =	ssyncset.done $0x0  }
0x25e: {  	[sflag:s28] =	ssyncadd.s32 $0xFFFFEC00  }
0x25f: {  	_ =	swait.ge [sflag:s30], $0x1400  }
0x260: {  	s14 =	sadd.s32 $0x500, s14;
	[sflag:s30] =	ssyncset.done $0x0  }
.LBB2_8:
0x261: {  	s10 =	rddreg [dreg:$0x1a]  }
0x262: {  	s6 =	rddreg [dreg:$0x12];
	s10 =	sadd.s32 $0x1, s10  }
0x263: {  	p0 =	sne.s32 s10, s6  }
.Ltmp5:
0x264: {  	_ = 	snop;
	(pc) =	sbr.rel @p0 .LBB2_1-.Ltmp5, $2  }
0x265: {  	_ =	sdelay $0x2  }
0x266: {  	[sflag:s30] =	ssyncadd.s32 $0xFFFFEC00  }
0x267: {  	_ =	sfence.sel $0x180000  }
0x268: {  	[bflag:$0x0] =	sbarrier.arrive $0xFFFF  }
0x269: {  	_ =	strace $0x9000004A  }
0x26a: {  	s0 =	stileid.u32;
	[bflag:$0x2] =	sbarrier.arrive $0xFFFF  }
0x26b: {  	p0 =	sne.s32 s0, $0x0;
	s0 =	rddreg [dreg:$0x2]  }
0x26c: {  	s0 =	sadd.s32 @!p0 $0x100000, s0  }
0x26d: {  	[sflag:s0] =	ssyncadd.tile.s32 @!p0 $0x1;
	_ =	shalt  }
.Lfunc_end2:
_tile_overlayer_lowered:
.L_overlay_start_2:
0x26e: {  	(tag) =	ssettag $0x2  }
0x26f: {  	s0 =	rddreg [dreg:$0x0];
	s2 =	stileid.u32  }
0x270: {  	s1 =	rddreg [dreg:$0x1];
	p0 =	sne.s32 s2, $0x0  }
0x271: {  	s3 =	rddreg [dreg:$0x2];
	[bflag:$0x3] =	sbarrier.arrive $0xFFFF;
	s2 =	simm.s32 @!p0 $0x1C06  }
0x272: {  	[timem:s3], [sflag:s2] =	dma.local @!p0 [hbm:s0], s1  }
0x273: {  	s0 =	simm.s32 @!p0 $0x6  }
0x274: {  	_ =	swait.ge @!p0 [sflag:s0], s1  }
0x275: {  	s1 =	ssub.s32 @!p0 $0x0, s1;
	[sflag:s0] =	ssyncset.done @!p0 $0x0  }
0x276: {  	[sflag:s0] =	ssyncadd.s32 @!p0 s1  }
0x277: {  	[bflag:$0x3] =	sbarrier.arrive $0xFFFF  }
0x278: {  	_ =	shalt  }

// kernel: kernel.9.cloned.1.call-start
scs
__scs_entry_jumppad:
0x0: {  	(pc) =	sbr.rel $0x88, $3  }
0x1: {  	(tag) =	ssettag $0x0;
	lr =	simm.s32 $0x1  }
0x2: {  	[smem:$0x3F94] =	sst lr;
	_ =	strace $0xD0000000  }
0x3: {  	_ = 	snop  }
0x4: {  	_ = 	snop  }
0x5: {  	_ = 	snop  }
0x6: {  	_ = 	snop  }
0x7: {  	_ = 	snop  }
__scs_overlays_trampoline_lowered:
0x8: {  	[smem:$0x3FA3] =	sst s0  }
0x9: {  	[smem:$0x3FA4] =	sst s1  }
0xa: {  	[smem:$0x3FA5] =	sst s2  }
0xb: {  	[smem:$0x3FA6] =	sst s3  }
0xc: {  	[smem:$0x3FA7] =	sst s4  }
0xd: {  	[smem:$0x3FA8] =	sst s5  }
0xe: {  	[smem:$0x3FA9] =	sst s6  }
0xf: {  	[smem:$0x3FAA] =	sst s7  }
0x10: {  	[smem:$0x3FAB] =	sst s8  }
0x11: {  	[smem:$0x3FAC] =	sst s9;
	s0 =	simm.s32 @!p0 $0x0  }
0x12: {  	s1 =	sld [smem:$0x3F92];
	s0 =	simm.s32 @p0 $0x1  }
0x13: {  	[smem:$0x3FAD] =	sst s0;
	s0 =	simm.s32 @!p1 $0x0  }
0x14: {  	s2 =	sld [smem:$0x3F91];
	s0 =	simm.s32 @p1 $0x1  }
0x15: {  	[smem:$0x3FAE] =	sst s0;
	s0 =	simm.s32 @!p2 $0x0  }
0x16: {  	s3 =	sld [smem:$0x3FDB];
	s0 =	simm.s32 @p2 $0x1  }
0x17: {  	s4 =	simm.s32 $0x1BF5;
	[smem:$0x3FB0] =	sst s0  }
0x18: {  	s0 =	sld [smem:$0x3F93];
	_ =	swait.ge [sflag:s4], $0x0  }
0x19: {  	s7 =	sld [smem:$0x3F94]  }
0x1a: {  	s8 =	sadd.s32 $0xFFFFE003, lr  }
0x1b: {  	s9 =	sadd.s32 $0xFFFFFEF7, lr;
	s5 =	simm.s32 $0xFFFFFFFF;
	p2 =	slt.u32 s8, $0xFFFFF086  }
0x1c: {  	p1 =	slt.u32 s9, $0xF7A;
	s5 =	simm.s32 @!p2 $0x0  }
0x1d: {  	s5 =	simm.s32 @p1 $0x1;
	p0 =	seq.s32 s7, s2  }
0x1e: {  	s7 =	smul.u32 @!p0 $0xF7A, s2;
	p2 =	seq.s32 @!p0 s5, $0x0  }
0x1f: {  	s9 =	smul.u32 $0xF7A, s1;
	s8 =	simm.s32 @!p0 $0x1BF5;
	p2 =	por !p2, p0  }
0x20: {  	[sflag:s8] =	ssyncset.s32 @!p0 $0xFFFFF086;
	s6 =	sadd.s32 @!p0 s3, s7;
	s7 =	simm.s32 @!p0 $0x108  }
0x21: {  	s3 =	sadd.s32 s3, s9;
	s6 =	sadd.s32 @!p0 $0x88, s6;
	s7 =	simm.s32 @p2 $0x1082  }
0x22: {  	[simem:s7], [sflag:s8] =	dma.local @!p0 [hbm:s6], $0xF7A  }
0x23: {  	s9 =	sor.u32 $0xD0000000, s2;
	s6 =	simm.s32 $0x108;
	_ =	swait.ge @!p0 [sflag:s8], $0x0  }
0x24: {  	s3 =	sadd.s32 $0x88, s3;
	s6 =	simm.s32 @!p1 $0x1082;
	[sflag:s4] =	ssyncset.s32 $0xFFFFF086  }
0x25: {  	[simem:s6], [sflag:s4] =	dma.local [hbm:s3], $0xF7A  }
0x26: {  	[smem:$0x3F94] =	sst s1;
	(tag) =	ssettag s2;
	_ =	strace s9  }
0x27: {  	s1 =	sld [smem:$0x3FA4]  }
0x28: {  	s2 =	sld [smem:$0x3FA5]  }
0x29: {  	s4 =	sld [smem:$0x3FA7]  }
0x2a: {  	p0 =	seq.s32 s5, $0x0;
	s5 =	sld [smem:$0x3FA8]  }
0x2b: {  	s6 =	sld [smem:$0x3FA9]  }
0x2c: {  	s7 =	sld [smem:$0x3FAA]  }
0x2d: {  	s3 =	simm.s32 $0x108;
	s8 =	sld [smem:$0x3FAB]  }
0x2e: {  	s3 =	simm.s32 @!p0 $0x1082;
	s9 =	sld [smem:$0x3FAC]  }
0x2f: {  	lr =	sadd.s32 s0, s3;
	s0 =	sld [smem:$0x3FA3]  }
0x30: {  	s3 =	sld [smem:$0x3FA6]  }
0x31: {  	[smem:$0x3FAF] =	sst s10  }
0x32: {  	s10 =	sld [smem:$0x3FAD];
	_ =	sdelay $0x3  }
0x33: {  	p0 =	seq.s32 s10, $0x1;
	s10 =	sld [smem:$0x3FAF];
	_ =	sdelay $0x3  }
0x34: {  	[smem:$0x3FAF] =	sst s10  }
0x35: {  	s10 =	sld [smem:$0x3FAE];
	_ =	sdelay $0x3  }
0x36: {  	p1 =	seq.s32 s10, $0x1;
	s10 =	sld [smem:$0x3FAF];
	_ =	sdelay $0x3  }
0x37: {  	[smem:$0x3FAF] =	sst s10  }
0x38: {  	s10 =	sld [smem:$0x3FB0]  }
0x39: {  	_ = 	snop;
	(pc) =	sbr.ind lr, $3  }
0x3a: {  	_ = 	snop  }
0x3b: {  	_ = 	snop  }
0x3c: {  	p2 =	seq.s32 s10, $0x1;
	s10 =	sld [smem:$0x3FAF]  }
0x3d: {  	_ =	shalt  }
0x3e: {  	_ =	shalt  }
0x3f: {  	_ =	shalt  }
0x40: {  	_ =	shalt  }
0x41: {  	_ =	shalt  }
0x42: {  	_ =	shalt  }
0x43: {  	_ =	shalt  }
0x44: {  	_ =	shalt  }
0x45: {  	_ =	shalt  }
0x46: {  	_ =	shalt  }
0x47: {  	_ =	shalt  }
0x48: {  	_ =	shalt  }
0x49: {  	_ =	shalt  }
0x4a: {  	_ =	shalt  }
0x4b: {  	_ =	shalt  }
0x4c: {  	_ =	shalt  }
0x4d: {  	_ =	shalt  }
0x4e: {  	_ =	shalt  }
0x4f: {  	_ =	shalt  }
0x50: {  	_ =	shalt  }
0x51: {  	_ =	shalt  }
0x52: {  	_ =	shalt  }
0x53: {  	_ =	shalt  }
0x54: {  	_ =	shalt  }
0x55: {  	_ =	shalt  }
0x56: {  	_ =	shalt  }
0x57: {  	_ =	shalt  }
0x58: {  	_ =	shalt  }
0x59: {  	_ =	shalt  }
0x5a: {  	_ =	shalt  }
0x5b: {  	_ =	shalt  }
0x5c: {  	_ =	shalt  }
0x5d: {  	_ =	shalt  }
0x5e: {  	_ =	shalt  }
0x5f: {  	_ =	shalt  }
0x60: {  	_ =	shalt  }
0x61: {  	_ =	shalt  }
0x62: {  	_ =	shalt  }
0x63: {  	_ =	shalt  }
0x64: {  	_ =	shalt  }
0x65: {  	_ =	shalt  }
0x66: {  	_ =	shalt  }
0x67: {  	_ =	shalt  }
0x68: {  	_ =	shalt  }
0x69: {  	_ =	shalt  }
0x6a: {  	_ =	shalt  }
0x6b: {  	_ =	shalt  }
0x6c: {  	_ =	shalt  }
0x6d: {  	_ =	shalt  }
0x6e: {  	_ =	shalt  }
0x6f: {  	_ =	shalt  }
0x70: {  	_ =	shalt  }
0x71: {  	_ =	shalt  }
0x72: {  	_ =	shalt  }
0x73: {  	_ =	shalt  }
0x74: {  	_ =	shalt  }
0x75: {  	_ =	shalt  }
0x76: {  	_ =	shalt  }
0x77: {  	_ =	shalt  }
0x78: {  	_ =	shalt  }
0x79: {  	_ =	shalt  }
0x7a: {  	_ =	shalt  }
0x7b: {  	_ =	shalt  }
0x7c: {  	_ =	shalt  }
0x7d: {  	_ =	shalt  }
0x7e: {  	_ =	shalt  }
0x7f: {  	_ =	shalt  }
0x80: {  	_ =	shalt  }
0x81: {  	_ =	shalt  }
0x82: {  	_ =	shalt  }
0x83: {  	_ =	shalt  }
0x84: {  	_ =	shalt  }
0x85: {  	_ =	shalt  }
0x86: {  	_ =	shalt  }
0x87: {  	_ =	shalt  }
.Lfunc_end0:
.L_simem_size_0:
called_computation_lowered:
.L_overlay_start_0:
0x88: {  	s2 =	sld [smem:$0x3FD9]  }
0x89: {  	s3 =	sld [smem:$0x3FFE];
	_ =	sdelay $0x1  }
0x8a: {  	s1 =	srdreg.scid  }
0x8b: {  	s0 =	sand.u32 $0x1, s1  }
0x8c: {  	s16 =	sshll.u32 s0, $0xA;
	s2 =	sadd.s32 s3, s2  }
0x8d: {  	s2 =	sadd.s32 s2, s16  }
0x8e: {  	[smem:$0x3FBB] =	sst s2  }
0x8f: {  	_ = 	snop  }
0x90: {  	(tm) =	ssettm $0x1  }
0x91: {  	s17 =	sld [smem:$0x3FFB];
	_ =	sdelay $0x3  }
0x92: {  	_ =	strace s17  }
0x93: {  	s2 =	sld [smem:$0x3FFC];
	_ =	sdelay $0x3  }
0x94: {  	_ =	strace s2  }
0x95: {  	s2 =	sld [smem:$0x3FFD];
	_ =	sdelay $0x3  }
0x96: {  	_ =	strace s2  }
0x97: {  	_ =	strace $0x8FFFFFFF  }
0x98: {  	s18 =	sld [smem:$0x3FDB];
	_ =	sdelay $0x1  }
0x99: {  	s19 =	simm.s32 $_scs_section_size  }
0x9a: {  	s4 =	simm.s32 $_size__tile_overlayer_lowered;
	s5 =	simm.s32 $_tile_overlayer_lowered  }
0x9b: {  	s22 =	simm.s32 $0x1BFF;
	s21 =	sshll.u32 s5, $0x1;
	s2 =	sadd.s32 s19, s18  }
0x9c: {  	s6 =	simm.s32 $0x0;
	s20 =	sshll.u32 s4, $0x1;
	s4 =	sadd.s32 s21, s2  }
0x9d: {  	[timem:s6], [sflag:s22] =	dma.local [hbm:s4], s20  }
0x9e: {  	_ =	swait.ge [sflag:s22], s20  }
0x9f: {  	s3 =	ssub.s32 $0x0, s20;
	[sflag:s22] =	ssyncset.done $0x0  }
0xa0: {  	[sflag:s22] =	ssyncadd.s32 s3;
	_ =	sdelay $0x1  }
0xa1: {  	s23 =	simm.s32 $0x1B8B  }
0xa2: {  	_ =	swait.ge [sflag:s23], $0x1  }
0xa3: {  	[sflag:s23] =	ssyncset.done $0x0  }
0xa4: {  	s25 =	simm.s32 $0x1B8E;
	s24 =	sld [smem:$0x3FFE];
	[sflag:s23] =	ssyncadd.s32 $0xFFFFFFFF  }
0xa5: {  	s26 =	simm.s32 $execute0_lowered;
	[smem:$0x3FD2] =	sst s25  }
0xa6: {  	s4 =	sshll.u32 s26, $0x1;
	_ =	strace $0x80000046;
	[dreg:$0x1] =	wrdreg $0xFFFFFFFF  }
0xa7: {  	s28 =	simm.s32 $_size_execute0_lowered;
	s2 =	sadd.s32 s2, s4;
	[dreg:$0x0] =	wrdreg $0x0  }
0xa8: {  	s4 =	sshll.u32 s28, $0x1;
	[dreg:$0x2] =	wrdreg s2  }
0xa9: {  	[dreg:$0x3] =	wrdreg s4  }
0xaa: {  	[dreg:$0x4] =	wrdreg $0xC0  }
0xab: {  	_ =	task [dreg:s6], $0x5FFFF  }
0xac: {  	[dreg:$0x1] =	wrdreg $0xFFFFFFFF  }
0xad: {  	[dreg:$0x0] =	wrdreg $0x60  }
0xae: {  	[dreg:$0x2] =	wrdreg s24  }
0xaf: {  	[dreg:$0x3] =	wrdreg $0x90000  }
0xb0: {  	[dreg:$0x4] =	wrdreg $0x9  }
0xb1: {  	_ =	task.clear_ibuf [dreg:s6], $0x5FFFF;
	_ =	strace $0x90000046  }
0xb2: {  	s29 =	simm.s32 $0x9;
	_ =	strace $0x80000048  }
0xb3: {  	_ =	swait.ge [sflag:s29], $0x1  }
0xb4: {  	[sflag:s29] =	ssyncadd.s32 $0xFFFFFFFF  }
0xb5: {  	_ =	strace $0x90000048  }
0xb6: {  	_ =	sfence  }
0xb7: {  	s30 =	sld [smem:$0x0];
	_ =	sdelay $0x2  }
0xb8: {  	s31 =	sshll.u32 s1, $0xD;
	s1 =	sshrl.u32 s1, $0x2  }
0xb9: {  	s3 =	sand.u32 $0x4000, s31;
	s1 =	sadd.s32 s1, s30  }
0xba: {  	s0 =	sor.u32 s3, s0;
	s1 =	sshll.u32 s1, $0x11  }
0xbb: {  	s0 =	sor.u32 s1, s0  }
0xbc: {  	s0 =	sadd.s32 $0x8F2B, s0  }
0xbd: {  	[sflag:s0] =	ssyncadd.remote.s32 $0x1  }
0xbe: {  	_ =	sfence.sel $0xFFFF  }
0xbf: {  	[dreg:$0x0] =	wrdreg $0xFFFFFFFF;
	(pc) =	sbr.abs _section_cstart, $3  }
0xc0: {  	[dreg:$0x1] =	wrdreg $0xFFFFFFFF  }
0xc1: {  	_ =	task.clear_ibuf [dreg:s6], $0x2FFFF;
	_ =	strace $0x9FFFFFFF  }
0xc2: {  	(tm) =	ssettm $0x7FFFFFFF  }
0xc3: {  	_ =	shalt  }
tec
execute0_lowered:
.L_overlay_start_1:
0x0: {  	(tag) =	ssettag $0x1  }
0x1: {  	s0 =	rddreg [dreg:$0x0]  }
0x2: {  	s1 =	rddreg [dreg:$0x1];
	s2 =	simm.s32 $0x0;
	s3 =	srdreg.scid  }
0x3: {  	s11 =	stileid.u32;
	s28 =	simm.s32 $0x1;
	s30 =	simm.s32 $0x2  }
0x4: {  	s29 =	simm.s32 $0x3A00;
	s31 =	simm.s32 $0x2C00;
	[smem:$0x7FF] =	sst s2  }
0x5: {  	s4 =	sadd.s32 $0x7AE00, s0;
	s3 =	sand.u32 $0x1, s3;
	s5 =	sadd.s32 $0x52E00, s0  }
0x6: {  	s7 =	smul.u32 $0x50000, s11;
	s8 =	sadd.s32 $0x2E00, s0;
	s0 =	sadd.s32 $0x499A00, s0  }
0x7: {  	s13 =	sshll.u32 s11, $0x1;
	s10 =	smul.u32 $0x280, s11;
	s6 =	ssub.s32 $0x2, s3  }
0x8: {  	s21 =	smul.u32 $0x14000, s11;
	s9 =	sshrl.u32 s6, $0x1;
	s7 =	sshrl.u32 s7, $0x2  }
0x9: {  	s6 =	ssub.s32 s6, s9;
	s9 =	sor.u32 s3, s13;
	s13 =	sadd.s32 s7, s1  }
0xa: {  	_ =	strace $0x80000047;
	s7 =	sadd.s32 $0x1400, s13;
	[dreg:$0x3] =	wrdreg s13  }
0xb: {  	s23 =	smul.u32 $0xA000, s3;
	s14 =	sadd.s32 $0x2800, s13;
	[dreg:$0x4] =	wrdreg s7  }
0xc: {  	s10 =	ssub.s32 $0x2710, s10;
	s15 =	sadd.s32 $0x3C00, s13;
	[dreg:$0x5] =	wrdreg s14  }
0xd: {  	s3 =	smul.u32 $0x138800, s3;
	s16 =	sadd.s32 $0x5000, s13;
	[dreg:$0x6] =	wrdreg s15  }
0xe: {  	s11 =	sadd.s32 s23, s21;
	s17 =	sadd.s32 $0x6400, s13;
	[dreg:$0x7] =	wrdreg s16  }
0xf: {  	s10 =	smin.u32 s10, $0x280;
	s19 =	sadd.s32 $0x7800, s13;
	[dreg:$0x8] =	wrdreg s17  }
0x10: {  	s18 =	smul.u32 $0xA000, s9;
	s20 =	sadd.s32 $0x8C00, s13;
	[dreg:$0x9] =	wrdreg s19  }
0x11: {  	s22 =	sadd.s32 $0xA000, s13;
	s12 =	sadd.s32 $0xB400, s13;
	[dreg:$0xa] =	wrdreg s20  }
0x12: {  	s25 =	sadd.s32 $0x142000, s11;
	s26 =	sadd.s32 $0x141000, s11;
	[dreg:$0xb] =	wrdreg s22  }
0x13: {  	s10 =	smul.u32 $0x334, s10;
	s23 =	sadd.s32 $0x10400, s13;
	[dreg:$0xc] =	wrdreg s12  }
0x14: {  	s3 =	sadd.s32 s21, s3;
	s12 =	sshrl.u32 s25, $0x3;
	s9 =	sshrl.u32 s26, $0x3  }
0x15: {  	s16 =	smax.u32 s6, $0x1;
	s19 =	sadd.s32 $0x2000, s11;
	[dreg:$0x17] =	wrdreg s23  }
0x16: {  	s20 =	sadd.s32 $0xC800, s13;
	s21 =	sadd.s32 $0xDC00, s13;
	[dreg:$0x12] =	wrdreg s16  }
0x17: {  	s22 =	sadd.s32 $0xF000, s13;
	s26 =	sadd.s32 $0x12C00, s13;
	[dreg:$0x13] =	wrdreg s19  }
0x18: {  	s7 =	sshrl.u32 s18, $0x3;
	s17 =	sadd.s32 s12, s8;
	[dreg:$0x14] =	wrdreg s20  }
0x19: {  	s18 =	sadd.s32 s9, s8;
	s9 =	sadd.s32 $0x1400, s3;
	[dreg:$0x15] =	wrdreg s21  }
0x1a: {  	s3 =	sshrl.u32 s3, $0x3;
	s12 =	sor.u32 $0x1000, s11;
	[dreg:$0x16] =	wrdreg s22  }
0x1b: {  	s15 =	sshrl.u32 s10, $0x10;
	[dreg:$0x19] =	wrdreg s26;
	s11 =	simm.s32 $0x2000  }
0x1c: {  	s21 =	simm.s32 $0x6800;
	s26 =	simm.s32 $0x7C00;
	s22 =	simm.s32 $0x4  }
0x1d: {  	s20 =	simm.s32 $0x3B80;
	s19 =	simm.s32 $0x3C00;
	s10 =	simm.s32 $0x0  }
0x1e: {  	s24 =	sadd.s32 s5, s7;
	s7 =	sadd.s32 s8, s7;
	[dreg:$0x11] =	wrdreg s15  }
0x1f: {  	s8 =	sshrl.u32 s9, $0x3;
	s3 =	sadd.s32 s3, s0;
	[dreg:$0xd] =	wrdreg s24  }
0x20: {  	s9 =	simm.s32 $0x6;
	s15 =	simm.s32 $0x5400;
	[dreg:$0xe] =	wrdreg s3  }
0x21: {  	s0 =	sadd.s32 s8, s0;
	s14 =	sadd.s32 $0x28000, s7;
	s24 =	sadd.s32 $0x11800, s13  }
0x22: {  	s3 =	simm.s32 $0x4000;
	s8 =	simm.s32 $0x5;
	[dreg:$0xf] =	wrdreg s0  }
0x23: {  	s13 =	simm.s32 $0x28;
	s7 =	simm.s32 $0x3B00;
	[dreg:$0x10] =	wrdreg s14  }
0x24: {  	s0 =	sshrl.u32 s12, $0x3;
	[dreg:$0x18] =	wrdreg s24;
	s12 =	simm.s32 $0x3000  }
0x25: {  	v0 =	vimm.f32 $0.0e+00;
	s24 =	simm.s32 $0x3;
	s25 =	sadd.s32 s0, s5;
	s0 =	simm.s32 $0x3A80  }
.LBB2_1:
0x26: {  	[dreg:$0x1a] =	wrdreg s10;
	s6 =	simm.s32 $0x0;
	s10 =	simm.s32 $0x200  }
.LBB2_2:
0x27: {  	p0 =	sne.s32 s10, $0x4E00;
	[tilespmem:s6+$0x4070] =	vst v0  }
0x28: {  	[tilespmem:s6+$0x4000] =	vst v0  }
0x29: {  	[tilespmem:s6+$0x4010] =	vst v0  }
.Ltmp0:
0x2a: {  	[tilespmem:s6+$0x4020] =	vst v0;
	(pc) =	sbr.rel @p0 .LBB2_2-.Ltmp0, $4  }
0x2b: {  	[tilespmem:s6+$0x4030] =	vst v0  }
0x2c: {  	[tilespmem:s6+$0x4040] =	vst v0  }
0x2d: {  	[tilespmem:s6+$0x4050] =	vst v0  }
0x2e: {  	[tilespmem:s6+$0x4060] =	vst v0;
	s6 =	sshra.s32 s10, $0x2;
	s10 =	sadd.s32 $0x200, s10  }
0x2f: {  	[tilespmem:s6+$0x4070] =	vst v0  }
0x30: {  	[tilespmem:s6+$0x4000] =	vst v0  }
0x31: {  	[tilespmem:s6+$0x4010] =	vst v0  }
0x32: {  	[tilespmem:s6+$0x4020] =	vst v0  }
0x33: {  	[tilespmem:s6+$0x4030] =	vst v0  }
0x34: {  	[tilespmem:s6+$0x4040] =	vst v0  }
0x35: {  	[tilespmem:s6+$0x4050] =	vst v0  }
0x36: {  	[tilespmem:s6+$0x4060] =	vst v0;
	s23 =	rddreg [dreg:$0x3]  }
0x37: {  	[spmem:s23] =	stream.linear.scatter [tilespmem:s3], [sflag:$0x5], $0x1400, $0x38;
	[tilespmem:$0x1D000] =	vst v63  }
0x38: {  	s10 =	rddreg [dreg:$0x4]  }
0x39: {  	[spmem:s10] =	stream.linear.scatter [tilespmem:s3], [sflag:$0x5], $0x1400, $0x38;
	[tilespmem:$0x1D000] =	vst v63  }
0x3a: {  	s14 =	rddreg [dreg:$0x5]  }
0x3b: {  	[spmem:s14] =	stream.linear.scatter [tilespmem:s3], [sflag:$0x5], $0x1400, $0x38;
	[tilespmem:$0x1D000] =	vst v63  }
0x3c: {  	s16 =	rddreg [dreg:$0x6]  }
0x3d: {  	[spmem:s16] =	stream.linear.scatter [tilespmem:s3], [sflag:$0x5], $0x1400, $0x38;
	[tilespmem:$0x1D000] =	vst v63  }
0x3e: {  	s23 =	rddreg [dreg:$0x7]  }
0x3f: {  	[spmem:s23] =	stream.linear.scatter [tilespmem:s3], [sflag:$0x5], $0x1400, $0x38;
	[tilespmem:$0x1D000] =	vst v63  }
0x40: {  	s10 =	rddreg [dreg:$0x8]  }
0x41: {  	[spmem:s10] =	stream.linear.scatter [tilespmem:s3], [sflag:$0x5], $0x1400, $0x38;
	[tilespmem:$0x1D000] =	vst v63  }
0x42: {  	s14 =	rddreg [dreg:$0x9]  }
0x43: {  	[spmem:s14] =	stream.linear.scatter [tilespmem:s3], [sflag:$0x5], $0x1400, $0x38;
	[tilespmem:$0x1D000] =	vst v63  }
0x44: {  	s16 =	rddreg [dreg:$0xa]  }
0x45: {  	[spmem:s16] =	stream.linear.scatter [tilespmem:s3], [sflag:$0x5], $0x1400, $0x38;
	[tilespmem:$0x1D000] =	vst v63  }
0x46: {  	s23 =	rddreg [dreg:$0xb]  }
0x47: {  	[spmem:s23] =	stream.linear.scatter [tilespmem:s3], [sflag:$0x5], $0x1400, $0x38;
	[tilespmem:$0x1D000] =	vst v63  }
0x48: {  	s10 =	rddreg [dreg:$0xc]  }
0x49: {  	[spmem:s10] =	stream.linear.scatter [tilespmem:s3], [sflag:$0x5], $0x1400, $0x38;
	[tilespmem:$0x1D000] =	vst v63  }
0x4a: {  	s14 =	rddreg [dreg:$0x14]  }
0x4b: {  	[spmem:s14] =	stream.linear.scatter [tilespmem:s3], [sflag:$0x5], $0x1400, $0x38;
	[tilespmem:$0x1D000] =	vst v63  }
0x4c: {  	s16 =	rddreg [dreg:$0x15]  }
0x4d: {  	[spmem:s16] =	stream.linear.scatter [tilespmem:s3], [sflag:$0x5], $0x1400, $0x38;
	[tilespmem:$0x1D000] =	vst v63  }
0x4e: {  	s23 =	rddreg [dreg:$0x16]  }
0x4f: {  	[spmem:s23] =	stream.linear.scatter [tilespmem:s3], [sflag:$0x5], $0x1400, $0x38;
	[tilespmem:$0x1D000] =	vst v63  }
0x50: {  	s10 =	rddreg [dreg:$0x17]  }
0x51: {  	[spmem:s10] =	stream.linear.scatter [tilespmem:s3], [sflag:$0x5], $0x1400, $0x38;
	[tilespmem:$0x1D000] =	vst v63  }
0x52: {  	s14 =	rddreg [dreg:$0x18]  }
0x53: {  	[spmem:s14] =	stream.linear.scatter [tilespmem:s3], [sflag:$0x5], $0x1400, $0x38;
	[tilespmem:$0x1D000] =	vst v63  }
0x54: {  	s16 =	rddreg [dreg:$0x19]  }
0x55: {  	[spmem:s16] =	stream.linear.scatter [tilespmem:s3], [sflag:$0x5], $0x1400, $0x38;
	[tilespmem:$0x1D000] =	vst v63  }
0x56: {  	_ =	swait.ge [sflag:s8], $0x1400  }
0x57: {  	[sflag:s8] =	ssyncset.done $0x0  }
0x58: {  	[sflag:s8] =	ssyncadd.s32 $0xFFFFEC00  }
0x59: {  	_ =	swait.ge [sflag:s8], $0x1400  }
0x5a: {  	[sflag:s8] =	ssyncset.done $0x0  }
0x5b: {  	[sflag:s8] =	ssyncadd.s32 $0xFFFFEC00  }
0x5c: {  	_ =	swait.ge [sflag:s8], $0x1400  }
0x5d: {  	[sflag:s8] =	ssyncset.done $0x0  }
0x5e: {  	[sflag:s8] =	ssyncadd.s32 $0xFFFFEC00  }
0x5f: {  	_ =	swait.ge [sflag:s8], $0x1400  }
0x60: {  	[sflag:s8] =	ssyncset.done $0x0  }
0x61: {  	[sflag:s8] =	ssyncadd.s32 $0xFFFFEC00  }
0x62: {  	_ =	swait.ge [sflag:s8], $0x1400  }
0x63: {  	[sflag:s8] =	ssyncset.done $0x0  }
0x64: {  	[sflag:s8] =	ssyncadd.s32 $0xFFFFEC00  }
0x65: {  	_ =	swait.ge [sflag:s8], $0x1400  }
0x66: {  	[sflag:s8] =	ssyncset.done $0x0  }
0x67: {  	[sflag:s8] =	ssyncadd.s32 $0xFFFFEC00  }
0x68: {  	_ =	swait.ge [sflag:s8], $0x1400  }
0x69: {  	[sflag:s8] =	ssyncset.done $0x0  }
0x6a: {  	[sflag:s8] =	ssyncadd.s32 $0xFFFFEC00  }
0x6b: {  	_ =	swait.ge [sflag:s8], $0x1400  }
0x6c: {  	[sflag:s8] =	ssyncset.done $0x0  }
0x6d: {  	[sflag:s8] =	ssyncadd.s32 $0xFFFFEC00  }
0x6e: {  	_ =	swait.ge [sflag:s8], $0x1400  }
0x6f: {  	[sflag:s8] =	ssyncset.done $0x0  }
0x70: {  	[sflag:s8] =	ssyncadd.s32 $0xFFFFEC00  }
0x71: {  	_ =	swait.ge [sflag:s8], $0x1400  }
0x72: {  	[sflag:s8] =	ssyncset.done $0x0  }
0x73: {  	[sflag:s8] =	ssyncadd.s32 $0xFFFFEC00  }
0x74: {  	_ =	swait.ge [sflag:s8], $0x1400  }
0x75: {  	[sflag:s8] =	ssyncset.done $0x0  }
0x76: {  	[sflag:s8] =	ssyncadd.s32 $0xFFFFEC00  }
0x77: {  	_ =	swait.ge [sflag:s8], $0x1400  }
0x78: {  	[sflag:s8] =	ssyncset.done $0x0  }
0x79: {  	[sflag:s8] =	ssyncadd.s32 $0xFFFFEC00  }
0x7a: {  	_ =	swait.ge [sflag:s8], $0x1400  }
0x7b: {  	[sflag:s8] =	ssyncset.done $0x0  }
0x7c: {  	[sflag:s8] =	ssyncadd.s32 $0xFFFFEC00  }
0x7d: {  	_ =	swait.ge [sflag:s8], $0x1400  }
0x7e: {  	[sflag:s8] =	ssyncset.done $0x0  }
0x7f: {  	[sflag:s8] =	ssyncadd.s32 $0xFFFFEC00  }
0x80: {  	_ =	swait.ge [sflag:s8], $0x1400  }
0x81: {  	[sflag:s8] =	ssyncset.done $0x0  }
0x82: {  	[sflag:s8] =	ssyncadd.s32 $0xFFFFEC00  }
0x83: {  	_ =	swait.ge [sflag:s8], $0x1400  }
0x84: {  	[sflag:s8] =	ssyncset.done $0x0  }
0x85: {  	[sflag:s8] =	ssyncadd.s32 $0xFFFFEC00  }
0x86: {  	[bflag:$0x0] =	sbarrier.arrive $0xFFFF  }
0x87: {  	s6 =	simm.s32 $0x0;
	s10 =	rddreg [dreg:$0xd]  }
0x88: {  	[tilespmem:s6], [sflag:$0x6] =	stream.linear.gather [hbm4b:s10+s6], $0xC80, $0x38;
	[tilespmem:$0x1D000] =	vst v63  }
0x89: {  	_ =	swait.ge [sflag:s9], $0xC80  }
0x8a: {  	[sflag:s9] =	ssyncset.done $0x0  }
0x8b: {  	s14 =	simm.s32 $0x1000;
	s23 =	rddreg [dreg:$0x10];
	[sflag:s9] =	ssyncadd.s32 $0xFFFFF380  }
0x8c: {  	[tilespmem:s14], [sflag:$0x6] =	stream.linear.gather [hbm4b:s23+s6], $0xC80, $0x38;
	[tilespmem:$0x1D000] =	vst v63  }
0x8d: {  	_ =	swait.ge [sflag:s9], $0xC80  }
0x8e: {  	[sflag:s9] =	ssyncset.done $0x0  }
0x8f: {  	s14 =	rddreg [dreg:$0x13];
	[sflag:s9] =	ssyncadd.s32 $0xFFFFF380  }
.LBB2_4:
0x90: {  	s10 =	sadd.s32 s6, s25  }
0x91: {  	[tilespmem:s11], [sflag:$0x5] =	stream.linear.gather [hbm4b:s10+s2], $0xC80, $0x38;
	[tilespmem:$0x1D000] =	vst v63  }
0x92: {  	s16 =	sadd.s32 s6, s18  }
0x93: {  	[tilespmem:s12], [sflag:$0x5] =	stream.linear.gather [hbm4b:s16+s2], $0xC80, $0x38;
	[tilespmem:$0x1D000] =	vst v63  }
0x94: {  	_ = 	snop  }
0x95: {  	[tilespmem:s3], [sflag:$0x1] =	stream.indirect.gather [hbm4b:s4+s13], $0x80, s2, s13, $0xb8;
	[tilespmem:$0x1D000] =	vst v63  }
0x96: {  	s23 =	simm.s32 $0x80  }
0x97: {  	[tilespmem:s15], [sflag:$0x2] =	stream.indirect.gather [hbm4b:s4+s13], $0x80, s23, s13, $0xb8;
	[tilespmem:$0x1D000] =	vst v63  }
0x98: {  	s16 =	simm.s32 $0x100  }
0x99: {  	[tilespmem:s21], [sflag:$0x3] =	stream.indirect.gather [hbm4b:s4+s13], $0x80, s16, s13, $0xb8;
	[tilespmem:$0x1D000] =	vst v63  }
0x9a: {  	s23 =	simm.s32 $0x180  }
0x9b: {  	[tilespmem:s26], [sflag:$0x4] =	stream.indirect.gather [hbm4b:s4+s13], $0x80, s23, s13, $0xb8;
	[tilespmem:$0x1D000] =	vst v63  }
0x9c: {  	_ =	swait.ge [sflag:s28], $0x1400  }
0x9d: {  	[sflag:s28] =	ssyncset.done $0x0  }
0x9e: {  	s16 =	simm.s32 $0x1000;
	[sflag:s28] =	ssyncadd.s32 $0xFFFFEC00  }
0x9f: {  	[spmem:s1] =	stream.indirect.scatter.add.f32 [tilespmem:s3], [sflag:$0x6], $0x80, s16, s13, $0xb8;
	[tilespmem:$0x1D000] =	vst v63  }
0xa0: {  	_ =	swait.ge [sflag:s9], $0x1400  }
0xa1: {  	[sflag:s9] =	ssyncset.done $0x0  }
0xa2: {  	s23 =	simm.s32 $0x200;
	[sflag:s9] =	ssyncadd.s32 $0xFFFFEC00  }
0xa3: {  	[tilespmem:s3], [sflag:$0x1] =	stream.indirect.gather [hbm4b:s4+s13], $0x80, s23, s13, $0xb8;
	[tilespmem:$0x1D000] =	vst v63  }
0xa4: {  	_ =	swait.ge [sflag:s30], $0x1400  }
0xa5: {  	[sflag:s30] =	ssyncset.done $0x0  }
0xa6: {  	s16 =	simm.s32 $0x1080;
	[sflag:s30] =	ssyncadd.s32 $0xFFFFEC00  }
0xa7: {  	[spmem:s1] =	stream.indirect.scatter.add.f32 [tilespmem:s15], [sflag:$0x6], $0x80, s16, s13, $0xb8;
	[tilespmem:$0x1D000] =	vst v63  }
0xa8: {  	_ =	swait.ge [sflag:s9], $0x1400  }
0xa9: {  	[sflag:s9] =	ssyncset.done $0x0  }
0xaa: {  	s23 =	simm.s32 $0x280;
	[sflag:s9] =	ssyncadd.s32 $0xFFFFEC00  }
0xab: {  	[tilespmem:s15], [sflag:$0x2] =	stream.indirect.gather [hbm4b:s4+s13], $0x80, s23, s13, $0xb8;
	[tilespmem:$0x1D000] =	vst v63  }
0xac: {  	_ =	swait.ge [sflag:s24], $0x1400  }
0xad: {  	[sflag:s24] =	ssyncset.done $0x0  }
0xae: {  	s16 =	simm.s32 $0x1100;
	[sflag:s24] =	ssyncadd.s32 $0xFFFFEC00  }
0xaf: {  	[spmem:s1] =	stream.indirect.scatter.add.f32 [tilespmem:s21], [sflag:$0x6], $0x80, s16, s13, $0xb8;
	[tilespmem:$0x1D000] =	vst v63  }
0xb0: {  	_ =	swait.ge [sflag:s9], $0x1400  }
0xb1: {  	[sflag:s9] =	ssyncset.done $0x0  }
0xb2: {  	s23 =	simm.s32 $0x300;
	[sflag:s9] =	ssyncadd.s32 $0xFFFFEC00  }
0xb3: {  	[tilespmem:s21], [sflag:$0x3] =	stream.indirect.gather [hbm4b:s4+s13], $0x80, s23, s13, $0xb8;
	[tilespmem:$0x1D000] =	vst v63  }
0xb4: {  	_ =	swait.ge [sflag:s22], $0x1400  }
0xb5: {  	[sflag:s22] =	ssyncset.done $0x0  }
0xb6: {  	s16 =	simm.s32 $0x1180;
	[sflag:s22] =	ssyncadd.s32 $0xFFFFEC00  }
0xb7: {  	[spmem:s1] =	stream.indirect.scatter.add.f32 [tilespmem:s26], [sflag:$0x6], $0x80, s16, s13, $0xb8;
	[tilespmem:$0x1D000] =	vst v63  }
0xb8: {  	_ =	swait.ge [sflag:s9], $0x1400  }
0xb9: {  	[sflag:s9] =	ssyncset.done $0x0  }
0xba: {  	s23 =	simm.s32 $0x380;
	[sflag:s9] =	ssyncadd.s32 $0xFFFFEC00  }
0xbb: {  	[tilespmem:s26], [sflag:$0x4] =	stream.indirect.gather [hbm4b:s4+s13], $0x80, s23, s13, $0xb8;
	[tilespmem:$0x1D000] =	vst v63  }
0xbc: {  	_ =	swait.ge [sflag:s28], $0x1400  }
0xbd: {  	[sflag:s28] =	ssyncset.done $0x0  }
0xbe: {  	s16 =	simm.s32 $0x1200;
	[sflag:s28] =	ssyncadd.s32 $0xFFFFEC00  }
0xbf: {  	[spmem:s1] =	stream.indirect.scatter.add.f32 [tilespmem:s3], [sflag:$0x6], $0x80, s16, s13, $0xb8;
	[tilespmem:$0x1D000] =	vst v63  }
0xc0: {  	_ =	swait.ge [sflag:s9], $0x1400  }
0xc1: {  	[sflag:s9] =	ssyncset.done $0x0  }
0xc2: {  	s23 =	simm.s32 $0x400;
	[sflag:s9] =	ssyncadd.s32 $0xFFFFEC00  }
0xc3: {  	[tilespmem:s3], [sflag:$0x1] =	stream.indirect.gather [hbm4b:s4+s13], $0x80, s23, s13, $0xb8;
	[tilespmem:$0x1D000] =	vst v63  }
0xc4: {  	_ =	swait.ge [sflag:s30], $0x1400  }
0xc5: {  	[sflag:s30] =	ssyncset.done $0x0  }
0xc6: {  	s16 =	simm.s32 $0x1280;
	[sflag:s30] =	ssyncadd.s32 $0xFFFFEC00  }
0xc7: {  	[spmem:s1] =	stream.indirect.scatter.add.f32 [tilespmem:s15], [sflag:$0x6], $0x80, s16, s13, $0xb8;
	[tilespmem:$0x1D000] =	vst v63  }
0xc8: {  	_ =	swait.ge [sflag:s9], $0x1400  }
0xc9: {  	[sflag:s9] =	ssyncset.done $0x0  }
0xca: {  	s23 =	simm.s32 $0x480;
	[sflag:s9] =	ssyncadd.s32 $0xFFFFEC00  }
0xcb: {  	[tilespmem:s15], [sflag:$0x2] =	stream.indirect.gather [hbm4b:s4+s13], $0x80, s23, s13, $0xb8;
	[tilespmem:$0x1D000] =	vst v63  }
0xcc: {  	_ =	swait.ge [sflag:s24], $0x1400  }
0xcd: {  	[sflag:s24] =	ssyncset.done $0x0  }
0xce: {  	s16 =	simm.s32 $0x1300;
	[sflag:s24] =	ssyncadd.s32 $0xFFFFEC00  }
0xcf: {  	[spmem:s1] =	stream.indirect.scatter.add.f32 [tilespmem:s21], [sflag:$0x6], $0x80, s16, s13, $0xb8;
	[tilespmem:$0x1D000] =	vst v63  }
0xd0: {  	_ =	swait.ge [sflag:s9], $0x1400  }
0xd1: {  	[sflag:s9] =	ssyncset.done $0x0  }
0xd2: {  	s23 =	simm.s32 $0x500;
	[sflag:s9] =	ssyncadd.s32 $0xFFFFEC00  }
0xd3: {  	[tilespmem:s21], [sflag:$0x3] =	stream.indirect.gather [hbm4b:s4+s13], $0x80, s23, s13, $0xb8;
	[tilespmem:$0x1D000] =	vst v63  }
0xd4: {  	_ =	swait.ge [sflag:s22], $0x1400  }
0xd5: {  	[sflag:s22] =	ssyncset.done $0x0  }
0xd6: {  	s16 =	simm.s32 $0x1380;
	[sflag:s22] =	ssyncadd.s32 $0xFFFFEC00  }
0xd7: {  	[spmem:s1] =	stream.indirect.scatter.add.f32 [tilespmem:s26], [sflag:$0x6], $0x80, s16, s13, $0xb8;
	[tilespmem:$0x1D000] =	vst v63  }
0xd8: {  	_ =	swait.ge [sflag:s9], $0x1400  }
0xd9: {  	[sflag:s9] =	ssyncset.done $0x0  }
0xda: {  	s23 =	simm.s32 $0x580;
	[sflag:s9] =	ssyncadd.s32 $0xFFFFEC00  }
0xdb: {  	[tilespmem:s26], [sflag:$0x4] =	stream.indirect.gather [hbm4b:s4+s13], $0x80, s23, s13, $0xb8;
	[tilespmem:$0x1D000] =	vst v63  }
0xdc: {  	_ =	swait.ge [sflag:s28], $0x1400  }
0xdd: {  	[sflag:s28] =	ssyncset.done $0x0  }
0xde: {  	s16 =	simm.s32 $0x1400;
	[sflag:s28] =	ssyncadd.s32 $0xFFFFEC00  }
0xdf: {  	[spmem:s1] =	stream.indirect.scatter.add.f32 [tilespmem:s3], [sflag:$0x6], $0x80, s16, s13, $0xb8;
	[tilespmem:$0x1D000] =	vst v63  }
0xe0: {  	_ =	swait.ge [sflag:s9], $0x1400  }
0xe1: {  	[sflag:s9] =	ssyncset.done $0x0  }
0xe2: {  	s23 =	simm.s32 $0x600;
	[sflag:s9] =	ssyncadd.s32 $0xFFFFEC00  }
0xe3: {  	[tilespmem:s3], [sflag:$0x1] =	stream.indirect.gather [hbm4b:s4+s13], $0x80, s23, s13, $0xb8;
	[tilespmem:$0x1D000] =	vst v63  }
0xe4: {  	_ =	swait.ge [sflag:s30], $0x1400  }
0xe5: {  	[sflag:s30] =	ssyncset.done $0x0  }
0xe6: {  	s16 =	simm.s32 $0x1480;
	[sflag:s30] =	ssyncadd.s32 $0xFFFFEC00  }
0xe7: {  	[spmem:s1] =	stream.indirect.scatter.add.f32 [tilespmem:s15], [sflag:$0x6], $0x80, s16, s13, $0xb8;
	[tilespmem:$0x1D000] =	vst v63  }
0xe8: {  	_ =	swait.ge [sflag:s9], $0x1400  }
0xe9: {  	[sflag:s9] =	ssyncset.done $0x0  }
0xea: {  	s23 =	simm.s32 $0x680;
	[sflag:s9] =	ssyncadd.s32 $0xFFFFEC00  }
0xeb: {  	[tilespmem:s15], [sflag:$0x2] =	stream.indirect.gather [hbm4b:s4+s13], $0x80, s23, s13, $0xb8;
	[tilespmem:$0x1D000] =	vst v63  }
0xec: {  	_ =	swait.ge [sflag:s24], $0x1400  }
0xed: {  	[sflag:s24] =	ssyncset.done $0x0  }
0xee: {  	s16 =	simm.s32 $0x1500;
	[sflag:s24] =	ssyncadd.s32 $0xFFFFEC00  }
0xef: {  	[spmem:s1] =	stream.indirect.scatter.add.f32 [tilespmem:s21], [sflag:$0x6], $0x80, s16, s13, $0xb8;
	[tilespmem:$0x1D000] =	vst v63  }
0xf0: {  	_ =	swait.ge [sflag:s9], $0x1400  }
0xf1: {  	[sflag:s9] =	ssyncset.done $0x0  }
0xf2: {  	s23 =	simm.s32 $0x700;
	[sflag:s9] =	ssyncadd.s32 $0xFFFFEC00  }
0xf3: {  	[tilespmem:s21], [sflag:$0x3] =	stream.indirect.gather [hbm4b:s4+s13], $0x80, s23, s13, $0xb8;
	[tilespmem:$0x1D000] =	vst v63  }
0xf4: {  	_ =	swait.ge [sflag:s22], $0x1400  }
0xf5: {  	[sflag:s22] =	ssyncset.done $0x0  }
0xf6: {  	s16 =	simm.s32 $0x1580;
	[sflag:s22] =	ssyncadd.s32 $0xFFFFEC00  }
0xf7: {  	[spmem:s1] =	stream.indirect.scatter.add.f32 [tilespmem:s26], [sflag:$0x6], $0x80, s16, s13, $0xb8;
	[tilespmem:$0x1D000] =	vst v63  }
0xf8: {  	_ =	swait.ge [sflag:s9], $0x1400  }
0xf9: {  	[sflag:s9] =	ssyncset.done $0x0  }
0xfa: {  	s23 =	simm.s32 $0x780;
	[sflag:s9] =	ssyncadd.s32 $0xFFFFEC00  }
0xfb: {  	[tilespmem:s26], [sflag:$0x4] =	stream.indirect.gather [hbm4b:s4+s13], $0x80, s23, s13, $0xb8;
	[tilespmem:$0x1D000] =	vst v63  }
0xfc: {  	_ =	swait.ge [sflag:s28], $0x1400  }
0xfd: {  	[sflag:s28] =	ssyncset.done $0x0  }
0xfe: {  	s16 =	simm.s32 $0x1600;
	[sflag:s28] =	ssyncadd.s32 $0xFFFFEC00  }
0xff: {  	[spmem:s1] =	stream.indirect.scatter.add.f32 [tilespmem:s3], [sflag:$0x6], $0x80, s16, s13, $0xb8;
	[tilespmem:$0x1D000] =	vst v63  }
0x100: {  	_ =	swait.ge [sflag:s9], $0x1400  }
0x101: {  	[sflag:s9] =	ssyncset.done $0x0  }
0x102: {  	s23 =	simm.s32 $0x800;
	[sflag:s9] =	ssyncadd.s32 $0xFFFFEC00  }
0x103: {  	[tilespmem:s3], [sflag:$0x1] =	stream.indirect.gather [hbm4b:s4+s13], $0x80, s23, s13, $0xb8;
	[tilespmem:$0x1D000] =	vst v63  }
0x104: {  	_ =	swait.ge [sflag:s30], $0x1400  }
0x105: {  	[sflag:s30] =	ssyncset.done $0x0  }
0x106: {  	s16 =	simm.s32 $0x1680;
	[sflag:s30] =	ssyncadd.s32 $0xFFFFEC00  }
0x107: {  	[spmem:s1] =	stream.indirect.scatter.add.f32 [tilespmem:s15], [sflag:$0x6], $0x80, s16, s13, $0xb8;
	[tilespmem:$0x1D000] =	vst v63  }
0x108: {  	_ =	swait.ge [sflag:s9], $0x1400  }
0x109: {  	[sflag:s9] =	ssyncset.done $0x0  }
0x10a: {  	s23 =	simm.s32 $0x880;
	[sflag:s9] =	ssyncadd.s32 $0xFFFFEC00  }
0x10b: {  	[tilespmem:s15], [sflag:$0x2] =	stream.indirect.gather [hbm4b:s4+s13], $0x80, s23, s13, $0xb8;
	[tilespmem:$0x1D000] =	vst v63  }
0x10c: {  	_ =	swait.ge [sflag:s24], $0x1400  }
0x10d: {  	[sflag:s24] =	ssyncset.done $0x0  }
0x10e: {  	s16 =	simm.s32 $0x1700;
	[sflag:s24] =	ssyncadd.s32 $0xFFFFEC00  }
0x10f: {  	[spmem:s1] =	stream.indirect.scatter.add.f32 [tilespmem:s21], [sflag:$0x6], $0x80, s16, s13, $0xb8;
	[tilespmem:$0x1D000] =	vst v63  }
0x110: {  	_ =	swait.ge [sflag:s9], $0x1400  }
0x111: {  	[sflag:s9] =	ssyncset.done $0x0  }
0x112: {  	s23 =	simm.s32 $0x900;
	[sflag:s9] =	ssyncadd.s32 $0xFFFFEC00  }
0x113: {  	[tilespmem:s21], [sflag:$0x3] =	stream.indirect.gather [hbm4b:s4+s13], $0x80, s23, s13, $0xb8;
	[tilespmem:$0x1D000] =	vst v63  }
0x114: {  	_ =	swait.ge [sflag:s22], $0x1400  }
0x115: {  	[sflag:s22] =	ssyncset.done $0x0  }
0x116: {  	s16 =	simm.s32 $0x1780;
	[sflag:s22] =	ssyncadd.s32 $0xFFFFEC00  }
0x117: {  	[spmem:s1] =	stream.indirect.scatter.add.f32 [tilespmem:s26], [sflag:$0x6], $0x80, s16, s13, $0xb8;
	[tilespmem:$0x1D000] =	vst v63  }
0x118: {  	_ =	swait.ge [sflag:s9], $0x1400  }
0x119: {  	[sflag:s9] =	ssyncset.done $0x0  }
0x11a: {  	s23 =	simm.s32 $0x980;
	[sflag:s9] =	ssyncadd.s32 $0xFFFFEC00  }
0x11b: {  	[tilespmem:s26], [sflag:$0x4] =	stream.indirect.gather [hbm4b:s4+s13], $0x80, s23, s13, $0xb8;
	[tilespmem:$0x1D000] =	vst v63  }
0x11c: {  	_ =	swait.ge [sflag:s28], $0x1400  }
0x11d: {  	[sflag:s28] =	ssyncset.done $0x0  }
0x11e: {  	s16 =	simm.s32 $0x1800;
	[sflag:s28] =	ssyncadd.s32 $0xFFFFEC00  }
0x11f: {  	[spmem:s1] =	stream.indirect.scatter.add.f32 [tilespmem:s3], [sflag:$0x6], $0x80, s16, s13, $0xb8;
	[tilespmem:$0x1D000] =	vst v63  }
0x120: {  	_ =	swait.ge [sflag:s9], $0x1400  }
0x121: {  	[sflag:s9] =	ssyncset.done $0x0  }
0x122: {  	s23 =	simm.s32 $0xA00;
	[sflag:s9] =	ssyncadd.s32 $0xFFFFEC00  }
0x123: {  	[tilespmem:s3], [sflag:$0x1] =	stream.indirect.gather [hbm4b:s4+s13], $0x80, s23, s13, $0xb8;
	[tilespmem:$0x1D000] =	vst v63  }
0x124: {  	_ =	swait.ge [sflag:s30], $0x1400  }
0x125: {  	[sflag:s30] =	ssyncset.done $0x0  }
0x126: {  	s16 =	simm.s32 $0x1880;
	[sflag:s30] =	ssyncadd.s32 $0xFFFFEC00  }
0x127: {  	[spmem:s1] =	stream.indirect.scatter.add.f32 [tilespmem:s15], [sflag:$0x6], $0x80, s16, s13, $0xb8;
	[tilespmem:$0x1D000] =	vst v63  }
0x128: {  	_ =	swait.ge [sflag:s9], $0x1400  }
0x129: {  	[sflag:s9] =	ssyncset.done $0x0  }
0x12a: {  	s23 =	simm.s32 $0xA80;
	[sflag:s9] =	ssyncadd.s32 $0xFFFFEC00  }
0x12b: {  	[tilespmem:s15], [sflag:$0x2] =	stream.indirect.gather [hbm4b:s4+s13], $0x80, s23, s13, $0xb8;
	[tilespmem:$0x1D000] =	vst v63  }
0x12c: {  	_ =	swait.ge [sflag:s24], $0x1400  }
0x12d: {  	[sflag:s24] =	ssyncset.done $0x0  }
0x12e: {  	s16 =	simm.s32 $0x1900;
	[sflag:s24] =	ssyncadd.s32 $0xFFFFEC00  }
0x12f: {  	[spmem:s1] =	stream.indirect.scatter.add.f32 [tilespmem:s21], [sflag:$0x6], $0x80, s16, s13, $0xb8;
	[tilespmem:$0x1D000] =	vst v63  }
0x130: {  	_ =	swait.ge [sflag:s9], $0x1400  }
0x131: {  	[sflag:s9] =	ssyncset.done $0x0  }
0x132: {  	s23 =	simm.s32 $0xB00;
	[sflag:s9] =	ssyncadd.s32 $0xFFFFEC00  }
0x133: {  	[tilespmem:s21], [sflag:$0x3] =	stream.indirect.gather [hbm4b:s4+s13], $0x80, s23, s13, $0xb8;
	[tilespmem:$0x1D000] =	vst v63  }
0x134: {  	_ =	swait.ge [sflag:s22], $0x1400  }
0x135: {  	[sflag:s22] =	ssyncset.done $0x0  }
0x136: {  	s16 =	simm.s32 $0x1980;
	[sflag:s22] =	ssyncadd.s32 $0xFFFFEC00  }
0x137: {  	[spmem:s1] =	stream.indirect.scatter.add.f32 [tilespmem:s26], [sflag:$0x6], $0x80, s16, s13, $0xb8;
	[tilespmem:$0x1D000] =	vst v63  }
0x138: {  	_ =	swait.ge [sflag:s9], $0x1400  }
0x139: {  	[sflag:s9] =	ssyncset.done $0x0  }
0x13a: {  	s23 =	simm.s32 $0xB80;
	[sflag:s9] =	ssyncadd.s32 $0xFFFFEC00  }
0x13b: {  	[tilespmem:s26], [sflag:$0x4] =	stream.indirect.gather [hbm4b:s4+s13], $0x80, s23, s13, $0xb8;
	[tilespmem:$0x1D000] =	vst v63  }
0x13c: {  	_ =	swait.ge [sflag:s28], $0x1400  }
0x13d: {  	[sflag:s28] =	ssyncset.done $0x0  }
0x13e: {  	s16 =	simm.s32 $0x1A00;
	[sflag:s28] =	ssyncadd.s32 $0xFFFFEC00  }
0x13f: {  	[spmem:s1] =	stream.indirect.scatter.add.f32 [tilespmem:s3], [sflag:$0x6], $0x80, s16, s13, $0xb8;
	[tilespmem:$0x1D000] =	vst v63  }
0x140: {  	_ =	swait.ge [sflag:s9], $0x1400  }
0x141: {  	[sflag:s9] =	ssyncset.done $0x0  }
0x142: {  	s23 =	simm.s32 $0xC00;
	[sflag:s9] =	ssyncadd.s32 $0xFFFFEC00  }
0x143: {  	[tilespmem:s3], [sflag:$0x1] =	stream.indirect.gather [hbm4b:s4+s13], $0x80, s23, s13, $0xb8;
	[tilespmem:$0x1D000] =	vst v63  }
0x144: {  	_ =	swait.ge [sflag:s30], $0x1400  }
0x145: {  	[sflag:s30] =	ssyncset.done $0x0  }
0x146: {  	s16 =	simm.s32 $0x1A80;
	[sflag:s30] =	ssyncadd.s32 $0xFFFFEC00  }
0x147: {  	[spmem:s1] =	stream.indirect.scatter.add.f32 [tilespmem:s15], [sflag:$0x6], $0x80, s16, s13, $0xb8;
	[tilespmem:$0x1D000] =	vst v63  }
0x148: {  	_ =	swait.ge [sflag:s9], $0x1400  }
0x149: {  	[sflag:s9] =	ssyncset.done $0x0  }
0x14a: {  	[sflag:s9] =	ssyncadd.s32 $0xFFFFEC00  }
0x14b: {  	_ =	swait.ge [sflag:s24], $0x1400  }
0x14c: {  	[sflag:s24] =	ssyncset.done $0x0  }
0x14d: {  	s23 =	simm.s32 $0x1B00;
	[sflag:s24] =	ssyncadd.s32 $0xFFFFEC00  }
0x14e: {  	[spmem:s1] =	stream.indirect.scatter.add.f32 [tilespmem:s21], [sflag:$0x6], $0x80, s23, s13, $0xb8;
	[tilespmem:$0x1D000] =	vst v63  }
0x14f: {  	_ =	swait.ge [sflag:s9], $0x1400  }
0x150: {  	[sflag:s9] =	ssyncset.done $0x0  }
0x151: {  	[sflag:s9] =	ssyncadd.s32 $0xFFFFEC00  }
0x152: {  	_ =	swait.ge [sflag:s22], $0x1400  }
0x153: {  	[sflag:s22] =	ssyncset.done $0x0  }
0x154: {  	s16 =	simm.s32 $0x1B80;
	[sflag:s22] =	ssyncadd.s32 $0xFFFFEC00  }
0x155: {  	[spmem:s1] =	stream.indirect.scatter.add.f32 [tilespmem:s26], [sflag:$0x6], $0x80, s16, s13, $0xb8;
	[tilespmem:$0x1D000] =	vst v63  }
0x156: {  	_ =	swait.ge [sflag:s9], $0x1400  }
0x157: {  	[sflag:s9] =	ssyncset.done $0x0  }
0x158: {  	[sflag:s9] =	ssyncadd.s32 $0xFFFFEC00  }
0x159: {  	_ =	swait.ge [sflag:s28], $0x1400  }
0x15a: {  	[sflag:s28] =	ssyncset.done $0x0  }
0x15b: {  	s23 =	simm.s32 $0x1C00;
	[sflag:s28] =	ssyncadd.s32 $0xFFFFEC00  }
0x15c: {  	[spmem:s1] =	stream.indirect.scatter.add.f32 [tilespmem:s3], [sflag:$0x6], $0x80, s23, s13, $0xb8;
	[tilespmem:$0x1D000] =	vst v63  }
0x15d: {  	_ =	swait.ge [sflag:s9], $0x1400  }
0x15e: {  	[sflag:s9] =	ssyncset.done $0x0  }
0x15f: {  	[sflag:s9] =	ssyncadd.s32 $0xFFFFEC00  }
0x160: {  	_ =	swait.ge [sflag:s8], $0xC80  }
0x161: {  	[sflag:s8] =	ssyncset.done $0x0  }
0x162: {  	[sflag:s8] =	ssyncadd.s32 $0xFFFFF380  }
0x163: {  	p0 =	seq.s32 s6, $0x1000;
	_ =	swait.ge [sflag:s8], $0xC80  }
0x164: {  	s10 =	sshrl.u32 @!p0 s14, $0x3;
	[sflag:s8] =	ssyncset.done $0x0  }
0x165: {  	s10 =	sadd.s32 @!p0 s5, s10;
	s16 =	simm.s32 @!p0 $0x0;
	[sflag:s8] =	ssyncadd.s32 $0xFFFFF380  }
0x166: {  	[tilespmem:s16], [sflag:$0x5] =	stream.linear.gather @!p0 [hbm4b:s10+s16], $0xC80, $0x38;
	[tilespmem:$0x1D000] =	vst v63  }
0x167: {  	s23 =	simm.s32 @!p0 $0x1000;
	s10 =	sadd.s32 @!p0 s6, s17  }
0x168: {  	[tilespmem:s23], [sflag:$0x5] =	stream.linear.gather @!p0 [hbm4b:s10+s16], $0xC80, $0x38;
	[tilespmem:$0x1D000] =	vst v63  }
0x169: {  	_ = 	snop  }
0x16a: {  	[tilespmem:s3], [sflag:$0x1] =	stream.indirect.gather [hbm4b:s4+s13], $0x80, s11, s13, $0xb8;
	[tilespmem:$0x1D000] =	vst v63  }
0x16b: {  	s16 =	simm.s32 $0x2080  }
0x16c: {  	[tilespmem:s15], [sflag:$0x2] =	stream.indirect.gather [hbm4b:s4+s13], $0x80, s16, s13, $0xb8;
	[tilespmem:$0x1D000] =	vst v63  }
0x16d: {  	s23 =	simm.s32 $0x2100  }
0x16e: {  	[tilespmem:s21], [sflag:$0x3] =	stream.indirect.gather [hbm4b:s4+s13], $0x80, s23, s13, $0xb8;
	[tilespmem:$0x1D000] =	vst v63  }
0x16f: {  	s16 =	simm.s32 $0x2180  }
0x170: {  	[tilespmem:s26], [sflag:$0x4] =	stream.indirect.gather [hbm4b:s4+s13], $0x80, s16, s13, $0xb8;
	[tilespmem:$0x1D000] =	vst v63  }
0x171: {  	_ =	swait.ge [sflag:s28], $0x1400  }
0x172: {  	[sflag:s28] =	ssyncset.done $0x0  }
0x173: {  	[sflag:s28] =	ssyncadd.s32 $0xFFFFEC00  }
0x174: {  	[spmem:s1] =	stream.indirect.scatter.add.f32 [tilespmem:s3], [sflag:$0x6], $0x80, s12, s13, $0xb8;
	[tilespmem:$0x1D000] =	vst v63  }
0x175: {  	_ =	swait.ge [sflag:s9], $0x1400  }
0x176: {  	[sflag:s9] =	ssyncset.done $0x0  }
0x177: {  	s23 =	simm.s32 $0x2200;
	[sflag:s9] =	ssyncadd.s32 $0xFFFFEC00  }
0x178: {  	[tilespmem:s3], [sflag:$0x1] =	stream.indirect.gather [hbm4b:s4+s13], $0x80, s23, s13, $0xb8;
	[tilespmem:$0x1D000] =	vst v63  }
0x179: {  	_ =	swait.ge [sflag:s30], $0x1400  }
0x17a: {  	[sflag:s30] =	ssyncset.done $0x0  }
0x17b: {  	s16 =	simm.s32 $0x3080;
	[sflag:s30] =	ssyncadd.s32 $0xFFFFEC00  }
0x17c: {  	[spmem:s1] =	stream.indirect.scatter.add.f32 [tilespmem:s15], [sflag:$0x6], $0x80, s16, s13, $0xb8;
	[tilespmem:$0x1D000] =	vst v63  }
0x17d: {  	_ =	swait.ge [sflag:s9], $0x1400  }
0x17e: {  	[sflag:s9] =	ssyncset.done $0x0  }
0x17f: {  	s23 =	simm.s32 $0x2280;
	[sflag:s9] =	ssyncadd.s32 $0xFFFFEC00  }
0x180: {  	[tilespmem:s15], [sflag:$0x2] =	stream.indirect.gather [hbm4b:s4+s13], $0x80, s23, s13, $0xb8;
	[tilespmem:$0x1D000] =	vst v63  }
0x181: {  	_ =	swait.ge [sflag:s24], $0x1400  }
0x182: {  	[sflag:s24] =	ssyncset.done $0x0  }
0x183: {  	s16 =	simm.s32 $0x3100;
	[sflag:s24] =	ssyncadd.s32 $0xFFFFEC00  }
0x184: {  	[spmem:s1] =	stream.indirect.scatter.add.f32 [tilespmem:s21], [sflag:$0x6], $0x80, s16, s13, $0xb8;
	[tilespmem:$0x1D000] =	vst v63  }
0x185: {  	_ =	swait.ge [sflag:s9], $0x1400  }
0x186: {  	[sflag:s9] =	ssyncset.done $0x0  }
0x187: {  	s23 =	simm.s32 $0x2300;
	[sflag:s9] =	ssyncadd.s32 $0xFFFFEC00  }
0x188: {  	[tilespmem:s21], [sflag:$0x3] =	stream.indirect.gather [hbm4b:s4+s13], $0x80, s23, s13, $0xb8;
	[tilespmem:$0x1D000] =	vst v63  }
0x189: {  	_ =	swait.ge [sflag:s22], $0x1400  }
0x18a: {  	[sflag:s22] =	ssyncset.done $0x0  }
0x18b: {  	s16 =	simm.s32 $0x3180;
	[sflag:s22] =	ssyncadd.s32 $0xFFFFEC00  }
0x18c: {  	[spmem:s1] =	stream.indirect.scatter.add.f32 [tilespmem:s26], [sflag:$0x6], $0x80, s16, s13, $0xb8;
	[tilespmem:$0x1D000] =	vst v63  }
0x18d: {  	_ =	swait.ge [sflag:s9], $0x1400  }
0x18e: {  	[sflag:s9] =	ssyncset.done $0x0  }
0x18f: {  	s23 =	simm.s32 $0x2380;
	[sflag:s9] =	ssyncadd.s32 $0xFFFFEC00  }
0x190: {  	[tilespmem:s26], [sflag:$0x4] =	stream.indirect.gather [hbm4b:s4+s13], $0x80, s23, s13, $0xb8;
	[tilespmem:$0x1D000] =	vst v63  }
0x191: {  	_ =	swait.ge [sflag:s28], $0x1400  }
0x192: {  	[sflag:s28] =	ssyncset.done $0x0  }
0x193: {  	s16 =	simm.s32 $0x3200;
	[sflag:s28] =	ssyncadd.s32 $0xFFFFEC00  }
0x194: {  	[spmem:s1] =	stream.indirect.scatter.add.f32 [tilespmem:s3], [sflag:$0x6], $0x80, s16, s13, $0xb8;
	[tilespmem:$0x1D000] =	vst v63  }
0x195: {  	_ =	swait.ge [sflag:s9], $0x1400  }
0x196: {  	[sflag:s9] =	ssyncset.done $0x0  }
0x197: {  	s23 =	simm.s32 $0x2400;
	[sflag:s9] =	ssyncadd.s32 $0xFFFFEC00  }
0x198: {  	[tilespmem:s3], [sflag:$0x1] =	stream.indirect.gather [hbm4b:s4+s13], $0x80, s23, s13, $0xb8;
	[tilespmem:$0x1D000] =	vst v63  }
0x199: {  	_ =	swait.ge [sflag:s30], $0x1400  }
0x19a: {  	[sflag:s30] =	ssyncset.done $0x0  }
0x19b: {  	s16 =	simm.s32 $0x3280;
	[sflag:s30] =	ssyncadd.s32 $0xFFFFEC00  }
0x19c: {  	[spmem:s1] =	stream.indirect.scatter.add.f32 [tilespmem:s15], [sflag:$0x6], $0x80, s16, s13, $0xb8;
	[tilespmem:$0x1D000] =	vst v63  }
0x19d: {  	_ =	swait.ge [sflag:s9], $0x1400  }
0x19e: {  	[sflag:s9] =	ssyncset.done $0x0  }
0x19f: {  	s23 =	simm.s32 $0x2480;
	[sflag:s9] =	ssyncadd.s32 $0xFFFFEC00  }
0x1a0: {  	[tilespmem:s15], [sflag:$0x2] =	stream.indirect.gather [hbm4b:s4+s13], $0x80, s23, s13, $0xb8;
	[tilespmem:$0x1D000] =	vst v63  }
0x1a1: {  	_ =	swait.ge [sflag:s24], $0x1400  }
0x1a2: {  	[sflag:s24] =	ssyncset.done $0x0  }
0x1a3: {  	s16 =	simm.s32 $0x3300;
	[sflag:s24] =	ssyncadd.s32 $0xFFFFEC00  }
0x1a4: {  	[spmem:s1] =	stream.indirect.scatter.add.f32 [tilespmem:s21], [sflag:$0x6], $0x80, s16, s13, $0xb8;
	[tilespmem:$0x1D000] =	vst v63  }
0x1a5: {  	_ =	swait.ge [sflag:s9], $0x1400  }
0x1a6: {  	[sflag:s9] =	ssyncset.done $0x0  }
0x1a7: {  	s23 =	simm.s32 $0x2500;
	[sflag:s9] =	ssyncadd.s32 $0xFFFFEC00  }
0x1a8: {  	[tilespmem:s21], [sflag:$0x3] =	stream.indirect.gather [hbm4b:s4+s13], $0x80, s23, s13, $0xb8;
	[tilespmem:$0x1D000] =	vst v63  }
0x1a9: {  	_ =	swait.ge [sflag:s22], $0x1400  }
0x1aa: {  	[sflag:s22] =	ssyncset.done $0x0  }
0x1ab: {  	s16 =	simm.s32 $0x3380;
	[sflag:s22] =	ssyncadd.s32 $0xFFFFEC00  }
0x1ac: {  	[spmem:s1] =	stream.indirect.scatter.add.f32 [tilespmem:s26], [sflag:$0x6], $0x80, s16, s13, $0xb8;
	[tilespmem:$0x1D000] =	vst v63  }
0x1ad: {  	_ =	swait.ge [sflag:s9], $0x1400  }
0x1ae: {  	[sflag:s9] =	ssyncset.done $0x0  }
0x1af: {  	s23 =	simm.s32 $0x2580;
	[sflag:s9] =	ssyncadd.s32 $0xFFFFEC00  }
0x1b0: {  	[tilespmem:s26], [sflag:$0x4] =	stream.indirect.gather [hbm4b:s4+s13], $0x80, s23, s13, $0xb8;
	[tilespmem:$0x1D000] =	vst v63  }
0x1b1: {  	_ =	swait.ge [sflag:s28], $0x1400  }
0x1b2: {  	[sflag:s28] =	ssyncset.done $0x0  }
0x1b3: {  	s16 =	simm.s32 $0x3400;
	[sflag:s28] =	ssyncadd.s32 $0xFFFFEC00  }
0x1b4: {  	[spmem:s1] =	stream.indirect.scatter.add.f32 [tilespmem:s3], [sflag:$0x6], $0x80, s16, s13, $0xb8;
	[tilespmem:$0x1D000] =	vst v63  }
0x1b5: {  	_ =	swait.ge [sflag:s9], $0x1400  }
0x1b6: {  	[sflag:s9] =	ssyncset.done $0x0  }
0x1b7: {  	s23 =	simm.s32 $0x2600;
	[sflag:s9] =	ssyncadd.s32 $0xFFFFEC00  }
0x1b8: {  	[tilespmem:s3], [sflag:$0x1] =	stream.indirect.gather [hbm4b:s4+s13], $0x80, s23, s13, $0xb8;
	[tilespmem:$0x1D000] =	vst v63  }
0x1b9: {  	_ =	swait.ge [sflag:s30], $0x1400  }
0x1ba: {  	[sflag:s30] =	ssyncset.done $0x0  }
0x1bb: {  	s16 =	simm.s32 $0x3480;
	[sflag:s30] =	ssyncadd.s32 $0xFFFFEC00  }
0x1bc: {  	[spmem:s1] =	stream.indirect.scatter.add.f32 [tilespmem:s15], [sflag:$0x6], $0x80, s16, s13, $0xb8;
	[tilespmem:$0x1D000] =	vst v63  }
0x1bd: {  	_ =	swait.ge [sflag:s9], $0x1400  }
0x1be: {  	[sflag:s9] =	ssyncset.done $0x0  }
0x1bf: {  	s23 =	simm.s32 $0x2680;
	[sflag:s9] =	ssyncadd.s32 $0xFFFFEC00  }
0x1c0: {  	[tilespmem:s15], [sflag:$0x2] =	stream.indirect.gather [hbm4b:s4+s13], $0x80, s23, s13, $0xb8;
	[tilespmem:$0x1D000] =	vst v63  }
0x1c1: {  	_ =	swait.ge [sflag:s24], $0x1400  }
0x1c2: {  	[sflag:s24] =	ssyncset.done $0x0  }
0x1c3: {  	s16 =	simm.s32 $0x3500;
	[sflag:s24] =	ssyncadd.s32 $0xFFFFEC00  }
0x1c4: {  	[spmem:s1] =	stream.indirect.scatter.add.f32 [tilespmem:s21], [sflag:$0x6], $0x80, s16, s13, $0xb8;
	[tilespmem:$0x1D000] =	vst v63  }
0x1c5: {  	_ =	swait.ge [sflag:s9], $0x1400  }
0x1c6: {  	[sflag:s9] =	ssyncset.done $0x0  }
0x1c7: {  	s23 =	simm.s32 $0x2700;
	[sflag:s9] =	ssyncadd.s32 $0xFFFFEC00  }
0x1c8: {  	[tilespmem:s21], [sflag:$0x3] =	stream.indirect.gather [hbm4b:s4+s13], $0x80, s23, s13, $0xb8;
	[tilespmem:$0x1D000] =	vst v63  }
0x1c9: {  	_ =	swait.ge [sflag:s22], $0x1400  }
0x1ca: {  	[sflag:s22] =	ssyncset.done $0x0  }
0x1cb: {  	s16 =	simm.s32 $0x3580;
	[sflag:s22] =	ssyncadd.s32 $0xFFFFEC00  }
0x1cc: {  	[spmem:s1] =	stream.indirect.scatter.add.f32 [tilespmem:s26], [sflag:$0x6], $0x80, s16, s13, $0xb8;
	[tilespmem:$0x1D000] =	vst v63  }
0x1cd: {  	_ =	swait.ge [sflag:s9], $0x1400  }
0x1ce: {  	[sflag:s9] =	ssyncset.done $0x0  }
0x1cf: {  	s23 =	simm.s32 $0x2780;
	[sflag:s9] =	ssyncadd.s32 $0xFFFFEC00  }
0x1d0: {  	[tilespmem:s26], [sflag:$0x4] =	stream.indirect.gather [hbm4b:s4+s13], $0x80, s23, s13, $0xb8;
	[tilespmem:$0x1D000] =	vst v63  }
0x1d1: {  	_ =	swait.ge [sflag:s28], $0x1400  }
0x1d2: {  	[sflag:s28] =	ssyncset.done $0x0  }
0x1d3: {  	s16 =	simm.s32 $0x3600;
	[sflag:s28] =	ssyncadd.s32 $0xFFFFEC00  }
0x1d4: {  	[spmem:s1] =	stream.indirect.scatter.add.f32 [tilespmem:s3], [sflag:$0x6], $0x80, s16, s13, $0xb8;
	[tilespmem:$0x1D000] =	vst v63  }
0x1d5: {  	_ =	swait.ge [sflag:s9], $0x1400  }
0x1d6: {  	[sflag:s9] =	ssyncset.done $0x0  }
0x1d7: {  	s23 =	simm.s32 $0x2800;
	[sflag:s9] =	ssyncadd.s32 $0xFFFFEC00  }
0x1d8: {  	[tilespmem:s3], [sflag:$0x1] =	stream.indirect.gather [hbm4b:s4+s13], $0x80, s23, s13, $0xb8;
	[tilespmem:$0x1D000] =	vst v63  }
0x1d9: {  	_ =	swait.ge [sflag:s30], $0x1400  }
0x1da: {  	[sflag:s30] =	ssyncset.done $0x0  }
0x1db: {  	s16 =	simm.s32 $0x3680;
	[sflag:s30] =	ssyncadd.s32 $0xFFFFEC00  }
0x1dc: {  	[spmem:s1] =	stream.indirect.scatter.add.f32 [tilespmem:s15], [sflag:$0x6], $0x80, s16, s13, $0xb8;
	[tilespmem:$0x1D000] =	vst v63  }
0x1dd: {  	_ =	swait.ge [sflag:s9], $0x1400  }
0x1de: {  	[sflag:s9] =	ssyncset.done $0x0  }
0x1df: {  	s23 =	simm.s32 $0x2880;
	[sflag:s9] =	ssyncadd.s32 $0xFFFFEC00  }
0x1e0: {  	[tilespmem:s15], [sflag:$0x2] =	stream.indirect.gather [hbm4b:s4+s13], $0x80, s23, s13, $0xb8;
	[tilespmem:$0x1D000] =	vst v63  }
0x1e1: {  	_ =	swait.ge [sflag:s24], $0x1400  }
0x1e2: {  	[sflag:s24] =	ssyncset.done $0x0  }
0x1e3: {  	s16 =	simm.s32 $0x3700;
	[sflag:s24] =	ssyncadd.s32 $0xFFFFEC00  }
0x1e4: {  	[spmem:s1] =	stream.indirect.scatter.add.f32 [tilespmem:s21], [sflag:$0x6], $0x80, s16, s13, $0xb8;
	[tilespmem:$0x1D000] =	vst v63  }
0x1e5: {  	_ =	swait.ge [sflag:s9], $0x1400  }
0x1e6: {  	[sflag:s9] =	ssyncset.done $0x0  }
0x1e7: {  	s23 =	simm.s32 $0x2900;
	[sflag:s9] =	ssyncadd.s32 $0xFFFFEC00  }
0x1e8: {  	[tilespmem:s21], [sflag:$0x3] =	stream.indirect.gather [hbm4b:s4+s13], $0x80, s23, s13, $0xb8;
	[tilespmem:$0x1D000] =	vst v63  }
0x1e9: {  	_ =	swait.ge [sflag:s22], $0x1400  }
0x1ea: {  	[sflag:s22] =	ssyncset.done $0x0  }
0x1eb: {  	s16 =	simm.s32 $0x3780;
	[sflag:s22] =	ssyncadd.s32 $0xFFFFEC00  }
0x1ec: {  	[spmem:s1] =	stream.indirect.scatter.add.f32 [tilespmem:s26], [sflag:$0x6], $0x80, s16, s13, $0xb8;
	[tilespmem:$0x1D000] =	vst v63  }
0x1ed: {  	_ =	swait.ge [sflag:s9], $0x1400  }
0x1ee: {  	[sflag:s9] =	ssyncset.done $0x0  }
0x1ef: {  	s23 =	simm.s32 $0x2980;
	[sflag:s9] =	ssyncadd.s32 $0xFFFFEC00  }
0x1f0: {  	[tilespmem:s26], [sflag:$0x4] =	stream.indirect.gather [hbm4b:s4+s13], $0x80, s23, s13, $0xb8;
	[tilespmem:$0x1D000] =	vst v63  }
0x1f1: {  	_ =	swait.ge [sflag:s28], $0x1400  }
0x1f2: {  	[sflag:s28] =	ssyncset.done $0x0  }
0x1f3: {  	s16 =	simm.s32 $0x3800;
	[sflag:s28] =	ssyncadd.s32 $0xFFFFEC00  }
0x1f4: {  	[spmem:s1] =	stream.indirect.scatter.add.f32 [tilespmem:s3], [sflag:$0x6], $0x80, s16, s13, $0xb8;
	[tilespmem:$0x1D000] =	vst v63  }
0x1f5: {  	_ =	swait.ge [sflag:s9], $0x1400  }
0x1f6: {  	[sflag:s9] =	ssyncset.done $0x0  }
0x1f7: {  	s23 =	simm.s32 $0x2A00;
	[sflag:s9] =	ssyncadd.s32 $0xFFFFEC00  }
0x1f8: {  	[tilespmem:s3], [sflag:$0x1] =	stream.indirect.gather [hbm4b:s4+s13], $0x80, s23, s13, $0xb8;
	[tilespmem:$0x1D000] =	vst v63  }
0x1f9: {  	_ =	swait.ge [sflag:s30], $0x1400  }
0x1fa: {  	[sflag:s30] =	ssyncset.done $0x0  }
0x1fb: {  	s16 =	simm.s32 $0x3880;
	[sflag:s30] =	ssyncadd.s32 $0xFFFFEC00  }
0x1fc: {  	[spmem:s1] =	stream.indirect.scatter.add.f32 [tilespmem:s15], [sflag:$0x6], $0x80, s16, s13, $0xb8;
	[tilespmem:$0x1D000] =	vst v63  }
0x1fd: {  	_ =	swait.ge [sflag:s9], $0x1400  }
0x1fe: {  	[sflag:s9] =	ssyncset.done $0x0  }
0x1ff: {  	s23 =	simm.s32 $0x2A80;
	[sflag:s9] =	ssyncadd.s32 $0xFFFFEC00  }
0x200: {  	[tilespmem:s15], [sflag:$0x2] =	stream.indirect.gather [hbm4b:s4+s13], $0x80, s23, s13, $0xb8;
	[tilespmem:$0x1D000] =	vst v63  }
0x201: {  	_ =	swait.ge [sflag:s24], $0x1400  }
0x202: {  	[sflag:s24] =	ssyncset.done $0x0  }
0x203: {  	s16 =	simm.s32 $0x3900;
	[sflag:s24] =	ssyncadd.s32 $0xFFFFEC00  }
0x204: {  	[spmem:s1] =	stream.indirect.scatter.add.f32 [tilespmem:s21], [sflag:$0x6], $0x80, s16, s13, $0xb8;
	[tilespmem:$0x1D000] =	vst v63  }
0x205: {  	_ =	swait.ge [sflag:s9], $0x1400  }
0x206: {  	[sflag:s9] =	ssyncset.done $0x0  }
0x207: {  	s23 =	simm.s32 $0x2B00;
	[sflag:s9] =	ssyncadd.s32 $0xFFFFEC00  }
0x208: {  	[tilespmem:s21], [sflag:$0x3] =	stream.indirect.gather [hbm4b:s4+s13], $0x80, s23, s13, $0xb8;
	[tilespmem:$0x1D000] =	vst v63  }
0x209: {  	_ =	swait.ge [sflag:s22], $0x1400  }
0x20a: {  	[sflag:s22] =	ssyncset.done $0x0  }
0x20b: {  	s16 =	simm.s32 $0x3980;
	[sflag:s22] =	ssyncadd.s32 $0xFFFFEC00  }
0x20c: {  	[spmem:s1] =	stream.indirect.scatter.add.f32 [tilespmem:s26], [sflag:$0x6], $0x80, s16, s13, $0xb8;
	[tilespmem:$0x1D000] =	vst v63  }
0x20d: {  	_ =	swait.ge [sflag:s9], $0x1400  }
0x20e: {  	[sflag:s9] =	ssyncset.done $0x0  }
0x20f: {  	s23 =	simm.s32 $0x2B80;
	[sflag:s9] =	ssyncadd.s32 $0xFFFFEC00  }
0x210: {  	[tilespmem:s26], [sflag:$0x4] =	stream.indirect.gather [hbm4b:s4+s13], $0x80, s23, s13, $0xb8;
	[tilespmem:$0x1D000] =	vst v63  }
0x211: {  	_ =	swait.ge [sflag:s28], $0x1400  }
0x212: {  	[sflag:s28] =	ssyncset.done $0x0  }
0x213: {  	[sflag:s28] =	ssyncadd.s32 $0xFFFFEC00  }
0x214: {  	[spmem:s1] =	stream.indirect.scatter.add.f32 [tilespmem:s3], [sflag:$0x6], $0x80, s29, s13, $0xb8;
	[tilespmem:$0x1D000] =	vst v63  }
0x215: {  	_ =	swait.ge [sflag:s9], $0x1400  }
0x216: {  	[sflag:s9] =	ssyncset.done $0x0  }
0x217: {  	[sflag:s9] =	ssyncadd.s32 $0xFFFFEC00  }
0x218: {  	[tilespmem:s3], [sflag:$0x1] =	stream.indirect.gather [hbm4b:s4+s13], $0x80, s31, s13, $0xb8;
	[tilespmem:$0x1D000] =	vst v63  }
0x219: {  	_ =	swait.ge [sflag:s30], $0x1400  }
0x21a: {  	[sflag:s30] =	ssyncset.done $0x0  }
0x21b: {  	[sflag:s30] =	ssyncadd.s32 $0xFFFFEC00  }
0x21c: {  	[spmem:s1] =	stream.indirect.scatter.add.f32 [tilespmem:s15], [sflag:$0x6], $0x80, s0, s13, $0xb8;
	[tilespmem:$0x1D000] =	vst v63  }
0x21d: {  	_ =	swait.ge [sflag:s9], $0x1400  }
0x21e: {  	[sflag:s9] =	ssyncset.done $0x0  }
0x21f: {  	[sflag:s9] =	ssyncadd.s32 $0xFFFFEC00  }
0x220: {  	_ =	swait.ge [sflag:s24], $0x1400  }
0x221: {  	[sflag:s24] =	ssyncset.done $0x0  }
0x222: {  	[sflag:s24] =	ssyncadd.s32 $0xFFFFEC00  }
0x223: {  	[spmem:s1] =	stream.indirect.scatter.add.f32 [tilespmem:s21], [sflag:$0x6], $0x80, s7, s13, $0xb8;
	[tilespmem:$0x1D000] =	vst v63  }
0x224: {  	_ =	swait.ge [sflag:s9], $0x1400  }
0x225: {  	[sflag:s9] =	ssyncset.done $0x0  }
0x226: {  	[sflag:s9] =	ssyncadd.s32 $0xFFFFEC00  }
0x227: {  	_ =	swait.ge [sflag:s22], $0x1400  }
0x228: {  	[sflag:s22] =	ssyncset.done $0x0  }
0x229: {  	[sflag:s22] =	ssyncadd.s32 $0xFFFFEC00  }
0x22a: {  	[spmem:s1] =	stream.indirect.scatter.add.f32 [tilespmem:s26], [sflag:$0x6], $0x80, s20, s13, $0xb8;
	[tilespmem:$0x1D000] =	vst v63  }
0x22b: {  	_ =	swait.ge [sflag:s9], $0x1400  }
0x22c: {  	[sflag:s9] =	ssyncset.done $0x0  }
0x22d: {  	[sflag:s9] =	ssyncadd.s32 $0xFFFFEC00  }
0x22e: {  	_ =	swait.ge [sflag:s28], $0x1400  }
0x22f: {  	[sflag:s28] =	ssyncset.done $0x0  }
.Ltmp1:
0x230: {  	[sflag:s28] =	ssyncadd.s32 $0xFFFFEC00;
	(pc) =	sbr.rel @p0 .LBB2_6-.Ltmp1, $4  }
0x231: {  	[spmem:s1] =	stream.indirect.scatter.add.f32 [tilespmem:s3], [sflag:$0x6], $0x80, s19, s13, $0xb8;
	[tilespmem:$0x1D000] =	vst v63  }
0x232: {  	_ =	swait.ge [sflag:s9], $0x1400  }
0x233: {  	[sflag:s9] =	ssyncset.done $0x0  }
0x234: {  	[sflag:s9] =	ssyncadd.s32 $0xFFFFEC00  }
0x235: {  	_ =	swait.ge [sflag:s8], $0xC80  }
.Ltmp2:
0x236: {  	[sflag:s8] =	ssyncset.done $0x0;
	(pc) =	sbr.rel .LBB2_4-.Ltmp2, $4  }
0x237: {  	[sflag:s8] =	ssyncadd.s32 $0xFFFFF380  }
0x238: {  	_ =	swait.ge [sflag:s8], $0xC80  }
0x239: {  	[sflag:s8] =	ssyncset.done $0x0  }
0x23a: {  	s6 =	sadd.s32 $0x400, s6;
	s14 =	sadd.s32 $0x2000, s14;
	[sflag:s8] =	ssyncadd.s32 $0xFFFFF380  }
.LBB2_6:
0x23b: {  	[bflag:$0x0] =	sbarrier.arrive $0xFFFF  }
0x23c: {  	s10 =	rddreg [dreg:$0x3]  }
0x23d: {  	[tilespmem:s3], [sflag:$0x6] =	stream.linear.gather [spmem:s10], $0x1400, $0x38;
	[tilespmem:$0x1D000] =	vst v63  }
0x23e: {  	_ =	swait.ge [sflag:s9], $0x1400  }
0x23f: {  	[sflag:s9] =	ssyncset.done $0x0  }
0x240: {  	s16 =	rddreg [dreg:$0xe];
	[sflag:s9] =	ssyncadd.s32 $0xFFFFEC00  }
0x241: {  	[hbm4b:s16+s2] =	stream.linear.scatter [tilespmem:s3], [sflag:$0x1], $0x1400, $0x38;
	[tilespmem:$0x1D000] =	vst v63  }
0x242: {  	s6 =	rddreg [dreg:$0x4]  }
0x243: {  	[tilespmem:s15], [sflag:$0x6] =	stream.linear.gather [spmem:s6], $0x1400, $0x38;
	[tilespmem:$0x1D000] =	vst v63  }
0x244: {  	_ =	swait.ge [sflag:s9], $0x1400  }
0x245: {  	[sflag:s9] =	ssyncset.done $0x0  }
0x246: {  	s14 =	rddreg [dreg:$0xf];
	[sflag:s9] =	ssyncadd.s32 $0xFFFFEC00  }
0x247: {  	[hbm4b:s14+s2] =	stream.linear.scatter [tilespmem:s15], [sflag:$0x2], $0x1400, $0x38;
	[tilespmem:$0x1D000] =	vst v63  }
0x248: {  	_ =	swait.ge [sflag:s28], $0x1400  }
0x249: {  	s23 =	rddreg [dreg:$0x11]  }
0x24a: {  	p0 =	sne.s32 s23, $0x1  }
.Ltmp3:
0x24b: {  	_ = 	snop;
	(pc) =	sbr.rel @!p0 .LBB2_8-.Ltmp3, $4  }
0x24c: {  	[sflag:s28] =	ssyncset.done $0x0  }
0x24d: {  	[sflag:s28] =	ssyncadd.s32 $0xFFFFEC00  }
0x24e: {  	_ =	swait.ge [sflag:s30], $0x1400  }
0x24f: {  	s14 =	sadd.s32 $0x500, s14;
	s6 =	sadd.s32 $0xFFFFFFFF, s23;
	[sflag:s30] =	ssyncset.done $0x0  }
.LBB2_7:
0x250: {  	[sflag:s30] =	ssyncadd.s32 $0xFFFFEC00;
	s16 =	sadd.s32 $0x500, s16;
	s10 =	sadd.s32 $0x2800, s10  }
0x251: {  	[tilespmem:s3], [sflag:$0x6] =	stream.linear.gather [spmem:s10], $0x1400, $0x38;
	[tilespmem:$0x1D000] =	vst v63  }
0x252: {  	p0 =	sne.s32 s6, $0x1;
	s6 =	sadd.s32 $0xFFFFFFFF, s6;
	_ =	swait.ge [sflag:s9], $0x1400  }
0x253: {  	[sflag:s9] =	ssyncset.done $0x0  }
0x254: {  	[sflag:s9] =	ssyncadd.s32 $0xFFFFEC00  }
0x255: {  	[hbm4b:s16+s2] =	stream.linear.scatter [tilespmem:s3], [sflag:$0x1], $0x1400, $0x38;
	[tilespmem:$0x1D000] =	vst v63  }
0x256: {  	s23 =	sadd.s32 $0x1400, s10  }
0x257: {  	[tilespmem:s15], [sflag:$0x6] =	stream.linear.gather [spmem:s23], $0x1400, $0x38;
	[tilespmem:$0x1D000] =	vst v63  }
0x258: {  	_ =	swait.ge [sflag:s9], $0x1400  }
0x259: {  	[sflag:s9] =	ssyncset.done $0x0  }
0x25a: {  	[sflag:s9] =	ssyncadd.s32 $0xFFFFEC00  }
0x25b: {  	[hbm4b:s14+s2] =	stream.linear.scatter [tilespmem:s15], [sflag:$0x2], $0x1400, $0x38;
	[tilespmem:$0x1D000] =	vst v63  }
.Ltmp4:
0x25c: {  	_ =	swait.ge [sflag:s28], $0x1400;
	(pc) =	sbr.rel @p0 .LBB2_7-.Ltmp4, $4  }
0x25d: {  	[sflag:s28] =	ssyncset.done $0x0  }
0x25e: {  	[sflag:s28] =	ssyncadd.s32 $0xFFFFEC00  }
0x25f: {  	_ =	swait.ge [sflag:s30], $0x1400  }
0x260: {  	s14 =	sadd.s32 $0x500, s14;
	[sflag:s30] =	ssyncset.done $0x0  }
.LBB2_8:
0x261: {  	s10 =	rddreg [dreg:$0x1a]  }
0x262: {  	s6 =	rddreg [dreg:$0x12];
	s10 =	sadd.s32 $0x1, s10  }
0x263: {  	p0 =	sne.s32 s10, s6  }
.Ltmp5:
0x264: {  	_ = 	snop;
	(pc) =	sbr.rel @p0 .LBB2_1-.Ltmp5, $2  }
0x265: {  	_ =	sdelay $0x2  }
0x266: {  	[sflag:s30] =	ssyncadd.s32 $0xFFFFEC00  }
0x267: {  	_ =	sfence.sel $0x180000  }
0x268: {  	[bflag:$0x0] =	sbarrier.arrive $0xFFFF  }
0x269: {  	_ =	strace $0x90000047  }
0x26a: {  	s0 =	stileid.u32;
	[bflag:$0x2] =	sbarrier.arrive $0xFFFF  }
0x26b: {  	p0 =	sne.s32 s0, $0x0;
	s0 =	rddreg [dreg:$0x2]  }
0x26c: {  	s0 =	sadd.s32 @!p0 $0x100000, s0  }
0x26d: {  	[sflag:s0] =	ssyncadd.tile.s32 @!p0 $0x1;
	_ =	shalt  }
.Lfunc_end2:
_tile_overlayer_lowered:
.L_overlay_start_2:
0x26e: {  	(tag) =	ssettag $0x2  }
0x26f: {  	s0 =	rddreg [dreg:$0x0];
	s2 =	stileid.u32  }
0x270: {  	s1 =	rddreg [dreg:$0x1];
	p0 =	sne.s32 s2, $0x0  }
0x271: {  	s3 =	rddreg [dreg:$0x2];
	[bflag:$0x3] =	sbarrier.arrive $0xFFFF;
	s2 =	simm.s32 @!p0 $0x1C06  }
0x272: {  	[timem:s3], [sflag:s2] =	dma.local @!p0 [hbm:s0], s1  }
0x273: {  	s0 =	simm.s32 @!p0 $0x6  }
0x274: {  	_ =	swait.ge @!p0 [sflag:s0], s1  }
0x275: {  	s1 =	ssub.s32 @!p0 $0x0, s1;
	[sflag:s0] =	ssyncset.done @!p0 $0x0  }
0x276: {  	[sflag:s0] =	ssyncadd.s32 @!p0 s1  }
0x277: {  	[bflag:$0x3] =	sbarrier.arrive $0xFFFF  }
0x278: {  	_ =	shalt  }

</sc_bundles>
